<compile_context>
chip_gen: v7x
topology: tpu7x:2x2x1
jax: 0.10.2.dev20260603
libtpu: 0.0.44.dev20260713+nightly
codegen_flags: <defaults>
</compile_context>

<pallas_src>
import jax
import jax.numpy as jnp
from jax import lax
from jax.experimental import pallas as pl
from jax.experimental.pallas import tpu as pltpu
from jax.experimental.pallas import tpu_sc as plsc

E = 320000
D = 128
PW = D // 2
N = 10000
NC = 2
NS = 16
NW = NC * NS
EPW = E // NW
C = 80
NCHUNK = EPW // C
G = C // 16
NBUF = 2


def _sc_body(zu_hbm, zi_hbm, src_hbm, dst_hbm, out_hbm,
             sidx0, sidx1, didx0, didx1, srow0, srow1, drow0, drow1,
             out_v, semr0, semr1, semi0, semi1):
    sidx = (sidx0, sidx1)
    didx = (didx0, didx1)
    srow = (srow0, srow1)
    drow = (drow0, drow1)
    semr = (semr0, semr1)
    semi = (semi0, semi1)

    wid = lax.axis_index("s") * NC + lax.axis_index("c")
    base = wid * EPW

    def fire_idx(ci, b):
        cbase = base + ci * C
        pltpu.async_copy(src_hbm.at[pl.ds(cbase, C)], sidx[b], semi[b])
        pltpu.async_copy(dst_hbm.at[pl.ds(cbase, C)], didx[b], semi[b])

    def drain_idx(b):
        pltpu.make_async_copy(src_hbm.at[pl.ds(0, C)], sidx[b], semi[b]).wait()
        pltpu.make_async_copy(dst_hbm.at[pl.ds(0, C)], didx[b], semi[b]).wait()

    def fire_rows(b):
        pltpu.async_copy(zu_hbm.at[sidx[b]], srow[b], semr[b])
        pltpu.async_copy(zi_hbm.at[didx[b]], drow[b], semr[b])

    def drain_rows(b):
        pltpu.make_async_copy(zu_hbm.at[sidx[b]], srow[b], semr[b]).wait()
        pltpu.make_async_copy(zi_hbm.at[didx[b]], drow[b], semr[b]).wait()

    def compute(ci, b):
        for g in range(G):
            lanes = lax.iota(jnp.int32, 16) + (g * 16)
            acca0 = jnp.zeros((16,), jnp.float32)
            accb0 = jnp.zeros((16,), jnp.float32)
            dv0 = jnp.zeros((16,), jnp.int32)

            @pl.loop(0, PW, init_carry=(acca0, accb0, dv0), unroll=8)
            def dot_loop(d, carry):
                acca, accb, dv = carry
                si = plsc.load_gather(srow[b], [lanes, dv])
                ti = plsc.load_gather(drow[b], [lanes, dv])
                sbf = plsc.bitcast(si, jnp.bfloat16)
                tbf = plsc.bitcast(ti, jnp.bfloat16)
                q0, q1 = plsc.unpack(sbf * tbf,
                                     format=plsc.PackFormat.INTERLEAVED)
                return acca + q0, accb + q1, dv + 1

            acca, accb, _ = dot_loop
            acc = acca + accb
            sig = 1.0 / (1.0 + jnp.exp(-acc))
            out_v[pl.ds(ci * C + g * 16, 16)] = sig

    fire_idx(0, 0)
    drain_idx(0)
    fire_rows(0)
    fire_idx(1, 1)

    @pl.loop(0, NCHUNK - 1, step=NBUF)
    def chunk_loop(ci0):
        for b in range(NBUF):
            ci = ci0 + b
            bn = 1 - b

            @pl.when(ci + 1 < NCHUNK)
            def _():
                drain_idx(bn)
                fire_rows(bn)

            drain_rows(b)

            @pl.when(ci + NBUF < NCHUNK)
            def _():
                fire_idx(ci + NBUF, b)

            compute(ci, b)

    drain_rows(0)
    compute(NCHUNK - 1, 0)

    pltpu.sync_copy(out_v, out_hbm.at[pl.ds(base, EPW)])


@jax.jit
def _edge_decoder(zu_pk, zi_pk, src_idx, dst_idx):
    mesh = plsc.VectorSubcoreMesh(
        core_axis_name="c", subcore_axis_name="s",
        num_cores=NC, num_subcores=NS)
    return pl.kernel(
        _sc_body,
        out_type=jax.ShapeDtypeStruct((E,), jnp.float32),
        mesh=mesh,
        compiler_params=pltpu.CompilerParams(
            needs_layout_passes=False, use_tc_tiling_on_sc=False),
        scratch_types=[
            pltpu.VMEM((C,), jnp.int32),
            pltpu.VMEM((C,), jnp.int32),
            pltpu.VMEM((C,), jnp.int32),
            pltpu.VMEM((C,), jnp.int32),
            pltpu.VMEM((C, PW), jnp.int32),
            pltpu.VMEM((C, PW), jnp.int32),
            pltpu.VMEM((C, PW), jnp.int32),
            pltpu.VMEM((C, PW), jnp.int32),
            pltpu.VMEM((EPW,), jnp.float32),
            pltpu.SemaphoreType.DMA,
            pltpu.SemaphoreType.DMA,
            pltpu.SemaphoreType.DMA,
            pltpu.SemaphoreType.DMA,
        ],
    )(zu_pk, zi_pk, src_idx, dst_idx)


def kernel(z_user, z_item, edge_index):
    zu_pk = lax.bitcast_convert_type(
        z_user.astype(jnp.bfloat16).reshape(N, PW, 2), jnp.int32)
    zi_pk = lax.bitcast_convert_type(
        z_item.astype(jnp.bfloat16).reshape(N, PW, 2), jnp.int32)
    src_idx = edge_index[0].astype(jnp.int32)
    dst_idx = edge_index[1].astype(jnp.int32)
    return _edge_decoder(zu_pk, zi_pk, src_idx, dst_idx)

# --- scband reference (transcript-rebuilt; emitter-appended) ---
"""Pipeline reference for scband-edge-prediction-decoder-58866821759108 (READ-ONLY COPY).

The authoritative reference and input builder live on the scoring server;
editing this copy changes nothing except your own understanding.
"""

import jax, jax.numpy as jnp
import numpy as np


def setup_inputs(seed: int = 0) -> dict:
    key = jax.random.key(seed)
    k1, k2, k3 = jax.random.split(key, 3)
    z_user = jax.random.normal(k1, (10000, 128), dtype=jnp.float32)
    z_item = jax.random.normal(k2, (10000, 128), dtype=jnp.float32)
    edge_index = jax.random.randint(k3, (2, 320000), 0, 10000, dtype=jnp.int64 if jax.config.jax_enable_x64 else jnp.int32)
    return {"z_user": z_user, "z_item": z_item, "edge_index": edge_index}


def reference(z_user, z_item, edge_index):
    # Heterogeneous edge prediction decoder with one edge type ('user','to','item').
    # z_dict = {'user': z_user, 'item': z_item}; edge_index_dict = {('user','to','item'): edge_index}
    # edge_logits = sigmoid(sum(z[src][edge_index[0]] * z[dst][edge_index[1]], dim=-1))
    src = jnp.take(z_user, edge_index[0], axis=0)   # gather [E, d]
    dst = jnp.take(z_item, edge_index[1], axis=0)   # gather [E, d]
    edge_logits = jnp.sum(src * dst, axis=-1)       # [E]
    return jax.nn.sigmoid(edge_logits)

if __name__ == "__main__":
    import jax
    _d = setup_inputs()
    print(jax.jit(kernel)(*tuple(_d.values())))

</pallas_src>

<mosaic_0001>
#map = affine_map<(d0, d1) -> (0, 0)>
#map1 = affine_map<(d0, d1) -> (0)>
module attributes {stable_mosaic.version = 14 : i64} {
  func.func @_sc_body(%arg0: i32, %arg1: i32, %arg2: memref<10000x64xi32, #tpu.memory_space<hbm>>, %arg3: memref<10000x64xi32, #tpu.memory_space<hbm>>, %arg4: memref<320000xi32, #tpu.memory_space<hbm>>, %arg5: memref<320000xi32, #tpu.memory_space<hbm>>, %arg6: memref<320000xf32, #tpu.memory_space<hbm>>, %arg7: memref<80xi32, #tpu.memory_space<vmem>>, %arg8: memref<80xi32, #tpu.memory_space<vmem>>, %arg9: memref<80xi32, #tpu.memory_space<vmem>>, %arg10: memref<80xi32, #tpu.memory_space<vmem>>, %arg11: memref<80x64xi32, #tpu.memory_space<vmem>>, %arg12: memref<80x64xi32, #tpu.memory_space<vmem>>, %arg13: memref<80x64xi32, #tpu.memory_space<vmem>>, %arg14: memref<80x64xi32, #tpu.memory_space<vmem>>, %arg15: memref<10000xf32, #tpu.memory_space<vmem>>, %arg16: memref<!tpu.dma_semaphore, #tpu.memory_space<semaphore_mem>>, %arg17: memref<!tpu.dma_semaphore, #tpu.memory_space<semaphore_mem>>, %arg18: memref<!tpu.dma_semaphore, #tpu.memory_space<semaphore_mem>>, %arg19: memref<!tpu.dma_semaphore, #tpu.memory_space<semaphore_mem>>) attributes {dimension_semantics = [#tpu.dimension_semantics<core_parallel>, #tpu.dimension_semantics<subcore_parallel>], iteration_bounds = array<i64: 2, 16>, scalar_prefetch = 0 : i64, scratch_operands = 13 : i64, tpu.core_type = #tpu.core_type<sc_vector_subcore>, window_params = [{transform_indices = #map}, {transform_indices = #map}, {transform_indices = #map1}, {transform_indices = #map1}, {transform_indices = #map1}]} {
    %mul3A = arith.constant 2 : i32
    %mul3A_0 = arith.muli %arg1, %mul3A : i32
    %add3A = arith.addi %mul3A_0, %arg0 : i32
    %mul3A_1 = arith.constant 10000 : i32
    %mul3A_2 = arith.muli %add3A, %mul3A_1 : i32
    %add3A_3 = arith.constant 0 : i32
    %add3A_4 = arith.addi %mul3A_2, %add3A_3 : i32
    %dma_start3A = tpu.memref_slice %arg4[%add3A_4] : memref<320000xi32, #tpu.memory_space<hbm>> -> memref<80xi32, #tpu.memory_space<hbm>>
    %dma_start3A_5 = tpu.memref_slice %arg4[%add3A_4] : memref<320000xi32, #tpu.memory_space<hbm>> -> memref<80xi32, #tpu.memory_space<hbm>>
    tpu.enqueue_dma source(%dma_start3A_5 : memref<80xi32, #tpu.memory_space<hbm>>) target(%arg7 : memref<80xi32, #tpu.memory_space<vmem>>) target_semaphore(%arg18 : memref<!tpu.dma_semaphore, #tpu.memory_space<semaphore_mem>>)
    %dma_start3A_6 = tpu.memref_slice %arg5[%add3A_4] : memref<320000xi32, #tpu.memory_space<hbm>> -> memref<80xi32, #tpu.memory_space<hbm>>
    %dma_start3A_7 = tpu.memref_slice %arg5[%add3A_4] : memref<320000xi32, #tpu.memory_space<hbm>> -> memref<80xi32, #tpu.memory_space<hbm>>
    tpu.enqueue_dma source(%dma_start3A_7 : memref<80xi32, #tpu.memory_space<hbm>>) target(%arg9 : memref<80xi32, #tpu.memory_space<vmem>>) target_semaphore(%arg18 : memref<!tpu.dma_semaphore, #tpu.memory_space<semaphore_mem>>)
    %dma_wait3A = arith.constant 0 : i32
    %dma_wait3A_8 = tpu.memref_slice %arg4[%dma_wait3A] : memref<320000xi32, #tpu.memory_space<hbm>> -> memref<80xi32, #tpu.memory_space<hbm>>
    %dma_wait3A_9 = arith.constant 0 : i32
    %dma_wait3A_10 = tpu.memref_slice %arg4[%dma_wait3A_9] : memref<320000xi32, #tpu.memory_space<hbm>> -> memref<80xi32, #tpu.memory_space<hbm>>
    tpu.wait_dma2 semaphore(%arg18 : memref<!tpu.dma_semaphore, #tpu.memory_space<semaphore_mem>>) src(%dma_wait3A_10 : memref<80xi32, #tpu.memory_space<hbm>>) dst(%arg7 : memref<80xi32, #tpu.memory_space<vmem>>)
    %dma_wait3A_11 = arith.constant 0 : i32
    %dma_wait3A_12 = tpu.memref_slice %arg5[%dma_wait3A_11] : memref<320000xi32, #tpu.memory_space<hbm>> -> memref<80xi32, #tpu.memory_space<hbm>>
    %dma_wait3A_13 = arith.constant 0 : i32
    %dma_wait3A_14 = tpu.memref_slice %arg5[%dma_wait3A_13] : memref<320000xi32, #tpu.memory_space<hbm>> -> memref<80xi32, #tpu.memory_space<hbm>>
    tpu.wait_dma2 semaphore(%arg18 : memref<!tpu.dma_semaphore, #tpu.memory_space<semaphore_mem>>) src(%dma_wait3A_14 : memref<80xi32, #tpu.memory_space<hbm>>) dst(%arg9 : memref<80xi32, #tpu.memory_space<vmem>>)
    %dma_start3A_15 = arith.constant 0 : i32
    %dma_start3A_16 = arith.constant 0 : i32
    %dma_start3A_17 = tpu.memref_slice %arg2[%dma_start3A_15, %dma_start3A_16] : memref<10000x64xi32, #tpu.memory_space<hbm>> -> memref<10000x64xi32, #tpu.memory_space<hbm>>
    tpu.enqueue_indirect_dma source(%dma_start3A_17 : memref<10000x64xi32, #tpu.memory_space<hbm>>) target(%arg11 : memref<80x64xi32, #tpu.memory_space<vmem>>) offsets(%arg7 : memref<80xi32, #tpu.memory_space<vmem>>) semaphore(%arg16 : memref<!tpu.dma_semaphore, #tpu.memory_space<semaphore_mem>>)
    %dma_start3A_18 = arith.constant 0 : i32
    %dma_start3A_19 = arith.constant 0 : i32
    %dma_start3A_20 = tpu.memref_slice %arg3[%dma_start3A_18, %dma_start3A_19] : memref<10000x64xi32, #tpu.memory_space<hbm>> -> memref<10000x64xi32, #tpu.memory_space<hbm>>
    tpu.enqueue_indirect_dma source(%dma_start3A_20 : memref<10000x64xi32, #tpu.memory_space<hbm>>) target(%arg13 : memref<80x64xi32, #tpu.memory_space<vmem>>) offsets(%arg9 : memref<80xi32, #tpu.memory_space<vmem>>) semaphore(%arg16 : memref<!tpu.dma_semaphore, #tpu.memory_space<semaphore_mem>>)
    %add3A_21 = arith.constant 80 : i32
    %add3A_22 = arith.addi %mul3A_2, %add3A_21 : i32
    %dma_start3A_23 = tpu.memref_slice %arg4[%add3A_22] : memref<320000xi32, #tpu.memory_space<hbm>> -> memref<80xi32, #tpu.memory_space<hbm>>
    %dma_start3A_24 = tpu.memref_slice %arg4[%add3A_22] : memref<320000xi32, #tpu.memory_space<hbm>> -> memref<80xi32, #tpu.memory_space<hbm>>
    tpu.enqueue_dma source(%dma_start3A_24 : memref<80xi32, #tpu.memory_space<hbm>>) target(%arg8 : memref<80xi32, #tpu.memory_space<vmem>>) target_semaphore(%arg19 : memref<!tpu.dma_semaphore, #tpu.memory_space<semaphore_mem>>)
    %dma_start3A_25 = tpu.memref_slice %arg5[%add3A_22] : memref<320000xi32, #tpu.memory_space<hbm>> -> memref<80xi32, #tpu.memory_space<hbm>>
    %dma_start3A_26 = tpu.memref_slice %arg5[%add3A_22] : memref<320000xi32, #tpu.memory_space<hbm>> -> memref<80xi32, #tpu.memory_space<hbm>>
    tpu.enqueue_dma source(%dma_start3A_26 : memref<80xi32, #tpu.memory_space<hbm>>) target(%arg10 : memref<80xi32, #tpu.memory_space<vmem>>) target_semaphore(%arg19 : memref<!tpu.dma_semaphore, #tpu.memory_space<semaphore_mem>>)
    %scan3A = arith.constant 0 : i32
    %scan3A_27 = arith.constant 62 : i32
    %scan3A_28 = arith.addi %scan3A, %scan3A_27 : i32
    %scan3A_29 = arith.constant 1 : i32
    scf.for %scan3A_176 = %scan3A to %scan3A_28 step %scan3A_29  : i32 {
      %mul3A_177 = arith.constant 2 : i32
      %mul3A_178 = arith.muli %scan3A_176, %mul3A_177 : i32
      %add3A_179 = arith.constant 0 : i32
      %add3A_180 = arith.addi %add3A_179, %mul3A_178 : i32
      %add3A_181 = arith.constant 0 : i32
      %add3A_182 = arith.addi %add3A_180, %add3A_181 : i32
      %add3A_183 = arith.constant 1 : i32
      %add3A_184 = arith.addi %add3A_182, %add3A_183 : i32
      %lt3A = arith.constant 125 : i32
      %lt3A_185 = arith.cmpi slt, %add3A_184, %lt3A : i32
      %convert_element_type3A = arith.extui %lt3A_185 : i1 to i32
      %cond3A = arith.constant 0 : i32
      %cond3A_186 = arith.cmpi ne, %convert_element_type3A, %cond3A : i32
      scf.if %cond3A_186 {
        %dma_wait3A_552 = arith.constant 0 : i32
        %dma_wait3A_553 = tpu.memref_slice %arg4[%dma_wait3A_552] : memref<320000xi32, #tpu.memory_space<hbm>> -> memref<80xi32, #tpu.memory_space<hbm>>
        %dma_wait3A_554 = arith.constant 0 : i32
        %dma_wait3A_555 = tpu.memref_slice %arg4[%dma_wait3A_554] : memref<320000xi32, #tpu.memory_space<hbm>> -> memref<80xi32, #tpu.memory_space<hbm>>
        tpu.wait_dma2 semaphore(%arg19 : memref<!tpu.dma_semaphore, #tpu.memory_space<semaphore_mem>>) src(%dma_wait3A_555 : memref<80xi32, #tpu.memory_space<hbm>>) dst(%arg8 : memref<80xi32, #tpu.memory_space<vmem>>)
        %dma_wait3A_556 = arith.constant 0 : i32
        %dma_wait3A_557 = tpu.memref_slice %arg5[%dma_wait3A_556] : memref<320000xi32, #tpu.memory_space<hbm>> -> memref<80xi32, #tpu.memory_space<hbm>>
        %dma_wait3A_558 = arith.constant 0 : i32
        %dma_wait3A_559 = tpu.memref_slice %arg5[%dma_wait3A_558] : memref<320000xi32, #tpu.memory_space<hbm>> -> memref<80xi32, #tpu.memory_space<hbm>>
        tpu.wait_dma2 semaphore(%arg19 : memref<!tpu.dma_semaphore, #tpu.memory_space<semaphore_mem>>) src(%dma_wait3A_559 : memref<80xi32, #tpu.memory_space<hbm>>) dst(%arg10 : memref<80xi32, #tpu.memory_space<vmem>>)
        %dma_start3A_560 = arith.constant 0 : i32
        %dma_start3A_561 = arith.constant 0 : i32
        %dma_start3A_562 = tpu.memref_slice %arg2[%dma_start3A_560, %dma_start3A_561] : memref<10000x64xi32, #tpu.memory_space<hbm>> -> memref<10000x64xi32, #tpu.memory_space<hbm>>
        tpu.enqueue_indirect_dma source(%dma_start3A_562 : memref<10000x64xi32, #tpu.memory_space<hbm>>) target(%arg12 : memref<80x64xi32, #tpu.memory_space<vmem>>) offsets(%arg8 : memref<80xi32, #tpu.memory_space<vmem>>) semaphore(%arg17 : memref<!tpu.dma_semaphore, #tpu.memory_space<semaphore_mem>>)
        %dma_start3A_563 = arith.constant 0 : i32
        %dma_start3A_564 = arith.constant 0 : i32
        %dma_start3A_565 = tpu.memref_slice %arg3[%dma_start3A_563, %dma_start3A_564] : memref<10000x64xi32, #tpu.memory_space<hbm>> -> memref<10000x64xi32, #tpu.memory_space<hbm>>
        tpu.enqueue_indirect_dma source(%dma_start3A_565 : memref<10000x64xi32, #tpu.memory_space<hbm>>) target(%arg14 : memref<80x64xi32, #tpu.memory_space<vmem>>) offsets(%arg10 : memref<80xi32, #tpu.memory_space<vmem>>) semaphore(%arg17 : memref<!tpu.dma_semaphore, #tpu.memory_space<semaphore_mem>>)
      } else {
      }
      %dma_wait3A_187 = arith.constant 0 : i32
      %dma_wait3A_188 = arith.constant 0 : i32
      %dma_wait3A_189 = tpu.memref_slice %arg2[%dma_wait3A_187, %dma_wait3A_188] : memref<10000x64xi32, #tpu.memory_space<hbm>> -> memref<10000x64xi32, #tpu.memory_space<hbm>>
      tpu.wait_indirect_dma semaphore(%arg16 : memref<!tpu.dma_semaphore, #tpu.memory_space<semaphore_mem>>) src(%dma_wait3A_189 : memref<10000x64xi32, #tpu.memory_space<hbm>>) dst(%arg11 : memref<80x64xi32, #tpu.memory_space<vmem>>)
      %dma_wait3A_190 = arith.constant 0 : i32
      %dma_wait3A_191 = arith.constant 0 : i32
      %dma_wait3A_192 = tpu.memref_slice %arg3[%dma_wait3A_190, %dma_wait3A_191] : memref<10000x64xi32, #tpu.memory_space<hbm>> -> memref<10000x64xi32, #tpu.memory_space<hbm>>
      tpu.wait_indirect_dma semaphore(%arg16 : memref<!tpu.dma_semaphore, #tpu.memory_space<semaphore_mem>>) src(%dma_wait3A_192 : memref<10000x64xi32, #tpu.memory_space<hbm>>) dst(%arg13 : memref<80x64xi32, #tpu.memory_space<vmem>>)
      %add3A_193 = arith.constant 2 : i32
      %add3A_194 = arith.addi %add3A_182, %add3A_193 : i32
      %lt3A_195 = arith.constant 125 : i32
      %lt3A_196 = arith.cmpi slt, %add3A_194, %lt3A_195 : i32
      %convert_element_type3A_197 = arith.extui %lt3A_196 : i1 to i32
      %cond3A_198 = arith.constant 0 : i32
      %cond3A_199 = arith.cmpi ne, %convert_element_type3A_197, %cond3A_198 : i32
      scf.if %cond3A_199 {
        %add3A_552 = arith.constant 2 : i32
        %add3A_553 = arith.addi %add3A_182, %add3A_552 : i32
        %mul3A_554 = arith.constant 80 : i32
        %mul3A_555 = arith.muli %add3A_553, %mul3A_554 : i32
        %add3A_556 = arith.addi %mul3A_2, %mul3A_555 : i32
        %dma_start3A_557 = tpu.memref_slice %arg4[%add3A_556] : memref<320000xi32, #tpu.memory_space<hbm>> -> memref<80xi32, #tpu.memory_space<hbm>>
        %dma_start3A_558 = tpu.memref_slice %arg4[%add3A_556] : memref<320000xi32, #tpu.memory_space<hbm>> -> memref<80xi32, #tpu.memory_space<hbm>>
        tpu.enqueue_dma source(%dma_start3A_558 : memref<80xi32, #tpu.memory_space<hbm>>) target(%arg7 : memref<80xi32, #tpu.memory_space<vmem>>) target_semaphore(%arg18 : memref<!tpu.dma_semaphore, #tpu.memory_space<semaphore_mem>>)
        %dma_start3A_559 = tpu.memref_slice %arg5[%add3A_556] : memref<320000xi32, #tpu.memory_space<hbm>> -> memref<80xi32, #tpu.memory_space<hbm>>
        %dma_start3A_560 = tpu.memref_slice %arg5[%add3A_556] : memref<320000xi32, #tpu.memory_space<hbm>> -> memref<80xi32, #tpu.memory_space<hbm>>
        tpu.enqueue_dma source(%dma_start3A_560 : memref<80xi32, #tpu.memory_space<hbm>>) target(%arg9 : memref<80xi32, #tpu.memory_space<vmem>>) target_semaphore(%arg18 : memref<!tpu.dma_semaphore, #tpu.memory_space<semaphore_mem>>)
      } else {
      }
      %iota3A_200 = tpu.iota {dimensions = array<i32: 0>} : vector<16xi32>
      %add3A_201 = arith.constant 0 : i32
      %add3A_202 = vector.broadcast %add3A_201 : i32 to vector<16xi32>
      %add3A_203 = arith.addi %iota3A_200, %add3A_202 : vector<16xi32>
      %broadcast_in_dim3A_204 = arith.constant 0.000000e+00 : f32
      %broadcast_in_dim3A_205 = vector.broadcast %broadcast_in_dim3A_204 : f32 to vector<16xf32>
      %broadcast_in_dim3A_206 = arith.constant 0.000000e+00 : f32
      %broadcast_in_dim3A_207 = vector.broadcast %broadcast_in_dim3A_206 : f32 to vector<16xf32>
      %broadcast_in_dim3A_208 = arith.constant 0 : i32
      %broadcast_in_dim3A_209 = vector.broadcast %broadcast_in_dim3A_208 : i32 to vector<16xi32>
      %scan3A_210 = arith.constant 0 : i32
      %scan3A_211 = arith.constant 64 : i32
      %scan3A_212 = arith.addi %scan3A_210, %scan3A_211 : i32
      %scan3A_213 = arith.constant 8 : i32
      %scan3A_214:3 = scf.for %scan3A_552 = %scan3A_210 to %scan3A_212 step %scan3A_213 iter_args(%scan3A_553 = %broadcast_in_dim3A_205, %scan3A_554 = %broadcast_in_dim3A_207, %scan3A_555 = %broadcast_in_dim3A_209) -> (vector<16xf32>, vector<16xf32>, vector<16xi32>)  : i32 {
        %mul3A_556 = arith.constant 1 : i32
        %mul3A_557 = arith.muli %scan3A_552, %mul3A_556 : i32
        %add3A_558 = arith.constant 0 : i32
        %add3A_559 = arith.addi %add3A_558, %mul3A_557 : i32
        %gather3A = tpu.vector_load_idx %arg11[%add3A_203, %scan3A_555] : memref<80x64xi32, #tpu.memory_space<vmem>>[vector<16xi32>, vector<16xi32>], vector<16xi32>,
        %gather3A_560 = tpu.vector_load_idx %arg13[%add3A_203, %scan3A_555] : memref<80x64xi32, #tpu.memory_space<vmem>>[vector<16xi32>, vector<16xi32>], vector<16xi32>,
        %bitcast3A = vector.bitcast %gather3A : vector<16xi32> to vector<32xbf16>
        %bitcast3A_561 = vector.bitcast %gather3A_560 : vector<16xi32> to vector<32xbf16>
        %mul3A_562 = arith.mulf %bitcast3A, %bitcast3A_561 : vector<32xbf16>
        %unpack3A = tpu.unpack_subelements %mul3A_562, 0 {pack_format = #tpu.pack_format<interleaved>} : vector<32xbf16> -> vector<16xf32>
        %unpack3A_563 = tpu.unpack_subelements %mul3A_562, 1 {pack_format = #tpu.pack_format<interleaved>} : vector<32xbf16> -> vector<16xf32>
        %add3A_564 = arith.addf %scan3A_553, %unpack3A : vector<16xf32>
        %add3A_565 = arith.addf %scan3A_554, %unpack3A_563 : vector<16xf32>
        %add3A_566 = arith.constant 1 : i32
        %add3A_567 = vector.broadcast %add3A_566 : i32 to vector<16xi32>
        %add3A_568 = arith.addi %scan3A_555, %add3A_567 : vector<16xi32>
        %scan3A_569 = arith.constant 1 : i32
        %scan3A_570 = arith.addi %scan3A_552, %scan3A_569 : i32
        %mul3A_571 = arith.constant 1 : i32
        %mul3A_572 = arith.muli %scan3A_570, %mul3A_571 : i32
        %add3A_573 = arith.constant 0 : i32
        %add3A_574 = arith.addi %add3A_573, %mul3A_572 : i32
        %gather3A_575 = tpu.vector_load_idx %arg11[%add3A_203, %add3A_568] : memref<80x64xi32, #tpu.memory_space<vmem>>[vector<16xi32>, vector<16xi32>], vector<16xi32>,
        %gather3A_576 = tpu.vector_load_idx %arg13[%add3A_203, %add3A_568] : memref<80x64xi32, #tpu.memory_space<vmem>>[vector<16xi32>, vector<16xi32>], vector<16xi32>,
        %bitcast3A_577 = vector.bitcast %gather3A_575 : vector<16xi32> to vector<32xbf16>
        %bitcast3A_578 = vector.bitcast %gather3A_576 : vector<16xi32> to vector<32xbf16>
        %mul3A_579 = arith.mulf %bitcast3A_577, %bitcast3A_578 : vector<32xbf16>
        %unpack3A_580 = tpu.unpack_subelements %mul3A_579, 0 {pack_format = #tpu.pack_format<interleaved>} : vector<32xbf16> -> vector<16xf32>
        %unpack3A_581 = tpu.unpack_subelements %mul3A_579, 1 {pack_format = #tpu.pack_format<interleaved>} : vector<32xbf16> -> vector<16xf32>
        %add3A_582 = arith.addf %add3A_564, %unpack3A_580 : vector<16xf32>
        %add3A_583 = arith.addf %add3A_565, %unpack3A_581 : vector<16xf32>
        %add3A_584 = arith.constant 1 : i32
        %add3A_585 = vector.broadcast %add3A_584 : i32 to vector<16xi32>
        %add3A_586 = arith.addi %add3A_568, %add3A_585 : vector<16xi32>
        %scan3A_587 = arith.constant 2 : i32
        %scan3A_588 = arith.addi %scan3A_552, %scan3A_587 : i32
        %mul3A_589 = arith.constant 1 : i32
        %mul3A_590 = arith.muli %scan3A_588, %mul3A_589 : i32
        %add3A_591 = arith.constant 0 : i32
        %add3A_592 = arith.addi %add3A_591, %mul3A_590 : i32
        %gather3A_593 = tpu.vector_load_idx %arg11[%add3A_203, %add3A_586] : memref<80x64xi32, #tpu.memory_space<vmem>>[vector<16xi32>, vector<16xi32>], vector<16xi32>,
        %gather3A_594 = tpu.vector_load_idx %arg13[%add3A_203, %add3A_586] : memref<80x64xi32, #tpu.memory_space<vmem>>[vector<16xi32>, vector<16xi32>], vector<16xi32>,
        %bitcast3A_595 = vector.bitcast %gather3A_593 : vector<16xi32> to vector<32xbf16>
        %bitcast3A_596 = vector.bitcast %gather3A_594 : vector<16xi32> to vector<32xbf16>
        %mul3A_597 = arith.mulf %bitcast3A_595, %bitcast3A_596 : vector<32xbf16>
        %unpack3A_598 = tpu.unpack_subelements %mul3A_597, 0 {pack_format = #tpu.pack_format<interleaved>} : vector<32xbf16> -> vector<16xf32>
        %unpack3A_599 = tpu.unpack_subelements %mul3A_597, 1 {pack_format = #tpu.pack_format<interleaved>} : vector<32xbf16> -> vector<16xf32>
        %add3A_600 = arith.addf %add3A_582, %unpack3A_598 : vector<16xf32>
        %add3A_601 = arith.addf %add3A_583, %unpack3A_599 : vector<16xf32>
        %add3A_602 = arith.constant 1 : i32
        %add3A_603 = vector.broadcast %add3A_602 : i32 to vector<16xi32>
        %add3A_604 = arith.addi %add3A_586, %add3A_603 : vector<16xi32>
        %scan3A_605 = arith.constant 3 : i32
        %scan3A_606 = arith.addi %scan3A_552, %scan3A_605 : i32
        %mul3A_607 = arith.constant 1 : i32
        %mul3A_608 = arith.muli %scan3A_606, %mul3A_607 : i32
        %add3A_609 = arith.constant 0 : i32
        %add3A_610 = arith.addi %add3A_609, %mul3A_608 : i32
        %gather3A_611 = tpu.vector_load_idx %arg11[%add3A_203, %add3A_604] : memref<80x64xi32, #tpu.memory_space<vmem>>[vector<16xi32>, vector<16xi32>], vector<16xi32>,
        %gather3A_612 = tpu.vector_load_idx %arg13[%add3A_203, %add3A_604] : memref<80x64xi32, #tpu.memory_space<vmem>>[vector<16xi32>, vector<16xi32>], vector<16xi32>,
        %bitcast3A_613 = vector.bitcast %gather3A_611 : vector<16xi32> to vector<32xbf16>
        %bitcast3A_614 = vector.bitcast %gather3A_612 : vector<16xi32> to vector<32xbf16>
        %mul3A_615 = arith.mulf %bitcast3A_613, %bitcast3A_614 : vector<32xbf16>
        %unpack3A_616 = tpu.unpack_subelements %mul3A_615, 0 {pack_format = #tpu.pack_format<interleaved>} : vector<32xbf16> -> vector<16xf32>
        %unpack3A_617 = tpu.unpack_subelements %mul3A_615, 1 {pack_format = #tpu.pack_format<interleaved>} : vector<32xbf16> -> vector<16xf32>
        %add3A_618 = arith.addf %add3A_600, %unpack3A_616 : vector<16xf32>
        %add3A_619 = arith.addf %add3A_601, %unpack3A_617 : vector<16xf32>
        %add3A_620 = arith.constant 1 : i32
        %add3A_621 = vector.broadcast %add3A_620 : i32 to vector<16xi32>
        %add3A_622 = arith.addi %add3A_604, %add3A_621 : vector<16xi32>
        %scan3A_623 = arith.constant 4 : i32
        %scan3A_624 = arith.addi %scan3A_552, %scan3A_623 : i32
        %mul3A_625 = arith.constant 1 : i32
        %mul3A_626 = arith.muli %scan3A_624, %mul3A_625 : i32
        %add3A_627 = arith.constant 0 : i32
        %add3A_628 = arith.addi %add3A_627, %mul3A_626 : i32
        %gather3A_629 = tpu.vector_load_idx %arg11[%add3A_203, %add3A_622] : memref<80x64xi32, #tpu.memory_space<vmem>>[vector<16xi32>, vector<16xi32>], vector<16xi32>,
        %gather3A_630 = tpu.vector_load_idx %arg13[%add3A_203, %add3A_622] : memref<80x64xi32, #tpu.memory_space<vmem>>[vector<16xi32>, vector<16xi32>], vector<16xi32>,
        %bitcast3A_631 = vector.bitcast %gather3A_629 : vector<16xi32> to vector<32xbf16>
        %bitcast3A_632 = vector.bitcast %gather3A_630 : vector<16xi32> to vector<32xbf16>
        %mul3A_633 = arith.mulf %bitcast3A_631, %bitcast3A_632 : vector<32xbf16>
        %unpack3A_634 = tpu.unpack_subelements %mul3A_633, 0 {pack_format = #tpu.pack_format<interleaved>} : vector<32xbf16> -> vector<16xf32>
        %unpack3A_635 = tpu.unpack_subelements %mul3A_633, 1 {pack_format = #tpu.pack_format<interleaved>} : vector<32xbf16> -> vector<16xf32>
        %add3A_636 = arith.addf %add3A_618, %unpack3A_634 : vector<16xf32>
        %add3A_637 = arith.addf %add3A_619, %unpack3A_635 : vector<16xf32>
        %add3A_638 = arith.constant 1 : i32
        %add3A_639 = vector.broadcast %add3A_638 : i32 to vector<16xi32>
        %add3A_640 = arith.addi %add3A_622, %add3A_639 : vector<16xi32>
        %scan3A_641 = arith.constant 5 : i32
        %scan3A_642 = arith.addi %scan3A_552, %scan3A_641 : i32
        %mul3A_643 = arith.constant 1 : i32
        %mul3A_644 = arith.muli %scan3A_642, %mul3A_643 : i32
        %add3A_645 = arith.constant 0 : i32
        %add3A_646 = arith.addi %add3A_645, %mul3A_644 : i32
        %gather3A_647 = tpu.vector_load_idx %arg11[%add3A_203, %add3A_640] : memref<80x64xi32, #tpu.memory_space<vmem>>[vector<16xi32>, vector<16xi32>], vector<16xi32>,
        %gather3A_648 = tpu.vector_load_idx %arg13[%add3A_203, %add3A_640] : memref<80x64xi32, #tpu.memory_space<vmem>>[vector<16xi32>, vector<16xi32>], vector<16xi32>,
        %bitcast3A_649 = vector.bitcast %gather3A_647 : vector<16xi32> to vector<32xbf16>
        %bitcast3A_650 = vector.bitcast %gather3A_648 : vector<16xi32> to vector<32xbf16>
        %mul3A_651 = arith.mulf %bitcast3A_649, %bitcast3A_650 : vector<32xbf16>
        %unpack3A_652 = tpu.unpack_subelements %mul3A_651, 0 {pack_format = #tpu.pack_format<interleaved>} : vector<32xbf16> -> vector<16xf32>
        %unpack3A_653 = tpu.unpack_subelements %mul3A_651, 1 {pack_format = #tpu.pack_format<interleaved>} : vector<32xbf16> -> vector<16xf32>
        %add3A_654 = arith.addf %add3A_636, %unpack3A_652 : vector<16xf32>
        %add3A_655 = arith.addf %add3A_637, %unpack3A_653 : vector<16xf32>
        %add3A_656 = arith.constant 1 : i32
        %add3A_657 = vector.broadcast %add3A_656 : i32 to vector<16xi32>
        %add3A_658 = arith.addi %add3A_640, %add3A_657 : vector<16xi32>
        %scan3A_659 = arith.constant 6 : i32
        %scan3A_660 = arith.addi %scan3A_552, %scan3A_659 : i32
        %mul3A_661 = arith.constant 1 : i32
        %mul3A_662 = arith.muli %scan3A_660, %mul3A_661 : i32
        %add3A_663 = arith.constant 0 : i32
        %add3A_664 = arith.addi %add3A_663, %mul3A_662 : i32
        %gather3A_665 = tpu.vector_load_idx %arg11[%add3A_203, %add3A_658] : memref<80x64xi32, #tpu.memory_space<vmem>>[vector<16xi32>, vector<16xi32>], vector<16xi32>,
        %gather3A_666 = tpu.vector_load_idx %arg13[%add3A_203, %add3A_658] : memref<80x64xi32, #tpu.memory_space<vmem>>[vector<16xi32>, vector<16xi32>], vector<16xi32>,
        %bitcast3A_667 = vector.bitcast %gather3A_665 : vector<16xi32> to vector<32xbf16>
        %bitcast3A_668 = vector.bitcast %gather3A_666 : vector<16xi32> to vector<32xbf16>
        %mul3A_669 = arith.mulf %bitcast3A_667, %bitcast3A_668 : vector<32xbf16>
        %unpack3A_670 = tpu.unpack_subelements %mul3A_669, 0 {pack_format = #tpu.pack_format<interleaved>} : vector<32xbf16> -> vector<16xf32>
        %unpack3A_671 = tpu.unpack_subelements %mul3A_669, 1 {pack_format = #tpu.pack_format<interleaved>} : vector<32xbf16> -> vector<16xf32>
        %add3A_672 = arith.addf %add3A_654, %unpack3A_670 : vector<16xf32>
        %add3A_673 = arith.addf %add3A_655, %unpack3A_671 : vector<16xf32>
        %add3A_674 = arith.constant 1 : i32
        %add3A_675 = vector.broadcast %add3A_674 : i32 to vector<16xi32>
        %add3A_676 = arith.addi %add3A_658, %add3A_675 : vector<16xi32>
        %scan3A_677 = arith.constant 7 : i32
        %scan3A_678 = arith.addi %scan3A_552, %scan3A_677 : i32
        %mul3A_679 = arith.constant 1 : i32
        %mul3A_680 = arith.muli %scan3A_678, %mul3A_679 : i32
        %add3A_681 = arith.constant 0 : i32
        %add3A_682 = arith.addi %add3A_681, %mul3A_680 : i32
        %gather3A_683 = tpu.vector_load_idx %arg11[%add3A_203, %add3A_676] : memref<80x64xi32, #tpu.memory_space<vmem>>[vector<16xi32>, vector<16xi32>], vector<16xi32>,
        %gather3A_684 = tpu.vector_load_idx %arg13[%add3A_203, %add3A_676] : memref<80x64xi32, #tpu.memory_space<vmem>>[vector<16xi32>, vector<16xi32>], vector<16xi32>,
        %bitcast3A_685 = vector.bitcast %gather3A_683 : vector<16xi32> to vector<32xbf16>
        %bitcast3A_686 = vector.bitcast %gather3A_684 : vector<16xi32> to vector<32xbf16>
        %mul3A_687 = arith.mulf %bitcast3A_685, %bitcast3A_686 : vector<32xbf16>
        %unpack3A_688 = tpu.unpack_subelements %mul3A_687, 0 {pack_format = #tpu.pack_format<interleaved>} : vector<32xbf16> -> vector<16xf32>
        %unpack3A_689 = tpu.unpack_subelements %mul3A_687, 1 {pack_format = #tpu.pack_format<interleaved>} : vector<32xbf16> -> vector<16xf32>
        %add3A_690 = arith.addf %add3A_672, %unpack3A_688 : vector<16xf32>
        %add3A_691 = arith.addf %add3A_673, %unpack3A_689 : vector<16xf32>
        %add3A_692 = arith.constant 1 : i32
        %add3A_693 = vector.broadcast %add3A_692 : i32 to vector<16xi32>
        %add3A_694 = arith.addi %add3A_676, %add3A_693 : vector<16xi32>
        scf.yield %add3A_690, %add3A_691, %add3A_694 : vector<16xf32>, vector<16xf32>, vector<16xi32>
      }
      %scan3A_215 = arith.constant 64 : i32
      %add3A_216 = arith.addf %scan3A_214#0, %scan3A_214#1 : vector<16xf32>
      %neg3A_217 = arith.constant 0.000000e+00 : f32
      %neg3A_218 = vector.broadcast %neg3A_217 : f32 to vector<16xf32>
      %neg3A_219 = arith.subf %neg3A_218, %add3A_216 : vector<16xf32>
      %exp3A_220 = math.exp %neg3A_219 : vector<16xf32>
      %add3A_221 = arith.constant 1.000000e+00 : f32
      %add3A_222 = vector.broadcast %add3A_221 : f32 to vector<16xf32>
      %add3A_223 = arith.addf %add3A_222, %exp3A_220 : vector<16xf32>
      %div3A_224 = arith.constant 1.000000e+00 : f32
      %div3A_225 = vector.broadcast %div3A_224 : f32 to vector<16xf32>
      %div3A_226 = arith.divf %div3A_225, %add3A_223 : vector<16xf32>
      %mul3A_227 = arith.constant 80 : i32
      %mul3A_228 = arith.muli %add3A_182, %mul3A_227 : i32
      %add3A_229 = arith.constant 0 : i32
      %add3A_230 = arith.addi %mul3A_228, %add3A_229 : i32
      %swap3A_231 = arith.index_cast %add3A_230 : i32 to index
      %swap3A_232 = tpu.vector_load %arg15[%swap3A_231] {strides = array<i32>} : memref<10000xf32, #tpu.memory_space<vmem>>, vector<16xf32>,
      tpu.vector_store %arg15[%swap3A_231], %div3A_226 {strides = array<i32>} : memref<10000xf32, #tpu.memory_space<vmem>>, vector<16xf32>,
      %iota3A_233 = tpu.iota {dimensions = array<i32: 0>} : vector<16xi32>
      %add3A_234 = arith.constant 16 : i32
      %add3A_235 = vector.broadcast %add3A_234 : i32 to vector<16xi32>
      %add3A_236 = arith.addi %iota3A_233, %add3A_235 : vector<16xi32>
      %broadcast_in_dim3A_237 = arith.constant 0.000000e+00 : f32
      %broadcast_in_dim3A_238 = vector.broadcast %broadcast_in_dim3A_237 : f32 to vector<16xf32>
      %broadcast_in_dim3A_239 = arith.constant 0.000000e+00 : f32
      %broadcast_in_dim3A_240 = vector.broadcast %broadcast_in_dim3A_239 : f32 to vector<16xf32>
      %broadcast_in_dim3A_241 = arith.constant 0 : i32
      %broadcast_in_dim3A_242 = vector.broadcast %broadcast_in_dim3A_241 : i32 to vector<16xi32>
      %scan3A_243 = arith.constant 0 : i32
      %scan3A_244 = arith.constant 64 : i32
      %scan3A_245 = arith.addi %scan3A_243, %scan3A_244 : i32
      %scan3A_246 = arith.constant 8 : i32
      %scan3A_247:3 = scf.for %scan3A_552 = %scan3A_243 to %scan3A_245 step %scan3A_246 iter_args(%scan3A_553 = %broadcast_in_dim3A_238, %scan3A_554 = %broadcast_in_dim3A_240, %scan3A_555 = %broadcast_in_dim3A_242) -> (vector<16xf32>, vector<16xf32>, vector<16xi32>)  : i32 {
        %mul3A_556 = arith.constant 1 : i32
        %mul3A_557 = arith.muli %scan3A_552, %mul3A_556 : i32
        %add3A_558 = arith.constant 0 : i32
        %add3A_559 = arith.addi %add3A_558, %mul3A_557 : i32
        %gather3A = tpu.vector_load_idx %arg11[%add3A_236, %scan3A_555] : memref<80x64xi32, #tpu.memory_space<vmem>>[vector<16xi32>, vector<16xi32>], vector<16xi32>,
        %gather3A_560 = tpu.vector_load_idx %arg13[%add3A_236, %scan3A_555] : memref<80x64xi32, #tpu.memory_space<vmem>>[vector<16xi32>, vector<16xi32>], vector<16xi32>,
        %bitcast3A = vector.bitcast %gather3A : vector<16xi32> to vector<32xbf16>
        %bitcast3A_561 = vector.bitcast %gather3A_560 : vector<16xi32> to vector<32xbf16>
        %mul3A_562 = arith.mulf %bitcast3A, %bitcast3A_561 : vector<32xbf16>
        %unpack3A = tpu.unpack_subelements %mul3A_562, 0 {pack_format = #tpu.pack_format<interleaved>} : vector<32xbf16> -> vector<16xf32>
        %unpack3A_563 = tpu.unpack_subelements %mul3A_562, 1 {pack_format = #tpu.pack_format<interleaved>} : vector<32xbf16> -> vector<16xf32>
        %add3A_564 = arith.addf %scan3A_553, %unpack3A : vector<16xf32>
        %add3A_565 = arith.addf %scan3A_554, %unpack3A_563 : vector<16xf32>
        %add3A_566 = arith.constant 1 : i32
        %add3A_567 = vector.broadcast %add3A_566 : i32 to vector<16xi32>
        %add3A_568 = arith.addi %scan3A_555, %add3A_567 : vector<16xi32>
        %scan3A_569 = arith.constant 1 : i32
        %scan3A_570 = arith.addi %scan3A_552, %scan3A_569 : i32
        %mul3A_571 = arith.constant 1 : i32
        %mul3A_572 = arith.muli %scan3A_570, %mul3A_571 : i32
        %add3A_573 = arith.constant 0 : i32
        %add3A_574 = arith.addi %add3A_573, %mul3A_572 : i32
        %gather3A_575 = tpu.vector_load_idx %arg11[%add3A_236, %add3A_568] : memref<80x64xi32, #tpu.memory_space<vmem>>[vector<16xi32>, vector<16xi32>], vector<16xi32>,
        %gather3A_576 = tpu.vector_load_idx %arg13[%add3A_236, %add3A_568] : memref<80x64xi32, #tpu.memory_space<vmem>>[vector<16xi32>, vector<16xi32>], vector<16xi32>,
        %bitcast3A_577 = vector.bitcast %gather3A_575 : vector<16xi32> to vector<32xbf16>
        %bitcast3A_578 = vector.bitcast %gather3A_576 : vector<16xi32> to vector<32xbf16>
        %mul3A_579 = arith.mulf %bitcast3A_577, %bitcast3A_578 : vector<32xbf16>
        %unpack3A_580 = tpu.unpack_subelements %mul3A_579, 0 {pack_format = #tpu.pack_format<interleaved>} : vector<32xbf16> -> vector<16xf32>
        %unpack3A_581 = tpu.unpack_subelements %mul3A_579, 1 {pack_format = #tpu.pack_format<interleaved>} : vector<32xbf16> -> vector<16xf32>
        %add3A_582 = arith.addf %add3A_564, %unpack3A_580 : vector<16xf32>
        %add3A_583 = arith.addf %add3A_565, %unpack3A_581 : vector<16xf32>
        %add3A_584 = arith.constant 1 : i32
        %add3A_585 = vector.broadcast %add3A_584 : i32 to vector<16xi32>
        %add3A_586 = arith.addi %add3A_568, %add3A_585 : vector<16xi32>
        %scan3A_587 = arith.constant 2 : i32
        %scan3A_588 = arith.addi %scan3A_552, %scan3A_587 : i32
        %mul3A_589 = arith.constant 1 : i32
        %mul3A_590 = arith.muli %scan3A_588, %mul3A_589 : i32
        %add3A_591 = arith.constant 0 : i32
        %add3A_592 = arith.addi %add3A_591, %mul3A_590 : i32
        %gather3A_593 = tpu.vector_load_idx %arg11[%add3A_236, %add3A_586] : memref<80x64xi32, #tpu.memory_space<vmem>>[vector<16xi32>, vector<16xi32>], vector<16xi32>,
        %gather3A_594 = tpu.vector_load_idx %arg13[%add3A_236, %add3A_586] : memref<80x64xi32, #tpu.memory_space<vmem>>[vector<16xi32>, vector<16xi32>], vector<16xi32>,
        %bitcast3A_595 = vector.bitcast %gather3A_593 : vector<16xi32> to vector<32xbf16>
        %bitcast3A_596 = vector.bitcast %gather3A_594 : vector<16xi32> to vector<32xbf16>
        %mul3A_597 = arith.mulf %bitcast3A_595, %bitcast3A_596 : vector<32xbf16>
        %unpack3A_598 = tpu.unpack_subelements %mul3A_597, 0 {pack_format = #tpu.pack_format<interleaved>} : vector<32xbf16> -> vector<16xf32>
        %unpack3A_599 = tpu.unpack_subelements %mul3A_597, 1 {pack_format = #tpu.pack_format<interleaved>} : vector<32xbf16> -> vector<16xf32>
        %add3A_600 = arith.addf %add3A_582, %unpack3A_598 : vector<16xf32>
        %add3A_601 = arith.addf %add3A_583, %unpack3A_599 : vector<16xf32>
        %add3A_602 = arith.constant 1 : i32
        %add3A_603 = vector.broadcast %add3A_602 : i32 to vector<16xi32>
        %add3A_604 = arith.addi %add3A_586, %add3A_603 : vector<16xi32>
        %scan3A_605 = arith.constant 3 : i32
        %scan3A_606 = arith.addi %scan3A_552, %scan3A_605 : i32
        %mul3A_607 = arith.constant 1 : i32
        %mul3A_608 = arith.muli %scan3A_606, %mul3A_607 : i32
        %add3A_609 = arith.constant 0 : i32
        %add3A_610 = arith.addi %add3A_609, %mul3A_608 : i32
        %gather3A_611 = tpu.vector_load_idx %arg11[%add3A_236, %add3A_604] : memref<80x64xi32, #tpu.memory_space<vmem>>[vector<16xi32>, vector<16xi32>], vector<16xi32>,
        %gather3A_612 = tpu.vector_load_idx %arg13[%add3A_236, %add3A_604] : memref<80x64xi32, #tpu.memory_space<vmem>>[vector<16xi32>, vector<16xi32>], vector<16xi32>,
        %bitcast3A_613 = vector.bitcast %gather3A_611 : vector<16xi32> to vector<32xbf16>
        %bitcast3A_614 = vector.bitcast %gather3A_612 : vector<16xi32> to vector<32xbf16>
        %mul3A_615 = arith.mulf %bitcast3A_613, %bitcast3A_614 : vector<32xbf16>
        %unpack3A_616 = tpu.unpack_subelements %mul3A_615, 0 {pack_format = #tpu.pack_format<interleaved>} : vector<32xbf16> -> vector<16xf32>
        %unpack3A_617 = tpu.unpack_subelements %mul3A_615, 1 {pack_format = #tpu.pack_format<interleaved>} : vector<32xbf16> -> vector<16xf32>
        %add3A_618 = arith.addf %add3A_600, %unpack3A_616 : vector<16xf32>
        %add3A_619 = arith.addf %add3A_601, %unpack3A_617 : vector<16xf32>
        %add3A_620 = arith.constant 1 : i32
        %add3A_621 = vector.broadcast %add3A_620 : i32 to vector<16xi32>
        %add3A_622 = arith.addi %add3A_604, %add3A_621 : vector<16xi32>
        %scan3A_623 = arith.constant 4 : i32
        %scan3A_624 = arith.addi %scan3A_552, %scan3A_623 : i32
        %mul3A_625 = arith.constant 1 : i32
        %mul3A_626 = arith.muli %scan3A_624, %mul3A_625 : i32
        %add3A_627 = arith.constant 0 : i32
        %add3A_628 = arith.addi %add3A_627, %mul3A_626 : i32
        %gather3A_629 = tpu.vector_load_idx %arg11[%add3A_236, %add3A_622] : memref<80x64xi32, #tpu.memory_space<vmem>>[vector<16xi32>, vector<16xi32>], vector<16xi32>,
        %gather3A_630 = tpu.vector_load_idx %arg13[%add3A_236, %add3A_622] : memref<80x64xi32, #tpu.memory_space<vmem>>[vector<16xi32>, vector<16xi32>], vector<16xi32>,
        %bitcast3A_631 = vector.bitcast %gather3A_629 : vector<16xi32> to vector<32xbf16>
        %bitcast3A_632 = vector.bitcast %gather3A_630 : vector<16xi32> to vector<32xbf16>
        %mul3A_633 = arith.mulf %bitcast3A_631, %bitcast3A_632 : vector<32xbf16>
        %unpack3A_634 = tpu.unpack_subelements %mul3A_633, 0 {pack_format = #tpu.pack_format<interleaved>} : vector<32xbf16> -> vector<16xf32>
        %unpack3A_635 = tpu.unpack_subelements %mul3A_633, 1 {pack_format = #tpu.pack_format<interleaved>} : vector<32xbf16> -> vector<16xf32>
        %add3A_636 = arith.addf %add3A_618, %unpack3A_634 : vector<16xf32>
        %add3A_637 = arith.addf %add3A_619, %unpack3A_635 : vector<16xf32>
        %add3A_638 = arith.constant 1 : i32
        %add3A_639 = vector.broadcast %add3A_638 : i32 to vector<16xi32>
        %add3A_640 = arith.addi %add3A_622, %add3A_639 : vector<16xi32>
        %scan3A_641 = arith.constant 5 : i32
        %scan3A_642 = arith.addi %scan3A_552, %scan3A_641 : i32
        %mul3A_643 = arith.constant 1 : i32
        %mul3A_644 = arith.muli %scan3A_642, %mul3A_643 : i32
        %add3A_645 = arith.constant 0 : i32
        %add3A_646 = arith.addi %add3A_645, %mul3A_644 : i32
        %gather3A_647 = tpu.vector_load_idx %arg11[%add3A_236, %add3A_640] : memref<80x64xi32, #tpu.memory_space<vmem>>[vector<16xi32>, vector<16xi32>], vector<16xi32>,
        %gather3A_648 = tpu.vector_load_idx %arg13[%add3A_236, %add3A_640] : memref<80x64xi32, #tpu.memory_space<vmem>>[vector<16xi32>, vector<16xi32>], vector<16xi32>,
        %bitcast3A_649 = vector.bitcast %gather3A_647 : vector<16xi32> to vector<32xbf16>
        %bitcast3A_650 = vector.bitcast %gather3A_648 : vector<16xi32> to vector<32xbf16>
        %mul3A_651 = arith.mulf %bitcast3A_649, %bitcast3A_650 : vector<32xbf16>
        %unpack3A_652 = tpu.unpack_subelements %mul3A_651, 0 {pack_format = #tpu.pack_format<interleaved>} : vector<32xbf16> -> vector<16xf32>
        %unpack3A_653 = tpu.unpack_subelements %mul3A_651, 1 {pack_format = #tpu.pack_format<interleaved>} : vector<32xbf16> -> vector<16xf32>
        %add3A_654 = arith.addf %add3A_636, %unpack3A_652 : vector<16xf32>
        %add3A_655 = arith.addf %add3A_637, %unpack3A_653 : vector<16xf32>
        %add3A_656 = arith.constant 1 : i32
        %add3A_657 = vector.broadcast %add3A_656 : i32 to vector<16xi32>
        %add3A_658 = arith.addi %add3A_640, %add3A_657 : vector<16xi32>
        %scan3A_659 = arith.constant 6 : i32
        %scan3A_660 = arith.addi %scan3A_552, %scan3A_659 : i32
        %mul3A_661 = arith.constant 1 : i32
        %mul3A_662 = arith.muli %scan3A_660, %mul3A_661 : i32
        %add3A_663 = arith.constant 0 : i32
        %add3A_664 = arith.addi %add3A_663, %mul3A_662 : i32
        %gather3A_665 = tpu.vector_load_idx %arg11[%add3A_236, %add3A_658] : memref<80x64xi32, #tpu.memory_space<vmem>>[vector<16xi32>, vector<16xi32>], vector<16xi32>,
        %gather3A_666 = tpu.vector_load_idx %arg13[%add3A_236, %add3A_658] : memref<80x64xi32, #tpu.memory_space<vmem>>[vector<16xi32>, vector<16xi32>], vector<16xi32>,
        %bitcast3A_667 = vector.bitcast %gather3A_665 : vector<16xi32> to vector<32xbf16>
        %bitcast3A_668 = vector.bitcast %gather3A_666 : vector<16xi32> to vector<32xbf16>
        %mul3A_669 = arith.mulf %bitcast3A_667, %bitcast3A_668 : vector<32xbf16>
        %unpack3A_670 = tpu.unpack_subelements %mul3A_669, 0 {pack_format = #tpu.pack_format<interleaved>} : vector<32xbf16> -> vector<16xf32>
        %unpack3A_671 = tpu.unpack_subelements %mul3A_669, 1 {pack_format = #tpu.pack_format<interleaved>} : vector<32xbf16> -> vector<16xf32>
        %add3A_672 = arith.addf %add3A_654, %unpack3A_670 : vector<16xf32>
        %add3A_673 = arith.addf %add3A_655, %unpack3A_671 : vector<16xf32>
        %add3A_674 = arith.constant 1 : i32
        %add3A_675 = vector.broadcast %add3A_674 : i32 to vector<16xi32>
        %add3A_676 = arith.addi %add3A_658, %add3A_675 : vector<16xi32>
        %scan3A_677 = arith.constant 7 : i32
        %scan3A_678 = arith.addi %scan3A_552, %scan3A_677 : i32
        %mul3A_679 = arith.constant 1 : i32
        %mul3A_680 = arith.muli %scan3A_678, %mul3A_679 : i32
        %add3A_681 = arith.constant 0 : i32
        %add3A_682 = arith.addi %add3A_681, %mul3A_680 : i32
        %gather3A_683 = tpu.vector_load_idx %arg11[%add3A_236, %add3A_676] : memref<80x64xi32, #tpu.memory_space<vmem>>[vector<16xi32>, vector<16xi32>], vector<16xi32>,
        %gather3A_684 = tpu.vector_load_idx %arg13[%add3A_236, %add3A_676] : memref<80x64xi32, #tpu.memory_space<vmem>>[vector<16xi32>, vector<16xi32>], vector<16xi32>,
        %bitcast3A_685 = vector.bitcast %gather3A_683 : vector<16xi32> to vector<32xbf16>
        %bitcast3A_686 = vector.bitcast %gather3A_684 : vector<16xi32> to vector<32xbf16>
        %mul3A_687 = arith.mulf %bitcast3A_685, %bitcast3A_686 : vector<32xbf16>
        %unpack3A_688 = tpu.unpack_subelements %mul3A_687, 0 {pack_format = #tpu.pack_format<interleaved>} : vector<32xbf16> -> vector<16xf32>
        %unpack3A_689 = tpu.unpack_subelements %mul3A_687, 1 {pack_format = #tpu.pack_format<interleaved>} : vector<32xbf16> -> vector<16xf32>
        %add3A_690 = arith.addf %add3A_672, %unpack3A_688 : vector<16xf32>
        %add3A_691 = arith.addf %add3A_673, %unpack3A_689 : vector<16xf32>
        %add3A_692 = arith.constant 1 : i32
        %add3A_693 = vector.broadcast %add3A_692 : i32 to vector<16xi32>
        %add3A_694 = arith.addi %add3A_676, %add3A_693 : vector<16xi32>
        scf.yield %add3A_690, %add3A_691, %add3A_694 : vector<16xf32>, vector<16xf32>, vector<16xi32>
      }
      %scan3A_248 = arith.constant 64 : i32
      %add3A_249 = arith.addf %scan3A_247#0, %scan3A_247#1 : vector<16xf32>
      %neg3A_250 = arith.constant 0.000000e+00 : f32
      %neg3A_251 = vector.broadcast %neg3A_250 : f32 to vector<16xf32>
      %neg3A_252 = arith.subf %neg3A_251, %add3A_249 : vector<16xf32>
      %exp3A_253 = math.exp %neg3A_252 : vector<16xf32>
      %add3A_254 = arith.constant 1.000000e+00 : f32
      %add3A_255 = vector.broadcast %add3A_254 : f32 to vector<16xf32>
      %add3A_256 = arith.addf %add3A_255, %exp3A_253 : vector<16xf32>
      %div3A_257 = arith.constant 1.000000e+00 : f32
      %div3A_258 = vector.broadcast %div3A_257 : f32 to vector<16xf32>
      %div3A_259 = arith.divf %div3A_258, %add3A_256 : vector<16xf32>
      %mul3A_260 = arith.constant 80 : i32
      %mul3A_261 = arith.muli %add3A_182, %mul3A_260 : i32
      %add3A_262 = arith.constant 16 : i32
      %add3A_263 = arith.addi %mul3A_261, %add3A_262 : i32
      %swap3A_264 = arith.index_cast %add3A_263 : i32 to index
      %swap3A_265 = tpu.vector_load %arg15[%swap3A_264] {strides = array<i32>} : memref<10000xf32, #tpu.memory_space<vmem>>, vector<16xf32>,
      tpu.vector_store %arg15[%swap3A_264], %div3A_259 {strides = array<i32>} : memref<10000xf32, #tpu.memory_space<vmem>>, vector<16xf32>,
      %iota3A_266 = tpu.iota {dimensions = array<i32: 0>} : vector<16xi32>
      %add3A_267 = arith.constant 32 : i32
      %add3A_268 = vector.broadcast %add3A_267 : i32 to vector<16xi32>
      %add3A_269 = arith.addi %iota3A_266, %add3A_268 : vector<16xi32>
      %broadcast_in_dim3A_270 = arith.constant 0.000000e+00 : f32
      %broadcast_in_dim3A_271 = vector.broadcast %broadcast_in_dim3A_270 : f32 to vector<16xf32>
      %broadcast_in_dim3A_272 = arith.constant 0.000000e+00 : f32
      %broadcast_in_dim3A_273 = vector.broadcast %broadcast_in_dim3A_272 : f32 to vector<16xf32>
      %broadcast_in_dim3A_274 = arith.constant 0 : i32
      %broadcast_in_dim3A_275 = vector.broadcast %broadcast_in_dim3A_274 : i32 to vector<16xi32>
      %scan3A_276 = arith.constant 0 : i32
      %scan3A_277 = arith.constant 64 : i32
      %scan3A_278 = arith.addi %scan3A_276, %scan3A_277 : i32
      %scan3A_279 = arith.constant 8 : i32
      %scan3A_280:3 = scf.for %scan3A_552 = %scan3A_276 to %scan3A_278 step %scan3A_279 iter_args(%scan3A_553 = %broadcast_in_dim3A_271, %scan3A_554 = %broadcast_in_dim3A_273, %scan3A_555 = %broadcast_in_dim3A_275) -> (vector<16xf32>, vector<16xf32>, vector<16xi32>)  : i32 {
        %mul3A_556 = arith.constant 1 : i32
        %mul3A_557 = arith.muli %scan3A_552, %mul3A_556 : i32
        %add3A_558 = arith.constant 0 : i32
        %add3A_559 = arith.addi %add3A_558, %mul3A_557 : i32
        %gather3A = tpu.vector_load_idx %arg11[%add3A_269, %scan3A_555] : memref<80x64xi32, #tpu.memory_space<vmem>>[vector<16xi32>, vector<16xi32>], vector<16xi32>,
        %gather3A_560 = tpu.vector_load_idx %arg13[%add3A_269, %scan3A_555] : memref<80x64xi32, #tpu.memory_space<vmem>>[vector<16xi32>, vector<16xi32>], vector<16xi32>,
        %bitcast3A = vector.bitcast %gather3A : vector<16xi32> to vector<32xbf16>
        %bitcast3A_561 = vector.bitcast %gather3A_560 : vector<16xi32> to vector<32xbf16>
        %mul3A_562 = arith.mulf %bitcast3A, %bitcast3A_561 : vector<32xbf16>
        %unpack3A = tpu.unpack_subelements %mul3A_562, 0 {pack_format = #tpu.pack_format<interleaved>} : vector<32xbf16> -> vector<16xf32>
        %unpack3A_563 = tpu.unpack_subelements %mul3A_562, 1 {pack_format = #tpu.pack_format<interleaved>} : vector<32xbf16> -> vector<16xf32>
        %add3A_564 = arith.addf %scan3A_553, %unpack3A : vector<16xf32>
        %add3A_565 = arith.addf %scan3A_554, %unpack3A_563 : vector<16xf32>
        %add3A_566 = arith.constant 1 : i32
        %add3A_567 = vector.broadcast %add3A_566 : i32 to vector<16xi32>
        %add3A_568 = arith.addi %scan3A_555, %add3A_567 : vector<16xi32>
        %scan3A_569 = arith.constant 1 : i32
        %scan3A_570 = arith.addi %scan3A_552, %scan3A_569 : i32
        %mul3A_571 = arith.constant 1 : i32
        %mul3A_572 = arith.muli %scan3A_570, %mul3A_571 : i32
        %add3A_573 = arith.constant 0 : i32
        %add3A_574 = arith.addi %add3A_573, %mul3A_572 : i32
        %gather3A_575 = tpu.vector_load_idx %arg11[%add3A_269, %add3A_568] : memref<80x64xi32, #tpu.memory_space<vmem>>[vector<16xi32>, vector<16xi32>], vector<16xi32>,
        %gather3A_576 = tpu.vector_load_idx %arg13[%add3A_269, %add3A_568] : memref<80x64xi32, #tpu.memory_space<vmem>>[vector<16xi32>, vector<16xi32>], vector<16xi32>,
        %bitcast3A_577 = vector.bitcast %gather3A_575 : vector<16xi32> to vector<32xbf16>
        %bitcast3A_578 = vector.bitcast %gather3A_576 : vector<16xi32> to vector<32xbf16>
        %mul3A_579 = arith.mulf %bitcast3A_577, %bitcast3A_578 : vector<32xbf16>
        %unpack3A_580 = tpu.unpack_subelements %mul3A_579, 0 {pack_format = #tpu.pack_format<interleaved>} : vector<32xbf16> -> vector<16xf32>
        %unpack3A_581 = tpu.unpack_subelements %mul3A_579, 1 {pack_format = #tpu.pack_format<interleaved>} : vector<32xbf16> -> vector<16xf32>
        %add3A_582 = arith.addf %add3A_564, %unpack3A_580 : vector<16xf32>
        %add3A_583 = arith.addf %add3A_565, %unpack3A_581 : vector<16xf32>
        %add3A_584 = arith.constant 1 : i32
        %add3A_585 = vector.broadcast %add3A_584 : i32 to vector<16xi32>
        %add3A_586 = arith.addi %add3A_568, %add3A_585 : vector<16xi32>
        %scan3A_587 = arith.constant 2 : i32
        %scan3A_588 = arith.addi %scan3A_552, %scan3A_587 : i32
        %mul3A_589 = arith.constant 1 : i32
        %mul3A_590 = arith.muli %scan3A_588, %mul3A_589 : i32
        %add3A_591 = arith.constant 0 : i32
        %add3A_592 = arith.addi %add3A_591, %mul3A_590 : i32
        %gather3A_593 = tpu.vector_load_idx %arg11[%add3A_269, %add3A_586] : memref<80x64xi32, #tpu.memory_space<vmem>>[vector<16xi32>, vector<16xi32>], vector<16xi32>,
        %gather3A_594 = tpu.vector_load_idx %arg13[%add3A_269, %add3A_586] : memref<80x64xi32, #tpu.memory_space<vmem>>[vector<16xi32>, vector<16xi32>], vector<16xi32>,
        %bitcast3A_595 = vector.bitcast %gather3A_593 : vector<16xi32> to vector<32xbf16>
        %bitcast3A_596 = vector.bitcast %gather3A_594 : vector<16xi32> to vector<32xbf16>
        %mul3A_597 = arith.mulf %bitcast3A_595, %bitcast3A_596 : vector<32xbf16>
        %unpack3A_598 = tpu.unpack_subelements %mul3A_597, 0 {pack_format = #tpu.pack_format<interleaved>} : vector<32xbf16> -> vector<16xf32>
        %unpack3A_599 = tpu.unpack_subelements %mul3A_597, 1 {pack_format = #tpu.pack_format<interleaved>} : vector<32xbf16> -> vector<16xf32>
        %add3A_600 = arith.addf %add3A_582, %unpack3A_598 : vector<16xf32>
        %add3A_601 = arith.addf %add3A_583, %unpack3A_599 : vector<16xf32>
        %add3A_602 = arith.constant 1 : i32
        %add3A_603 = vector.broadcast %add3A_602 : i32 to vector<16xi32>
        %add3A_604 = arith.addi %add3A_586, %add3A_603 : vector<16xi32>
        %scan3A_605 = arith.constant 3 : i32
        %scan3A_606 = arith.addi %scan3A_552, %scan3A_605 : i32
        %mul3A_607 = arith.constant 1 : i32
        %mul3A_608 = arith.muli %scan3A_606, %mul3A_607 : i32
        %add3A_609 = arith.constant 0 : i32
        %add3A_610 = arith.addi %add3A_609, %mul3A_608 : i32
        %gather3A_611 = tpu.vector_load_idx %arg11[%add3A_269, %add3A_604] : memref<80x64xi32, #tpu.memory_space<vmem>>[vector<16xi32>, vector<16xi32>], vector<16xi32>,
        %gather3A_612 = tpu.vector_load_idx %arg13[%add3A_269, %add3A_604] : memref<80x64xi32, #tpu.memory_space<vmem>>[vector<16xi32>, vector<16xi32>], vector<16xi32>,
        %bitcast3A_613 = vector.bitcast %gather3A_611 : vector<16xi32> to vector<32xbf16>
        %bitcast3A_614 = vector.bitcast %gather3A_612 : vector<16xi32> to vector<32xbf16>
        %mul3A_615 = arith.mulf %bitcast3A_613, %bitcast3A_614 : vector<32xbf16>
        %unpack3A_616 = tpu.unpack_subelements %mul3A_615, 0 {pack_format = #tpu.pack_format<interleaved>} : vector<32xbf16> -> vector<16xf32>
        %unpack3A_617 = tpu.unpack_subelements %mul3A_615, 1 {pack_format = #tpu.pack_format<interleaved>} : vector<32xbf16> -> vector<16xf32>
        %add3A_618 = arith.addf %add3A_600, %unpack3A_616 : vector<16xf32>
        %add3A_619 = arith.addf %add3A_601, %unpack3A_617 : vector<16xf32>
        %add3A_620 = arith.constant 1 : i32
        %add3A_621 = vector.broadcast %add3A_620 : i32 to vector<16xi32>
        %add3A_622 = arith.addi %add3A_604, %add3A_621 : vector<16xi32>
        %scan3A_623 = arith.constant 4 : i32
        %scan3A_624 = arith.addi %scan3A_552, %scan3A_623 : i32
        %mul3A_625 = arith.constant 1 : i32
        %mul3A_626 = arith.muli %scan3A_624, %mul3A_625 : i32
        %add3A_627 = arith.constant 0 : i32
        %add3A_628 = arith.addi %add3A_627, %mul3A_626 : i32
        %gather3A_629 = tpu.vector_load_idx %arg11[%add3A_269, %add3A_622] : memref<80x64xi32, #tpu.memory_space<vmem>>[vector<16xi32>, vector<16xi32>], vector<16xi32>,
        %gather3A_630 = tpu.vector_load_idx %arg13[%add3A_269, %add3A_622] : memref<80x64xi32, #tpu.memory_space<vmem>>[vector<16xi32>, vector<16xi32>], vector<16xi32>,
        %bitcast3A_631 = vector.bitcast %gather3A_629 : vector<16xi32> to vector<32xbf16>
        %bitcast3A_632 = vector.bitcast %gather3A_630 : vector<16xi32> to vector<32xbf16>
        %mul3A_633 = arith.mulf %bitcast3A_631, %bitcast3A_632 : vector<32xbf16>
        %unpack3A_634 = tpu.unpack_subelements %mul3A_633, 0 {pack_format = #tpu.pack_format<interleaved>} : vector<32xbf16> -> vector<16xf32>
        %unpack3A_635 = tpu.unpack_subelements %mul3A_633, 1 {pack_format = #tpu.pack_format<interleaved>} : vector<32xbf16> -> vector<16xf32>
        %add3A_636 = arith.addf %add3A_618, %unpack3A_634 : vector<16xf32>
        %add3A_637 = arith.addf %add3A_619, %unpack3A_635 : vector<16xf32>
        %add3A_638 = arith.constant 1 : i32
        %add3A_639 = vector.broadcast %add3A_638 : i32 to vector<16xi32>
        %add3A_640 = arith.addi %add3A_622, %add3A_639 : vector<16xi32>
        %scan3A_641 = arith.constant 5 : i32
        %scan3A_642 = arith.addi %scan3A_552, %scan3A_641 : i32
        %mul3A_643 = arith.constant 1 : i32
        %mul3A_644 = arith.muli %scan3A_642, %mul3A_643 : i32
        %add3A_645 = arith.constant 0 : i32
        %add3A_646 = arith.addi %add3A_645, %mul3A_644 : i32
        %gather3A_647 = tpu.vector_load_idx %arg11[%add3A_269, %add3A_640] : memref<80x64xi32, #tpu.memory_space<vmem>>[vector<16xi32>, vector<16xi32>], vector<16xi32>,
        %gather3A_648 = tpu.vector_load_idx %arg13[%add3A_269, %add3A_640] : memref<80x64xi32, #tpu.memory_space<vmem>>[vector<16xi32>, vector<16xi32>], vector<16xi32>,
        %bitcast3A_649 = vector.bitcast %gather3A_647 : vector<16xi32> to vector<32xbf16>
        %bitcast3A_650 = vector.bitcast %gather3A_648 : vector<16xi32> to vector<32xbf16>
        %mul3A_651 = arith.mulf %bitcast3A_649, %bitcast3A_650 : vector<32xbf16>
        %unpack3A_652 = tpu.unpack_subelements %mul3A_651, 0 {pack_format = #tpu.pack_format<interleaved>} : vector<32xbf16> -> vector<16xf32>
        %unpack3A_653 = tpu.unpack_subelements %mul3A_651, 1 {pack_format = #tpu.pack_format<interleaved>} : vector<32xbf16> -> vector<16xf32>
        %add3A_654 = arith.addf %add3A_636, %unpack3A_652 : vector<16xf32>
        %add3A_655 = arith.addf %add3A_637, %unpack3A_653 : vector<16xf32>
        %add3A_656 = arith.constant 1 : i32
        %add3A_657 = vector.broadcast %add3A_656 : i32 to vector<16xi32>
        %add3A_658 = arith.addi %add3A_640, %add3A_657 : vector<16xi32>
        %scan3A_659 = arith.constant 6 : i32
        %scan3A_660 = arith.addi %scan3A_552, %scan3A_659 : i32
        %mul3A_661 = arith.constant 1 : i32
        %mul3A_662 = arith.muli %scan3A_660, %mul3A_661 : i32
        %add3A_663 = arith.constant 0 : i32
        %add3A_664 = arith.addi %add3A_663, %mul3A_662 : i32
        %gather3A_665 = tpu.vector_load_idx %arg11[%add3A_269, %add3A_658] : memref<80x64xi32, #tpu.memory_space<vmem>>[vector<16xi32>, vector<16xi32>], vector<16xi32>,
        %gather3A_666 = tpu.vector_load_idx %arg13[%add3A_269, %add3A_658] : memref<80x64xi32, #tpu.memory_space<vmem>>[vector<16xi32>, vector<16xi32>], vector<16xi32>,
        %bitcast3A_667 = vector.bitcast %gather3A_665 : vector<16xi32> to vector<32xbf16>
        %bitcast3A_668 = vector.bitcast %gather3A_666 : vector<16xi32> to vector<32xbf16>
        %mul3A_669 = arith.mulf %bitcast3A_667, %bitcast3A_668 : vector<32xbf16>
        %unpack3A_670 = tpu.unpack_subelements %mul3A_669, 0 {pack_format = #tpu.pack_format<interleaved>} : vector<32xbf16> -> vector<16xf32>
        %unpack3A_671 = tpu.unpack_subelements %mul3A_669, 1 {pack_format = #tpu.pack_format<interleaved>} : vector<32xbf16> -> vector<16xf32>
        %add3A_672 = arith.addf %add3A_654, %unpack3A_670 : vector<16xf32>
        %add3A_673 = arith.addf %add3A_655, %unpack3A_671 : vector<16xf32>
        %add3A_674 = arith.constant 1 : i32
        %add3A_675 = vector.broadcast %add3A_674 : i32 to vector<16xi32>
        %add3A_676 = arith.addi %add3A_658, %add3A_675 : vector<16xi32>
        %scan3A_677 = arith.constant 7 : i32
        %scan3A_678 = arith.addi %scan3A_552, %scan3A_677 : i32
        %mul3A_679 = arith.constant 1 : i32
        %mul3A_680 = arith.muli %scan3A_678, %mul3A_679 : i32
        %add3A_681 = arith.constant 0 : i32
        %add3A_682 = arith.addi %add3A_681, %mul3A_680 : i32
        %gather3A_683 = tpu.vector_load_idx %arg11[%add3A_269, %add3A_676] : memref<80x64xi32, #tpu.memory_space<vmem>>[vector<16xi32>, vector<16xi32>], vector<16xi32>,
        %gather3A_684 = tpu.vector_load_idx %arg13[%add3A_269, %add3A_676] : memref<80x64xi32, #tpu.memory_space<vmem>>[vector<16xi32>, vector<16xi32>], vector<16xi32>,
        %bitcast3A_685 = vector.bitcast %gather3A_683 : vector<16xi32> to vector<32xbf16>
        %bitcast3A_686 = vector.bitcast %gather3A_684 : vector<16xi32> to vector<32xbf16>
        %mul3A_687 = arith.mulf %bitcast3A_685, %bitcast3A_686 : vector<32xbf16>
        %unpack3A_688 = tpu.unpack_subelements %mul3A_687, 0 {pack_format = #tpu.pack_format<interleaved>} : vector<32xbf16> -> vector<16xf32>
        %unpack3A_689 = tpu.unpack_subelements %mul3A_687, 1 {pack_format = #tpu.pack_format<interleaved>} : vector<32xbf16> -> vector<16xf32>
        %add3A_690 = arith.addf %add3A_672, %unpack3A_688 : vector<16xf32>
        %add3A_691 = arith.addf %add3A_673, %unpack3A_689 : vector<16xf32>
        %add3A_692 = arith.constant 1 : i32
        %add3A_693 = vector.broadcast %add3A_692 : i32 to vector<16xi32>
        %add3A_694 = arith.addi %add3A_676, %add3A_693 : vector<16xi32>
        scf.yield %add3A_690, %add3A_691, %add3A_694 : vector<16xf32>, vector<16xf32>, vector<16xi32>
      }
      %scan3A_281 = arith.constant 64 : i32
      %add3A_282 = arith.addf %scan3A_280#0, %scan3A_280#1 : vector<16xf32>
      %neg3A_283 = arith.constant 0.000000e+00 : f32
      %neg3A_284 = vector.broadcast %neg3A_283 : f32 to vector<16xf32>
      %neg3A_285 = arith.subf %neg3A_284, %add3A_282 : vector<16xf32>
      %exp3A_286 = math.exp %neg3A_285 : vector<16xf32>
      %add3A_287 = arith.constant 1.000000e+00 : f32
      %add3A_288 = vector.broadcast %add3A_287 : f32 to vector<16xf32>
      %add3A_289 = arith.addf %add3A_288, %exp3A_286 : vector<16xf32>
      %div3A_290 = arith.constant 1.000000e+00 : f32
      %div3A_291 = vector.broadcast %div3A_290 : f32 to vector<16xf32>
      %div3A_292 = arith.divf %div3A_291, %add3A_289 : vector<16xf32>
      %mul3A_293 = arith.constant 80 : i32
      %mul3A_294 = arith.muli %add3A_182, %mul3A_293 : i32
      %add3A_295 = arith.constant 32 : i32
      %add3A_296 = arith.addi %mul3A_294, %add3A_295 : i32
      %swap3A_297 = arith.index_cast %add3A_296 : i32 to index
      %swap3A_298 = tpu.vector_load %arg15[%swap3A_297] {strides = array<i32>} : memref<10000xf32, #tpu.memory_space<vmem>>, vector<16xf32>,
      tpu.vector_store %arg15[%swap3A_297], %div3A_292 {strides = array<i32>} : memref<10000xf32, #tpu.memory_space<vmem>>, vector<16xf32>,
      %iota3A_299 = tpu.iota {dimensions = array<i32: 0>} : vector<16xi32>
      %add3A_300 = arith.constant 48 : i32
      %add3A_301 = vector.broadcast %add3A_300 : i32 to vector<16xi32>
      %add3A_302 = arith.addi %iota3A_299, %add3A_301 : vector<16xi32>
      %broadcast_in_dim3A_303 = arith.constant 0.000000e+00 : f32
      %broadcast_in_dim3A_304 = vector.broadcast %broadcast_in_dim3A_303 : f32 to vector<16xf32>
      %broadcast_in_dim3A_305 = arith.constant 0.000000e+00 : f32
      %broadcast_in_dim3A_306 = vector.broadcast %broadcast_in_dim3A_305 : f32 to vector<16xf32>
      %broadcast_in_dim3A_307 = arith.constant 0 : i32
      %broadcast_in_dim3A_308 = vector.broadcast %broadcast_in_dim3A_307 : i32 to vector<16xi32>
      %scan3A_309 = arith.constant 0 : i32
      %scan3A_310 = arith.constant 64 : i32
      %scan3A_311 = arith.addi %scan3A_309, %scan3A_310 : i32
      %scan3A_312 = arith.constant 8 : i32
      %scan3A_313:3 = scf.for %scan3A_552 = %scan3A_309 to %scan3A_311 step %scan3A_312 iter_args(%scan3A_553 = %broadcast_in_dim3A_304, %scan3A_554 = %broadcast_in_dim3A_306, %scan3A_555 = %broadcast_in_dim3A_308) -> (vector<16xf32>, vector<16xf32>, vector<16xi32>)  : i32 {
        %mul3A_556 = arith.constant 1 : i32
        %mul3A_557 = arith.muli %scan3A_552, %mul3A_556 : i32
        %add3A_558 = arith.constant 0 : i32
        %add3A_559 = arith.addi %add3A_558, %mul3A_557 : i32
        %gather3A = tpu.vector_load_idx %arg11[%add3A_302, %scan3A_555] : memref<80x64xi32, #tpu.memory_space<vmem>>[vector<16xi32>, vector<16xi32>], vector<16xi32>,
        %gather3A_560 = tpu.vector_load_idx %arg13[%add3A_302, %scan3A_555] : memref<80x64xi32, #tpu.memory_space<vmem>>[vector<16xi32>, vector<16xi32>], vector<16xi32>,
        %bitcast3A = vector.bitcast %gather3A : vector<16xi32> to vector<32xbf16>
        %bitcast3A_561 = vector.bitcast %gather3A_560 : vector<16xi32> to vector<32xbf16>
        %mul3A_562 = arith.mulf %bitcast3A, %bitcast3A_561 : vector<32xbf16>
        %unpack3A = tpu.unpack_subelements %mul3A_562, 0 {pack_format = #tpu.pack_format<interleaved>} : vector<32xbf16> -> vector<16xf32>
        %unpack3A_563 = tpu.unpack_subelements %mul3A_562, 1 {pack_format = #tpu.pack_format<interleaved>} : vector<32xbf16> -> vector<16xf32>
        %add3A_564 = arith.addf %scan3A_553, %unpack3A : vector<16xf32>
        %add3A_565 = arith.addf %scan3A_554, %unpack3A_563 : vector<16xf32>
        %add3A_566 = arith.constant 1 : i32
        %add3A_567 = vector.broadcast %add3A_566 : i32 to vector<16xi32>
        %add3A_568 = arith.addi %scan3A_555, %add3A_567 : vector<16xi32>
        %scan3A_569 = arith.constant 1 : i32
        %scan3A_570 = arith.addi %scan3A_552, %scan3A_569 : i32
        %mul3A_571 = arith.constant 1 : i32
        %mul3A_572 = arith.muli %scan3A_570, %mul3A_571 : i32
        %add3A_573 = arith.constant 0 : i32
        %add3A_574 = arith.addi %add3A_573, %mul3A_572 : i32
        %gather3A_575 = tpu.vector_load_idx %arg11[%add3A_302, %add3A_568] : memref<80x64xi32, #tpu.memory_space<vmem>>[vector<16xi32>, vector<16xi32>], vector<16xi32>,
        %gather3A_576 = tpu.vector_load_idx %arg13[%add3A_302, %add3A_568] : memref<80x64xi32, #tpu.memory_space<vmem>>[vector<16xi32>, vector<16xi32>], vector<16xi32>,
        %bitcast3A_577 = vector.bitcast %gather3A_575 : vector<16xi32> to vector<32xbf16>
        %bitcast3A_578 = vector.bitcast %gather3A_576 : vector<16xi32> to vector<32xbf16>
        %mul3A_579 = arith.mulf %bitcast3A_577, %bitcast3A_578 : vector<32xbf16>
        %unpack3A_580 = tpu.unpack_subelements %mul3A_579, 0 {pack_format = #tpu.pack_format<interleaved>} : vector<32xbf16> -> vector<16xf32>
        %unpack3A_581 = tpu.unpack_subelements %mul3A_579, 1 {pack_format = #tpu.pack_format<interleaved>} : vector<32xbf16> -> vector<16xf32>
        %add3A_582 = arith.addf %add3A_564, %unpack3A_580 : vector<16xf32>
        %add3A_583 = arith.addf %add3A_565, %unpack3A_581 : vector<16xf32>
        %add3A_584 = arith.constant 1 : i32
        %add3A_585 = vector.broadcast %add3A_584 : i32 to vector<16xi32>
        %add3A_586 = arith.addi %add3A_568, %add3A_585 : vector<16xi32>
        %scan3A_587 = arith.constant 2 : i32
        %scan3A_588 = arith.addi %scan3A_552, %scan3A_587 : i32
        %mul3A_589 = arith.constant 1 : i32
        %mul3A_590 = arith.muli %scan3A_588, %mul3A_589 : i32
        %add3A_591 = arith.constant 0 : i32
        %add3A_592 = arith.addi %add3A_591, %mul3A_590 : i32
        %gather3A_593 = tpu.vector_load_idx %arg11[%add3A_302, %add3A_586] : memref<80x64xi32, #tpu.memory_space<vmem>>[vector<16xi32>, vector<16xi32>], vector<16xi32>,
        %gather3A_594 = tpu.vector_load_idx %arg13[%add3A_302, %add3A_586] : memref<80x64xi32, #tpu.memory_space<vmem>>[vector<16xi32>, vector<16xi32>], vector<16xi32>,
        %bitcast3A_595 = vector.bitcast %gather3A_593 : vector<16xi32> to vector<32xbf16>
        %bitcast3A_596 = vector.bitcast %gather3A_594 : vector<16xi32> to vector<32xbf16>
        %mul3A_597 = arith.mulf %bitcast3A_595, %bitcast3A_596 : vector<32xbf16>
        %unpack3A_598 = tpu.unpack_subelements %mul3A_597, 0 {pack_format = #tpu.pack_format<interleaved>} : vector<32xbf16> -> vector<16xf32>
        %unpack3A_599 = tpu.unpack_subelements %mul3A_597, 1 {pack_format = #tpu.pack_format<interleaved>} : vector<32xbf16> -> vector<16xf32>
        %add3A_600 = arith.addf %add3A_582, %unpack3A_598 : vector<16xf32>
        %add3A_601 = arith.addf %add3A_583, %unpack3A_599 : vector<16xf32>
        %add3A_602 = arith.constant 1 : i32
        %add3A_603 = vector.broadcast %add3A_602 : i32 to vector<16xi32>
        %add3A_604 = arith.addi %add3A_586, %add3A_603 : vector<16xi32>
        %scan3A_605 = arith.constant 3 : i32
        %scan3A_606 = arith.addi %scan3A_552, %scan3A_605 : i32
        %mul3A_607 = arith.constant 1 : i32
        %mul3A_608 = arith.muli %scan3A_606, %mul3A_607 : i32
        %add3A_609 = arith.constant 0 : i32
        %add3A_610 = arith.addi %add3A_609, %mul3A_608 : i32
        %gather3A_611 = tpu.vector_load_idx %arg11[%add3A_302, %add3A_604] : memref<80x64xi32, #tpu.memory_space<vmem>>[vector<16xi32>, vector<16xi32>], vector<16xi32>,
        %gather3A_612 = tpu.vector_load_idx %arg13[%add3A_302, %add3A_604] : memref<80x64xi32, #tpu.memory_space<vmem>>[vector<16xi32>, vector<16xi32>], vector<16xi32>,
        %bitcast3A_613 = vector.bitcast %gather3A_611 : vector<16xi32> to vector<32xbf16>
        %bitcast3A_614 = vector.bitcast %gather3A_612 : vector<16xi32> to vector<32xbf16>
        %mul3A_615 = arith.mulf %bitcast3A_613, %bitcast3A_614 : vector<32xbf16>
        %unpack3A_616 = tpu.unpack_subelements %mul3A_615, 0 {pack_format = #tpu.pack_format<interleaved>} : vector<32xbf16> -> vector<16xf32>
        %unpack3A_617 = tpu.unpack_subelements %mul3A_615, 1 {pack_format = #tpu.pack_format<interleaved>} : vector<32xbf16> -> vector<16xf32>
        %add3A_618 = arith.addf %add3A_600, %unpack3A_616 : vector<16xf32>
        %add3A_619 = arith.addf %add3A_601, %unpack3A_617 : vector<16xf32>
        %add3A_620 = arith.constant 1 : i32
        %add3A_621 = vector.broadcast %add3A_620 : i32 to vector<16xi32>
        %add3A_622 = arith.addi %add3A_604, %add3A_621 : vector<16xi32>
        %scan3A_623 = arith.constant 4 : i32
        %scan3A_624 = arith.addi %scan3A_552, %scan3A_623 : i32
        %mul3A_625 = arith.constant 1 : i32
        %mul3A_626 = arith.muli %scan3A_624, %mul3A_625 : i32
        %add3A_627 = arith.constant 0 : i32
        %add3A_628 = arith.addi %add3A_627, %mul3A_626 : i32
        %gather3A_629 = tpu.vector_load_idx %arg11[%add3A_302, %add3A_622] : memref<80x64xi32, #tpu.memory_space<vmem>>[vector<16xi32>, vector<16xi32>], vector<16xi32>,
        %gather3A_630 = tpu.vector_load_idx %arg13[%add3A_302, %add3A_622] : memref<80x64xi32, #tpu.memory_space<vmem>>[vector<16xi32>, vector<16xi32>], vector<16xi32>,
        %bitcast3A_631 = vector.bitcast %gather3A_629 : vector<16xi32> to vector<32xbf16>
        %bitcast3A_632 = vector.bitcast %gather3A_630 : vector<16xi32> to vector<32xbf16>
        %mul3A_633 = arith.mulf %bitcast3A_631, %bitcast3A_632 : vector<32xbf16>
        %unpack3A_634 = tpu.unpack_subelements %mul3A_633, 0 {pack_format = #tpu.pack_format<interleaved>} : vector<32xbf16> -> vector<16xf32>
        %unpack3A_635 = tpu.unpack_subelements %mul3A_633, 1 {pack_format = #tpu.pack_format<interleaved>} : vector<32xbf16> -> vector<16xf32>
        %add3A_636 = arith.addf %add3A_618, %unpack3A_634 : vector<16xf32>
        %add3A_637 = arith.addf %add3A_619, %unpack3A_635 : vector<16xf32>
        %add3A_638 = arith.constant 1 : i32
        %add3A_639 = vector.broadcast %add3A_638 : i32 to vector<16xi32>
        %add3A_640 = arith.addi %add3A_622, %add3A_639 : vector<16xi32>
        %scan3A_641 = arith.constant 5 : i32
        %scan3A_642 = arith.addi %scan3A_552, %scan3A_641 : i32
        %mul3A_643 = arith.constant 1 : i32
        %mul3A_644 = arith.muli %scan3A_642, %mul3A_643 : i32
        %add3A_645 = arith.constant 0 : i32
        %add3A_646 = arith.addi %add3A_645, %mul3A_644 : i32
        %gather3A_647 = tpu.vector_load_idx %arg11[%add3A_302, %add3A_640] : memref<80x64xi32, #tpu.memory_space<vmem>>[vector<16xi32>, vector<16xi32>], vector<16xi32>,
        %gather3A_648 = tpu.vector_load_idx %arg13[%add3A_302, %add3A_640] : memref<80x64xi32, #tpu.memory_space<vmem>>[vector<16xi32>, vector<16xi32>], vector<16xi32>,
        %bitcast3A_649 = vector.bitcast %gather3A_647 : vector<16xi32> to vector<32xbf16>
        %bitcast3A_650 = vector.bitcast %gather3A_648 : vector<16xi32> to vector<32xbf16>
        %mul3A_651 = arith.mulf %bitcast3A_649, %bitcast3A_650 : vector<32xbf16>
        %unpack3A_652 = tpu.unpack_subelements %mul3A_651, 0 {pack_format = #tpu.pack_format<interleaved>} : vector<32xbf16> -> vector<16xf32>
        %unpack3A_653 = tpu.unpack_subelements %mul3A_651, 1 {pack_format = #tpu.pack_format<interleaved>} : vector<32xbf16> -> vector<16xf32>
        %add3A_654 = arith.addf %add3A_636, %unpack3A_652 : vector<16xf32>
        %add3A_655 = arith.addf %add3A_637, %unpack3A_653 : vector<16xf32>
        %add3A_656 = arith.constant 1 : i32
        %add3A_657 = vector.broadcast %add3A_656 : i32 to vector<16xi32>
        %add3A_658 = arith.addi %add3A_640, %add3A_657 : vector<16xi32>
        %scan3A_659 = arith.constant 6 : i32
        %scan3A_660 = arith.addi %scan3A_552, %scan3A_659 : i32
        %mul3A_661 = arith.constant 1 : i32
        %mul3A_662 = arith.muli %scan3A_660, %mul3A_661 : i32
        %add3A_663 = arith.constant 0 : i32
        %add3A_664 = arith.addi %add3A_663, %mul3A_662 : i32
        %gather3A_665 = tpu.vector_load_idx %arg11[%add3A_302, %add3A_658] : memref<80x64xi32, #tpu.memory_space<vmem>>[vector<16xi32>, vector<16xi32>], vector<16xi32>,
        %gather3A_666 = tpu.vector_load_idx %arg13[%add3A_302, %add3A_658] : memref<80x64xi32, #tpu.memory_space<vmem>>[vector<16xi32>, vector<16xi32>], vector<16xi32>,
        %bitcast3A_667 = vector.bitcast %gather3A_665 : vector<16xi32> to vector<32xbf16>
        %bitcast3A_668 = vector.bitcast %gather3A_666 : vector<16xi32> to vector<32xbf16>
        %mul3A_669 = arith.mulf %bitcast3A_667, %bitcast3A_668 : vector<32xbf16>
        %unpack3A_670 = tpu.unpack_subelements %mul3A_669, 0 {pack_format = #tpu.pack_format<interleaved>} : vector<32xbf16> -> vector<16xf32>
        %unpack3A_671 = tpu.unpack_subelements %mul3A_669, 1 {pack_format = #tpu.pack_format<interleaved>} : vector<32xbf16> -> vector<16xf32>
        %add3A_672 = arith.addf %add3A_654, %unpack3A_670 : vector<16xf32>
        %add3A_673 = arith.addf %add3A_655, %unpack3A_671 : vector<16xf32>
        %add3A_674 = arith.constant 1 : i32
        %add3A_675 = vector.broadcast %add3A_674 : i32 to vector<16xi32>
        %add3A_676 = arith.addi %add3A_658, %add3A_675 : vector<16xi32>
        %scan3A_677 = arith.constant 7 : i32
        %scan3A_678 = arith.addi %scan3A_552, %scan3A_677 : i32
        %mul3A_679 = arith.constant 1 : i32
        %mul3A_680 = arith.muli %scan3A_678, %mul3A_679 : i32
        %add3A_681 = arith.constant 0 : i32
        %add3A_682 = arith.addi %add3A_681, %mul3A_680 : i32
        %gather3A_683 = tpu.vector_load_idx %arg11[%add3A_302, %add3A_676] : memref<80x64xi32, #tpu.memory_space<vmem>>[vector<16xi32>, vector<16xi32>], vector<16xi32>,
        %gather3A_684 = tpu.vector_load_idx %arg13[%add3A_302, %add3A_676] : memref<80x64xi32, #tpu.memory_space<vmem>>[vector<16xi32>, vector<16xi32>], vector<16xi32>,
        %bitcast3A_685 = vector.bitcast %gather3A_683 : vector<16xi32> to vector<32xbf16>
        %bitcast3A_686 = vector.bitcast %gather3A_684 : vector<16xi32> to vector<32xbf16>
        %mul3A_687 = arith.mulf %bitcast3A_685, %bitcast3A_686 : vector<32xbf16>
        %unpack3A_688 = tpu.unpack_subelements %mul3A_687, 0 {pack_format = #tpu.pack_format<interleaved>} : vector<32xbf16> -> vector<16xf32>
        %unpack3A_689 = tpu.unpack_subelements %mul3A_687, 1 {pack_format = #tpu.pack_format<interleaved>} : vector<32xbf16> -> vector<16xf32>
        %add3A_690 = arith.addf %add3A_672, %unpack3A_688 : vector<16xf32>
        %add3A_691 = arith.addf %add3A_673, %unpack3A_689 : vector<16xf32>
        %add3A_692 = arith.constant 1 : i32
        %add3A_693 = vector.broadcast %add3A_692 : i32 to vector<16xi32>
        %add3A_694 = arith.addi %add3A_676, %add3A_693 : vector<16xi32>
        scf.yield %add3A_690, %add3A_691, %add3A_694 : vector<16xf32>, vector<16xf32>, vector<16xi32>
      }
      %scan3A_314 = arith.constant 64 : i32
      %add3A_315 = arith.addf %scan3A_313#0, %scan3A_313#1 : vector<16xf32>
      %neg3A_316 = arith.constant 0.000000e+00 : f32
      %neg3A_317 = vector.broadcast %neg3A_316 : f32 to vector<16xf32>
      %neg3A_318 = arith.subf %neg3A_317, %add3A_315 : vector<16xf32>
      %exp3A_319 = math.exp %neg3A_318 : vector<16xf32>
      %add3A_320 = arith.constant 1.000000e+00 : f32
      %add3A_321 = vector.broadcast %add3A_320 : f32 to vector<16xf32>
      %add3A_322 = arith.addf %add3A_321, %exp3A_319 : vector<16xf32>
      %div3A_323 = arith.constant 1.000000e+00 : f32
      %div3A_324 = vector.broadcast %div3A_323 : f32 to vector<16xf32>
      %div3A_325 = arith.divf %div3A_324, %add3A_322 : vector<16xf32>
      %mul3A_326 = arith.constant 80 : i32
      %mul3A_327 = arith.muli %add3A_182, %mul3A_326 : i32
      %add3A_328 = arith.constant 48 : i32
      %add3A_329 = arith.addi %mul3A_327, %add3A_328 : i32
      %swap3A_330 = arith.index_cast %add3A_329 : i32 to index
      %swap3A_331 = tpu.vector_load %arg15[%swap3A_330] {strides = array<i32>} : memref<10000xf32, #tpu.memory_space<vmem>>, vector<16xf32>,
      tpu.vector_store %arg15[%swap3A_330], %div3A_325 {strides = array<i32>} : memref<10000xf32, #tpu.memory_space<vmem>>, vector<16xf32>,
      %iota3A_332 = tpu.iota {dimensions = array<i32: 0>} : vector<16xi32>
      %add3A_333 = arith.constant 64 : i32
      %add3A_334 = vector.broadcast %add3A_333 : i32 to vector<16xi32>
      %add3A_335 = arith.addi %iota3A_332, %add3A_334 : vector<16xi32>
      %broadcast_in_dim3A_336 = arith.constant 0.000000e+00 : f32
      %broadcast_in_dim3A_337 = vector.broadcast %broadcast_in_dim3A_336 : f32 to vector<16xf32>
      %broadcast_in_dim3A_338 = arith.constant 0.000000e+00 : f32
      %broadcast_in_dim3A_339 = vector.broadcast %broadcast_in_dim3A_338 : f32 to vector<16xf32>
      %broadcast_in_dim3A_340 = arith.constant 0 : i32
      %broadcast_in_dim3A_341 = vector.broadcast %broadcast_in_dim3A_340 : i32 to vector<16xi32>
      %scan3A_342 = arith.constant 0 : i32
      %scan3A_343 = arith.constant 64 : i32
      %scan3A_344 = arith.addi %scan3A_342, %scan3A_343 : i32
      %scan3A_345 = arith.constant 8 : i32
      %scan3A_346:3 = scf.for %scan3A_552 = %scan3A_342 to %scan3A_344 step %scan3A_345 iter_args(%scan3A_553 = %broadcast_in_dim3A_337, %scan3A_554 = %broadcast_in_dim3A_339, %scan3A_555 = %broadcast_in_dim3A_341) -> (vector<16xf32>, vector<16xf32>, vector<16xi32>)  : i32 {
        %mul3A_556 = arith.constant 1 : i32
        %mul3A_557 = arith.muli %scan3A_552, %mul3A_556 : i32
        %add3A_558 = arith.constant 0 : i32
        %add3A_559 = arith.addi %add3A_558, %mul3A_557 : i32
        %gather3A = tpu.vector_load_idx %arg11[%add3A_335, %scan3A_555] : memref<80x64xi32, #tpu.memory_space<vmem>>[vector<16xi32>, vector<16xi32>], vector<16xi32>,
        %gather3A_560 = tpu.vector_load_idx %arg13[%add3A_335, %scan3A_555] : memref<80x64xi32, #tpu.memory_space<vmem>>[vector<16xi32>, vector<16xi32>], vector<16xi32>,
        %bitcast3A = vector.bitcast %gather3A : vector<16xi32> to vector<32xbf16>
        %bitcast3A_561 = vector.bitcast %gather3A_560 : vector<16xi32> to vector<32xbf16>
        %mul3A_562 = arith.mulf %bitcast3A, %bitcast3A_561 : vector<32xbf16>
        %unpack3A = tpu.unpack_subelements %mul3A_562, 0 {pack_format = #tpu.pack_format<interleaved>} : vector<32xbf16> -> vector<16xf32>
        %unpack3A_563 = tpu.unpack_subelements %mul3A_562, 1 {pack_format = #tpu.pack_format<interleaved>} : vector<32xbf16> -> vector<16xf32>
        %add3A_564 = arith.addf %scan3A_553, %unpack3A : vector<16xf32>
        %add3A_565 = arith.addf %scan3A_554, %unpack3A_563 : vector<16xf32>
        %add3A_566 = arith.constant 1 : i32
        %add3A_567 = vector.broadcast %add3A_566 : i32 to vector<16xi32>
        %add3A_568 = arith.addi %scan3A_555, %add3A_567 : vector<16xi32>
        %scan3A_569 = arith.constant 1 : i32
        %scan3A_570 = arith.addi %scan3A_552, %scan3A_569 : i32
        %mul3A_571 = arith.constant 1 : i32
        %mul3A_572 = arith.muli %scan3A_570, %mul3A_571 : i32
        %add3A_573 = arith.constant 0 : i32
        %add3A_574 = arith.addi %add3A_573, %mul3A_572 : i32
        %gather3A_575 = tpu.vector_load_idx %arg11[%add3A_335, %add3A_568] : memref<80x64xi32, #tpu.memory_space<vmem>>[vector<16xi32>, vector<16xi32>], vector<16xi32>,
        %gather3A_576 = tpu.vector_load_idx %arg13[%add3A_335, %add3A_568] : memref<80x64xi32, #tpu.memory_space<vmem>>[vector<16xi32>, vector<16xi32>], vector<16xi32>,
        %bitcast3A_577 = vector.bitcast %gather3A_575 : vector<16xi32> to vector<32xbf16>
        %bitcast3A_578 = vector.bitcast %gather3A_576 : vector<16xi32> to vector<32xbf16>
        %mul3A_579 = arith.mulf %bitcast3A_577, %bitcast3A_578 : vector<32xbf16>
        %unpack3A_580 = tpu.unpack_subelements %mul3A_579, 0 {pack_format = #tpu.pack_format<interleaved>} : vector<32xbf16> -> vector<16xf32>
        %unpack3A_581 = tpu.unpack_subelements %mul3A_579, 1 {pack_format = #tpu.pack_format<interleaved>} : vector<32xbf16> -> vector<16xf32>
        %add3A_582 = arith.addf %add3A_564, %unpack3A_580 : vector<16xf32>
        %add3A_583 = arith.addf %add3A_565, %unpack3A_581 : vector<16xf32>
        %add3A_584 = arith.constant 1 : i32
        %add3A_585 = vector.broadcast %add3A_584 : i32 to vector<16xi32>
        %add3A_586 = arith.addi %add3A_568, %add3A_585 : vector<16xi32>
        %scan3A_587 = arith.constant 2 : i32
        %scan3A_588 = arith.addi %scan3A_552, %scan3A_587 : i32
        %mul3A_589 = arith.constant 1 : i32
        %mul3A_590 = arith.muli %scan3A_588, %mul3A_589 : i32
        %add3A_591 = arith.constant 0 : i32
        %add3A_592 = arith.addi %add3A_591, %mul3A_590 : i32
        %gather3A_593 = tpu.vector_load_idx %arg11[%add3A_335, %add3A_586] : memref<80x64xi32, #tpu.memory_space<vmem>>[vector<16xi32>, vector<16xi32>], vector<16xi32>,
        %gather3A_594 = tpu.vector_load_idx %arg13[%add3A_335, %add3A_586] : memref<80x64xi32, #tpu.memory_space<vmem>>[vector<16xi32>, vector<16xi32>], vector<16xi32>,
        %bitcast3A_595 = vector.bitcast %gather3A_593 : vector<16xi32> to vector<32xbf16>
        %bitcast3A_596 = vector.bitcast %gather3A_594 : vector<16xi32> to vector<32xbf16>
        %mul3A_597 = arith.mulf %bitcast3A_595, %bitcast3A_596 : vector<32xbf16>
        %unpack3A_598 = tpu.unpack_subelements %mul3A_597, 0 {pack_format = #tpu.pack_format<interleaved>} : vector<32xbf16> -> vector<16xf32>
        %unpack3A_599 = tpu.unpack_subelements %mul3A_597, 1 {pack_format = #tpu.pack_format<interleaved>} : vector<32xbf16> -> vector<16xf32>
        %add3A_600 = arith.addf %add3A_582, %unpack3A_598 : vector<16xf32>
        %add3A_601 = arith.addf %add3A_583, %unpack3A_599 : vector<16xf32>
        %add3A_602 = arith.constant 1 : i32
        %add3A_603 = vector.broadcast %add3A_602 : i32 to vector<16xi32>
        %add3A_604 = arith.addi %add3A_586, %add3A_603 : vector<16xi32>
        %scan3A_605 = arith.constant 3 : i32
        %scan3A_606 = arith.addi %scan3A_552, %scan3A_605 : i32
        %mul3A_607 = arith.constant 1 : i32
        %mul3A_608 = arith.muli %scan3A_606, %mul3A_607 : i32
        %add3A_609 = arith.constant 0 : i32
        %add3A_610 = arith.addi %add3A_609, %mul3A_608 : i32
        %gather3A_611 = tpu.vector_load_idx %arg11[%add3A_335, %add3A_604] : memref<80x64xi32, #tpu.memory_space<vmem>>[vector<16xi32>, vector<16xi32>], vector<16xi32>,
        %gather3A_612 = tpu.vector_load_idx %arg13[%add3A_335, %add3A_604] : memref<80x64xi32, #tpu.memory_space<vmem>>[vector<16xi32>, vector<16xi32>], vector<16xi32>,
        %bitcast3A_613 = vector.bitcast %gather3A_611 : vector<16xi32> to vector<32xbf16>
        %bitcast3A_614 = vector.bitcast %gather3A_612 : vector<16xi32> to vector<32xbf16>
        %mul3A_615 = arith.mulf %bitcast3A_613, %bitcast3A_614 : vector<32xbf16>
        %unpack3A_616 = tpu.unpack_subelements %mul3A_615, 0 {pack_format = #tpu.pack_format<interleaved>} : vector<32xbf16> -> vector<16xf32>
        %unpack3A_617 = tpu.unpack_subelements %mul3A_615, 1 {pack_format = #tpu.pack_format<interleaved>} : vector<32xbf16> -> vector<16xf32>
        %add3A_618 = arith.addf %add3A_600, %unpack3A_616 : vector<16xf32>
        %add3A_619 = arith.addf %add3A_601, %unpack3A_617 : vector<16xf32>
        %add3A_620 = arith.constant 1 : i32
        %add3A_621 = vector.broadcast %add3A_620 : i32 to vector<16xi32>
        %add3A_622 = arith.addi %add3A_604, %add3A_621 : vector<16xi32>
        %scan3A_623 = arith.constant 4 : i32
        %scan3A_624 = arith.addi %scan3A_552, %scan3A_623 : i32
        %mul3A_625 = arith.constant 1 : i32
        %mul3A_626 = arith.muli %scan3A_624, %mul3A_625 : i32
        %add3A_627 = arith.constant 0 : i32
        %add3A_628 = arith.addi %add3A_627, %mul3A_626 : i32
        %gather3A_629 = tpu.vector_load_idx %arg11[%add3A_335, %add3A_622] : memref<80x64xi32, #tpu.memory_space<vmem>>[vector<16xi32>, vector<16xi32>], vector<16xi32>,
        %gather3A_630 = tpu.vector_load_idx %arg13[%add3A_335, %add3A_622] : memref<80x64xi32, #tpu.memory_space<vmem>>[vector<16xi32>, vector<16xi32>], vector<16xi32>,
        %bitcast3A_631 = vector.bitcast %gather3A_629 : vector<16xi32> to vector<32xbf16>
        %bitcast3A_632 = vector.bitcast %gather3A_630 : vector<16xi32> to vector<32xbf16>
        %mul3A_633 = arith.mulf %bitcast3A_631, %bitcast3A_632 : vector<32xbf16>
        %unpack3A_634 = tpu.unpack_subelements %mul3A_633, 0 {pack_format = #tpu.pack_format<interleaved>} : vector<32xbf16> -> vector<16xf32>
        %unpack3A_635 = tpu.unpack_subelements %mul3A_633, 1 {pack_format = #tpu.pack_format<interleaved>} : vector<32xbf16> -> vector<16xf32>
        %add3A_636 = arith.addf %add3A_618, %unpack3A_634 : vector<16xf32>
        %add3A_637 = arith.addf %add3A_619, %unpack3A_635 : vector<16xf32>
        %add3A_638 = arith.constant 1 : i32
        %add3A_639 = vector.broadcast %add3A_638 : i32 to vector<16xi32>
        %add3A_640 = arith.addi %add3A_622, %add3A_639 : vector<16xi32>
        %scan3A_641 = arith.constant 5 : i32
        %scan3A_642 = arith.addi %scan3A_552, %scan3A_641 : i32
        %mul3A_643 = arith.constant 1 : i32
        %mul3A_644 = arith.muli %scan3A_642, %mul3A_643 : i32
        %add3A_645 = arith.constant 0 : i32
        %add3A_646 = arith.addi %add3A_645, %mul3A_644 : i32
        %gather3A_647 = tpu.vector_load_idx %arg11[%add3A_335, %add3A_640] : memref<80x64xi32, #tpu.memory_space<vmem>>[vector<16xi32>, vector<16xi32>], vector<16xi32>,
        %gather3A_648 = tpu.vector_load_idx %arg13[%add3A_335, %add3A_640] : memref<80x64xi32, #tpu.memory_space<vmem>>[vector<16xi32>, vector<16xi32>], vector<16xi32>,
        %bitcast3A_649 = vector.bitcast %gather3A_647 : vector<16xi32> to vector<32xbf16>
        %bitcast3A_650 = vector.bitcast %gather3A_648 : vector<16xi32> to vector<32xbf16>
        %mul3A_651 = arith.mulf %bitcast3A_649, %bitcast3A_650 : vector<32xbf16>
        %unpack3A_652 = tpu.unpack_subelements %mul3A_651, 0 {pack_format = #tpu.pack_format<interleaved>} : vector<32xbf16> -> vector<16xf32>
        %unpack3A_653 = tpu.unpack_subelements %mul3A_651, 1 {pack_format = #tpu.pack_format<interleaved>} : vector<32xbf16> -> vector<16xf32>
        %add3A_654 = arith.addf %add3A_636, %unpack3A_652 : vector<16xf32>
        %add3A_655 = arith.addf %add3A_637, %unpack3A_653 : vector<16xf32>
        %add3A_656 = arith.constant 1 : i32
        %add3A_657 = vector.broadcast %add3A_656 : i32 to vector<16xi32>
        %add3A_658 = arith.addi %add3A_640, %add3A_657 : vector<16xi32>
        %scan3A_659 = arith.constant 6 : i32
        %scan3A_660 = arith.addi %scan3A_552, %scan3A_659 : i32
        %mul3A_661 = arith.constant 1 : i32
        %mul3A_662 = arith.muli %scan3A_660, %mul3A_661 : i32
        %add3A_663 = arith.constant 0 : i32
        %add3A_664 = arith.addi %add3A_663, %mul3A_662 : i32
        %gather3A_665 = tpu.vector_load_idx %arg11[%add3A_335, %add3A_658] : memref<80x64xi32, #tpu.memory_space<vmem>>[vector<16xi32>, vector<16xi32>], vector<16xi32>,
        %gather3A_666 = tpu.vector_load_idx %arg13[%add3A_335, %add3A_658] : memref<80x64xi32, #tpu.memory_space<vmem>>[vector<16xi32>, vector<16xi32>], vector<16xi32>,
        %bitcast3A_667 = vector.bitcast %gather3A_665 : vector<16xi32> to vector<32xbf16>
        %bitcast3A_668 = vector.bitcast %gather3A_666 : vector<16xi32> to vector<32xbf16>
        %mul3A_669 = arith.mulf %bitcast3A_667, %bitcast3A_668 : vector<32xbf16>
        %unpack3A_670 = tpu.unpack_subelements %mul3A_669, 0 {pack_format = #tpu.pack_format<interleaved>} : vector<32xbf16> -> vector<16xf32>
        %unpack3A_671 = tpu.unpack_subelements %mul3A_669, 1 {pack_format = #tpu.pack_format<interleaved>} : vector<32xbf16> -> vector<16xf32>
        %add3A_672 = arith.addf %add3A_654, %unpack3A_670 : vector<16xf32>
        %add3A_673 = arith.addf %add3A_655, %unpack3A_671 : vector<16xf32>
        %add3A_674 = arith.constant 1 : i32
        %add3A_675 = vector.broadcast %add3A_674 : i32 to vector<16xi32>
        %add3A_676 = arith.addi %add3A_658, %add3A_675 : vector<16xi32>
        %scan3A_677 = arith.constant 7 : i32
        %scan3A_678 = arith.addi %scan3A_552, %scan3A_677 : i32
        %mul3A_679 = arith.constant 1 : i32
        %mul3A_680 = arith.muli %scan3A_678, %mul3A_679 : i32
        %add3A_681 = arith.constant 0 : i32
        %add3A_682 = arith.addi %add3A_681, %mul3A_680 : i32
        %gather3A_683 = tpu.vector_load_idx %arg11[%add3A_335, %add3A_676] : memref<80x64xi32, #tpu.memory_space<vmem>>[vector<16xi32>, vector<16xi32>], vector<16xi32>,
        %gather3A_684 = tpu.vector_load_idx %arg13[%add3A_335, %add3A_676] : memref<80x64xi32, #tpu.memory_space<vmem>>[vector<16xi32>, vector<16xi32>], vector<16xi32>,
        %bitcast3A_685 = vector.bitcast %gather3A_683 : vector<16xi32> to vector<32xbf16>
        %bitcast3A_686 = vector.bitcast %gather3A_684 : vector<16xi32> to vector<32xbf16>
        %mul3A_687 = arith.mulf %bitcast3A_685, %bitcast3A_686 : vector<32xbf16>
        %unpack3A_688 = tpu.unpack_subelements %mul3A_687, 0 {pack_format = #tpu.pack_format<interleaved>} : vector<32xbf16> -> vector<16xf32>
        %unpack3A_689 = tpu.unpack_subelements %mul3A_687, 1 {pack_format = #tpu.pack_format<interleaved>} : vector<32xbf16> -> vector<16xf32>
        %add3A_690 = arith.addf %add3A_672, %unpack3A_688 : vector<16xf32>
        %add3A_691 = arith.addf %add3A_673, %unpack3A_689 : vector<16xf32>
        %add3A_692 = arith.constant 1 : i32
        %add3A_693 = vector.broadcast %add3A_692 : i32 to vector<16xi32>
        %add3A_694 = arith.addi %add3A_676, %add3A_693 : vector<16xi32>
        scf.yield %add3A_690, %add3A_691, %add3A_694 : vector<16xf32>, vector<16xf32>, vector<16xi32>
      }
      %scan3A_347 = arith.constant 64 : i32
      %add3A_348 = arith.addf %scan3A_346#0, %scan3A_346#1 : vector<16xf32>
      %neg3A_349 = arith.constant 0.000000e+00 : f32
      %neg3A_350 = vector.broadcast %neg3A_349 : f32 to vector<16xf32>
      %neg3A_351 = arith.subf %neg3A_350, %add3A_348 : vector<16xf32>
      %exp3A_352 = math.exp %neg3A_351 : vector<16xf32>
      %add3A_353 = arith.constant 1.000000e+00 : f32
      %add3A_354 = vector.broadcast %add3A_353 : f32 to vector<16xf32>
      %add3A_355 = arith.addf %add3A_354, %exp3A_352 : vector<16xf32>
      %div3A_356 = arith.constant 1.000000e+00 : f32
      %div3A_357 = vector.broadcast %div3A_356 : f32 to vector<16xf32>
      %div3A_358 = arith.divf %div3A_357, %add3A_355 : vector<16xf32>
      %mul3A_359 = arith.constant 80 : i32
      %mul3A_360 = arith.muli %add3A_182, %mul3A_359 : i32
      %add3A_361 = arith.constant 64 : i32
      %add3A_362 = arith.addi %mul3A_360, %add3A_361 : i32
      %swap3A_363 = arith.index_cast %add3A_362 : i32 to index
      %swap3A_364 = tpu.vector_load %arg15[%swap3A_363] {strides = array<i32>} : memref<10000xf32, #tpu.memory_space<vmem>>, vector<16xf32>,
      tpu.vector_store %arg15[%swap3A_363], %div3A_358 {strides = array<i32>} : memref<10000xf32, #tpu.memory_space<vmem>>, vector<16xf32>,
      %add3A_365 = arith.constant 1 : i32
      %add3A_366 = arith.addi %add3A_180, %add3A_365 : i32
      %add3A_367 = arith.constant 1 : i32
      %add3A_368 = arith.addi %add3A_366, %add3A_367 : i32
      %lt3A_369 = arith.constant 125 : i32
      %lt3A_370 = arith.cmpi slt, %add3A_368, %lt3A_369 : i32
      %convert_element_type3A_371 = arith.extui %lt3A_370 : i1 to i32
      %cond3A_372 = arith.constant 0 : i32
      %cond3A_373 = arith.cmpi ne, %convert_element_type3A_371, %cond3A_372 : i32
      scf.if %cond3A_373 {
        %dma_wait3A_552 = arith.constant 0 : i32
        %dma_wait3A_553 = tpu.memref_slice %arg4[%dma_wait3A_552] : memref<320000xi32, #tpu.memory_space<hbm>> -> memref<80xi32, #tpu.memory_space<hbm>>
        %dma_wait3A_554 = arith.constant 0 : i32
        %dma_wait3A_555 = tpu.memref_slice %arg4[%dma_wait3A_554] : memref<320000xi32, #tpu.memory_space<hbm>> -> memref<80xi32, #tpu.memory_space<hbm>>
        tpu.wait_dma2 semaphore(%arg18 : memref<!tpu.dma_semaphore, #tpu.memory_space<semaphore_mem>>) src(%dma_wait3A_555 : memref<80xi32, #tpu.memory_space<hbm>>) dst(%arg7 : memref<80xi32, #tpu.memory_space<vmem>>)
        %dma_wait3A_556 = arith.constant 0 : i32
        %dma_wait3A_557 = tpu.memref_slice %arg5[%dma_wait3A_556] : memref<320000xi32, #tpu.memory_space<hbm>> -> memref<80xi32, #tpu.memory_space<hbm>>
        %dma_wait3A_558 = arith.constant 0 : i32
        %dma_wait3A_559 = tpu.memref_slice %arg5[%dma_wait3A_558] : memref<320000xi32, #tpu.memory_space<hbm>> -> memref<80xi32, #tpu.memory_space<hbm>>
        tpu.wait_dma2 semaphore(%arg18 : memref<!tpu.dma_semaphore, #tpu.memory_space<semaphore_mem>>) src(%dma_wait3A_559 : memref<80xi32, #tpu.memory_space<hbm>>) dst(%arg9 : memref<80xi32, #tpu.memory_space<vmem>>)
        %dma_start3A_560 = arith.constant 0 : i32
        %dma_start3A_561 = arith.constant 0 : i32
        %dma_start3A_562 = tpu.memref_slice %arg2[%dma_start3A_560, %dma_start3A_561] : memref<10000x64xi32, #tpu.memory_space<hbm>> -> memref<10000x64xi32, #tpu.memory_space<hbm>>
        tpu.enqueue_indirect_dma source(%dma_start3A_562 : memref<10000x64xi32, #tpu.memory_space<hbm>>) target(%arg11 : memref<80x64xi32, #tpu.memory_space<vmem>>) offsets(%arg7 : memref<80xi32, #tpu.memory_space<vmem>>) semaphore(%arg16 : memref<!tpu.dma_semaphore, #tpu.memory_space<semaphore_mem>>)
        %dma_start3A_563 = arith.constant 0 : i32
        %dma_start3A_564 = arith.constant 0 : i32
        %dma_start3A_565 = tpu.memref_slice %arg3[%dma_start3A_563, %dma_start3A_564] : memref<10000x64xi32, #tpu.memory_space<hbm>> -> memref<10000x64xi32, #tpu.memory_space<hbm>>
        tpu.enqueue_indirect_dma source(%dma_start3A_565 : memref<10000x64xi32, #tpu.memory_space<hbm>>) target(%arg13 : memref<80x64xi32, #tpu.memory_space<vmem>>) offsets(%arg9 : memref<80xi32, #tpu.memory_space<vmem>>) semaphore(%arg16 : memref<!tpu.dma_semaphore, #tpu.memory_space<semaphore_mem>>)
      } else {
      }
      %dma_wait3A_374 = arith.constant 0 : i32
      %dma_wait3A_375 = arith.constant 0 : i32
      %dma_wait3A_376 = tpu.memref_slice %arg2[%dma_wait3A_374, %dma_wait3A_375] : memref<10000x64xi32, #tpu.memory_space<hbm>> -> memref<10000x64xi32, #tpu.memory_space<hbm>>
      tpu.wait_indirect_dma semaphore(%arg17 : memref<!tpu.dma_semaphore, #tpu.memory_space<semaphore_mem>>) src(%dma_wait3A_376 : memref<10000x64xi32, #tpu.memory_space<hbm>>) dst(%arg12 : memref<80x64xi32, #tpu.memory_space<vmem>>)
      %dma_wait3A_377 = arith.constant 0 : i32
      %dma_wait3A_378 = arith.constant 0 : i32
      %dma_wait3A_379 = tpu.memref_slice %arg3[%dma_wait3A_377, %dma_wait3A_378] : memref<10000x64xi32, #tpu.memory_space<hbm>> -> memref<10000x64xi32, #tpu.memory_space<hbm>>
      tpu.wait_indirect_dma semaphore(%arg17 : memref<!tpu.dma_semaphore, #tpu.memory_space<semaphore_mem>>) src(%dma_wait3A_379 : memref<10000x64xi32, #tpu.memory_space<hbm>>) dst(%arg14 : memref<80x64xi32, #tpu.memory_space<vmem>>)
      %add3A_380 = arith.constant 2 : i32
      %add3A_381 = arith.addi %add3A_366, %add3A_380 : i32
      %lt3A_382 = arith.constant 125 : i32
      %lt3A_383 = arith.cmpi slt, %add3A_381, %lt3A_382 : i32
      %convert_element_type3A_384 = arith.extui %lt3A_383 : i1 to i32
      %cond3A_385 = arith.constant 0 : i32
      %cond3A_386 = arith.cmpi ne, %convert_element_type3A_384, %cond3A_385 : i32
      scf.if %cond3A_386 {
        %add3A_552 = arith.constant 2 : i32
        %add3A_553 = arith.addi %add3A_366, %add3A_552 : i32
        %mul3A_554 = arith.constant 80 : i32
        %mul3A_555 = arith.muli %add3A_553, %mul3A_554 : i32
        %add3A_556 = arith.addi %mul3A_2, %mul3A_555 : i32
        %dma_start3A_557 = tpu.memref_slice %arg4[%add3A_556] : memref<320000xi32, #tpu.memory_space<hbm>> -> memref<80xi32, #tpu.memory_space<hbm>>
        %dma_start3A_558 = tpu.memref_slice %arg4[%add3A_556] : memref<320000xi32, #tpu.memory_space<hbm>> -> memref<80xi32, #tpu.memory_space<hbm>>
        tpu.enqueue_dma source(%dma_start3A_558 : memref<80xi32, #tpu.memory_space<hbm>>) target(%arg8 : memref<80xi32, #tpu.memory_space<vmem>>) target_semaphore(%arg19 : memref<!tpu.dma_semaphore, #tpu.memory_space<semaphore_mem>>)
        %dma_start3A_559 = tpu.memref_slice %arg5[%add3A_556] : memref<320000xi32, #tpu.memory_space<hbm>> -> memref<80xi32, #tpu.memory_space<hbm>>
        %dma_start3A_560 = tpu.memref_slice %arg5[%add3A_556] : memref<320000xi32, #tpu.memory_space<hbm>> -> memref<80xi32, #tpu.memory_space<hbm>>
        tpu.enqueue_dma source(%dma_start3A_560 : memref<80xi32, #tpu.memory_space<hbm>>) target(%arg10 : memref<80xi32, #tpu.memory_space<vmem>>) target_semaphore(%arg19 : memref<!tpu.dma_semaphore, #tpu.memory_space<semaphore_mem>>)
      } else {
      }
      %iota3A_387 = tpu.iota {dimensions = array<i32: 0>} : vector<16xi32>
      %add3A_388 = arith.constant 0 : i32
      %add3A_389 = vector.broadcast %add3A_388 : i32 to vector<16xi32>
      %add3A_390 = arith.addi %iota3A_387, %add3A_389 : vector<16xi32>
      %broadcast_in_dim3A_391 = arith.constant 0.000000e+00 : f32
      %broadcast_in_dim3A_392 = vector.broadcast %broadcast_in_dim3A_391 : f32 to vector<16xf32>
      %broadcast_in_dim3A_393 = arith.constant 0.000000e+00 : f32
      %broadcast_in_dim3A_394 = vector.broadcast %broadcast_in_dim3A_393 : f32 to vector<16xf32>
      %broadcast_in_dim3A_395 = arith.constant 0 : i32
      %broadcast_in_dim3A_396 = vector.broadcast %broadcast_in_dim3A_395 : i32 to vector<16xi32>
      %scan3A_397 = arith.constant 0 : i32
      %scan3A_398 = arith.constant 64 : i32
      %scan3A_399 = arith.addi %scan3A_397, %scan3A_398 : i32
      %scan3A_400 = arith.constant 8 : i32
      %scan3A_401:3 = scf.for %scan3A_552 = %scan3A_397 to %scan3A_399 step %scan3A_400 iter_args(%scan3A_553 = %broadcast_in_dim3A_392, %scan3A_554 = %broadcast_in_dim3A_394, %scan3A_555 = %broadcast_in_dim3A_396) -> (vector<16xf32>, vector<16xf32>, vector<16xi32>)  : i32 {
        %mul3A_556 = arith.constant 1 : i32
        %mul3A_557 = arith.muli %scan3A_552, %mul3A_556 : i32
        %add3A_558 = arith.constant 0 : i32
        %add3A_559 = arith.addi %add3A_558, %mul3A_557 : i32
        %gather3A = tpu.vector_load_idx %arg12[%add3A_390, %scan3A_555] : memref<80x64xi32, #tpu.memory_space<vmem>>[vector<16xi32>, vector<16xi32>], vector<16xi32>,
        %gather3A_560 = tpu.vector_load_idx %arg14[%add3A_390, %scan3A_555] : memref<80x64xi32, #tpu.memory_space<vmem>>[vector<16xi32>, vector<16xi32>], vector<16xi32>,
        %bitcast3A = vector.bitcast %gather3A : vector<16xi32> to vector<32xbf16>
        %bitcast3A_561 = vector.bitcast %gather3A_560 : vector<16xi32> to vector<32xbf16>
        %mul3A_562 = arith.mulf %bitcast3A, %bitcast3A_561 : vector<32xbf16>
        %unpack3A = tpu.unpack_subelements %mul3A_562, 0 {pack_format = #tpu.pack_format<interleaved>} : vector<32xbf16> -> vector<16xf32>
        %unpack3A_563 = tpu.unpack_subelements %mul3A_562, 1 {pack_format = #tpu.pack_format<interleaved>} : vector<32xbf16> -> vector<16xf32>
        %add3A_564 = arith.addf %scan3A_553, %unpack3A : vector<16xf32>
        %add3A_565 = arith.addf %scan3A_554, %unpack3A_563 : vector<16xf32>
        %add3A_566 = arith.constant 1 : i32
        %add3A_567 = vector.broadcast %add3A_566 : i32 to vector<16xi32>
        %add3A_568 = arith.addi %scan3A_555, %add3A_567 : vector<16xi32>
        %scan3A_569 = arith.constant 1 : i32
        %scan3A_570 = arith.addi %scan3A_552, %scan3A_569 : i32
        %mul3A_571 = arith.constant 1 : i32
        %mul3A_572 = arith.muli %scan3A_570, %mul3A_571 : i32
        %add3A_573 = arith.constant 0 : i32
        %add3A_574 = arith.addi %add3A_573, %mul3A_572 : i32
        %gather3A_575 = tpu.vector_load_idx %arg12[%add3A_390, %add3A_568] : memref<80x64xi32, #tpu.memory_space<vmem>>[vector<16xi32>, vector<16xi32>], vector<16xi32>,
        %gather3A_576 = tpu.vector_load_idx %arg14[%add3A_390, %add3A_568] : memref<80x64xi32, #tpu.memory_space<vmem>>[vector<16xi32>, vector<16xi32>], vector<16xi32>,
        %bitcast3A_577 = vector.bitcast %gather3A_575 : vector<16xi32> to vector<32xbf16>
        %bitcast3A_578 = vector.bitcast %gather3A_576 : vector<16xi32> to vector<32xbf16>
        %mul3A_579 = arith.mulf %bitcast3A_577, %bitcast3A_578 : vector<32xbf16>
        %unpack3A_580 = tpu.unpack_subelements %mul3A_579, 0 {pack_format = #tpu.pack_format<interleaved>} : vector<32xbf16> -> vector<16xf32>
        %unpack3A_581 = tpu.unpack_subelements %mul3A_579, 1 {pack_format = #tpu.pack_format<interleaved>} : vector<32xbf16> -> vector<16xf32>
        %add3A_582 = arith.addf %add3A_564, %unpack3A_580 : vector<16xf32>
        %add3A_583 = arith.addf %add3A_565, %unpack3A_581 : vector<16xf32>
        %add3A_584 = arith.constant 1 : i32
        %add3A_585 = vector.broadcast %add3A_584 : i32 to vector<16xi32>
        %add3A_586 = arith.addi %add3A_568, %add3A_585 : vector<16xi32>
        %scan3A_587 = arith.constant 2 : i32
        %scan3A_588 = arith.addi %scan3A_552, %scan3A_587 : i32
        %mul3A_589 = arith.constant 1 : i32
        %mul3A_590 = arith.muli %scan3A_588, %mul3A_589 : i32
        %add3A_591 = arith.constant 0 : i32
        %add3A_592 = arith.addi %add3A_591, %mul3A_590 : i32
        %gather3A_593 = tpu.vector_load_idx %arg12[%add3A_390, %add3A_586] : memref<80x64xi32, #tpu.memory_space<vmem>>[vector<16xi32>, vector<16xi32>], vector<16xi32>,
        %gather3A_594 = tpu.vector_load_idx %arg14[%add3A_390, %add3A_586] : memref<80x64xi32, #tpu.memory_space<vmem>>[vector<16xi32>, vector<16xi32>], vector<16xi32>,
        %bitcast3A_595 = vector.bitcast %gather3A_593 : vector<16xi32> to vector<32xbf16>
        %bitcast3A_596 = vector.bitcast %gather3A_594 : vector<16xi32> to vector<32xbf16>
        %mul3A_597 = arith.mulf %bitcast3A_595, %bitcast3A_596 : vector<32xbf16>
        %unpack3A_598 = tpu.unpack_subelements %mul3A_597, 0 {pack_format = #tpu.pack_format<interleaved>} : vector<32xbf16> -> vector<16xf32>
        %unpack3A_599 = tpu.unpack_subelements %mul3A_597, 1 {pack_format = #tpu.pack_format<interleaved>} : vector<32xbf16> -> vector<16xf32>
        %add3A_600 = arith.addf %add3A_582, %unpack3A_598 : vector<16xf32>
        %add3A_601 = arith.addf %add3A_583, %unpack3A_599 : vector<16xf32>
        %add3A_602 = arith.constant 1 : i32
        %add3A_603 = vector.broadcast %add3A_602 : i32 to vector<16xi32>
        %add3A_604 = arith.addi %add3A_586, %add3A_603 : vector<16xi32>
        %scan3A_605 = arith.constant 3 : i32
        %scan3A_606 = arith.addi %scan3A_552, %scan3A_605 : i32
        %mul3A_607 = arith.constant 1 : i32
        %mul3A_608 = arith.muli %scan3A_606, %mul3A_607 : i32
        %add3A_609 = arith.constant 0 : i32
        %add3A_610 = arith.addi %add3A_609, %mul3A_608 : i32
        %gather3A_611 = tpu.vector_load_idx %arg12[%add3A_390, %add3A_604] : memref<80x64xi32, #tpu.memory_space<vmem>>[vector<16xi32>, vector<16xi32>], vector<16xi32>,
        %gather3A_612 = tpu.vector_load_idx %arg14[%add3A_390, %add3A_604] : memref<80x64xi32, #tpu.memory_space<vmem>>[vector<16xi32>, vector<16xi32>], vector<16xi32>,
        %bitcast3A_613 = vector.bitcast %gather3A_611 : vector<16xi32> to vector<32xbf16>
        %bitcast3A_614 = vector.bitcast %gather3A_612 : vector<16xi32> to vector<32xbf16>
        %mul3A_615 = arith.mulf %bitcast3A_613, %bitcast3A_614 : vector<32xbf16>
        %unpack3A_616 = tpu.unpack_subelements %mul3A_615, 0 {pack_format = #tpu.pack_format<interleaved>} : vector<32xbf16> -> vector<16xf32>
        %unpack3A_617 = tpu.unpack_subelements %mul3A_615, 1 {pack_format = #tpu.pack_format<interleaved>} : vector<32xbf16> -> vector<16xf32>
        %add3A_618 = arith.addf %add3A_600, %unpack3A_616 : vector<16xf32>
        %add3A_619 = arith.addf %add3A_601, %unpack3A_617 : vector<16xf32>
        %add3A_620 = arith.constant 1 : i32
        %add3A_621 = vector.broadcast %add3A_620 : i32 to vector<16xi32>
        %add3A_622 = arith.addi %add3A_604, %add3A_621 : vector<16xi32>
        %scan3A_623 = arith.constant 4 : i32
        %scan3A_624 = arith.addi %scan3A_552, %scan3A_623 : i32
        %mul3A_625 = arith.constant 1 : i32
        %mul3A_626 = arith.muli %scan3A_624, %mul3A_625 : i32
        %add3A_627 = arith.constant 0 : i32
        %add3A_628 = arith.addi %add3A_627, %mul3A_626 : i32
        %gather3A_629 = tpu.vector_load_idx %arg12[%add3A_390, %add3A_622] : memref<80x64xi32, #tpu.memory_space<vmem>>[vector<16xi32>, vector<16xi32>], vector<16xi32>,
        %gather3A_630 = tpu.vector_load_idx %arg14[%add3A_390, %add3A_622] : memref<80x64xi32, #tpu.memory_space<vmem>>[vector<16xi32>, vector<16xi32>], vector<16xi32>,
        %bitcast3A_631 = vector.bitcast %gather3A_629 : vector<16xi32> to vector<32xbf16>
        %bitcast3A_632 = vector.bitcast %gather3A_630 : vector<16xi32> to vector<32xbf16>
        %mul3A_633 = arith.mulf %bitcast3A_631, %bitcast3A_632 : vector<32xbf16>
        %unpack3A_634 = tpu.unpack_subelements %mul3A_633, 0 {pack_format = #tpu.pack_format<interleaved>} : vector<32xbf16> -> vector<16xf32>
        %unpack3A_635 = tpu.unpack_subelements %mul3A_633, 1 {pack_format = #tpu.pack_format<interleaved>} : vector<32xbf16> -> vector<16xf32>
        %add3A_636 = arith.addf %add3A_618, %unpack3A_634 : vector<16xf32>
        %add3A_637 = arith.addf %add3A_619, %unpack3A_635 : vector<16xf32>
        %add3A_638 = arith.constant 1 : i32
        %add3A_639 = vector.broadcast %add3A_638 : i32 to vector<16xi32>
        %add3A_640 = arith.addi %add3A_622, %add3A_639 : vector<16xi32>
        %scan3A_641 = arith.constant 5 : i32
        %scan3A_642 = arith.addi %scan3A_552, %scan3A_641 : i32
        %mul3A_643 = arith.constant 1 : i32
        %mul3A_644 = arith.muli %scan3A_642, %mul3A_643 : i32
        %add3A_645 = arith.constant 0 : i32
        %add3A_646 = arith.addi %add3A_645, %mul3A_644 : i32
        %gather3A_647 = tpu.vector_load_idx %arg12[%add3A_390, %add3A_640] : memref<80x64xi32, #tpu.memory_space<vmem>>[vector<16xi32>, vector<16xi32>], vector<16xi32>,
        %gather3A_648 = tpu.vector_load_idx %arg14[%add3A_390, %add3A_640] : memref<80x64xi32, #tpu.memory_space<vmem>>[vector<16xi32>, vector<16xi32>], vector<16xi32>,
        %bitcast3A_649 = vector.bitcast %gather3A_647 : vector<16xi32> to vector<32xbf16>
        %bitcast3A_650 = vector.bitcast %gather3A_648 : vector<16xi32> to vector<32xbf16>
        %mul3A_651 = arith.mulf %bitcast3A_649, %bitcast3A_650 : vector<32xbf16>
        %unpack3A_652 = tpu.unpack_subelements %mul3A_651, 0 {pack_format = #tpu.pack_format<interleaved>} : vector<32xbf16> -> vector<16xf32>
        %unpack3A_653 = tpu.unpack_subelements %mul3A_651, 1 {pack_format = #tpu.pack_format<interleaved>} : vector<32xbf16> -> vector<16xf32>
        %add3A_654 = arith.addf %add3A_636, %unpack3A_652 : vector<16xf32>
        %add3A_655 = arith.addf %add3A_637, %unpack3A_653 : vector<16xf32>
        %add3A_656 = arith.constant 1 : i32
        %add3A_657 = vector.broadcast %add3A_656 : i32 to vector<16xi32>
        %add3A_658 = arith.addi %add3A_640, %add3A_657 : vector<16xi32>
        %scan3A_659 = arith.constant 6 : i32
        %scan3A_660 = arith.addi %scan3A_552, %scan3A_659 : i32
        %mul3A_661 = arith.constant 1 : i32
        %mul3A_662 = arith.muli %scan3A_660, %mul3A_661 : i32
        %add3A_663 = arith.constant 0 : i32
        %add3A_664 = arith.addi %add3A_663, %mul3A_662 : i32
        %gather3A_665 = tpu.vector_load_idx %arg12[%add3A_390, %add3A_658] : memref<80x64xi32, #tpu.memory_space<vmem>>[vector<16xi32>, vector<16xi32>], vector<16xi32>,
        %gather3A_666 = tpu.vector_load_idx %arg14[%add3A_390, %add3A_658] : memref<80x64xi32, #tpu.memory_space<vmem>>[vector<16xi32>, vector<16xi32>], vector<16xi32>,
        %bitcast3A_667 = vector.bitcast %gather3A_665 : vector<16xi32> to vector<32xbf16>
        %bitcast3A_668 = vector.bitcast %gather3A_666 : vector<16xi32> to vector<32xbf16>
        %mul3A_669 = arith.mulf %bitcast3A_667, %bitcast3A_668 : vector<32xbf16>
        %unpack3A_670 = tpu.unpack_subelements %mul3A_669, 0 {pack_format = #tpu.pack_format<interleaved>} : vector<32xbf16> -> vector<16xf32>
        %unpack3A_671 = tpu.unpack_subelements %mul3A_669, 1 {pack_format = #tpu.pack_format<interleaved>} : vector<32xbf16> -> vector<16xf32>
        %add3A_672 = arith.addf %add3A_654, %unpack3A_670 : vector<16xf32>
        %add3A_673 = arith.addf %add3A_655, %unpack3A_671 : vector<16xf32>
        %add3A_674 = arith.constant 1 : i32
        %add3A_675 = vector.broadcast %add3A_674 : i32 to vector<16xi32>
        %add3A_676 = arith.addi %add3A_658, %add3A_675 : vector<16xi32>
        %scan3A_677 = arith.constant 7 : i32
        %scan3A_678 = arith.addi %scan3A_552, %scan3A_677 : i32
        %mul3A_679 = arith.constant 1 : i32
        %mul3A_680 = arith.muli %scan3A_678, %mul3A_679 : i32
        %add3A_681 = arith.constant 0 : i32
        %add3A_682 = arith.addi %add3A_681, %mul3A_680 : i32
        %gather3A_683 = tpu.vector_load_idx %arg12[%add3A_390, %add3A_676] : memref<80x64xi32, #tpu.memory_space<vmem>>[vector<16xi32>, vector<16xi32>], vector<16xi32>,
        %gather3A_684 = tpu.vector_load_idx %arg14[%add3A_390, %add3A_676] : memref<80x64xi32, #tpu.memory_space<vmem>>[vector<16xi32>, vector<16xi32>], vector<16xi32>,
        %bitcast3A_685 = vector.bitcast %gather3A_683 : vector<16xi32> to vector<32xbf16>
        %bitcast3A_686 = vector.bitcast %gather3A_684 : vector<16xi32> to vector<32xbf16>
        %mul3A_687 = arith.mulf %bitcast3A_685, %bitcast3A_686 : vector<32xbf16>
        %unpack3A_688 = tpu.unpack_subelements %mul3A_687, 0 {pack_format = #tpu.pack_format<interleaved>} : vector<32xbf16> -> vector<16xf32>
        %unpack3A_689 = tpu.unpack_subelements %mul3A_687, 1 {pack_format = #tpu.pack_format<interleaved>} : vector<32xbf16> -> vector<16xf32>
        %add3A_690 = arith.addf %add3A_672, %unpack3A_688 : vector<16xf32>
        %add3A_691 = arith.addf %add3A_673, %unpack3A_689 : vector<16xf32>
        %add3A_692 = arith.constant 1 : i32
        %add3A_693 = vector.broadcast %add3A_692 : i32 to vector<16xi32>
        %add3A_694 = arith.addi %add3A_676, %add3A_693 : vector<16xi32>
        scf.yield %add3A_690, %add3A_691, %add3A_694 : vector<16xf32>, vector<16xf32>, vector<16xi32>
      }
      %scan3A_402 = arith.constant 64 : i32
      %add3A_403 = arith.addf %scan3A_401#0, %scan3A_401#1 : vector<16xf32>
      %neg3A_404 = arith.constant 0.000000e+00 : f32
      %neg3A_405 = vector.broadcast %neg3A_404 : f32 to vector<16xf32>
      %neg3A_406 = arith.subf %neg3A_405, %add3A_403 : vector<16xf32>
      %exp3A_407 = math.exp %neg3A_406 : vector<16xf32>
      %add3A_408 = arith.constant 1.000000e+00 : f32
      %add3A_409 = vector.broadcast %add3A_408 : f32 to vector<16xf32>
      %add3A_410 = arith.addf %add3A_409, %exp3A_407 : vector<16xf32>
      %div3A_411 = arith.constant 1.000000e+00 : f32
      %div3A_412 = vector.broadcast %div3A_411 : f32 to vector<16xf32>
      %div3A_413 = arith.divf %div3A_412, %add3A_410 : vector<16xf32>
      %mul3A_414 = arith.constant 80 : i32
      %mul3A_415 = arith.muli %add3A_366, %mul3A_414 : i32
      %add3A_416 = arith.constant 0 : i32
      %add3A_417 = arith.addi %mul3A_415, %add3A_416 : i32
      %swap3A_418 = arith.index_cast %add3A_417 : i32 to index
      %swap3A_419 = tpu.vector_load %arg15[%swap3A_418] {strides = array<i32>} : memref<10000xf32, #tpu.memory_space<vmem>>, vector<16xf32>,
      tpu.vector_store %arg15[%swap3A_418], %div3A_413 {strides = array<i32>} : memref<10000xf32, #tpu.memory_space<vmem>>, vector<16xf32>,
      %iota3A_420 = tpu.iota {dimensions = array<i32: 0>} : vector<16xi32>
      %add3A_421 = arith.constant 16 : i32
      %add3A_422 = vector.broadcast %add3A_421 : i32 to vector<16xi32>
      %add3A_423 = arith.addi %iota3A_420, %add3A_422 : vector<16xi32>
      %broadcast_in_dim3A_424 = arith.constant 0.000000e+00 : f32
      %broadcast_in_dim3A_425 = vector.broadcast %broadcast_in_dim3A_424 : f32 to vector<16xf32>
      %broadcast_in_dim3A_426 = arith.constant 0.000000e+00 : f32
      %broadcast_in_dim3A_427 = vector.broadcast %broadcast_in_dim3A_426 : f32 to vector<16xf32>
      %broadcast_in_dim3A_428 = arith.constant 0 : i32
      %broadcast_in_dim3A_429 = vector.broadcast %broadcast_in_dim3A_428 : i32 to vector<16xi32>
      %scan3A_430 = arith.constant 0 : i32
      %scan3A_431 = arith.constant 64 : i32
      %scan3A_432 = arith.addi %scan3A_430, %scan3A_431 : i32
      %scan3A_433 = arith.constant 8 : i32
      %scan3A_434:3 = scf.for %scan3A_552 = %scan3A_430 to %scan3A_432 step %scan3A_433 iter_args(%scan3A_553 = %broadcast_in_dim3A_425, %scan3A_554 = %broadcast_in_dim3A_427, %scan3A_555 = %broadcast_in_dim3A_429) -> (vector<16xf32>, vector<16xf32>, vector<16xi32>)  : i32 {
        %mul3A_556 = arith.constant 1 : i32
        %mul3A_557 = arith.muli %scan3A_552, %mul3A_556 : i32
        %add3A_558 = arith.constant 0 : i32
        %add3A_559 = arith.addi %add3A_558, %mul3A_557 : i32
        %gather3A = tpu.vector_load_idx %arg12[%add3A_423, %scan3A_555] : memref<80x64xi32, #tpu.memory_space<vmem>>[vector<16xi32>, vector<16xi32>], vector<16xi32>,
        %gather3A_560 = tpu.vector_load_idx %arg14[%add3A_423, %scan3A_555] : memref<80x64xi32, #tpu.memory_space<vmem>>[vector<16xi32>, vector<16xi32>], vector<16xi32>,
        %bitcast3A = vector.bitcast %gather3A : vector<16xi32> to vector<32xbf16>
        %bitcast3A_561 = vector.bitcast %gather3A_560 : vector<16xi32> to vector<32xbf16>
        %mul3A_562 = arith.mulf %bitcast3A, %bitcast3A_561 : vector<32xbf16>
        %unpack3A = tpu.unpack_subelements %mul3A_562, 0 {pack_format = #tpu.pack_format<interleaved>} : vector<32xbf16> -> vector<16xf32>
        %unpack3A_563 = tpu.unpack_subelements %mul3A_562, 1 {pack_format = #tpu.pack_format<interleaved>} : vector<32xbf16> -> vector<16xf32>
        %add3A_564 = arith.addf %scan3A_553, %unpack3A : vector<16xf32>
        %add3A_565 = arith.addf %scan3A_554, %unpack3A_563 : vector<16xf32>
        %add3A_566 = arith.constant 1 : i32
        %add3A_567 = vector.broadcast %add3A_566 : i32 to vector<16xi32>
        %add3A_568 = arith.addi %scan3A_555, %add3A_567 : vector<16xi32>
        %scan3A_569 = arith.constant 1 : i32
        %scan3A_570 = arith.addi %scan3A_552, %scan3A_569 : i32
        %mul3A_571 = arith.constant 1 : i32
        %mul3A_572 = arith.muli %scan3A_570, %mul3A_571 : i32
        %add3A_573 = arith.constant 0 : i32
        %add3A_574 = arith.addi %add3A_573, %mul3A_572 : i32
        %gather3A_575 = tpu.vector_load_idx %arg12[%add3A_423, %add3A_568] : memref<80x64xi32, #tpu.memory_space<vmem>>[vector<16xi32>, vector<16xi32>], vector<16xi32>,
        %gather3A_576 = tpu.vector_load_idx %arg14[%add3A_423, %add3A_568] : memref<80x64xi32, #tpu.memory_space<vmem>>[vector<16xi32>, vector<16xi32>], vector<16xi32>,
        %bitcast3A_577 = vector.bitcast %gather3A_575 : vector<16xi32> to vector<32xbf16>
        %bitcast3A_578 = vector.bitcast %gather3A_576 : vector<16xi32> to vector<32xbf16>
        %mul3A_579 = arith.mulf %bitcast3A_577, %bitcast3A_578 : vector<32xbf16>
        %unpack3A_580 = tpu.unpack_subelements %mul3A_579, 0 {pack_format = #tpu.pack_format<interleaved>} : vector<32xbf16> -> vector<16xf32>
        %unpack3A_581 = tpu.unpack_subelements %mul3A_579, 1 {pack_format = #tpu.pack_format<interleaved>} : vector<32xbf16> -> vector<16xf32>
        %add3A_582 = arith.addf %add3A_564, %unpack3A_580 : vector<16xf32>
        %add3A_583 = arith.addf %add3A_565, %unpack3A_581 : vector<16xf32>
        %add3A_584 = arith.constant 1 : i32
        %add3A_585 = vector.broadcast %add3A_584 : i32 to vector<16xi32>
        %add3A_586 = arith.addi %add3A_568, %add3A_585 : vector<16xi32>
        %scan3A_587 = arith.constant 2 : i32
        %scan3A_588 = arith.addi %scan3A_552, %scan3A_587 : i32
        %mul3A_589 = arith.constant 1 : i32
        %mul3A_590 = arith.muli %scan3A_588, %mul3A_589 : i32
        %add3A_591 = arith.constant 0 : i32
        %add3A_592 = arith.addi %add3A_591, %mul3A_590 : i32
        %gather3A_593 = tpu.vector_load_idx %arg12[%add3A_423, %add3A_586] : memref<80x64xi32, #tpu.memory_space<vmem>>[vector<16xi32>, vector<16xi32>], vector<16xi32>,
        %gather3A_594 = tpu.vector_load_idx %arg14[%add3A_423, %add3A_586] : memref<80x64xi32, #tpu.memory_space<vmem>>[vector<16xi32>, vector<16xi32>], vector<16xi32>,
        %bitcast3A_595 = vector.bitcast %gather3A_593 : vector<16xi32> to vector<32xbf16>
        %bitcast3A_596 = vector.bitcast %gather3A_594 : vector<16xi32> to vector<32xbf16>
        %mul3A_597 = arith.mulf %bitcast3A_595, %bitcast3A_596 : vector<32xbf16>
        %unpack3A_598 = tpu.unpack_subelements %mul3A_597, 0 {pack_format = #tpu.pack_format<interleaved>} : vector<32xbf16> -> vector<16xf32>
        %unpack3A_599 = tpu.unpack_subelements %mul3A_597, 1 {pack_format = #tpu.pack_format<interleaved>} : vector<32xbf16> -> vector<16xf32>
        %add3A_600 = arith.addf %add3A_582, %unpack3A_598 : vector<16xf32>
        %add3A_601 = arith.addf %add3A_583, %unpack3A_599 : vector<16xf32>
        %add3A_602 = arith.constant 1 : i32
        %add3A_603 = vector.broadcast %add3A_602 : i32 to vector<16xi32>
        %add3A_604 = arith.addi %add3A_586, %add3A_603 : vector<16xi32>
        %scan3A_605 = arith.constant 3 : i32
        %scan3A_606 = arith.addi %scan3A_552, %scan3A_605 : i32
        %mul3A_607 = arith.constant 1 : i32
        %mul3A_608 = arith.muli %scan3A_606, %mul3A_607 : i32
        %add3A_609 = arith.constant 0 : i32
        %add3A_610 = arith.addi %add3A_609, %mul3A_608 : i32
        %gather3A_611 = tpu.vector_load_idx %arg12[%add3A_423, %add3A_604] : memref<80x64xi32, #tpu.memory_space<vmem>>[vector<16xi32>, vector<16xi32>], vector<16xi32>,
        %gather3A_612 = tpu.vector_load_idx %arg14[%add3A_423, %add3A_604] : memref<80x64xi32, #tpu.memory_space<vmem>>[vector<16xi32>, vector<16xi32>], vector<16xi32>,
        %bitcast3A_613 = vector.bitcast %gather3A_611 : vector<16xi32> to vector<32xbf16>
        %bitcast3A_614 = vector.bitcast %gather3A_612 : vector<16xi32> to vector<32xbf16>
        %mul3A_615 = arith.mulf %bitcast3A_613, %bitcast3A_614 : vector<32xbf16>
        %unpack3A_616 = tpu.unpack_subelements %mul3A_615, 0 {pack_format = #tpu.pack_format<interleaved>} : vector<32xbf16> -> vector<16xf32>
        %unpack3A_617 = tpu.unpack_subelements %mul3A_615, 1 {pack_format = #tpu.pack_format<interleaved>} : vector<32xbf16> -> vector<16xf32>
        %add3A_618 = arith.addf %add3A_600, %unpack3A_616 : vector<16xf32>
        %add3A_619 = arith.addf %add3A_601, %unpack3A_617 : vector<16xf32>
        %add3A_620 = arith.constant 1 : i32
        %add3A_621 = vector.broadcast %add3A_620 : i32 to vector<16xi32>
        %add3A_622 = arith.addi %add3A_604, %add3A_621 : vector<16xi32>
        %scan3A_623 = arith.constant 4 : i32
        %scan3A_624 = arith.addi %scan3A_552, %scan3A_623 : i32
        %mul3A_625 = arith.constant 1 : i32
        %mul3A_626 = arith.muli %scan3A_624, %mul3A_625 : i32
        %add3A_627 = arith.constant 0 : i32
        %add3A_628 = arith.addi %add3A_627, %mul3A_626 : i32
        %gather3A_629 = tpu.vector_load_idx %arg12[%add3A_423, %add3A_622] : memref<80x64xi32, #tpu.memory_space<vmem>>[vector<16xi32>, vector<16xi32>], vector<16xi32>,
        %gather3A_630 = tpu.vector_load_idx %arg14[%add3A_423, %add3A_622] : memref<80x64xi32, #tpu.memory_space<vmem>>[vector<16xi32>, vector<16xi32>], vector<16xi32>,
        %bitcast3A_631 = vector.bitcast %gather3A_629 : vector<16xi32> to vector<32xbf16>
        %bitcast3A_632 = vector.bitcast %gather3A_630 : vector<16xi32> to vector<32xbf16>
        %mul3A_633 = arith.mulf %bitcast3A_631, %bitcast3A_632 : vector<32xbf16>
        %unpack3A_634 = tpu.unpack_subelements %mul3A_633, 0 {pack_format = #tpu.pack_format<interleaved>} : vector<32xbf16> -> vector<16xf32>
        %unpack3A_635 = tpu.unpack_subelements %mul3A_633, 1 {pack_format = #tpu.pack_format<interleaved>} : vector<32xbf16> -> vector<16xf32>
        %add3A_636 = arith.addf %add3A_618, %unpack3A_634 : vector<16xf32>
        %add3A_637 = arith.addf %add3A_619, %unpack3A_635 : vector<16xf32>
        %add3A_638 = arith.constant 1 : i32
        %add3A_639 = vector.broadcast %add3A_638 : i32 to vector<16xi32>
        %add3A_640 = arith.addi %add3A_622, %add3A_639 : vector<16xi32>
        %scan3A_641 = arith.constant 5 : i32
        %scan3A_642 = arith.addi %scan3A_552, %scan3A_641 : i32
        %mul3A_643 = arith.constant 1 : i32
        %mul3A_644 = arith.muli %scan3A_642, %mul3A_643 : i32
        %add3A_645 = arith.constant 0 : i32
        %add3A_646 = arith.addi %add3A_645, %mul3A_644 : i32
        %gather3A_647 = tpu.vector_load_idx %arg12[%add3A_423, %add3A_640] : memref<80x64xi32, #tpu.memory_space<vmem>>[vector<16xi32>, vector<16xi32>], vector<16xi32>,
        %gather3A_648 = tpu.vector_load_idx %arg14[%add3A_423, %add3A_640] : memref<80x64xi32, #tpu.memory_space<vmem>>[vector<16xi32>, vector<16xi32>], vector<16xi32>,
        %bitcast3A_649 = vector.bitcast %gather3A_647 : vector<16xi32> to vector<32xbf16>
        %bitcast3A_650 = vector.bitcast %gather3A_648 : vector<16xi32> to vector<32xbf16>
        %mul3A_651 = arith.mulf %bitcast3A_649, %bitcast3A_650 : vector<32xbf16>
        %unpack3A_652 = tpu.unpack_subelements %mul3A_651, 0 {pack_format = #tpu.pack_format<interleaved>} : vector<32xbf16> -> vector<16xf32>
        %unpack3A_653 = tpu.unpack_subelements %mul3A_651, 1 {pack_format = #tpu.pack_format<interleaved>} : vector<32xbf16> -> vector<16xf32>
        %add3A_654 = arith.addf %add3A_636, %unpack3A_652 : vector<16xf32>
        %add3A_655 = arith.addf %add3A_637, %unpack3A_653 : vector<16xf32>
        %add3A_656 = arith.constant 1 : i32
        %add3A_657 = vector.broadcast %add3A_656 : i32 to vector<16xi32>
        %add3A_658 = arith.addi %add3A_640, %add3A_657 : vector<16xi32>
        %scan3A_659 = arith.constant 6 : i32
        %scan3A_660 = arith.addi %scan3A_552, %scan3A_659 : i32
        %mul3A_661 = arith.constant 1 : i32
        %mul3A_662 = arith.muli %scan3A_660, %mul3A_661 : i32
        %add3A_663 = arith.constant 0 : i32
        %add3A_664 = arith.addi %add3A_663, %mul3A_662 : i32
        %gather3A_665 = tpu.vector_load_idx %arg12[%add3A_423, %add3A_658] : memref<80x64xi32, #tpu.memory_space<vmem>>[vector<16xi32>, vector<16xi32>], vector<16xi32>,
        %gather3A_666 = tpu.vector_load_idx %arg14[%add3A_423, %add3A_658] : memref<80x64xi32, #tpu.memory_space<vmem>>[vector<16xi32>, vector<16xi32>], vector<16xi32>,
        %bitcast3A_667 = vector.bitcast %gather3A_665 : vector<16xi32> to vector<32xbf16>
        %bitcast3A_668 = vector.bitcast %gather3A_666 : vector<16xi32> to vector<32xbf16>
        %mul3A_669 = arith.mulf %bitcast3A_667, %bitcast3A_668 : vector<32xbf16>
        %unpack3A_670 = tpu.unpack_subelements %mul3A_669, 0 {pack_format = #tpu.pack_format<interleaved>} : vector<32xbf16> -> vector<16xf32>
        %unpack3A_671 = tpu.unpack_subelements %mul3A_669, 1 {pack_format = #tpu.pack_format<interleaved>} : vector<32xbf16> -> vector<16xf32>
        %add3A_672 = arith.addf %add3A_654, %unpack3A_670 : vector<16xf32>
        %add3A_673 = arith.addf %add3A_655, %unpack3A_671 : vector<16xf32>
        %add3A_674 = arith.constant 1 : i32
        %add3A_675 = vector.broadcast %add3A_674 : i32 to vector<16xi32>
        %add3A_676 = arith.addi %add3A_658, %add3A_675 : vector<16xi32>
        %scan3A_677 = arith.constant 7 : i32
        %scan3A_678 = arith.addi %scan3A_552, %scan3A_677 : i32
        %mul3A_679 = arith.constant 1 : i32
        %mul3A_680 = arith.muli %scan3A_678, %mul3A_679 : i32
        %add3A_681 = arith.constant 0 : i32
        %add3A_682 = arith.addi %add3A_681, %mul3A_680 : i32
        %gather3A_683 = tpu.vector_load_idx %arg12[%add3A_423, %add3A_676] : memref<80x64xi32, #tpu.memory_space<vmem>>[vector<16xi32>, vector<16xi32>], vector<16xi32>,
        %gather3A_684 = tpu.vector_load_idx %arg14[%add3A_423, %add3A_676] : memref<80x64xi32, #tpu.memory_space<vmem>>[vector<16xi32>, vector<16xi32>], vector<16xi32>,
        %bitcast3A_685 = vector.bitcast %gather3A_683 : vector<16xi32> to vector<32xbf16>
        %bitcast3A_686 = vector.bitcast %gather3A_684 : vector<16xi32> to vector<32xbf16>
        %mul3A_687 = arith.mulf %bitcast3A_685, %bitcast3A_686 : vector<32xbf16>
        %unpack3A_688 = tpu.unpack_subelements %mul3A_687, 0 {pack_format = #tpu.pack_format<interleaved>} : vector<32xbf16> -> vector<16xf32>
        %unpack3A_689 = tpu.unpack_subelements %mul3A_687, 1 {pack_format = #tpu.pack_format<interleaved>} : vector<32xbf16> -> vector<16xf32>
        %add3A_690 = arith.addf %add3A_672, %unpack3A_688 : vector<16xf32>
        %add3A_691 = arith.addf %add3A_673, %unpack3A_689 : vector<16xf32>
        %add3A_692 = arith.constant 1 : i32
        %add3A_693 = vector.broadcast %add3A_692 : i32 to vector<16xi32>
        %add3A_694 = arith.addi %add3A_676, %add3A_693 : vector<16xi32>
        scf.yield %add3A_690, %add3A_691, %add3A_694 : vector<16xf32>, vector<16xf32>, vector<16xi32>
      }
      %scan3A_435 = arith.constant 64 : i32
      %add3A_436 = arith.addf %scan3A_434#0, %scan3A_434#1 : vector<16xf32>
      %neg3A_437 = arith.constant 0.000000e+00 : f32
      %neg3A_438 = vector.broadcast %neg3A_437 : f32 to vector<16xf32>
      %neg3A_439 = arith.subf %neg3A_438, %add3A_436 : vector<16xf32>
      %exp3A_440 = math.exp %neg3A_439 : vector<16xf32>
      %add3A_441 = arith.constant 1.000000e+00 : f32
      %add3A_442 = vector.broadcast %add3A_441 : f32 to vector<16xf32>
      %add3A_443 = arith.addf %add3A_442, %exp3A_440 : vector<16xf32>
      %div3A_444 = arith.constant 1.000000e+00 : f32
      %div3A_445 = vector.broadcast %div3A_444 : f32 to vector<16xf32>
      %div3A_446 = arith.divf %div3A_445, %add3A_443 : vector<16xf32>
      %mul3A_447 = arith.constant 80 : i32
      %mul3A_448 = arith.muli %add3A_366, %mul3A_447 : i32
      %add3A_449 = arith.constant 16 : i32
      %add3A_450 = arith.addi %mul3A_448, %add3A_449 : i32
      %swap3A_451 = arith.index_cast %add3A_450 : i32 to index
      %swap3A_452 = tpu.vector_load %arg15[%swap3A_451] {strides = array<i32>} : memref<10000xf32, #tpu.memory_space<vmem>>, vector<16xf32>,
      tpu.vector_store %arg15[%swap3A_451], %div3A_446 {strides = array<i32>} : memref<10000xf32, #tpu.memory_space<vmem>>, vector<16xf32>,
      %iota3A_453 = tpu.iota {dimensions = array<i32: 0>} : vector<16xi32>
      %add3A_454 = arith.constant 32 : i32
      %add3A_455 = vector.broadcast %add3A_454 : i32 to vector<16xi32>
      %add3A_456 = arith.addi %iota3A_453, %add3A_455 : vector<16xi32>
      %broadcast_in_dim3A_457 = arith.constant 0.000000e+00 : f32
      %broadcast_in_dim3A_458 = vector.broadcast %broadcast_in_dim3A_457 : f32 to vector<16xf32>
      %broadcast_in_dim3A_459 = arith.constant 0.000000e+00 : f32
      %broadcast_in_dim3A_460 = vector.broadcast %broadcast_in_dim3A_459 : f32 to vector<16xf32>
      %broadcast_in_dim3A_461 = arith.constant 0 : i32
      %broadcast_in_dim3A_462 = vector.broadcast %broadcast_in_dim3A_461 : i32 to vector<16xi32>
      %scan3A_463 = arith.constant 0 : i32
      %scan3A_464 = arith.constant 64 : i32
      %scan3A_465 = arith.addi %scan3A_463, %scan3A_464 : i32
      %scan3A_466 = arith.constant 8 : i32
      %scan3A_467:3 = scf.for %scan3A_552 = %scan3A_463 to %scan3A_465 step %scan3A_466 iter_args(%scan3A_553 = %broadcast_in_dim3A_458, %scan3A_554 = %broadcast_in_dim3A_460, %scan3A_555 = %broadcast_in_dim3A_462) -> (vector<16xf32>, vector<16xf32>, vector<16xi32>)  : i32 {
        %mul3A_556 = arith.constant 1 : i32
        %mul3A_557 = arith.muli %scan3A_552, %mul3A_556 : i32
        %add3A_558 = arith.constant 0 : i32
        %add3A_559 = arith.addi %add3A_558, %mul3A_557 : i32
        %gather3A = tpu.vector_load_idx %arg12[%add3A_456, %scan3A_555] : memref<80x64xi32, #tpu.memory_space<vmem>>[vector<16xi32>, vector<16xi32>], vector<16xi32>,
        %gather3A_560 = tpu.vector_load_idx %arg14[%add3A_456, %scan3A_555] : memref<80x64xi32, #tpu.memory_space<vmem>>[vector<16xi32>, vector<16xi32>], vector<16xi32>,
        %bitcast3A = vector.bitcast %gather3A : vector<16xi32> to vector<32xbf16>
        %bitcast3A_561 = vector.bitcast %gather3A_560 : vector<16xi32> to vector<32xbf16>
        %mul3A_562 = arith.mulf %bitcast3A, %bitcast3A_561 : vector<32xbf16>
        %unpack3A = tpu.unpack_subelements %mul3A_562, 0 {pack_format = #tpu.pack_format<interleaved>} : vector<32xbf16> -> vector<16xf32>
        %unpack3A_563 = tpu.unpack_subelements %mul3A_562, 1 {pack_format = #tpu.pack_format<interleaved>} : vector<32xbf16> -> vector<16xf32>
        %add3A_564 = arith.addf %scan3A_553, %unpack3A : vector<16xf32>
        %add3A_565 = arith.addf %scan3A_554, %unpack3A_563 : vector<16xf32>
        %add3A_566 = arith.constant 1 : i32
        %add3A_567 = vector.broadcast %add3A_566 : i32 to vector<16xi32>
        %add3A_568 = arith.addi %scan3A_555, %add3A_567 : vector<16xi32>
        %scan3A_569 = arith.constant 1 : i32
        %scan3A_570 = arith.addi %scan3A_552, %scan3A_569 : i32
        %mul3A_571 = arith.constant 1 : i32
        %mul3A_572 = arith.muli %scan3A_570, %mul3A_571 : i32
        %add3A_573 = arith.constant 0 : i32
        %add3A_574 = arith.addi %add3A_573, %mul3A_572 : i32
        %gather3A_575 = tpu.vector_load_idx %arg12[%add3A_456, %add3A_568] : memref<80x64xi32, #tpu.memory_space<vmem>>[vector<16xi32>, vector<16xi32>], vector<16xi32>,
        %gather3A_576 = tpu.vector_load_idx %arg14[%add3A_456, %add3A_568] : memref<80x64xi32, #tpu.memory_space<vmem>>[vector<16xi32>, vector<16xi32>], vector<16xi32>,
        %bitcast3A_577 = vector.bitcast %gather3A_575 : vector<16xi32> to vector<32xbf16>
        %bitcast3A_578 = vector.bitcast %gather3A_576 : vector<16xi32> to vector<32xbf16>
        %mul3A_579 = arith.mulf %bitcast3A_577, %bitcast3A_578 : vector<32xbf16>
        %unpack3A_580 = tpu.unpack_subelements %mul3A_579, 0 {pack_format = #tpu.pack_format<interleaved>} : vector<32xbf16> -> vector<16xf32>
        %unpack3A_581 = tpu.unpack_subelements %mul3A_579, 1 {pack_format = #tpu.pack_format<interleaved>} : vector<32xbf16> -> vector<16xf32>
        %add3A_582 = arith.addf %add3A_564, %unpack3A_580 : vector<16xf32>
        %add3A_583 = arith.addf %add3A_565, %unpack3A_581 : vector<16xf32>
        %add3A_584 = arith.constant 1 : i32
        %add3A_585 = vector.broadcast %add3A_584 : i32 to vector<16xi32>
        %add3A_586 = arith.addi %add3A_568, %add3A_585 : vector<16xi32>
        %scan3A_587 = arith.constant 2 : i32
        %scan3A_588 = arith.addi %scan3A_552, %scan3A_587 : i32
        %mul3A_589 = arith.constant 1 : i32
        %mul3A_590 = arith.muli %scan3A_588, %mul3A_589 : i32
        %add3A_591 = arith.constant 0 : i32
        %add3A_592 = arith.addi %add3A_591, %mul3A_590 : i32
        %gather3A_593 = tpu.vector_load_idx %arg12[%add3A_456, %add3A_586] : memref<80x64xi32, #tpu.memory_space<vmem>>[vector<16xi32>, vector<16xi32>], vector<16xi32>,
        %gather3A_594 = tpu.vector_load_idx %arg14[%add3A_456, %add3A_586] : memref<80x64xi32, #tpu.memory_space<vmem>>[vector<16xi32>, vector<16xi32>], vector<16xi32>,
        %bitcast3A_595 = vector.bitcast %gather3A_593 : vector<16xi32> to vector<32xbf16>
        %bitcast3A_596 = vector.bitcast %gather3A_594 : vector<16xi32> to vector<32xbf16>
        %mul3A_597 = arith.mulf %bitcast3A_595, %bitcast3A_596 : vector<32xbf16>
        %unpack3A_598 = tpu.unpack_subelements %mul3A_597, 0 {pack_format = #tpu.pack_format<interleaved>} : vector<32xbf16> -> vector<16xf32>
        %unpack3A_599 = tpu.unpack_subelements %mul3A_597, 1 {pack_format = #tpu.pack_format<interleaved>} : vector<32xbf16> -> vector<16xf32>
        %add3A_600 = arith.addf %add3A_582, %unpack3A_598 : vector<16xf32>
        %add3A_601 = arith.addf %add3A_583, %unpack3A_599 : vector<16xf32>
        %add3A_602 = arith.constant 1 : i32
        %add3A_603 = vector.broadcast %add3A_602 : i32 to vector<16xi32>
        %add3A_604 = arith.addi %add3A_586, %add3A_603 : vector<16xi32>
        %scan3A_605 = arith.constant 3 : i32
        %scan3A_606 = arith.addi %scan3A_552, %scan3A_605 : i32
        %mul3A_607 = arith.constant 1 : i32
        %mul3A_608 = arith.muli %scan3A_606, %mul3A_607 : i32
        %add3A_609 = arith.constant 0 : i32
        %add3A_610 = arith.addi %add3A_609, %mul3A_608 : i32
        %gather3A_611 = tpu.vector_load_idx %arg12[%add3A_456, %add3A_604] : memref<80x64xi32, #tpu.memory_space<vmem>>[vector<16xi32>, vector<16xi32>], vector<16xi32>,
        %gather3A_612 = tpu.vector_load_idx %arg14[%add3A_456, %add3A_604] : memref<80x64xi32, #tpu.memory_space<vmem>>[vector<16xi32>, vector<16xi32>], vector<16xi32>,
        %bitcast3A_613 = vector.bitcast %gather3A_611 : vector<16xi32> to vector<32xbf16>
        %bitcast3A_614 = vector.bitcast %gather3A_612 : vector<16xi32> to vector<32xbf16>
        %mul3A_615 = arith.mulf %bitcast3A_613, %bitcast3A_614 : vector<32xbf16>
        %unpack3A_616 = tpu.unpack_subelements %mul3A_615, 0 {pack_format = #tpu.pack_format<interleaved>} : vector<32xbf16> -> vector<16xf32>
        %unpack3A_617 = tpu.unpack_subelements %mul3A_615, 1 {pack_format = #tpu.pack_format<interleaved>} : vector<32xbf16> -> vector<16xf32>
        %add3A_618 = arith.addf %add3A_600, %unpack3A_616 : vector<16xf32>
        %add3A_619 = arith.addf %add3A_601, %unpack3A_617 : vector<16xf32>
        %add3A_620 = arith.constant 1 : i32
        %add3A_621 = vector.broadcast %add3A_620 : i32 to vector<16xi32>
        %add3A_622 = arith.addi %add3A_604, %add3A_621 : vector<16xi32>
        %scan3A_623 = arith.constant 4 : i32
        %scan3A_624 = arith.addi %scan3A_552, %scan3A_623 : i32
        %mul3A_625 = arith.constant 1 : i32
        %mul3A_626 = arith.muli %scan3A_624, %mul3A_625 : i32
        %add3A_627 = arith.constant 0 : i32
        %add3A_628 = arith.addi %add3A_627, %mul3A_626 : i32
        %gather3A_629 = tpu.vector_load_idx %arg12[%add3A_456, %add3A_622] : memref<80x64xi32, #tpu.memory_space<vmem>>[vector<16xi32>, vector<16xi32>], vector<16xi32>,
        %gather3A_630 = tpu.vector_load_idx %arg14[%add3A_456, %add3A_622] : memref<80x64xi32, #tpu.memory_space<vmem>>[vector<16xi32>, vector<16xi32>], vector<16xi32>,
        %bitcast3A_631 = vector.bitcast %gather3A_629 : vector<16xi32> to vector<32xbf16>
        %bitcast3A_632 = vector.bitcast %gather3A_630 : vector<16xi32> to vector<32xbf16>
        %mul3A_633 = arith.mulf %bitcast3A_631, %bitcast3A_632 : vector<32xbf16>
        %unpack3A_634 = tpu.unpack_subelements %mul3A_633, 0 {pack_format = #tpu.pack_format<interleaved>} : vector<32xbf16> -> vector<16xf32>
        %unpack3A_635 = tpu.unpack_subelements %mul3A_633, 1 {pack_format = #tpu.pack_format<interleaved>} : vector<32xbf16> -> vector<16xf32>
        %add3A_636 = arith.addf %add3A_618, %unpack3A_634 : vector<16xf32>
        %add3A_637 = arith.addf %add3A_619, %unpack3A_635 : vector<16xf32>
        %add3A_638 = arith.constant 1 : i32
        %add3A_639 = vector.broadcast %add3A_638 : i32 to vector<16xi32>
        %add3A_640 = arith.addi %add3A_622, %add3A_639 : vector<16xi32>
        %scan3A_641 = arith.constant 5 : i32
        %scan3A_642 = arith.addi %scan3A_552, %scan3A_641 : i32
        %mul3A_643 = arith.constant 1 : i32
        %mul3A_644 = arith.muli %scan3A_642, %mul3A_643 : i32
        %add3A_645 = arith.constant 0 : i32
        %add3A_646 = arith.addi %add3A_645, %mul3A_644 : i32
        %gather3A_647 = tpu.vector_load_idx %arg12[%add3A_456, %add3A_640] : memref<80x64xi32, #tpu.memory_space<vmem>>[vector<16xi32>, vector<16xi32>], vector<16xi32>,
        %gather3A_648 = tpu.vector_load_idx %arg14[%add3A_456, %add3A_640] : memref<80x64xi32, #tpu.memory_space<vmem>>[vector<16xi32>, vector<16xi32>], vector<16xi32>,
        %bitcast3A_649 = vector.bitcast %gather3A_647 : vector<16xi32> to vector<32xbf16>
        %bitcast3A_650 = vector.bitcast %gather3A_648 : vector<16xi32> to vector<32xbf16>
        %mul3A_651 = arith.mulf %bitcast3A_649, %bitcast3A_650 : vector<32xbf16>
        %unpack3A_652 = tpu.unpack_subelements %mul3A_651, 0 {pack_format = #tpu.pack_format<interleaved>} : vector<32xbf16> -> vector<16xf32>
        %unpack3A_653 = tpu.unpack_subelements %mul3A_651, 1 {pack_format = #tpu.pack_format<interleaved>} : vector<32xbf16> -> vector<16xf32>
        %add3A_654 = arith.addf %add3A_636, %unpack3A_652 : vector<16xf32>
        %add3A_655 = arith.addf %add3A_637, %unpack3A_653 : vector<16xf32>
        %add3A_656 = arith.constant 1 : i32
        %add3A_657 = vector.broadcast %add3A_656 : i32 to vector<16xi32>
        %add3A_658 = arith.addi %add3A_640, %add3A_657 : vector<16xi32>
        %scan3A_659 = arith.constant 6 : i32
        %scan3A_660 = arith.addi %scan3A_552, %scan3A_659 : i32
        %mul3A_661 = arith.constant 1 : i32
        %mul3A_662 = arith.muli %scan3A_660, %mul3A_661 : i32
        %add3A_663 = arith.constant 0 : i32
        %add3A_664 = arith.addi %add3A_663, %mul3A_662 : i32
        %gather3A_665 = tpu.vector_load_idx %arg12[%add3A_456, %add3A_658] : memref<80x64xi32, #tpu.memory_space<vmem>>[vector<16xi32>, vector<16xi32>], vector<16xi32>,
        %gather3A_666 = tpu.vector_load_idx %arg14[%add3A_456, %add3A_658] : memref<80x64xi32, #tpu.memory_space<vmem>>[vector<16xi32>, vector<16xi32>], vector<16xi32>,
        %bitcast3A_667 = vector.bitcast %gather3A_665 : vector<16xi32> to vector<32xbf16>
        %bitcast3A_668 = vector.bitcast %gather3A_666 : vector<16xi32> to vector<32xbf16>
        %mul3A_669 = arith.mulf %bitcast3A_667, %bitcast3A_668 : vector<32xbf16>
        %unpack3A_670 = tpu.unpack_subelements %mul3A_669, 0 {pack_format = #tpu.pack_format<interleaved>} : vector<32xbf16> -> vector<16xf32>
        %unpack3A_671 = tpu.unpack_subelements %mul3A_669, 1 {pack_format = #tpu.pack_format<interleaved>} : vector<32xbf16> -> vector<16xf32>
        %add3A_672 = arith.addf %add3A_654, %unpack3A_670 : vector<16xf32>
        %add3A_673 = arith.addf %add3A_655, %unpack3A_671 : vector<16xf32>
        %add3A_674 = arith.constant 1 : i32
        %add3A_675 = vector.broadcast %add3A_674 : i32 to vector<16xi32>
        %add3A_676 = arith.addi %add3A_658, %add3A_675 : vector<16xi32>
        %scan3A_677 = arith.constant 7 : i32
        %scan3A_678 = arith.addi %scan3A_552, %scan3A_677 : i32
        %mul3A_679 = arith.constant 1 : i32
        %mul3A_680 = arith.muli %scan3A_678, %mul3A_679 : i32
        %add3A_681 = arith.constant 0 : i32
        %add3A_682 = arith.addi %add3A_681, %mul3A_680 : i32
        %gather3A_683 = tpu.vector_load_idx %arg12[%add3A_456, %add3A_676] : memref<80x64xi32, #tpu.memory_space<vmem>>[vector<16xi32>, vector<16xi32>], vector<16xi32>,
        %gather3A_684 = tpu.vector_load_idx %arg14[%add3A_456, %add3A_676] : memref<80x64xi32, #tpu.memory_space<vmem>>[vector<16xi32>, vector<16xi32>], vector<16xi32>,
        %bitcast3A_685 = vector.bitcast %gather3A_683 : vector<16xi32> to vector<32xbf16>
        %bitcast3A_686 = vector.bitcast %gather3A_684 : vector<16xi32> to vector<32xbf16>
        %mul3A_687 = arith.mulf %bitcast3A_685, %bitcast3A_686 : vector<32xbf16>
        %unpack3A_688 = tpu.unpack_subelements %mul3A_687, 0 {pack_format = #tpu.pack_format<interleaved>} : vector<32xbf16> -> vector<16xf32>
        %unpack3A_689 = tpu.unpack_subelements %mul3A_687, 1 {pack_format = #tpu.pack_format<interleaved>} : vector<32xbf16> -> vector<16xf32>
        %add3A_690 = arith.addf %add3A_672, %unpack3A_688 : vector<16xf32>
        %add3A_691 = arith.addf %add3A_673, %unpack3A_689 : vector<16xf32>
        %add3A_692 = arith.constant 1 : i32
        %add3A_693 = vector.broadcast %add3A_692 : i32 to vector<16xi32>
        %add3A_694 = arith.addi %add3A_676, %add3A_693 : vector<16xi32>
        scf.yield %add3A_690, %add3A_691, %add3A_694 : vector<16xf32>, vector<16xf32>, vector<16xi32>
      }
      %scan3A_468 = arith.constant 64 : i32
      %add3A_469 = arith.addf %scan3A_467#0, %scan3A_467#1 : vector<16xf32>
      %neg3A_470 = arith.constant 0.000000e+00 : f32
      %neg3A_471 = vector.broadcast %neg3A_470 : f32 to vector<16xf32>
      %neg3A_472 = arith.subf %neg3A_471, %add3A_469 : vector<16xf32>
      %exp3A_473 = math.exp %neg3A_472 : vector<16xf32>
      %add3A_474 = arith.constant 1.000000e+00 : f32
      %add3A_475 = vector.broadcast %add3A_474 : f32 to vector<16xf32>
      %add3A_476 = arith.addf %add3A_475, %exp3A_473 : vector<16xf32>
      %div3A_477 = arith.constant 1.000000e+00 : f32
      %div3A_478 = vector.broadcast %div3A_477 : f32 to vector<16xf32>
      %div3A_479 = arith.divf %div3A_478, %add3A_476 : vector<16xf32>
      %mul3A_480 = arith.constant 80 : i32
      %mul3A_481 = arith.muli %add3A_366, %mul3A_480 : i32
      %add3A_482 = arith.constant 32 : i32
      %add3A_483 = arith.addi %mul3A_481, %add3A_482 : i32
      %swap3A_484 = arith.index_cast %add3A_483 : i32 to index
      %swap3A_485 = tpu.vector_load %arg15[%swap3A_484] {strides = array<i32>} : memref<10000xf32, #tpu.memory_space<vmem>>, vector<16xf32>,
      tpu.vector_store %arg15[%swap3A_484], %div3A_479 {strides = array<i32>} : memref<10000xf32, #tpu.memory_space<vmem>>, vector<16xf32>,
      %iota3A_486 = tpu.iota {dimensions = array<i32: 0>} : vector<16xi32>
      %add3A_487 = arith.constant 48 : i32
      %add3A_488 = vector.broadcast %add3A_487 : i32 to vector<16xi32>
      %add3A_489 = arith.addi %iota3A_486, %add3A_488 : vector<16xi32>
      %broadcast_in_dim3A_490 = arith.constant 0.000000e+00 : f32
      %broadcast_in_dim3A_491 = vector.broadcast %broadcast_in_dim3A_490 : f32 to vector<16xf32>
      %broadcast_in_dim3A_492 = arith.constant 0.000000e+00 : f32
      %broadcast_in_dim3A_493 = vector.broadcast %broadcast_in_dim3A_492 : f32 to vector<16xf32>
      %broadcast_in_dim3A_494 = arith.constant 0 : i32
      %broadcast_in_dim3A_495 = vector.broadcast %broadcast_in_dim3A_494 : i32 to vector<16xi32>
      %scan3A_496 = arith.constant 0 : i32
      %scan3A_497 = arith.constant 64 : i32
      %scan3A_498 = arith.addi %scan3A_496, %scan3A_497 : i32
      %scan3A_499 = arith.constant 8 : i32
      %scan3A_500:3 = scf.for %scan3A_552 = %scan3A_496 to %scan3A_498 step %scan3A_499 iter_args(%scan3A_553 = %broadcast_in_dim3A_491, %scan3A_554 = %broadcast_in_dim3A_493, %scan3A_555 = %broadcast_in_dim3A_495) -> (vector<16xf32>, vector<16xf32>, vector<16xi32>)  : i32 {
        %mul3A_556 = arith.constant 1 : i32
        %mul3A_557 = arith.muli %scan3A_552, %mul3A_556 : i32
        %add3A_558 = arith.constant 0 : i32
        %add3A_559 = arith.addi %add3A_558, %mul3A_557 : i32
        %gather3A = tpu.vector_load_idx %arg12[%add3A_489, %scan3A_555] : memref<80x64xi32, #tpu.memory_space<vmem>>[vector<16xi32>, vector<16xi32>], vector<16xi32>,
        %gather3A_560 = tpu.vector_load_idx %arg14[%add3A_489, %scan3A_555] : memref<80x64xi32, #tpu.memory_space<vmem>>[vector<16xi32>, vector<16xi32>], vector<16xi32>,
        %bitcast3A = vector.bitcast %gather3A : vector<16xi32> to vector<32xbf16>
        %bitcast3A_561 = vector.bitcast %gather3A_560 : vector<16xi32> to vector<32xbf16>
        %mul3A_562 = arith.mulf %bitcast3A, %bitcast3A_561 : vector<32xbf16>
        %unpack3A = tpu.unpack_subelements %mul3A_562, 0 {pack_format = #tpu.pack_format<interleaved>} : vector<32xbf16> -> vector<16xf32>
        %unpack3A_563 = tpu.unpack_subelements %mul3A_562, 1 {pack_format = #tpu.pack_format<interleaved>} : vector<32xbf16> -> vector<16xf32>
        %add3A_564 = arith.addf %scan3A_553, %unpack3A : vector<16xf32>
        %add3A_565 = arith.addf %scan3A_554, %unpack3A_563 : vector<16xf32>
        %add3A_566 = arith.constant 1 : i32
        %add3A_567 = vector.broadcast %add3A_566 : i32 to vector<16xi32>
        %add3A_568 = arith.addi %scan3A_555, %add3A_567 : vector<16xi32>
        %scan3A_569 = arith.constant 1 : i32
        %scan3A_570 = arith.addi %scan3A_552, %scan3A_569 : i32
        %mul3A_571 = arith.constant 1 : i32
        %mul3A_572 = arith.muli %scan3A_570, %mul3A_571 : i32
        %add3A_573 = arith.constant 0 : i32
        %add3A_574 = arith.addi %add3A_573, %mul3A_572 : i32
        %gather3A_575 = tpu.vector_load_idx %arg12[%add3A_489, %add3A_568] : memref<80x64xi32, #tpu.memory_space<vmem>>[vector<16xi32>, vector<16xi32>], vector<16xi32>,
        %gather3A_576 = tpu.vector_load_idx %arg14[%add3A_489, %add3A_568] : memref<80x64xi32, #tpu.memory_space<vmem>>[vector<16xi32>, vector<16xi32>], vector<16xi32>,
        %bitcast3A_577 = vector.bitcast %gather3A_575 : vector<16xi32> to vector<32xbf16>
        %bitcast3A_578 = vector.bitcast %gather3A_576 : vector<16xi32> to vector<32xbf16>
        %mul3A_579 = arith.mulf %bitcast3A_577, %bitcast3A_578 : vector<32xbf16>
        %unpack3A_580 = tpu.unpack_subelements %mul3A_579, 0 {pack_format = #tpu.pack_format<interleaved>} : vector<32xbf16> -> vector<16xf32>
        %unpack3A_581 = tpu.unpack_subelements %mul3A_579, 1 {pack_format = #tpu.pack_format<interleaved>} : vector<32xbf16> -> vector<16xf32>
        %add3A_582 = arith.addf %add3A_564, %unpack3A_580 : vector<16xf32>
        %add3A_583 = arith.addf %add3A_565, %unpack3A_581 : vector<16xf32>
        %add3A_584 = arith.constant 1 : i32
        %add3A_585 = vector.broadcast %add3A_584 : i32 to vector<16xi32>
        %add3A_586 = arith.addi %add3A_568, %add3A_585 : vector<16xi32>
        %scan3A_587 = arith.constant 2 : i32
        %scan3A_588 = arith.addi %scan3A_552, %scan3A_587 : i32
        %mul3A_589 = arith.constant 1 : i32
        %mul3A_590 = arith.muli %scan3A_588, %mul3A_589 : i32
        %add3A_591 = arith.constant 0 : i32
        %add3A_592 = arith.addi %add3A_591, %mul3A_590 : i32
        %gather3A_593 = tpu.vector_load_idx %arg12[%add3A_489, %add3A_586] : memref<80x64xi32, #tpu.memory_space<vmem>>[vector<16xi32>, vector<16xi32>], vector<16xi32>,
        %gather3A_594 = tpu.vector_load_idx %arg14[%add3A_489, %add3A_586] : memref<80x64xi32, #tpu.memory_space<vmem>>[vector<16xi32>, vector<16xi32>], vector<16xi32>,
        %bitcast3A_595 = vector.bitcast %gather3A_593 : vector<16xi32> to vector<32xbf16>
        %bitcast3A_596 = vector.bitcast %gather3A_594 : vector<16xi32> to vector<32xbf16>
        %mul3A_597 = arith.mulf %bitcast3A_595, %bitcast3A_596 : vector<32xbf16>
        %unpack3A_598 = tpu.unpack_subelements %mul3A_597, 0 {pack_format = #tpu.pack_format<interleaved>} : vector<32xbf16> -> vector<16xf32>
        %unpack3A_599 = tpu.unpack_subelements %mul3A_597, 1 {pack_format = #tpu.pack_format<interleaved>} : vector<32xbf16> -> vector<16xf32>
        %add3A_600 = arith.addf %add3A_582, %unpack3A_598 : vector<16xf32>
        %add3A_601 = arith.addf %add3A_583, %unpack3A_599 : vector<16xf32>
        %add3A_602 = arith.constant 1 : i32
        %add3A_603 = vector.broadcast %add3A_602 : i32 to vector<16xi32>
        %add3A_604 = arith.addi %add3A_586, %add3A_603 : vector<16xi32>
        %scan3A_605 = arith.constant 3 : i32
        %scan3A_606 = arith.addi %scan3A_552, %scan3A_605 : i32
        %mul3A_607 = arith.constant 1 : i32
        %mul3A_608 = arith.muli %scan3A_606, %mul3A_607 : i32
        %add3A_609 = arith.constant 0 : i32
        %add3A_610 = arith.addi %add3A_609, %mul3A_608 : i32
        %gather3A_611 = tpu.vector_load_idx %arg12[%add3A_489, %add3A_604] : memref<80x64xi32, #tpu.memory_space<vmem>>[vector<16xi32>, vector<16xi32>], vector<16xi32>,
        %gather3A_612 = tpu.vector_load_idx %arg14[%add3A_489, %add3A_604] : memref<80x64xi32, #tpu.memory_space<vmem>>[vector<16xi32>, vector<16xi32>], vector<16xi32>,
        %bitcast3A_613 = vector.bitcast %gather3A_611 : vector<16xi32> to vector<32xbf16>
        %bitcast3A_614 = vector.bitcast %gather3A_612 : vector<16xi32> to vector<32xbf16>
        %mul3A_615 = arith.mulf %bitcast3A_613, %bitcast3A_614 : vector<32xbf16>
        %unpack3A_616 = tpu.unpack_subelements %mul3A_615, 0 {pack_format = #tpu.pack_format<interleaved>} : vector<32xbf16> -> vector<16xf32>
        %unpack3A_617 = tpu.unpack_subelements %mul3A_615, 1 {pack_format = #tpu.pack_format<interleaved>} : vector<32xbf16> -> vector<16xf32>
        %add3A_618 = arith.addf %add3A_600, %unpack3A_616 : vector<16xf32>
        %add3A_619 = arith.addf %add3A_601, %unpack3A_617 : vector<16xf32>
        %add3A_620 = arith.constant 1 : i32
        %add3A_621 = vector.broadcast %add3A_620 : i32 to vector<16xi32>
        %add3A_622 = arith.addi %add3A_604, %add3A_621 : vector<16xi32>
        %scan3A_623 = arith.constant 4 : i32
        %scan3A_624 = arith.addi %scan3A_552, %scan3A_623 : i32
        %mul3A_625 = arith.constant 1 : i32
        %mul3A_626 = arith.muli %scan3A_624, %mul3A_625 : i32
        %add3A_627 = arith.constant 0 : i32
        %add3A_628 = arith.addi %add3A_627, %mul3A_626 : i32
        %gather3A_629 = tpu.vector_load_idx %arg12[%add3A_489, %add3A_622] : memref<80x64xi32, #tpu.memory_space<vmem>>[vector<16xi32>, vector<16xi32>], vector<16xi32>,
        %gather3A_630 = tpu.vector_load_idx %arg14[%add3A_489, %add3A_622] : memref<80x64xi32, #tpu.memory_space<vmem>>[vector<16xi32>, vector<16xi32>], vector<16xi32>,
        %bitcast3A_631 = vector.bitcast %gather3A_629 : vector<16xi32> to vector<32xbf16>
        %bitcast3A_632 = vector.bitcast %gather3A_630 : vector<16xi32> to vector<32xbf16>
        %mul3A_633 = arith.mulf %bitcast3A_631, %bitcast3A_632 : vector<32xbf16>
        %unpack3A_634 = tpu.unpack_subelements %mul3A_633, 0 {pack_format = #tpu.pack_format<interleaved>} : vector<32xbf16> -> vector<16xf32>
        %unpack3A_635 = tpu.unpack_subelements %mul3A_633, 1 {pack_format = #tpu.pack_format<interleaved>} : vector<32xbf16> -> vector<16xf32>
        %add3A_636 = arith.addf %add3A_618, %unpack3A_634 : vector<16xf32>
        %add3A_637 = arith.addf %add3A_619, %unpack3A_635 : vector<16xf32>
        %add3A_638 = arith.constant 1 : i32
        %add3A_639 = vector.broadcast %add3A_638 : i32 to vector<16xi32>
        %add3A_640 = arith.addi %add3A_622, %add3A_639 : vector<16xi32>
        %scan3A_641 = arith.constant 5 : i32
        %scan3A_642 = arith.addi %scan3A_552, %scan3A_641 : i32
        %mul3A_643 = arith.constant 1 : i32
        %mul3A_644 = arith.muli %scan3A_642, %mul3A_643 : i32
        %add3A_645 = arith.constant 0 : i32
        %add3A_646 = arith.addi %add3A_645, %mul3A_644 : i32
        %gather3A_647 = tpu.vector_load_idx %arg12[%add3A_489, %add3A_640] : memref<80x64xi32, #tpu.memory_space<vmem>>[vector<16xi32>, vector<16xi32>], vector<16xi32>,
        %gather3A_648 = tpu.vector_load_idx %arg14[%add3A_489, %add3A_640] : memref<80x64xi32, #tpu.memory_space<vmem>>[vector<16xi32>, vector<16xi32>], vector<16xi32>,
        %bitcast3A_649 = vector.bitcast %gather3A_647 : vector<16xi32> to vector<32xbf16>
        %bitcast3A_650 = vector.bitcast %gather3A_648 : vector<16xi32> to vector<32xbf16>
        %mul3A_651 = arith.mulf %bitcast3A_649, %bitcast3A_650 : vector<32xbf16>
        %unpack3A_652 = tpu.unpack_subelements %mul3A_651, 0 {pack_format = #tpu.pack_format<interleaved>} : vector<32xbf16> -> vector<16xf32>
        %unpack3A_653 = tpu.unpack_subelements %mul3A_651, 1 {pack_format = #tpu.pack_format<interleaved>} : vector<32xbf16> -> vector<16xf32>
        %add3A_654 = arith.addf %add3A_636, %unpack3A_652 : vector<16xf32>
        %add3A_655 = arith.addf %add3A_637, %unpack3A_653 : vector<16xf32>
        %add3A_656 = arith.constant 1 : i32
        %add3A_657 = vector.broadcast %add3A_656 : i32 to vector<16xi32>
        %add3A_658 = arith.addi %add3A_640, %add3A_657 : vector<16xi32>
        %scan3A_659 = arith.constant 6 : i32
        %scan3A_660 = arith.addi %scan3A_552, %scan3A_659 : i32
        %mul3A_661 = arith.constant 1 : i32
        %mul3A_662 = arith.muli %scan3A_660, %mul3A_661 : i32
        %add3A_663 = arith.constant 0 : i32
        %add3A_664 = arith.addi %add3A_663, %mul3A_662 : i32
        %gather3A_665 = tpu.vector_load_idx %arg12[%add3A_489, %add3A_658] : memref<80x64xi32, #tpu.memory_space<vmem>>[vector<16xi32>, vector<16xi32>], vector<16xi32>,
        %gather3A_666 = tpu.vector_load_idx %arg14[%add3A_489, %add3A_658] : memref<80x64xi32, #tpu.memory_space<vmem>>[vector<16xi32>, vector<16xi32>], vector<16xi32>,
        %bitcast3A_667 = vector.bitcast %gather3A_665 : vector<16xi32> to vector<32xbf16>
        %bitcast3A_668 = vector.bitcast %gather3A_666 : vector<16xi32> to vector<32xbf16>
        %mul3A_669 = arith.mulf %bitcast3A_667, %bitcast3A_668 : vector<32xbf16>
        %unpack3A_670 = tpu.unpack_subelements %mul3A_669, 0 {pack_format = #tpu.pack_format<interleaved>} : vector<32xbf16> -> vector<16xf32>
        %unpack3A_671 = tpu.unpack_subelements %mul3A_669, 1 {pack_format = #tpu.pack_format<interleaved>} : vector<32xbf16> -> vector<16xf32>
        %add3A_672 = arith.addf %add3A_654, %unpack3A_670 : vector<16xf32>
        %add3A_673 = arith.addf %add3A_655, %unpack3A_671 : vector<16xf32>
        %add3A_674 = arith.constant 1 : i32
        %add3A_675 = vector.broadcast %add3A_674 : i32 to vector<16xi32>
        %add3A_676 = arith.addi %add3A_658, %add3A_675 : vector<16xi32>
        %scan3A_677 = arith.constant 7 : i32
        %scan3A_678 = arith.addi %scan3A_552, %scan3A_677 : i32
        %mul3A_679 = arith.constant 1 : i32
        %mul3A_680 = arith.muli %scan3A_678, %mul3A_679 : i32
        %add3A_681 = arith.constant 0 : i32
        %add3A_682 = arith.addi %add3A_681, %mul3A_680 : i32
        %gather3A_683 = tpu.vector_load_idx %arg12[%add3A_489, %add3A_676] : memref<80x64xi32, #tpu.memory_space<vmem>>[vector<16xi32>, vector<16xi32>], vector<16xi32>,
        %gather3A_684 = tpu.vector_load_idx %arg14[%add3A_489, %add3A_676] : memref<80x64xi32, #tpu.memory_space<vmem>>[vector<16xi32>, vector<16xi32>], vector<16xi32>,
        %bitcast3A_685 = vector.bitcast %gather3A_683 : vector<16xi32> to vector<32xbf16>
        %bitcast3A_686 = vector.bitcast %gather3A_684 : vector<16xi32> to vector<32xbf16>
        %mul3A_687 = arith.mulf %bitcast3A_685, %bitcast3A_686 : vector<32xbf16>
        %unpack3A_688 = tpu.unpack_subelements %mul3A_687, 0 {pack_format = #tpu.pack_format<interleaved>} : vector<32xbf16> -> vector<16xf32>
        %unpack3A_689 = tpu.unpack_subelements %mul3A_687, 1 {pack_format = #tpu.pack_format<interleaved>} : vector<32xbf16> -> vector<16xf32>
        %add3A_690 = arith.addf %add3A_672, %unpack3A_688 : vector<16xf32>
        %add3A_691 = arith.addf %add3A_673, %unpack3A_689 : vector<16xf32>
        %add3A_692 = arith.constant 1 : i32
        %add3A_693 = vector.broadcast %add3A_692 : i32 to vector<16xi32>
        %add3A_694 = arith.addi %add3A_676, %add3A_693 : vector<16xi32>
        scf.yield %add3A_690, %add3A_691, %add3A_694 : vector<16xf32>, vector<16xf32>, vector<16xi32>
      }
      %scan3A_501 = arith.constant 64 : i32
      %add3A_502 = arith.addf %scan3A_500#0, %scan3A_500#1 : vector<16xf32>
      %neg3A_503 = arith.constant 0.000000e+00 : f32
      %neg3A_504 = vector.broadcast %neg3A_503 : f32 to vector<16xf32>
      %neg3A_505 = arith.subf %neg3A_504, %add3A_502 : vector<16xf32>
      %exp3A_506 = math.exp %neg3A_505 : vector<16xf32>
      %add3A_507 = arith.constant 1.000000e+00 : f32
      %add3A_508 = vector.broadcast %add3A_507 : f32 to vector<16xf32>
      %add3A_509 = arith.addf %add3A_508, %exp3A_506 : vector<16xf32>
      %div3A_510 = arith.constant 1.000000e+00 : f32
      %div3A_511 = vector.broadcast %div3A_510 : f32 to vector<16xf32>
      %div3A_512 = arith.divf %div3A_511, %add3A_509 : vector<16xf32>
      %mul3A_513 = arith.constant 80 : i32
      %mul3A_514 = arith.muli %add3A_366, %mul3A_513 : i32
      %add3A_515 = arith.constant 48 : i32
      %add3A_516 = arith.addi %mul3A_514, %add3A_515 : i32
      %swap3A_517 = arith.index_cast %add3A_516 : i32 to index
      %swap3A_518 = tpu.vector_load %arg15[%swap3A_517] {strides = array<i32>} : memref<10000xf32, #tpu.memory_space<vmem>>, vector<16xf32>,
      tpu.vector_store %arg15[%swap3A_517], %div3A_512 {strides = array<i32>} : memref<10000xf32, #tpu.memory_space<vmem>>, vector<16xf32>,
      %iota3A_519 = tpu.iota {dimensions = array<i32: 0>} : vector<16xi32>
      %add3A_520 = arith.constant 64 : i32
      %add3A_521 = vector.broadcast %add3A_520 : i32 to vector<16xi32>
      %add3A_522 = arith.addi %iota3A_519, %add3A_521 : vector<16xi32>
      %broadcast_in_dim3A_523 = arith.constant 0.000000e+00 : f32
      %broadcast_in_dim3A_524 = vector.broadcast %broadcast_in_dim3A_523 : f32 to vector<16xf32>
      %broadcast_in_dim3A_525 = arith.constant 0.000000e+00 : f32
      %broadcast_in_dim3A_526 = vector.broadcast %broadcast_in_dim3A_525 : f32 to vector<16xf32>
      %broadcast_in_dim3A_527 = arith.constant 0 : i32
      %broadcast_in_dim3A_528 = vector.broadcast %broadcast_in_dim3A_527 : i32 to vector<16xi32>
      %scan3A_529 = arith.constant 0 : i32
      %scan3A_530 = arith.constant 64 : i32
      %scan3A_531 = arith.addi %scan3A_529, %scan3A_530 : i32
      %scan3A_532 = arith.constant 8 : i32
      %scan3A_533:3 = scf.for %scan3A_552 = %scan3A_529 to %scan3A_531 step %scan3A_532 iter_args(%scan3A_553 = %broadcast_in_dim3A_524, %scan3A_554 = %broadcast_in_dim3A_526, %scan3A_555 = %broadcast_in_dim3A_528) -> (vector<16xf32>, vector<16xf32>, vector<16xi32>)  : i32 {
        %mul3A_556 = arith.constant 1 : i32
        %mul3A_557 = arith.muli %scan3A_552, %mul3A_556 : i32
        %add3A_558 = arith.constant 0 : i32
        %add3A_559 = arith.addi %add3A_558, %mul3A_557 : i32
        %gather3A = tpu.vector_load_idx %arg12[%add3A_522, %scan3A_555] : memref<80x64xi32, #tpu.memory_space<vmem>>[vector<16xi32>, vector<16xi32>], vector<16xi32>,
        %gather3A_560 = tpu.vector_load_idx %arg14[%add3A_522, %scan3A_555] : memref<80x64xi32, #tpu.memory_space<vmem>>[vector<16xi32>, vector<16xi32>], vector<16xi32>,
        %bitcast3A = vector.bitcast %gather3A : vector<16xi32> to vector<32xbf16>
        %bitcast3A_561 = vector.bitcast %gather3A_560 : vector<16xi32> to vector<32xbf16>
        %mul3A_562 = arith.mulf %bitcast3A, %bitcast3A_561 : vector<32xbf16>
        %unpack3A = tpu.unpack_subelements %mul3A_562, 0 {pack_format = #tpu.pack_format<interleaved>} : vector<32xbf16> -> vector<16xf32>
        %unpack3A_563 = tpu.unpack_subelements %mul3A_562, 1 {pack_format = #tpu.pack_format<interleaved>} : vector<32xbf16> -> vector<16xf32>
        %add3A_564 = arith.addf %scan3A_553, %unpack3A : vector<16xf32>
        %add3A_565 = arith.addf %scan3A_554, %unpack3A_563 : vector<16xf32>
        %add3A_566 = arith.constant 1 : i32
        %add3A_567 = vector.broadcast %add3A_566 : i32 to vector<16xi32>
        %add3A_568 = arith.addi %scan3A_555, %add3A_567 : vector<16xi32>
        %scan3A_569 = arith.constant 1 : i32
        %scan3A_570 = arith.addi %scan3A_552, %scan3A_569 : i32
        %mul3A_571 = arith.constant 1 : i32
        %mul3A_572 = arith.muli %scan3A_570, %mul3A_571 : i32
        %add3A_573 = arith.constant 0 : i32
        %add3A_574 = arith.addi %add3A_573, %mul3A_572 : i32
        %gather3A_575 = tpu.vector_load_idx %arg12[%add3A_522, %add3A_568] : memref<80x64xi32, #tpu.memory_space<vmem>>[vector<16xi32>, vector<16xi32>], vector<16xi32>,
        %gather3A_576 = tpu.vector_load_idx %arg14[%add3A_522, %add3A_568] : memref<80x64xi32, #tpu.memory_space<vmem>>[vector<16xi32>, vector<16xi32>], vector<16xi32>,
        %bitcast3A_577 = vector.bitcast %gather3A_575 : vector<16xi32> to vector<32xbf16>
        %bitcast3A_578 = vector.bitcast %gather3A_576 : vector<16xi32> to vector<32xbf16>
        %mul3A_579 = arith.mulf %bitcast3A_577, %bitcast3A_578 : vector<32xbf16>
        %unpack3A_580 = tpu.unpack_subelements %mul3A_579, 0 {pack_format = #tpu.pack_format<interleaved>} : vector<32xbf16> -> vector<16xf32>
        %unpack3A_581 = tpu.unpack_subelements %mul3A_579, 1 {pack_format = #tpu.pack_format<interleaved>} : vector<32xbf16> -> vector<16xf32>
        %add3A_582 = arith.addf %add3A_564, %unpack3A_580 : vector<16xf32>
        %add3A_583 = arith.addf %add3A_565, %unpack3A_581 : vector<16xf32>
        %add3A_584 = arith.constant 1 : i32
        %add3A_585 = vector.broadcast %add3A_584 : i32 to vector<16xi32>
        %add3A_586 = arith.addi %add3A_568, %add3A_585 : vector<16xi32>
        %scan3A_587 = arith.constant 2 : i32
        %scan3A_588 = arith.addi %scan3A_552, %scan3A_587 : i32
        %mul3A_589 = arith.constant 1 : i32
        %mul3A_590 = arith.muli %scan3A_588, %mul3A_589 : i32
        %add3A_591 = arith.constant 0 : i32
        %add3A_592 = arith.addi %add3A_591, %mul3A_590 : i32
        %gather3A_593 = tpu.vector_load_idx %arg12[%add3A_522, %add3A_586] : memref<80x64xi32, #tpu.memory_space<vmem>>[vector<16xi32>, vector<16xi32>], vector<16xi32>,
        %gather3A_594 = tpu.vector_load_idx %arg14[%add3A_522, %add3A_586] : memref<80x64xi32, #tpu.memory_space<vmem>>[vector<16xi32>, vector<16xi32>], vector<16xi32>,
        %bitcast3A_595 = vector.bitcast %gather3A_593 : vector<16xi32> to vector<32xbf16>
        %bitcast3A_596 = vector.bitcast %gather3A_594 : vector<16xi32> to vector<32xbf16>
        %mul3A_597 = arith.mulf %bitcast3A_595, %bitcast3A_596 : vector<32xbf16>
        %unpack3A_598 = tpu.unpack_subelements %mul3A_597, 0 {pack_format = #tpu.pack_format<interleaved>} : vector<32xbf16> -> vector<16xf32>
        %unpack3A_599 = tpu.unpack_subelements %mul3A_597, 1 {pack_format = #tpu.pack_format<interleaved>} : vector<32xbf16> -> vector<16xf32>
        %add3A_600 = arith.addf %add3A_582, %unpack3A_598 : vector<16xf32>
        %add3A_601 = arith.addf %add3A_583, %unpack3A_599 : vector<16xf32>
        %add3A_602 = arith.constant 1 : i32
        %add3A_603 = vector.broadcast %add3A_602 : i32 to vector<16xi32>
        %add3A_604 = arith.addi %add3A_586, %add3A_603 : vector<16xi32>
        %scan3A_605 = arith.constant 3 : i32
        %scan3A_606 = arith.addi %scan3A_552, %scan3A_605 : i32
        %mul3A_607 = arith.constant 1 : i32
        %mul3A_608 = arith.muli %scan3A_606, %mul3A_607 : i32
        %add3A_609 = arith.constant 0 : i32
        %add3A_610 = arith.addi %add3A_609, %mul3A_608 : i32
        %gather3A_611 = tpu.vector_load_idx %arg12[%add3A_522, %add3A_604] : memref<80x64xi32, #tpu.memory_space<vmem>>[vector<16xi32>, vector<16xi32>], vector<16xi32>,
        %gather3A_612 = tpu.vector_load_idx %arg14[%add3A_522, %add3A_604] : memref<80x64xi32, #tpu.memory_space<vmem>>[vector<16xi32>, vector<16xi32>], vector<16xi32>,
        %bitcast3A_613 = vector.bitcast %gather3A_611 : vector<16xi32> to vector<32xbf16>
        %bitcast3A_614 = vector.bitcast %gather3A_612 : vector<16xi32> to vector<32xbf16>
        %mul3A_615 = arith.mulf %bitcast3A_613, %bitcast3A_614 : vector<32xbf16>
        %unpack3A_616 = tpu.unpack_subelements %mul3A_615, 0 {pack_format = #tpu.pack_format<interleaved>} : vector<32xbf16> -> vector<16xf32>
        %unpack3A_617 = tpu.unpack_subelements %mul3A_615, 1 {pack_format = #tpu.pack_format<interleaved>} : vector<32xbf16> -> vector<16xf32>
        %add3A_618 = arith.addf %add3A_600, %unpack3A_616 : vector<16xf32>
        %add3A_619 = arith.addf %add3A_601, %unpack3A_617 : vector<16xf32>
        %add3A_620 = arith.constant 1 : i32
        %add3A_621 = vector.broadcast %add3A_620 : i32 to vector<16xi32>
        %add3A_622 = arith.addi %add3A_604, %add3A_621 : vector<16xi32>
        %scan3A_623 = arith.constant 4 : i32
        %scan3A_624 = arith.addi %scan3A_552, %scan3A_623 : i32
        %mul3A_625 = arith.constant 1 : i32
        %mul3A_626 = arith.muli %scan3A_624, %mul3A_625 : i32
        %add3A_627 = arith.constant 0 : i32
        %add3A_628 = arith.addi %add3A_627, %mul3A_626 : i32
        %gather3A_629 = tpu.vector_load_idx %arg12[%add3A_522, %add3A_622] : memref<80x64xi32, #tpu.memory_space<vmem>>[vector<16xi32>, vector<16xi32>], vector<16xi32>,
        %gather3A_630 = tpu.vector_load_idx %arg14[%add3A_522, %add3A_622] : memref<80x64xi32, #tpu.memory_space<vmem>>[vector<16xi32>, vector<16xi32>], vector<16xi32>,
        %bitcast3A_631 = vector.bitcast %gather3A_629 : vector<16xi32> to vector<32xbf16>
        %bitcast3A_632 = vector.bitcast %gather3A_630 : vector<16xi32> to vector<32xbf16>
        %mul3A_633 = arith.mulf %bitcast3A_631, %bitcast3A_632 : vector<32xbf16>
        %unpack3A_634 = tpu.unpack_subelements %mul3A_633, 0 {pack_format = #tpu.pack_format<interleaved>} : vector<32xbf16> -> vector<16xf32>
        %unpack3A_635 = tpu.unpack_subelements %mul3A_633, 1 {pack_format = #tpu.pack_format<interleaved>} : vector<32xbf16> -> vector<16xf32>
        %add3A_636 = arith.addf %add3A_618, %unpack3A_634 : vector<16xf32>
        %add3A_637 = arith.addf %add3A_619, %unpack3A_635 : vector<16xf32>
        %add3A_638 = arith.constant 1 : i32
        %add3A_639 = vector.broadcast %add3A_638 : i32 to vector<16xi32>
        %add3A_640 = arith.addi %add3A_622, %add3A_639 : vector<16xi32>
        %scan3A_641 = arith.constant 5 : i32
        %scan3A_642 = arith.addi %scan3A_552, %scan3A_641 : i32
        %mul3A_643 = arith.constant 1 : i32
        %mul3A_644 = arith.muli %scan3A_642, %mul3A_643 : i32
        %add3A_645 = arith.constant 0 : i32
        %add3A_646 = arith.addi %add3A_645, %mul3A_644 : i32
        %gather3A_647 = tpu.vector_load_idx %arg12[%add3A_522, %add3A_640] : memref<80x64xi32, #tpu.memory_space<vmem>>[vector<16xi32>, vector<16xi32>], vector<16xi32>,
        %gather3A_648 = tpu.vector_load_idx %arg14[%add3A_522, %add3A_640] : memref<80x64xi32, #tpu.memory_space<vmem>>[vector<16xi32>, vector<16xi32>], vector<16xi32>,
        %bitcast3A_649 = vector.bitcast %gather3A_647 : vector<16xi32> to vector<32xbf16>
        %bitcast3A_650 = vector.bitcast %gather3A_648 : vector<16xi32> to vector<32xbf16>
        %mul3A_651 = arith.mulf %bitcast3A_649, %bitcast3A_650 : vector<32xbf16>
        %unpack3A_652 = tpu.unpack_subelements %mul3A_651, 0 {pack_format = #tpu.pack_format<interleaved>} : vector<32xbf16> -> vector<16xf32>
        %unpack3A_653 = tpu.unpack_subelements %mul3A_651, 1 {pack_format = #tpu.pack_format<interleaved>} : vector<32xbf16> -> vector<16xf32>
        %add3A_654 = arith.addf %add3A_636, %unpack3A_652 : vector<16xf32>
        %add3A_655 = arith.addf %add3A_637, %unpack3A_653 : vector<16xf32>
        %add3A_656 = arith.constant 1 : i32
        %add3A_657 = vector.broadcast %add3A_656 : i32 to vector<16xi32>
        %add3A_658 = arith.addi %add3A_640, %add3A_657 : vector<16xi32>
        %scan3A_659 = arith.constant 6 : i32
        %scan3A_660 = arith.addi %scan3A_552, %scan3A_659 : i32
        %mul3A_661 = arith.constant 1 : i32
        %mul3A_662 = arith.muli %scan3A_660, %mul3A_661 : i32
        %add3A_663 = arith.constant 0 : i32
        %add3A_664 = arith.addi %add3A_663, %mul3A_662 : i32
        %gather3A_665 = tpu.vector_load_idx %arg12[%add3A_522, %add3A_658] : memref<80x64xi32, #tpu.memory_space<vmem>>[vector<16xi32>, vector<16xi32>], vector<16xi32>,
        %gather3A_666 = tpu.vector_load_idx %arg14[%add3A_522, %add3A_658] : memref<80x64xi32, #tpu.memory_space<vmem>>[vector<16xi32>, vector<16xi32>], vector<16xi32>,
        %bitcast3A_667 = vector.bitcast %gather3A_665 : vector<16xi32> to vector<32xbf16>
        %bitcast3A_668 = vector.bitcast %gather3A_666 : vector<16xi32> to vector<32xbf16>
        %mul3A_669 = arith.mulf %bitcast3A_667, %bitcast3A_668 : vector<32xbf16>
        %unpack3A_670 = tpu.unpack_subelements %mul3A_669, 0 {pack_format = #tpu.pack_format<interleaved>} : vector<32xbf16> -> vector<16xf32>
        %unpack3A_671 = tpu.unpack_subelements %mul3A_669, 1 {pack_format = #tpu.pack_format<interleaved>} : vector<32xbf16> -> vector<16xf32>
        %add3A_672 = arith.addf %add3A_654, %unpack3A_670 : vector<16xf32>
        %add3A_673 = arith.addf %add3A_655, %unpack3A_671 : vector<16xf32>
        %add3A_674 = arith.constant 1 : i32
        %add3A_675 = vector.broadcast %add3A_674 : i32 to vector<16xi32>
        %add3A_676 = arith.addi %add3A_658, %add3A_675 : vector<16xi32>
        %scan3A_677 = arith.constant 7 : i32
        %scan3A_678 = arith.addi %scan3A_552, %scan3A_677 : i32
        %mul3A_679 = arith.constant 1 : i32
        %mul3A_680 = arith.muli %scan3A_678, %mul3A_679 : i32
        %add3A_681 = arith.constant 0 : i32
        %add3A_682 = arith.addi %add3A_681, %mul3A_680 : i32
        %gather3A_683 = tpu.vector_load_idx %arg12[%add3A_522, %add3A_676] : memref<80x64xi32, #tpu.memory_space<vmem>>[vector<16xi32>, vector<16xi32>], vector<16xi32>,
        %gather3A_684 = tpu.vector_load_idx %arg14[%add3A_522, %add3A_676] : memref<80x64xi32, #tpu.memory_space<vmem>>[vector<16xi32>, vector<16xi32>], vector<16xi32>,
        %bitcast3A_685 = vector.bitcast %gather3A_683 : vector<16xi32> to vector<32xbf16>
        %bitcast3A_686 = vector.bitcast %gather3A_684 : vector<16xi32> to vector<32xbf16>
        %mul3A_687 = arith.mulf %bitcast3A_685, %bitcast3A_686 : vector<32xbf16>
        %unpack3A_688 = tpu.unpack_subelements %mul3A_687, 0 {pack_format = #tpu.pack_format<interleaved>} : vector<32xbf16> -> vector<16xf32>
        %unpack3A_689 = tpu.unpack_subelements %mul3A_687, 1 {pack_format = #tpu.pack_format<interleaved>} : vector<32xbf16> -> vector<16xf32>
        %add3A_690 = arith.addf %add3A_672, %unpack3A_688 : vector<16xf32>
        %add3A_691 = arith.addf %add3A_673, %unpack3A_689 : vector<16xf32>
        %add3A_692 = arith.constant 1 : i32
        %add3A_693 = vector.broadcast %add3A_692 : i32 to vector<16xi32>
        %add3A_694 = arith.addi %add3A_676, %add3A_693 : vector<16xi32>
        scf.yield %add3A_690, %add3A_691, %add3A_694 : vector<16xf32>, vector<16xf32>, vector<16xi32>
      }
      %scan3A_534 = arith.constant 64 : i32
      %add3A_535 = arith.addf %scan3A_533#0, %scan3A_533#1 : vector<16xf32>
      %neg3A_536 = arith.constant 0.000000e+00 : f32
      %neg3A_537 = vector.broadcast %neg3A_536 : f32 to vector<16xf32>
      %neg3A_538 = arith.subf %neg3A_537, %add3A_535 : vector<16xf32>
      %exp3A_539 = math.exp %neg3A_538 : vector<16xf32>
      %add3A_540 = arith.constant 1.000000e+00 : f32
      %add3A_541 = vector.broadcast %add3A_540 : f32 to vector<16xf32>
      %add3A_542 = arith.addf %add3A_541, %exp3A_539 : vector<16xf32>
      %div3A_543 = arith.constant 1.000000e+00 : f32
      %div3A_544 = vector.broadcast %div3A_543 : f32 to vector<16xf32>
      %div3A_545 = arith.divf %div3A_544, %add3A_542 : vector<16xf32>
      %mul3A_546 = arith.constant 80 : i32
      %mul3A_547 = arith.muli %add3A_366, %mul3A_546 : i32
      %add3A_548 = arith.constant 64 : i32
      %add3A_549 = arith.addi %mul3A_547, %add3A_548 : i32
      %swap3A_550 = arith.index_cast %add3A_549 : i32 to index
      %swap3A_551 = tpu.vector_load %arg15[%swap3A_550] {strides = array<i32>} : memref<10000xf32, #tpu.memory_space<vmem>>, vector<16xf32>,
      tpu.vector_store %arg15[%swap3A_550], %div3A_545 {strides = array<i32>} : memref<10000xf32, #tpu.memory_space<vmem>>, vector<16xf32>,
    }
    %scan3A_30 = arith.constant 62 : i32
    %dma_wait3A_31 = arith.constant 0 : i32
    %dma_wait3A_32 = arith.constant 0 : i32
    %dma_wait3A_33 = tpu.memref_slice %arg2[%dma_wait3A_31, %dma_wait3A_32] : memref<10000x64xi32, #tpu.memory_space<hbm>> -> memref<10000x64xi32, #tpu.memory_space<hbm>>
    tpu.wait_indirect_dma semaphore(%arg16 : memref<!tpu.dma_semaphore, #tpu.memory_space<semaphore_mem>>) src(%dma_wait3A_33 : memref<10000x64xi32, #tpu.memory_space<hbm>>) dst(%arg11 : memref<80x64xi32, #tpu.memory_space<vmem>>)
    %dma_wait3A_34 = arith.constant 0 : i32
    %dma_wait3A_35 = arith.constant 0 : i32
    %dma_wait3A_36 = tpu.memref_slice %arg3[%dma_wait3A_34, %dma_wait3A_35] : memref<10000x64xi32, #tpu.memory_space<hbm>> -> memref<10000x64xi32, #tpu.memory_space<hbm>>
    tpu.wait_indirect_dma semaphore(%arg16 : memref<!tpu.dma_semaphore, #tpu.memory_space<semaphore_mem>>) src(%dma_wait3A_36 : memref<10000x64xi32, #tpu.memory_space<hbm>>) dst(%arg13 : memref<80x64xi32, #tpu.memory_space<vmem>>)
    %iota3A = tpu.iota {dimensions = array<i32: 0>} : vector<16xi32>
    %add3A_37 = arith.constant 0 : i32
    %add3A_38 = vector.broadcast %add3A_37 : i32 to vector<16xi32>
    %add3A_39 = arith.addi %iota3A, %add3A_38 : vector<16xi32>
    %broadcast_in_dim3A = arith.constant 0.000000e+00 : f32
    %broadcast_in_dim3A_40 = vector.broadcast %broadcast_in_dim3A : f32 to vector<16xf32>
    %broadcast_in_dim3A_41 = arith.constant 0.000000e+00 : f32
    %broadcast_in_dim3A_42 = vector.broadcast %broadcast_in_dim3A_41 : f32 to vector<16xf32>
    %broadcast_in_dim3A_43 = arith.constant 0 : i32
    %broadcast_in_dim3A_44 = vector.broadcast %broadcast_in_dim3A_43 : i32 to vector<16xi32>
    %scan3A_45 = arith.constant 0 : i32
    %scan3A_46 = arith.constant 64 : i32
    %scan3A_47 = arith.addi %scan3A_45, %scan3A_46 : i32
    %scan3A_48 = arith.constant 8 : i32
    %scan3A_49:3 = scf.for %scan3A_176 = %scan3A_45 to %scan3A_47 step %scan3A_48 iter_args(%scan3A_177 = %broadcast_in_dim3A_40, %scan3A_178 = %broadcast_in_dim3A_42, %scan3A_179 = %broadcast_in_dim3A_44) -> (vector<16xf32>, vector<16xf32>, vector<16xi32>)  : i32 {
      %mul3A_180 = arith.constant 1 : i32
      %mul3A_181 = arith.muli %scan3A_176, %mul3A_180 : i32
      %add3A_182 = arith.constant 0 : i32
      %add3A_183 = arith.addi %add3A_182, %mul3A_181 : i32
      %gather3A = tpu.vector_load_idx %arg11[%add3A_39, %scan3A_179] : memref<80x64xi32, #tpu.memory_space<vmem>>[vector<16xi32>, vector<16xi32>], vector<16xi32>,
      %gather3A_184 = tpu.vector_load_idx %arg13[%add3A_39, %scan3A_179] : memref<80x64xi32, #tpu.memory_space<vmem>>[vector<16xi32>, vector<16xi32>], vector<16xi32>,
      %bitcast3A = vector.bitcast %gather3A : vector<16xi32> to vector<32xbf16>
      %bitcast3A_185 = vector.bitcast %gather3A_184 : vector<16xi32> to vector<32xbf16>
      %mul3A_186 = arith.mulf %bitcast3A, %bitcast3A_185 : vector<32xbf16>
      %unpack3A = tpu.unpack_subelements %mul3A_186, 0 {pack_format = #tpu.pack_format<interleaved>} : vector<32xbf16> -> vector<16xf32>
      %unpack3A_187 = tpu.unpack_subelements %mul3A_186, 1 {pack_format = #tpu.pack_format<interleaved>} : vector<32xbf16> -> vector<16xf32>
      %add3A_188 = arith.addf %scan3A_177, %unpack3A : vector<16xf32>
      %add3A_189 = arith.addf %scan3A_178, %unpack3A_187 : vector<16xf32>
      %add3A_190 = arith.constant 1 : i32
      %add3A_191 = vector.broadcast %add3A_190 : i32 to vector<16xi32>
      %add3A_192 = arith.addi %scan3A_179, %add3A_191 : vector<16xi32>
      %scan3A_193 = arith.constant 1 : i32
      %scan3A_194 = arith.addi %scan3A_176, %scan3A_193 : i32
      %mul3A_195 = arith.constant 1 : i32
      %mul3A_196 = arith.muli %scan3A_194, %mul3A_195 : i32
      %add3A_197 = arith.constant 0 : i32
      %add3A_198 = arith.addi %add3A_197, %mul3A_196 : i32
      %gather3A_199 = tpu.vector_load_idx %arg11[%add3A_39, %add3A_192] : memref<80x64xi32, #tpu.memory_space<vmem>>[vector<16xi32>, vector<16xi32>], vector<16xi32>,
      %gather3A_200 = tpu.vector_load_idx %arg13[%add3A_39, %add3A_192] : memref<80x64xi32, #tpu.memory_space<vmem>>[vector<16xi32>, vector<16xi32>], vector<16xi32>,
      %bitcast3A_201 = vector.bitcast %gather3A_199 : vector<16xi32> to vector<32xbf16>
      %bitcast3A_202 = vector.bitcast %gather3A_200 : vector<16xi32> to vector<32xbf16>
      %mul3A_203 = arith.mulf %bitcast3A_201, %bitcast3A_202 : vector<32xbf16>
      %unpack3A_204 = tpu.unpack_subelements %mul3A_203, 0 {pack_format = #tpu.pack_format<interleaved>} : vector<32xbf16> -> vector<16xf32>
      %unpack3A_205 = tpu.unpack_subelements %mul3A_203, 1 {pack_format = #tpu.pack_format<interleaved>} : vector<32xbf16> -> vector<16xf32>
      %add3A_206 = arith.addf %add3A_188, %unpack3A_204 : vector<16xf32>
      %add3A_207 = arith.addf %add3A_189, %unpack3A_205 : vector<16xf32>
      %add3A_208 = arith.constant 1 : i32
      %add3A_209 = vector.broadcast %add3A_208 : i32 to vector<16xi32>
      %add3A_210 = arith.addi %add3A_192, %add3A_209 : vector<16xi32>
      %scan3A_211 = arith.constant 2 : i32
      %scan3A_212 = arith.addi %scan3A_176, %scan3A_211 : i32
      %mul3A_213 = arith.constant 1 : i32
      %mul3A_214 = arith.muli %scan3A_212, %mul3A_213 : i32
      %add3A_215 = arith.constant 0 : i32
      %add3A_216 = arith.addi %add3A_215, %mul3A_214 : i32
      %gather3A_217 = tpu.vector_load_idx %arg11[%add3A_39, %add3A_210] : memref<80x64xi32, #tpu.memory_space<vmem>>[vector<16xi32>, vector<16xi32>], vector<16xi32>,
      %gather3A_218 = tpu.vector_load_idx %arg13[%add3A_39, %add3A_210] : memref<80x64xi32, #tpu.memory_space<vmem>>[vector<16xi32>, vector<16xi32>], vector<16xi32>,
      %bitcast3A_219 = vector.bitcast %gather3A_217 : vector<16xi32> to vector<32xbf16>
      %bitcast3A_220 = vector.bitcast %gather3A_218 : vector<16xi32> to vector<32xbf16>
      %mul3A_221 = arith.mulf %bitcast3A_219, %bitcast3A_220 : vector<32xbf16>
      %unpack3A_222 = tpu.unpack_subelements %mul3A_221, 0 {pack_format = #tpu.pack_format<interleaved>} : vector<32xbf16> -> vector<16xf32>
      %unpack3A_223 = tpu.unpack_subelements %mul3A_221, 1 {pack_format = #tpu.pack_format<interleaved>} : vector<32xbf16> -> vector<16xf32>
      %add3A_224 = arith.addf %add3A_206, %unpack3A_222 : vector<16xf32>
      %add3A_225 = arith.addf %add3A_207, %unpack3A_223 : vector<16xf32>
      %add3A_226 = arith.constant 1 : i32
      %add3A_227 = vector.broadcast %add3A_226 : i32 to vector<16xi32>
      %add3A_228 = arith.addi %add3A_210, %add3A_227 : vector<16xi32>
      %scan3A_229 = arith.constant 3 : i32
      %scan3A_230 = arith.addi %scan3A_176, %scan3A_229 : i32
      %mul3A_231 = arith.constant 1 : i32
      %mul3A_232 = arith.muli %scan3A_230, %mul3A_231 : i32
      %add3A_233 = arith.constant 0 : i32
      %add3A_234 = arith.addi %add3A_233, %mul3A_232 : i32
      %gather3A_235 = tpu.vector_load_idx %arg11[%add3A_39, %add3A_228] : memref<80x64xi32, #tpu.memory_space<vmem>>[vector<16xi32>, vector<16xi32>], vector<16xi32>,
      %gather3A_236 = tpu.vector_load_idx %arg13[%add3A_39, %add3A_228] : memref<80x64xi32, #tpu.memory_space<vmem>>[vector<16xi32>, vector<16xi32>], vector<16xi32>,
      %bitcast3A_237 = vector.bitcast %gather3A_235 : vector<16xi32> to vector<32xbf16>
      %bitcast3A_238 = vector.bitcast %gather3A_236 : vector<16xi32> to vector<32xbf16>
      %mul3A_239 = arith.mulf %bitcast3A_237, %bitcast3A_238 : vector<32xbf16>
      %unpack3A_240 = tpu.unpack_subelements %mul3A_239, 0 {pack_format = #tpu.pack_format<interleaved>} : vector<32xbf16> -> vector<16xf32>
      %unpack3A_241 = tpu.unpack_subelements %mul3A_239, 1 {pack_format = #tpu.pack_format<interleaved>} : vector<32xbf16> -> vector<16xf32>
      %add3A_242 = arith.addf %add3A_224, %unpack3A_240 : vector<16xf32>
      %add3A_243 = arith.addf %add3A_225, %unpack3A_241 : vector<16xf32>
      %add3A_244 = arith.constant 1 : i32
      %add3A_245 = vector.broadcast %add3A_244 : i32 to vector<16xi32>
      %add3A_246 = arith.addi %add3A_228, %add3A_245 : vector<16xi32>
      %scan3A_247 = arith.constant 4 : i32
      %scan3A_248 = arith.addi %scan3A_176, %scan3A_247 : i32
      %mul3A_249 = arith.constant 1 : i32
      %mul3A_250 = arith.muli %scan3A_248, %mul3A_249 : i32
      %add3A_251 = arith.constant 0 : i32
      %add3A_252 = arith.addi %add3A_251, %mul3A_250 : i32
      %gather3A_253 = tpu.vector_load_idx %arg11[%add3A_39, %add3A_246] : memref<80x64xi32, #tpu.memory_space<vmem>>[vector<16xi32>, vector<16xi32>], vector<16xi32>,
      %gather3A_254 = tpu.vector_load_idx %arg13[%add3A_39, %add3A_246] : memref<80x64xi32, #tpu.memory_space<vmem>>[vector<16xi32>, vector<16xi32>], vector<16xi32>,
      %bitcast3A_255 = vector.bitcast %gather3A_253 : vector<16xi32> to vector<32xbf16>
      %bitcast3A_256 = vector.bitcast %gather3A_254 : vector<16xi32> to vector<32xbf16>
      %mul3A_257 = arith.mulf %bitcast3A_255, %bitcast3A_256 : vector<32xbf16>
      %unpack3A_258 = tpu.unpack_subelements %mul3A_257, 0 {pack_format = #tpu.pack_format<interleaved>} : vector<32xbf16> -> vector<16xf32>
      %unpack3A_259 = tpu.unpack_subelements %mul3A_257, 1 {pack_format = #tpu.pack_format<interleaved>} : vector<32xbf16> -> vector<16xf32>
      %add3A_260 = arith.addf %add3A_242, %unpack3A_258 : vector<16xf32>
      %add3A_261 = arith.addf %add3A_243, %unpack3A_259 : vector<16xf32>
      %add3A_262 = arith.constant 1 : i32
      %add3A_263 = vector.broadcast %add3A_262 : i32 to vector<16xi32>
      %add3A_264 = arith.addi %add3A_246, %add3A_263 : vector<16xi32>
      %scan3A_265 = arith.constant 5 : i32
      %scan3A_266 = arith.addi %scan3A_176, %scan3A_265 : i32
      %mul3A_267 = arith.constant 1 : i32
      %mul3A_268 = arith.muli %scan3A_266, %mul3A_267 : i32
      %add3A_269 = arith.constant 0 : i32
      %add3A_270 = arith.addi %add3A_269, %mul3A_268 : i32
      %gather3A_271 = tpu.vector_load_idx %arg11[%add3A_39, %add3A_264] : memref<80x64xi32, #tpu.memory_space<vmem>>[vector<16xi32>, vector<16xi32>], vector<16xi32>,
      %gather3A_272 = tpu.vector_load_idx %arg13[%add3A_39, %add3A_264] : memref<80x64xi32, #tpu.memory_space<vmem>>[vector<16xi32>, vector<16xi32>], vector<16xi32>,
      %bitcast3A_273 = vector.bitcast %gather3A_271 : vector<16xi32> to vector<32xbf16>
      %bitcast3A_274 = vector.bitcast %gather3A_272 : vector<16xi32> to vector<32xbf16>
      %mul3A_275 = arith.mulf %bitcast3A_273, %bitcast3A_274 : vector<32xbf16>
      %unpack3A_276 = tpu.unpack_subelements %mul3A_275, 0 {pack_format = #tpu.pack_format<interleaved>} : vector<32xbf16> -> vector<16xf32>
      %unpack3A_277 = tpu.unpack_subelements %mul3A_275, 1 {pack_format = #tpu.pack_format<interleaved>} : vector<32xbf16> -> vector<16xf32>
      %add3A_278 = arith.addf %add3A_260, %unpack3A_276 : vector<16xf32>
      %add3A_279 = arith.addf %add3A_261, %unpack3A_277 : vector<16xf32>
      %add3A_280 = arith.constant 1 : i32
      %add3A_281 = vector.broadcast %add3A_280 : i32 to vector<16xi32>
      %add3A_282 = arith.addi %add3A_264, %add3A_281 : vector<16xi32>
      %scan3A_283 = arith.constant 6 : i32
      %scan3A_284 = arith.addi %scan3A_176, %scan3A_283 : i32
      %mul3A_285 = arith.constant 1 : i32
      %mul3A_286 = arith.muli %scan3A_284, %mul3A_285 : i32
      %add3A_287 = arith.constant 0 : i32
      %add3A_288 = arith.addi %add3A_287, %mul3A_286 : i32
      %gather3A_289 = tpu.vector_load_idx %arg11[%add3A_39, %add3A_282] : memref<80x64xi32, #tpu.memory_space<vmem>>[vector<16xi32>, vector<16xi32>], vector<16xi32>,
      %gather3A_290 = tpu.vector_load_idx %arg13[%add3A_39, %add3A_282] : memref<80x64xi32, #tpu.memory_space<vmem>>[vector<16xi32>, vector<16xi32>], vector<16xi32>,
      %bitcast3A_291 = vector.bitcast %gather3A_289 : vector<16xi32> to vector<32xbf16>
      %bitcast3A_292 = vector.bitcast %gather3A_290 : vector<16xi32> to vector<32xbf16>
      %mul3A_293 = arith.mulf %bitcast3A_291, %bitcast3A_292 : vector<32xbf16>
      %unpack3A_294 = tpu.unpack_subelements %mul3A_293, 0 {pack_format = #tpu.pack_format<interleaved>} : vector<32xbf16> -> vector<16xf32>
      %unpack3A_295 = tpu.unpack_subelements %mul3A_293, 1 {pack_format = #tpu.pack_format<interleaved>} : vector<32xbf16> -> vector<16xf32>
      %add3A_296 = arith.addf %add3A_278, %unpack3A_294 : vector<16xf32>
      %add3A_297 = arith.addf %add3A_279, %unpack3A_295 : vector<16xf32>
      %add3A_298 = arith.constant 1 : i32
      %add3A_299 = vector.broadcast %add3A_298 : i32 to vector<16xi32>
      %add3A_300 = arith.addi %add3A_282, %add3A_299 : vector<16xi32>
      %scan3A_301 = arith.constant 7 : i32
      %scan3A_302 = arith.addi %scan3A_176, %scan3A_301 : i32
      %mul3A_303 = arith.constant 1 : i32
      %mul3A_304 = arith.muli %scan3A_302, %mul3A_303 : i32
      %add3A_305 = arith.constant 0 : i32
      %add3A_306 = arith.addi %add3A_305, %mul3A_304 : i32
      %gather3A_307 = tpu.vector_load_idx %arg11[%add3A_39, %add3A_300] : memref<80x64xi32, #tpu.memory_space<vmem>>[vector<16xi32>, vector<16xi32>], vector<16xi32>,
      %gather3A_308 = tpu.vector_load_idx %arg13[%add3A_39, %add3A_300] : memref<80x64xi32, #tpu.memory_space<vmem>>[vector<16xi32>, vector<16xi32>], vector<16xi32>,
      %bitcast3A_309 = vector.bitcast %gather3A_307 : vector<16xi32> to vector<32xbf16>
      %bitcast3A_310 = vector.bitcast %gather3A_308 : vector<16xi32> to vector<32xbf16>
      %mul3A_311 = arith.mulf %bitcast3A_309, %bitcast3A_310 : vector<32xbf16>
      %unpack3A_312 = tpu.unpack_subelements %mul3A_311, 0 {pack_format = #tpu.pack_format<interleaved>} : vector<32xbf16> -> vector<16xf32>
      %unpack3A_313 = tpu.unpack_subelements %mul3A_311, 1 {pack_format = #tpu.pack_format<interleaved>} : vector<32xbf16> -> vector<16xf32>
      %add3A_314 = arith.addf %add3A_296, %unpack3A_312 : vector<16xf32>
      %add3A_315 = arith.addf %add3A_297, %unpack3A_313 : vector<16xf32>
      %add3A_316 = arith.constant 1 : i32
      %add3A_317 = vector.broadcast %add3A_316 : i32 to vector<16xi32>
      %add3A_318 = arith.addi %add3A_300, %add3A_317 : vector<16xi32>
      scf.yield %add3A_314, %add3A_315, %add3A_318 : vector<16xf32>, vector<16xf32>, vector<16xi32>
    }
    %scan3A_50 = arith.constant 64 : i32
    %add3A_51 = arith.addf %scan3A_49#0, %scan3A_49#1 : vector<16xf32>
    %neg3A = arith.constant 0.000000e+00 : f32
    %neg3A_52 = vector.broadcast %neg3A : f32 to vector<16xf32>
    %neg3A_53 = arith.subf %neg3A_52, %add3A_51 : vector<16xf32>
    %exp3A = math.exp %neg3A_53 : vector<16xf32>
    %add3A_54 = arith.constant 1.000000e+00 : f32
    %add3A_55 = vector.broadcast %add3A_54 : f32 to vector<16xf32>
    %add3A_56 = arith.addf %add3A_55, %exp3A : vector<16xf32>
    %div3A = arith.constant 1.000000e+00 : f32
    %div3A_57 = vector.broadcast %div3A : f32 to vector<16xf32>
    %div3A_58 = arith.divf %div3A_57, %add3A_56 : vector<16xf32>
    %swap3A = arith.constant 9920 : index
    %swap3A_59 = tpu.vector_load %arg15[%swap3A] {strides = array<i32>} : memref<10000xf32, #tpu.memory_space<vmem>>, vector<16xf32>,
    tpu.vector_store %arg15[%swap3A], %div3A_58 {strides = array<i32>} : memref<10000xf32, #tpu.memory_space<vmem>>, vector<16xf32>,
    %iota3A_60 = tpu.iota {dimensions = array<i32: 0>} : vector<16xi32>
    %add3A_61 = arith.constant 16 : i32
    %add3A_62 = vector.broadcast %add3A_61 : i32 to vector<16xi32>
    %add3A_63 = arith.addi %iota3A_60, %add3A_62 : vector<16xi32>
    %broadcast_in_dim3A_64 = arith.constant 0.000000e+00 : f32
    %broadcast_in_dim3A_65 = vector.broadcast %broadcast_in_dim3A_64 : f32 to vector<16xf32>
    %broadcast_in_dim3A_66 = arith.constant 0.000000e+00 : f32
    %broadcast_in_dim3A_67 = vector.broadcast %broadcast_in_dim3A_66 : f32 to vector<16xf32>
    %broadcast_in_dim3A_68 = arith.constant 0 : i32
    %broadcast_in_dim3A_69 = vector.broadcast %broadcast_in_dim3A_68 : i32 to vector<16xi32>
    %scan3A_70 = arith.constant 0 : i32
    %scan3A_71 = arith.constant 64 : i32
    %scan3A_72 = arith.addi %scan3A_70, %scan3A_71 : i32
    %scan3A_73 = arith.constant 8 : i32
    %scan3A_74:3 = scf.for %scan3A_176 = %scan3A_70 to %scan3A_72 step %scan3A_73 iter_args(%scan3A_177 = %broadcast_in_dim3A_65, %scan3A_178 = %broadcast_in_dim3A_67, %scan3A_179 = %broadcast_in_dim3A_69) -> (vector<16xf32>, vector<16xf32>, vector<16xi32>)  : i32 {
      %mul3A_180 = arith.constant 1 : i32
      %mul3A_181 = arith.muli %scan3A_176, %mul3A_180 : i32
      %add3A_182 = arith.constant 0 : i32
      %add3A_183 = arith.addi %add3A_182, %mul3A_181 : i32
      %gather3A = tpu.vector_load_idx %arg11[%add3A_63, %scan3A_179] : memref<80x64xi32, #tpu.memory_space<vmem>>[vector<16xi32>, vector<16xi32>], vector<16xi32>,
      %gather3A_184 = tpu.vector_load_idx %arg13[%add3A_63, %scan3A_179] : memref<80x64xi32, #tpu.memory_space<vmem>>[vector<16xi32>, vector<16xi32>], vector<16xi32>,
      %bitcast3A = vector.bitcast %gather3A : vector<16xi32> to vector<32xbf16>
      %bitcast3A_185 = vector.bitcast %gather3A_184 : vector<16xi32> to vector<32xbf16>
      %mul3A_186 = arith.mulf %bitcast3A, %bitcast3A_185 : vector<32xbf16>
      %unpack3A = tpu.unpack_subelements %mul3A_186, 0 {pack_format = #tpu.pack_format<interleaved>} : vector<32xbf16> -> vector<16xf32>
      %unpack3A_187 = tpu.unpack_subelements %mul3A_186, 1 {pack_format = #tpu.pack_format<interleaved>} : vector<32xbf16> -> vector<16xf32>
      %add3A_188 = arith.addf %scan3A_177, %unpack3A : vector<16xf32>
      %add3A_189 = arith.addf %scan3A_178, %unpack3A_187 : vector<16xf32>
      %add3A_190 = arith.constant 1 : i32
      %add3A_191 = vector.broadcast %add3A_190 : i32 to vector<16xi32>
      %add3A_192 = arith.addi %scan3A_179, %add3A_191 : vector<16xi32>
      %scan3A_193 = arith.constant 1 : i32
      %scan3A_194 = arith.addi %scan3A_176, %scan3A_193 : i32
      %mul3A_195 = arith.constant 1 : i32
      %mul3A_196 = arith.muli %scan3A_194, %mul3A_195 : i32
      %add3A_197 = arith.constant 0 : i32
      %add3A_198 = arith.addi %add3A_197, %mul3A_196 : i32
      %gather3A_199 = tpu.vector_load_idx %arg11[%add3A_63, %add3A_192] : memref<80x64xi32, #tpu.memory_space<vmem>>[vector<16xi32>, vector<16xi32>], vector<16xi32>,
      %gather3A_200 = tpu.vector_load_idx %arg13[%add3A_63, %add3A_192] : memref<80x64xi32, #tpu.memory_space<vmem>>[vector<16xi32>, vector<16xi32>], vector<16xi32>,
      %bitcast3A_201 = vector.bitcast %gather3A_199 : vector<16xi32> to vector<32xbf16>
      %bitcast3A_202 = vector.bitcast %gather3A_200 : vector<16xi32> to vector<32xbf16>
      %mul3A_203 = arith.mulf %bitcast3A_201, %bitcast3A_202 : vector<32xbf16>
      %unpack3A_204 = tpu.unpack_subelements %mul3A_203, 0 {pack_format = #tpu.pack_format<interleaved>} : vector<32xbf16> -> vector<16xf32>
      %unpack3A_205 = tpu.unpack_subelements %mul3A_203, 1 {pack_format = #tpu.pack_format<interleaved>} : vector<32xbf16> -> vector<16xf32>
      %add3A_206 = arith.addf %add3A_188, %unpack3A_204 : vector<16xf32>
      %add3A_207 = arith.addf %add3A_189, %unpack3A_205 : vector<16xf32>
      %add3A_208 = arith.constant 1 : i32
      %add3A_209 = vector.broadcast %add3A_208 : i32 to vector<16xi32>
      %add3A_210 = arith.addi %add3A_192, %add3A_209 : vector<16xi32>
      %scan3A_211 = arith.constant 2 : i32
      %scan3A_212 = arith.addi %scan3A_176, %scan3A_211 : i32
      %mul3A_213 = arith.constant 1 : i32
      %mul3A_214 = arith.muli %scan3A_212, %mul3A_213 : i32
      %add3A_215 = arith.constant 0 : i32
      %add3A_216 = arith.addi %add3A_215, %mul3A_214 : i32
      %gather3A_217 = tpu.vector_load_idx %arg11[%add3A_63, %add3A_210] : memref<80x64xi32, #tpu.memory_space<vmem>>[vector<16xi32>, vector<16xi32>], vector<16xi32>,
      %gather3A_218 = tpu.vector_load_idx %arg13[%add3A_63, %add3A_210] : memref<80x64xi32, #tpu.memory_space<vmem>>[vector<16xi32>, vector<16xi32>], vector<16xi32>,
      %bitcast3A_219 = vector.bitcast %gather3A_217 : vector<16xi32> to vector<32xbf16>
      %bitcast3A_220 = vector.bitcast %gather3A_218 : vector<16xi32> to vector<32xbf16>
      %mul3A_221 = arith.mulf %bitcast3A_219, %bitcast3A_220 : vector<32xbf16>
      %unpack3A_222 = tpu.unpack_subelements %mul3A_221, 0 {pack_format = #tpu.pack_format<interleaved>} : vector<32xbf16> -> vector<16xf32>
      %unpack3A_223 = tpu.unpack_subelements %mul3A_221, 1 {pack_format = #tpu.pack_format<interleaved>} : vector<32xbf16> -> vector<16xf32>
      %add3A_224 = arith.addf %add3A_206, %unpack3A_222 : vector<16xf32>
      %add3A_225 = arith.addf %add3A_207, %unpack3A_223 : vector<16xf32>
      %add3A_226 = arith.constant 1 : i32
      %add3A_227 = vector.broadcast %add3A_226 : i32 to vector<16xi32>
      %add3A_228 = arith.addi %add3A_210, %add3A_227 : vector<16xi32>
      %scan3A_229 = arith.constant 3 : i32
      %scan3A_230 = arith.addi %scan3A_176, %scan3A_229 : i32
      %mul3A_231 = arith.constant 1 : i32
      %mul3A_232 = arith.muli %scan3A_230, %mul3A_231 : i32
      %add3A_233 = arith.constant 0 : i32
      %add3A_234 = arith.addi %add3A_233, %mul3A_232 : i32
      %gather3A_235 = tpu.vector_load_idx %arg11[%add3A_63, %add3A_228] : memref<80x64xi32, #tpu.memory_space<vmem>>[vector<16xi32>, vector<16xi32>], vector<16xi32>,
      %gather3A_236 = tpu.vector_load_idx %arg13[%add3A_63, %add3A_228] : memref<80x64xi32, #tpu.memory_space<vmem>>[vector<16xi32>, vector<16xi32>], vector<16xi32>,
      %bitcast3A_237 = vector.bitcast %gather3A_235 : vector<16xi32> to vector<32xbf16>
      %bitcast3A_238 = vector.bitcast %gather3A_236 : vector<16xi32> to vector<32xbf16>
      %mul3A_239 = arith.mulf %bitcast3A_237, %bitcast3A_238 : vector<32xbf16>
      %unpack3A_240 = tpu.unpack_subelements %mul3A_239, 0 {pack_format = #tpu.pack_format<interleaved>} : vector<32xbf16> -> vector<16xf32>
      %unpack3A_241 = tpu.unpack_subelements %mul3A_239, 1 {pack_format = #tpu.pack_format<interleaved>} : vector<32xbf16> -> vector<16xf32>
      %add3A_242 = arith.addf %add3A_224, %unpack3A_240 : vector<16xf32>
      %add3A_243 = arith.addf %add3A_225, %unpack3A_241 : vector<16xf32>
      %add3A_244 = arith.constant 1 : i32
      %add3A_245 = vector.broadcast %add3A_244 : i32 to vector<16xi32>
      %add3A_246 = arith.addi %add3A_228, %add3A_245 : vector<16xi32>
      %scan3A_247 = arith.constant 4 : i32
      %scan3A_248 = arith.addi %scan3A_176, %scan3A_247 : i32
      %mul3A_249 = arith.constant 1 : i32
      %mul3A_250 = arith.muli %scan3A_248, %mul3A_249 : i32
      %add3A_251 = arith.constant 0 : i32
      %add3A_252 = arith.addi %add3A_251, %mul3A_250 : i32
      %gather3A_253 = tpu.vector_load_idx %arg11[%add3A_63, %add3A_246] : memref<80x64xi32, #tpu.memory_space<vmem>>[vector<16xi32>, vector<16xi32>], vector<16xi32>,
      %gather3A_254 = tpu.vector_load_idx %arg13[%add3A_63, %add3A_246] : memref<80x64xi32, #tpu.memory_space<vmem>>[vector<16xi32>, vector<16xi32>], vector<16xi32>,
      %bitcast3A_255 = vector.bitcast %gather3A_253 : vector<16xi32> to vector<32xbf16>
      %bitcast3A_256 = vector.bitcast %gather3A_254 : vector<16xi32> to vector<32xbf16>
      %mul3A_257 = arith.mulf %bitcast3A_255, %bitcast3A_256 : vector<32xbf16>
      %unpack3A_258 = tpu.unpack_subelements %mul3A_257, 0 {pack_format = #tpu.pack_format<interleaved>} : vector<32xbf16> -> vector<16xf32>
      %unpack3A_259 = tpu.unpack_subelements %mul3A_257, 1 {pack_format = #tpu.pack_format<interleaved>} : vector<32xbf16> -> vector<16xf32>
      %add3A_260 = arith.addf %add3A_242, %unpack3A_258 : vector<16xf32>
      %add3A_261 = arith.addf %add3A_243, %unpack3A_259 : vector<16xf32>
      %add3A_262 = arith.constant 1 : i32
      %add3A_263 = vector.broadcast %add3A_262 : i32 to vector<16xi32>
      %add3A_264 = arith.addi %add3A_246, %add3A_263 : vector<16xi32>
      %scan3A_265 = arith.constant 5 : i32
      %scan3A_266 = arith.addi %scan3A_176, %scan3A_265 : i32
      %mul3A_267 = arith.constant 1 : i32
      %mul3A_268 = arith.muli %scan3A_266, %mul3A_267 : i32
      %add3A_269 = arith.constant 0 : i32
      %add3A_270 = arith.addi %add3A_269, %mul3A_268 : i32
      %gather3A_271 = tpu.vector_load_idx %arg11[%add3A_63, %add3A_264] : memref<80x64xi32, #tpu.memory_space<vmem>>[vector<16xi32>, vector<16xi32>], vector<16xi32>,
      %gather3A_272 = tpu.vector_load_idx %arg13[%add3A_63, %add3A_264] : memref<80x64xi32, #tpu.memory_space<vmem>>[vector<16xi32>, vector<16xi32>], vector<16xi32>,
      %bitcast3A_273 = vector.bitcast %gather3A_271 : vector<16xi32> to vector<32xbf16>
      %bitcast3A_274 = vector.bitcast %gather3A_272 : vector<16xi32> to vector<32xbf16>
      %mul3A_275 = arith.mulf %bitcast3A_273, %bitcast3A_274 : vector<32xbf16>
      %unpack3A_276 = tpu.unpack_subelements %mul3A_275, 0 {pack_format = #tpu.pack_format<interleaved>} : vector<32xbf16> -> vector<16xf32>
      %unpack3A_277 = tpu.unpack_subelements %mul3A_275, 1 {pack_format = #tpu.pack_format<interleaved>} : vector<32xbf16> -> vector<16xf32>
      %add3A_278 = arith.addf %add3A_260, %unpack3A_276 : vector<16xf32>
      %add3A_279 = arith.addf %add3A_261, %unpack3A_277 : vector<16xf32>
      %add3A_280 = arith.constant 1 : i32
      %add3A_281 = vector.broadcast %add3A_280 : i32 to vector<16xi32>
      %add3A_282 = arith.addi %add3A_264, %add3A_281 : vector<16xi32>
      %scan3A_283 = arith.constant 6 : i32
      %scan3A_284 = arith.addi %scan3A_176, %scan3A_283 : i32
      %mul3A_285 = arith.constant 1 : i32
      %mul3A_286 = arith.muli %scan3A_284, %mul3A_285 : i32
      %add3A_287 = arith.constant 0 : i32
      %add3A_288 = arith.addi %add3A_287, %mul3A_286 : i32
      %gather3A_289 = tpu.vector_load_idx %arg11[%add3A_63, %add3A_282] : memref<80x64xi32, #tpu.memory_space<vmem>>[vector<16xi32>, vector<16xi32>], vector<16xi32>,
      %gather3A_290 = tpu.vector_load_idx %arg13[%add3A_63, %add3A_282] : memref<80x64xi32, #tpu.memory_space<vmem>>[vector<16xi32>, vector<16xi32>], vector<16xi32>,
      %bitcast3A_291 = vector.bitcast %gather3A_289 : vector<16xi32> to vector<32xbf16>
      %bitcast3A_292 = vector.bitcast %gather3A_290 : vector<16xi32> to vector<32xbf16>
      %mul3A_293 = arith.mulf %bitcast3A_291, %bitcast3A_292 : vector<32xbf16>
      %unpack3A_294 = tpu.unpack_subelements %mul3A_293, 0 {pack_format = #tpu.pack_format<interleaved>} : vector<32xbf16> -> vector<16xf32>
      %unpack3A_295 = tpu.unpack_subelements %mul3A_293, 1 {pack_format = #tpu.pack_format<interleaved>} : vector<32xbf16> -> vector<16xf32>
      %add3A_296 = arith.addf %add3A_278, %unpack3A_294 : vector<16xf32>
      %add3A_297 = arith.addf %add3A_279, %unpack3A_295 : vector<16xf32>
      %add3A_298 = arith.constant 1 : i32
      %add3A_299 = vector.broadcast %add3A_298 : i32 to vector<16xi32>
      %add3A_300 = arith.addi %add3A_282, %add3A_299 : vector<16xi32>
      %scan3A_301 = arith.constant 7 : i32
      %scan3A_302 = arith.addi %scan3A_176, %scan3A_301 : i32
      %mul3A_303 = arith.constant 1 : i32
      %mul3A_304 = arith.muli %scan3A_302, %mul3A_303 : i32
      %add3A_305 = arith.constant 0 : i32
      %add3A_306 = arith.addi %add3A_305, %mul3A_304 : i32
      %gather3A_307 = tpu.vector_load_idx %arg11[%add3A_63, %add3A_300] : memref<80x64xi32, #tpu.memory_space<vmem>>[vector<16xi32>, vector<16xi32>], vector<16xi32>,
      %gather3A_308 = tpu.vector_load_idx %arg13[%add3A_63, %add3A_300] : memref<80x64xi32, #tpu.memory_space<vmem>>[vector<16xi32>, vector<16xi32>], vector<16xi32>,
      %bitcast3A_309 = vector.bitcast %gather3A_307 : vector<16xi32> to vector<32xbf16>
      %bitcast3A_310 = vector.bitcast %gather3A_308 : vector<16xi32> to vector<32xbf16>
      %mul3A_311 = arith.mulf %bitcast3A_309, %bitcast3A_310 : vector<32xbf16>
      %unpack3A_312 = tpu.unpack_subelements %mul3A_311, 0 {pack_format = #tpu.pack_format<interleaved>} : vector<32xbf16> -> vector<16xf32>
      %unpack3A_313 = tpu.unpack_subelements %mul3A_311, 1 {pack_format = #tpu.pack_format<interleaved>} : vector<32xbf16> -> vector<16xf32>
      %add3A_314 = arith.addf %add3A_296, %unpack3A_312 : vector<16xf32>
      %add3A_315 = arith.addf %add3A_297, %unpack3A_313 : vector<16xf32>
      %add3A_316 = arith.constant 1 : i32
      %add3A_317 = vector.broadcast %add3A_316 : i32 to vector<16xi32>
      %add3A_318 = arith.addi %add3A_300, %add3A_317 : vector<16xi32>
      scf.yield %add3A_314, %add3A_315, %add3A_318 : vector<16xf32>, vector<16xf32>, vector<16xi32>
    }
    %scan3A_75 = arith.constant 64 : i32
    %add3A_76 = arith.addf %scan3A_74#0, %scan3A_74#1 : vector<16xf32>
    %neg3A_77 = arith.constant 0.000000e+00 : f32
    %neg3A_78 = vector.broadcast %neg3A_77 : f32 to vector<16xf32>
    %neg3A_79 = arith.subf %neg3A_78, %add3A_76 : vector<16xf32>
    %exp3A_80 = math.exp %neg3A_79 : vector<16xf32>
    %add3A_81 = arith.constant 1.000000e+00 : f32
    %add3A_82 = vector.broadcast %add3A_81 : f32 to vector<16xf32>
    %add3A_83 = arith.addf %add3A_82, %exp3A_80 : vector<16xf32>
    %div3A_84 = arith.constant 1.000000e+00 : f32
    %div3A_85 = vector.broadcast %div3A_84 : f32 to vector<16xf32>
    %div3A_86 = arith.divf %div3A_85, %add3A_83 : vector<16xf32>
    %swap3A_87 = arith.constant 9936 : index
    %swap3A_88 = tpu.vector_load %arg15[%swap3A_87] {strides = array<i32>} : memref<10000xf32, #tpu.memory_space<vmem>>, vector<16xf32>,
    tpu.vector_store %arg15[%swap3A_87], %div3A_86 {strides = array<i32>} : memref<10000xf32, #tpu.memory_space<vmem>>, vector<16xf32>,
    %iota3A_89 = tpu.iota {dimensions = array<i32: 0>} : vector<16xi32>
    %add3A_90 = arith.constant 32 : i32
    %add3A_91 = vector.broadcast %add3A_90 : i32 to vector<16xi32>
    %add3A_92 = arith.addi %iota3A_89, %add3A_91 : vector<16xi32>
    %broadcast_in_dim3A_93 = arith.constant 0.000000e+00 : f32
    %broadcast_in_dim3A_94 = vector.broadcast %broadcast_in_dim3A_93 : f32 to vector<16xf32>
    %broadcast_in_dim3A_95 = arith.constant 0.000000e+00 : f32
    %broadcast_in_dim3A_96 = vector.broadcast %broadcast_in_dim3A_95 : f32 to vector<16xf32>
    %broadcast_in_dim3A_97 = arith.constant 0 : i32
    %broadcast_in_dim3A_98 = vector.broadcast %broadcast_in_dim3A_97 : i32 to vector<16xi32>
    %scan3A_99 = arith.constant 0 : i32
    %scan3A_100 = arith.constant 64 : i32
    %scan3A_101 = arith.addi %scan3A_99, %scan3A_100 : i32
    %scan3A_102 = arith.constant 8 : i32
    %scan3A_103:3 = scf.for %scan3A_176 = %scan3A_99 to %scan3A_101 step %scan3A_102 iter_args(%scan3A_177 = %broadcast_in_dim3A_94, %scan3A_178 = %broadcast_in_dim3A_96, %scan3A_179 = %broadcast_in_dim3A_98) -> (vector<16xf32>, vector<16xf32>, vector<16xi32>)  : i32 {
      %mul3A_180 = arith.constant 1 : i32
      %mul3A_181 = arith.muli %scan3A_176, %mul3A_180 : i32
      %add3A_182 = arith.constant 0 : i32
      %add3A_183 = arith.addi %add3A_182, %mul3A_181 : i32
      %gather3A = tpu.vector_load_idx %arg11[%add3A_92, %scan3A_179] : memref<80x64xi32, #tpu.memory_space<vmem>>[vector<16xi32>, vector<16xi32>], vector<16xi32>,
      %gather3A_184 = tpu.vector_load_idx %arg13[%add3A_92, %scan3A_179] : memref<80x64xi32, #tpu.memory_space<vmem>>[vector<16xi32>, vector<16xi32>], vector<16xi32>,
      %bitcast3A = vector.bitcast %gather3A : vector<16xi32> to vector<32xbf16>
      %bitcast3A_185 = vector.bitcast %gather3A_184 : vector<16xi32> to vector<32xbf16>
      %mul3A_186 = arith.mulf %bitcast3A, %bitcast3A_185 : vector<32xbf16>
      %unpack3A = tpu.unpack_subelements %mul3A_186, 0 {pack_format = #tpu.pack_format<interleaved>} : vector<32xbf16> -> vector<16xf32>
      %unpack3A_187 = tpu.unpack_subelements %mul3A_186, 1 {pack_format = #tpu.pack_format<interleaved>} : vector<32xbf16> -> vector<16xf32>
      %add3A_188 = arith.addf %scan3A_177, %unpack3A : vector<16xf32>
      %add3A_189 = arith.addf %scan3A_178, %unpack3A_187 : vector<16xf32>
      %add3A_190 = arith.constant 1 : i32
      %add3A_191 = vector.broadcast %add3A_190 : i32 to vector<16xi32>
      %add3A_192 = arith.addi %scan3A_179, %add3A_191 : vector<16xi32>
      %scan3A_193 = arith.constant 1 : i32
      %scan3A_194 = arith.addi %scan3A_176, %scan3A_193 : i32
      %mul3A_195 = arith.constant 1 : i32
      %mul3A_196 = arith.muli %scan3A_194, %mul3A_195 : i32
      %add3A_197 = arith.constant 0 : i32
      %add3A_198 = arith.addi %add3A_197, %mul3A_196 : i32
      %gather3A_199 = tpu.vector_load_idx %arg11[%add3A_92, %add3A_192] : memref<80x64xi32, #tpu.memory_space<vmem>>[vector<16xi32>, vector<16xi32>], vector<16xi32>,
      %gather3A_200 = tpu.vector_load_idx %arg13[%add3A_92, %add3A_192] : memref<80x64xi32, #tpu.memory_space<vmem>>[vector<16xi32>, vector<16xi32>], vector<16xi32>,
      %bitcast3A_201 = vector.bitcast %gather3A_199 : vector<16xi32> to vector<32xbf16>
      %bitcast3A_202 = vector.bitcast %gather3A_200 : vector<16xi32> to vector<32xbf16>
      %mul3A_203 = arith.mulf %bitcast3A_201, %bitcast3A_202 : vector<32xbf16>
      %unpack3A_204 = tpu.unpack_subelements %mul3A_203, 0 {pack_format = #tpu.pack_format<interleaved>} : vector<32xbf16> -> vector<16xf32>
      %unpack3A_205 = tpu.unpack_subelements %mul3A_203, 1 {pack_format = #tpu.pack_format<interleaved>} : vector<32xbf16> -> vector<16xf32>
      %add3A_206 = arith.addf %add3A_188, %unpack3A_204 : vector<16xf32>
      %add3A_207 = arith.addf %add3A_189, %unpack3A_205 : vector<16xf32>
      %add3A_208 = arith.constant 1 : i32
      %add3A_209 = vector.broadcast %add3A_208 : i32 to vector<16xi32>
      %add3A_210 = arith.addi %add3A_192, %add3A_209 : vector<16xi32>
      %scan3A_211 = arith.constant 2 : i32
      %scan3A_212 = arith.addi %scan3A_176, %scan3A_211 : i32
      %mul3A_213 = arith.constant 1 : i32
      %mul3A_214 = arith.muli %scan3A_212, %mul3A_213 : i32
      %add3A_215 = arith.constant 0 : i32
      %add3A_216 = arith.addi %add3A_215, %mul3A_214 : i32
      %gather3A_217 = tpu.vector_load_idx %arg11[%add3A_92, %add3A_210] : memref<80x64xi32, #tpu.memory_space<vmem>>[vector<16xi32>, vector<16xi32>], vector<16xi32>,
      %gather3A_218 = tpu.vector_load_idx %arg13[%add3A_92, %add3A_210] : memref<80x64xi32, #tpu.memory_space<vmem>>[vector<16xi32>, vector<16xi32>], vector<16xi32>,
      %bitcast3A_219 = vector.bitcast %gather3A_217 : vector<16xi32> to vector<32xbf16>
      %bitcast3A_220 = vector.bitcast %gather3A_218 : vector<16xi32> to vector<32xbf16>
      %mul3A_221 = arith.mulf %bitcast3A_219, %bitcast3A_220 : vector<32xbf16>
      %unpack3A_222 = tpu.unpack_subelements %mul3A_221, 0 {pack_format = #tpu.pack_format<interleaved>} : vector<32xbf16> -> vector<16xf32>
      %unpack3A_223 = tpu.unpack_subelements %mul3A_221, 1 {pack_format = #tpu.pack_format<interleaved>} : vector<32xbf16> -> vector<16xf32>
      %add3A_224 = arith.addf %add3A_206, %unpack3A_222 : vector<16xf32>
      %add3A_225 = arith.addf %add3A_207, %unpack3A_223 : vector<16xf32>
      %add3A_226 = arith.constant 1 : i32
      %add3A_227 = vector.broadcast %add3A_226 : i32 to vector<16xi32>
      %add3A_228 = arith.addi %add3A_210, %add3A_227 : vector<16xi32>
      %scan3A_229 = arith.constant 3 : i32
      %scan3A_230 = arith.addi %scan3A_176, %scan3A_229 : i32
      %mul3A_231 = arith.constant 1 : i32
      %mul3A_232 = arith.muli %scan3A_230, %mul3A_231 : i32
      %add3A_233 = arith.constant 0 : i32
      %add3A_234 = arith.addi %add3A_233, %mul3A_232 : i32
      %gather3A_235 = tpu.vector_load_idx %arg11[%add3A_92, %add3A_228] : memref<80x64xi32, #tpu.memory_space<vmem>>[vector<16xi32>, vector<16xi32>], vector<16xi32>,
      %gather3A_236 = tpu.vector_load_idx %arg13[%add3A_92, %add3A_228] : memref<80x64xi32, #tpu.memory_space<vmem>>[vector<16xi32>, vector<16xi32>], vector<16xi32>,
      %bitcast3A_237 = vector.bitcast %gather3A_235 : vector<16xi32> to vector<32xbf16>
      %bitcast3A_238 = vector.bitcast %gather3A_236 : vector<16xi32> to vector<32xbf16>
      %mul3A_239 = arith.mulf %bitcast3A_237, %bitcast3A_238 : vector<32xbf16>
      %unpack3A_240 = tpu.unpack_subelements %mul3A_239, 0 {pack_format = #tpu.pack_format<interleaved>} : vector<32xbf16> -> vector<16xf32>
      %unpack3A_241 = tpu.unpack_subelements %mul3A_239, 1 {pack_format = #tpu.pack_format<interleaved>} : vector<32xbf16> -> vector<16xf32>
      %add3A_242 = arith.addf %add3A_224, %unpack3A_240 : vector<16xf32>
      %add3A_243 = arith.addf %add3A_225, %unpack3A_241 : vector<16xf32>
      %add3A_244 = arith.constant 1 : i32
      %add3A_245 = vector.broadcast %add3A_244 : i32 to vector<16xi32>
      %add3A_246 = arith.addi %add3A_228, %add3A_245 : vector<16xi32>
      %scan3A_247 = arith.constant 4 : i32
      %scan3A_248 = arith.addi %scan3A_176, %scan3A_247 : i32
      %mul3A_249 = arith.constant 1 : i32
      %mul3A_250 = arith.muli %scan3A_248, %mul3A_249 : i32
      %add3A_251 = arith.constant 0 : i32
      %add3A_252 = arith.addi %add3A_251, %mul3A_250 : i32
      %gather3A_253 = tpu.vector_load_idx %arg11[%add3A_92, %add3A_246] : memref<80x64xi32, #tpu.memory_space<vmem>>[vector<16xi32>, vector<16xi32>], vector<16xi32>,
      %gather3A_254 = tpu.vector_load_idx %arg13[%add3A_92, %add3A_246] : memref<80x64xi32, #tpu.memory_space<vmem>>[vector<16xi32>, vector<16xi32>], vector<16xi32>,
      %bitcast3A_255 = vector.bitcast %gather3A_253 : vector<16xi32> to vector<32xbf16>
      %bitcast3A_256 = vector.bitcast %gather3A_254 : vector<16xi32> to vector<32xbf16>
      %mul3A_257 = arith.mulf %bitcast3A_255, %bitcast3A_256 : vector<32xbf16>
      %unpack3A_258 = tpu.unpack_subelements %mul3A_257, 0 {pack_format = #tpu.pack_format<interleaved>} : vector<32xbf16> -> vector<16xf32>
      %unpack3A_259 = tpu.unpack_subelements %mul3A_257, 1 {pack_format = #tpu.pack_format<interleaved>} : vector<32xbf16> -> vector<16xf32>
      %add3A_260 = arith.addf %add3A_242, %unpack3A_258 : vector<16xf32>
      %add3A_261 = arith.addf %add3A_243, %unpack3A_259 : vector<16xf32>
      %add3A_262 = arith.constant 1 : i32
      %add3A_263 = vector.broadcast %add3A_262 : i32 to vector<16xi32>
      %add3A_264 = arith.addi %add3A_246, %add3A_263 : vector<16xi32>
      %scan3A_265 = arith.constant 5 : i32
      %scan3A_266 = arith.addi %scan3A_176, %scan3A_265 : i32
      %mul3A_267 = arith.constant 1 : i32
      %mul3A_268 = arith.muli %scan3A_266, %mul3A_267 : i32
      %add3A_269 = arith.constant 0 : i32
      %add3A_270 = arith.addi %add3A_269, %mul3A_268 : i32
      %gather3A_271 = tpu.vector_load_idx %arg11[%add3A_92, %add3A_264] : memref<80x64xi32, #tpu.memory_space<vmem>>[vector<16xi32>, vector<16xi32>], vector<16xi32>,
      %gather3A_272 = tpu.vector_load_idx %arg13[%add3A_92, %add3A_264] : memref<80x64xi32, #tpu.memory_space<vmem>>[vector<16xi32>, vector<16xi32>], vector<16xi32>,
      %bitcast3A_273 = vector.bitcast %gather3A_271 : vector<16xi32> to vector<32xbf16>
      %bitcast3A_274 = vector.bitcast %gather3A_272 : vector<16xi32> to vector<32xbf16>
      %mul3A_275 = arith.mulf %bitcast3A_273, %bitcast3A_274 : vector<32xbf16>
      %unpack3A_276 = tpu.unpack_subelements %mul3A_275, 0 {pack_format = #tpu.pack_format<interleaved>} : vector<32xbf16> -> vector<16xf32>
      %unpack3A_277 = tpu.unpack_subelements %mul3A_275, 1 {pack_format = #tpu.pack_format<interleaved>} : vector<32xbf16> -> vector<16xf32>
      %add3A_278 = arith.addf %add3A_260, %unpack3A_276 : vector<16xf32>
      %add3A_279 = arith.addf %add3A_261, %unpack3A_277 : vector<16xf32>
      %add3A_280 = arith.constant 1 : i32
      %add3A_281 = vector.broadcast %add3A_280 : i32 to vector<16xi32>
      %add3A_282 = arith.addi %add3A_264, %add3A_281 : vector<16xi32>
      %scan3A_283 = arith.constant 6 : i32
      %scan3A_284 = arith.addi %scan3A_176, %scan3A_283 : i32
      %mul3A_285 = arith.constant 1 : i32
      %mul3A_286 = arith.muli %scan3A_284, %mul3A_285 : i32
      %add3A_287 = arith.constant 0 : i32
      %add3A_288 = arith.addi %add3A_287, %mul3A_286 : i32
      %gather3A_289 = tpu.vector_load_idx %arg11[%add3A_92, %add3A_282] : memref<80x64xi32, #tpu.memory_space<vmem>>[vector<16xi32>, vector<16xi32>], vector<16xi32>,
      %gather3A_290 = tpu.vector_load_idx %arg13[%add3A_92, %add3A_282] : memref<80x64xi32, #tpu.memory_space<vmem>>[vector<16xi32>, vector<16xi32>], vector<16xi32>,
      %bitcast3A_291 = vector.bitcast %gather3A_289 : vector<16xi32> to vector<32xbf16>
      %bitcast3A_292 = vector.bitcast %gather3A_290 : vector<16xi32> to vector<32xbf16>
      %mul3A_293 = arith.mulf %bitcast3A_291, %bitcast3A_292 : vector<32xbf16>
      %unpack3A_294 = tpu.unpack_subelements %mul3A_293, 0 {pack_format = #tpu.pack_format<interleaved>} : vector<32xbf16> -> vector<16xf32>
      %unpack3A_295 = tpu.unpack_subelements %mul3A_293, 1 {pack_format = #tpu.pack_format<interleaved>} : vector<32xbf16> -> vector<16xf32>
      %add3A_296 = arith.addf %add3A_278, %unpack3A_294 : vector<16xf32>
      %add3A_297 = arith.addf %add3A_279, %unpack3A_295 : vector<16xf32>
      %add3A_298 = arith.constant 1 : i32
      %add3A_299 = vector.broadcast %add3A_298 : i32 to vector<16xi32>
      %add3A_300 = arith.addi %add3A_282, %add3A_299 : vector<16xi32>
      %scan3A_301 = arith.constant 7 : i32
      %scan3A_302 = arith.addi %scan3A_176, %scan3A_301 : i32
      %mul3A_303 = arith.constant 1 : i32
      %mul3A_304 = arith.muli %scan3A_302, %mul3A_303 : i32
      %add3A_305 = arith.constant 0 : i32
      %add3A_306 = arith.addi %add3A_305, %mul3A_304 : i32
      %gather3A_307 = tpu.vector_load_idx %arg11[%add3A_92, %add3A_300] : memref<80x64xi32, #tpu.memory_space<vmem>>[vector<16xi32>, vector<16xi32>], vector<16xi32>,
      %gather3A_308 = tpu.vector_load_idx %arg13[%add3A_92, %add3A_300] : memref<80x64xi32, #tpu.memory_space<vmem>>[vector<16xi32>, vector<16xi32>], vector<16xi32>,
      %bitcast3A_309 = vector.bitcast %gather3A_307 : vector<16xi32> to vector<32xbf16>
      %bitcast3A_310 = vector.bitcast %gather3A_308 : vector<16xi32> to vector<32xbf16>
      %mul3A_311 = arith.mulf %bitcast3A_309, %bitcast3A_310 : vector<32xbf16>
      %unpack3A_312 = tpu.unpack_subelements %mul3A_311, 0 {pack_format = #tpu.pack_format<interleaved>} : vector<32xbf16> -> vector<16xf32>
      %unpack3A_313 = tpu.unpack_subelements %mul3A_311, 1 {pack_format = #tpu.pack_format<interleaved>} : vector<32xbf16> -> vector<16xf32>
      %add3A_314 = arith.addf %add3A_296, %unpack3A_312 : vector<16xf32>
      %add3A_315 = arith.addf %add3A_297, %unpack3A_313 : vector<16xf32>
      %add3A_316 = arith.constant 1 : i32
      %add3A_317 = vector.broadcast %add3A_316 : i32 to vector<16xi32>
      %add3A_318 = arith.addi %add3A_300, %add3A_317 : vector<16xi32>
      scf.yield %add3A_314, %add3A_315, %add3A_318 : vector<16xf32>, vector<16xf32>, vector<16xi32>
    }
    %scan3A_104 = arith.constant 64 : i32
    %add3A_105 = arith.addf %scan3A_103#0, %scan3A_103#1 : vector<16xf32>
    %neg3A_106 = arith.constant 0.000000e+00 : f32
    %neg3A_107 = vector.broadcast %neg3A_106 : f32 to vector<16xf32>
    %neg3A_108 = arith.subf %neg3A_107, %add3A_105 : vector<16xf32>
    %exp3A_109 = math.exp %neg3A_108 : vector<16xf32>
    %add3A_110 = arith.constant 1.000000e+00 : f32
    %add3A_111 = vector.broadcast %add3A_110 : f32 to vector<16xf32>
    %add3A_112 = arith.addf %add3A_111, %exp3A_109 : vector<16xf32>
    %div3A_113 = arith.constant 1.000000e+00 : f32
    %div3A_114 = vector.broadcast %div3A_113 : f32 to vector<16xf32>
    %div3A_115 = arith.divf %div3A_114, %add3A_112 : vector<16xf32>
    %swap3A_116 = arith.constant 9952 : index
    %swap3A_117 = tpu.vector_load %arg15[%swap3A_116] {strides = array<i32>} : memref<10000xf32, #tpu.memory_space<vmem>>, vector<16xf32>,
    tpu.vector_store %arg15[%swap3A_116], %div3A_115 {strides = array<i32>} : memref<10000xf32, #tpu.memory_space<vmem>>, vector<16xf32>,
    %iota3A_118 = tpu.iota {dimensions = array<i32: 0>} : vector<16xi32>
    %add3A_119 = arith.constant 48 : i32
    %add3A_120 = vector.broadcast %add3A_119 : i32 to vector<16xi32>
    %add3A_121 = arith.addi %iota3A_118, %add3A_120 : vector<16xi32>
    %broadcast_in_dim3A_122 = arith.constant 0.000000e+00 : f32
    %broadcast_in_dim3A_123 = vector.broadcast %broadcast_in_dim3A_122 : f32 to vector<16xf32>
    %broadcast_in_dim3A_124 = arith.constant 0.000000e+00 : f32
    %broadcast_in_dim3A_125 = vector.broadcast %broadcast_in_dim3A_124 : f32 to vector<16xf32>
    %broadcast_in_dim3A_126 = arith.constant 0 : i32
    %broadcast_in_dim3A_127 = vector.broadcast %broadcast_in_dim3A_126 : i32 to vector<16xi32>
    %scan3A_128 = arith.constant 0 : i32
    %scan3A_129 = arith.constant 64 : i32
    %scan3A_130 = arith.addi %scan3A_128, %scan3A_129 : i32
    %scan3A_131 = arith.constant 8 : i32
    %scan3A_132:3 = scf.for %scan3A_176 = %scan3A_128 to %scan3A_130 step %scan3A_131 iter_args(%scan3A_177 = %broadcast_in_dim3A_123, %scan3A_178 = %broadcast_in_dim3A_125, %scan3A_179 = %broadcast_in_dim3A_127) -> (vector<16xf32>, vector<16xf32>, vector<16xi32>)  : i32 {
      %mul3A_180 = arith.constant 1 : i32
      %mul3A_181 = arith.muli %scan3A_176, %mul3A_180 : i32
      %add3A_182 = arith.constant 0 : i32
      %add3A_183 = arith.addi %add3A_182, %mul3A_181 : i32
      %gather3A = tpu.vector_load_idx %arg11[%add3A_121, %scan3A_179] : memref<80x64xi32, #tpu.memory_space<vmem>>[vector<16xi32>, vector<16xi32>], vector<16xi32>,
      %gather3A_184 = tpu.vector_load_idx %arg13[%add3A_121, %scan3A_179] : memref<80x64xi32, #tpu.memory_space<vmem>>[vector<16xi32>, vector<16xi32>], vector<16xi32>,
      %bitcast3A = vector.bitcast %gather3A : vector<16xi32> to vector<32xbf16>
      %bitcast3A_185 = vector.bitcast %gather3A_184 : vector<16xi32> to vector<32xbf16>
      %mul3A_186 = arith.mulf %bitcast3A, %bitcast3A_185 : vector<32xbf16>
      %unpack3A = tpu.unpack_subelements %mul3A_186, 0 {pack_format = #tpu.pack_format<interleaved>} : vector<32xbf16> -> vector<16xf32>
      %unpack3A_187 = tpu.unpack_subelements %mul3A_186, 1 {pack_format = #tpu.pack_format<interleaved>} : vector<32xbf16> -> vector<16xf32>
      %add3A_188 = arith.addf %scan3A_177, %unpack3A : vector<16xf32>
      %add3A_189 = arith.addf %scan3A_178, %unpack3A_187 : vector<16xf32>
      %add3A_190 = arith.constant 1 : i32
      %add3A_191 = vector.broadcast %add3A_190 : i32 to vector<16xi32>
      %add3A_192 = arith.addi %scan3A_179, %add3A_191 : vector<16xi32>
      %scan3A_193 = arith.constant 1 : i32
      %scan3A_194 = arith.addi %scan3A_176, %scan3A_193 : i32
      %mul3A_195 = arith.constant 1 : i32
      %mul3A_196 = arith.muli %scan3A_194, %mul3A_195 : i32
      %add3A_197 = arith.constant 0 : i32
      %add3A_198 = arith.addi %add3A_197, %mul3A_196 : i32
      %gather3A_199 = tpu.vector_load_idx %arg11[%add3A_121, %add3A_192] : memref<80x64xi32, #tpu.memory_space<vmem>>[vector<16xi32>, vector<16xi32>], vector<16xi32>,
      %gather3A_200 = tpu.vector_load_idx %arg13[%add3A_121, %add3A_192] : memref<80x64xi32, #tpu.memory_space<vmem>>[vector<16xi32>, vector<16xi32>], vector<16xi32>,
      %bitcast3A_201 = vector.bitcast %gather3A_199 : vector<16xi32> to vector<32xbf16>
      %bitcast3A_202 = vector.bitcast %gather3A_200 : vector<16xi32> to vector<32xbf16>
      %mul3A_203 = arith.mulf %bitcast3A_201, %bitcast3A_202 : vector<32xbf16>
      %unpack3A_204 = tpu.unpack_subelements %mul3A_203, 0 {pack_format = #tpu.pack_format<interleaved>} : vector<32xbf16> -> vector<16xf32>
      %unpack3A_205 = tpu.unpack_subelements %mul3A_203, 1 {pack_format = #tpu.pack_format<interleaved>} : vector<32xbf16> -> vector<16xf32>
      %add3A_206 = arith.addf %add3A_188, %unpack3A_204 : vector<16xf32>
      %add3A_207 = arith.addf %add3A_189, %unpack3A_205 : vector<16xf32>
      %add3A_208 = arith.constant 1 : i32
      %add3A_209 = vector.broadcast %add3A_208 : i32 to vector<16xi32>
      %add3A_210 = arith.addi %add3A_192, %add3A_209 : vector<16xi32>
      %scan3A_211 = arith.constant 2 : i32
      %scan3A_212 = arith.addi %scan3A_176, %scan3A_211 : i32
      %mul3A_213 = arith.constant 1 : i32
      %mul3A_214 = arith.muli %scan3A_212, %mul3A_213 : i32
      %add3A_215 = arith.constant 0 : i32
      %add3A_216 = arith.addi %add3A_215, %mul3A_214 : i32
      %gather3A_217 = tpu.vector_load_idx %arg11[%add3A_121, %add3A_210] : memref<80x64xi32, #tpu.memory_space<vmem>>[vector<16xi32>, vector<16xi32>], vector<16xi32>,
      %gather3A_218 = tpu.vector_load_idx %arg13[%add3A_121, %add3A_210] : memref<80x64xi32, #tpu.memory_space<vmem>>[vector<16xi32>, vector<16xi32>], vector<16xi32>,
      %bitcast3A_219 = vector.bitcast %gather3A_217 : vector<16xi32> to vector<32xbf16>
      %bitcast3A_220 = vector.bitcast %gather3A_218 : vector<16xi32> to vector<32xbf16>
      %mul3A_221 = arith.mulf %bitcast3A_219, %bitcast3A_220 : vector<32xbf16>
      %unpack3A_222 = tpu.unpack_subelements %mul3A_221, 0 {pack_format = #tpu.pack_format<interleaved>} : vector<32xbf16> -> vector<16xf32>
      %unpack3A_223 = tpu.unpack_subelements %mul3A_221, 1 {pack_format = #tpu.pack_format<interleaved>} : vector<32xbf16> -> vector<16xf32>
      %add3A_224 = arith.addf %add3A_206, %unpack3A_222 : vector<16xf32>
      %add3A_225 = arith.addf %add3A_207, %unpack3A_223 : vector<16xf32>
      %add3A_226 = arith.constant 1 : i32
      %add3A_227 = vector.broadcast %add3A_226 : i32 to vector<16xi32>
      %add3A_228 = arith.addi %add3A_210, %add3A_227 : vector<16xi32>
      %scan3A_229 = arith.constant 3 : i32
      %scan3A_230 = arith.addi %scan3A_176, %scan3A_229 : i32
      %mul3A_231 = arith.constant 1 : i32
      %mul3A_232 = arith.muli %scan3A_230, %mul3A_231 : i32
      %add3A_233 = arith.constant 0 : i32
      %add3A_234 = arith.addi %add3A_233, %mul3A_232 : i32
      %gather3A_235 = tpu.vector_load_idx %arg11[%add3A_121, %add3A_228] : memref<80x64xi32, #tpu.memory_space<vmem>>[vector<16xi32>, vector<16xi32>], vector<16xi32>,
      %gather3A_236 = tpu.vector_load_idx %arg13[%add3A_121, %add3A_228] : memref<80x64xi32, #tpu.memory_space<vmem>>[vector<16xi32>, vector<16xi32>], vector<16xi32>,
      %bitcast3A_237 = vector.bitcast %gather3A_235 : vector<16xi32> to vector<32xbf16>
      %bitcast3A_238 = vector.bitcast %gather3A_236 : vector<16xi32> to vector<32xbf16>
      %mul3A_239 = arith.mulf %bitcast3A_237, %bitcast3A_238 : vector<32xbf16>
      %unpack3A_240 = tpu.unpack_subelements %mul3A_239, 0 {pack_format = #tpu.pack_format<interleaved>} : vector<32xbf16> -> vector<16xf32>
      %unpack3A_241 = tpu.unpack_subelements %mul3A_239, 1 {pack_format = #tpu.pack_format<interleaved>} : vector<32xbf16> -> vector<16xf32>
      %add3A_242 = arith.addf %add3A_224, %unpack3A_240 : vector<16xf32>
      %add3A_243 = arith.addf %add3A_225, %unpack3A_241 : vector<16xf32>
      %add3A_244 = arith.constant 1 : i32
      %add3A_245 = vector.broadcast %add3A_244 : i32 to vector<16xi32>
      %add3A_246 = arith.addi %add3A_228, %add3A_245 : vector<16xi32>
      %scan3A_247 = arith.constant 4 : i32
      %scan3A_248 = arith.addi %scan3A_176, %scan3A_247 : i32
      %mul3A_249 = arith.constant 1 : i32
      %mul3A_250 = arith.muli %scan3A_248, %mul3A_249 : i32
      %add3A_251 = arith.constant 0 : i32
      %add3A_252 = arith.addi %add3A_251, %mul3A_250 : i32
      %gather3A_253 = tpu.vector_load_idx %arg11[%add3A_121, %add3A_246] : memref<80x64xi32, #tpu.memory_space<vmem>>[vector<16xi32>, vector<16xi32>], vector<16xi32>,
      %gather3A_254 = tpu.vector_load_idx %arg13[%add3A_121, %add3A_246] : memref<80x64xi32, #tpu.memory_space<vmem>>[vector<16xi32>, vector<16xi32>], vector<16xi32>,
      %bitcast3A_255 = vector.bitcast %gather3A_253 : vector<16xi32> to vector<32xbf16>
      %bitcast3A_256 = vector.bitcast %gather3A_254 : vector<16xi32> to vector<32xbf16>
      %mul3A_257 = arith.mulf %bitcast3A_255, %bitcast3A_256 : vector<32xbf16>
      %unpack3A_258 = tpu.unpack_subelements %mul3A_257, 0 {pack_format = #tpu.pack_format<interleaved>} : vector<32xbf16> -> vector<16xf32>
      %unpack3A_259 = tpu.unpack_subelements %mul3A_257, 1 {pack_format = #tpu.pack_format<interleaved>} : vector<32xbf16> -> vector<16xf32>
      %add3A_260 = arith.addf %add3A_242, %unpack3A_258 : vector<16xf32>
      %add3A_261 = arith.addf %add3A_243, %unpack3A_259 : vector<16xf32>
      %add3A_262 = arith.constant 1 : i32
      %add3A_263 = vector.broadcast %add3A_262 : i32 to vector<16xi32>
      %add3A_264 = arith.addi %add3A_246, %add3A_263 : vector<16xi32>
      %scan3A_265 = arith.constant 5 : i32
      %scan3A_266 = arith.addi %scan3A_176, %scan3A_265 : i32
      %mul3A_267 = arith.constant 1 : i32
      %mul3A_268 = arith.muli %scan3A_266, %mul3A_267 : i32
      %add3A_269 = arith.constant 0 : i32
      %add3A_270 = arith.addi %add3A_269, %mul3A_268 : i32
      %gather3A_271 = tpu.vector_load_idx %arg11[%add3A_121, %add3A_264] : memref<80x64xi32, #tpu.memory_space<vmem>>[vector<16xi32>, vector<16xi32>], vector<16xi32>,
      %gather3A_272 = tpu.vector_load_idx %arg13[%add3A_121, %add3A_264] : memref<80x64xi32, #tpu.memory_space<vmem>>[vector<16xi32>, vector<16xi32>], vector<16xi32>,
      %bitcast3A_273 = vector.bitcast %gather3A_271 : vector<16xi32> to vector<32xbf16>
      %bitcast3A_274 = vector.bitcast %gather3A_272 : vector<16xi32> to vector<32xbf16>
      %mul3A_275 = arith.mulf %bitcast3A_273, %bitcast3A_274 : vector<32xbf16>
      %unpack3A_276 = tpu.unpack_subelements %mul3A_275, 0 {pack_format = #tpu.pack_format<interleaved>} : vector<32xbf16> -> vector<16xf32>
      %unpack3A_277 = tpu.unpack_subelements %mul3A_275, 1 {pack_format = #tpu.pack_format<interleaved>} : vector<32xbf16> -> vector<16xf32>
      %add3A_278 = arith.addf %add3A_260, %unpack3A_276 : vector<16xf32>
      %add3A_279 = arith.addf %add3A_261, %unpack3A_277 : vector<16xf32>
      %add3A_280 = arith.constant 1 : i32
      %add3A_281 = vector.broadcast %add3A_280 : i32 to vector<16xi32>
      %add3A_282 = arith.addi %add3A_264, %add3A_281 : vector<16xi32>
      %scan3A_283 = arith.constant 6 : i32
      %scan3A_284 = arith.addi %scan3A_176, %scan3A_283 : i32
      %mul3A_285 = arith.constant 1 : i32
      %mul3A_286 = arith.muli %scan3A_284, %mul3A_285 : i32
      %add3A_287 = arith.constant 0 : i32
      %add3A_288 = arith.addi %add3A_287, %mul3A_286 : i32
      %gather3A_289 = tpu.vector_load_idx %arg11[%add3A_121, %add3A_282] : memref<80x64xi32, #tpu.memory_space<vmem>>[vector<16xi32>, vector<16xi32>], vector<16xi32>,
      %gather3A_290 = tpu.vector_load_idx %arg13[%add3A_121, %add3A_282] : memref<80x64xi32, #tpu.memory_space<vmem>>[vector<16xi32>, vector<16xi32>], vector<16xi32>,
      %bitcast3A_291 = vector.bitcast %gather3A_289 : vector<16xi32> to vector<32xbf16>
      %bitcast3A_292 = vector.bitcast %gather3A_290 : vector<16xi32> to vector<32xbf16>
      %mul3A_293 = arith.mulf %bitcast3A_291, %bitcast3A_292 : vector<32xbf16>
      %unpack3A_294 = tpu.unpack_subelements %mul3A_293, 0 {pack_format = #tpu.pack_format<interleaved>} : vector<32xbf16> -> vector<16xf32>
      %unpack3A_295 = tpu.unpack_subelements %mul3A_293, 1 {pack_format = #tpu.pack_format<interleaved>} : vector<32xbf16> -> vector<16xf32>
      %add3A_296 = arith.addf %add3A_278, %unpack3A_294 : vector<16xf32>
      %add3A_297 = arith.addf %add3A_279, %unpack3A_295 : vector<16xf32>
      %add3A_298 = arith.constant 1 : i32
      %add3A_299 = vector.broadcast %add3A_298 : i32 to vector<16xi32>
      %add3A_300 = arith.addi %add3A_282, %add3A_299 : vector<16xi32>
      %scan3A_301 = arith.constant 7 : i32
      %scan3A_302 = arith.addi %scan3A_176, %scan3A_301 : i32
      %mul3A_303 = arith.constant 1 : i32
      %mul3A_304 = arith.muli %scan3A_302, %mul3A_303 : i32
      %add3A_305 = arith.constant 0 : i32
      %add3A_306 = arith.addi %add3A_305, %mul3A_304 : i32
      %gather3A_307 = tpu.vector_load_idx %arg11[%add3A_121, %add3A_300] : memref<80x64xi32, #tpu.memory_space<vmem>>[vector<16xi32>, vector<16xi32>], vector<16xi32>,
      %gather3A_308 = tpu.vector_load_idx %arg13[%add3A_121, %add3A_300] : memref<80x64xi32, #tpu.memory_space<vmem>>[vector<16xi32>, vector<16xi32>], vector<16xi32>,
      %bitcast3A_309 = vector.bitcast %gather3A_307 : vector<16xi32> to vector<32xbf16>
      %bitcast3A_310 = vector.bitcast %gather3A_308 : vector<16xi32> to vector<32xbf16>
      %mul3A_311 = arith.mulf %bitcast3A_309, %bitcast3A_310 : vector<32xbf16>
      %unpack3A_312 = tpu.unpack_subelements %mul3A_311, 0 {pack_format = #tpu.pack_format<interleaved>} : vector<32xbf16> -> vector<16xf32>
      %unpack3A_313 = tpu.unpack_subelements %mul3A_311, 1 {pack_format = #tpu.pack_format<interleaved>} : vector<32xbf16> -> vector<16xf32>
      %add3A_314 = arith.addf %add3A_296, %unpack3A_312 : vector<16xf32>
      %add3A_315 = arith.addf %add3A_297, %unpack3A_313 : vector<16xf32>
      %add3A_316 = arith.constant 1 : i32
      %add3A_317 = vector.broadcast %add3A_316 : i32 to vector<16xi32>
      %add3A_318 = arith.addi %add3A_300, %add3A_317 : vector<16xi32>
      scf.yield %add3A_314, %add3A_315, %add3A_318 : vector<16xf32>, vector<16xf32>, vector<16xi32>
    }
    %scan3A_133 = arith.constant 64 : i32
    %add3A_134 = arith.addf %scan3A_132#0, %scan3A_132#1 : vector<16xf32>
    %neg3A_135 = arith.constant 0.000000e+00 : f32
    %neg3A_136 = vector.broadcast %neg3A_135 : f32 to vector<16xf32>
    %neg3A_137 = arith.subf %neg3A_136, %add3A_134 : vector<16xf32>
    %exp3A_138 = math.exp %neg3A_137 : vector<16xf32>
    %add3A_139 = arith.constant 1.000000e+00 : f32
    %add3A_140 = vector.broadcast %add3A_139 : f32 to vector<16xf32>
    %add3A_141 = arith.addf %add3A_140, %exp3A_138 : vector<16xf32>
    %div3A_142 = arith.constant 1.000000e+00 : f32
    %div3A_143 = vector.broadcast %div3A_142 : f32 to vector<16xf32>
    %div3A_144 = arith.divf %div3A_143, %add3A_141 : vector<16xf32>
    %swap3A_145 = arith.constant 9968 : index
    %swap3A_146 = tpu.vector_load %arg15[%swap3A_145] {strides = array<i32>} : memref<10000xf32, #tpu.memory_space<vmem>>, vector<16xf32>,
    tpu.vector_store %arg15[%swap3A_145], %div3A_144 {strides = array<i32>} : memref<10000xf32, #tpu.memory_space<vmem>>, vector<16xf32>,
    %iota3A_147 = tpu.iota {dimensions = array<i32: 0>} : vector<16xi32>
    %add3A_148 = arith.constant 64 : i32
    %add3A_149 = vector.broadcast %add3A_148 : i32 to vector<16xi32>
    %add3A_150 = arith.addi %iota3A_147, %add3A_149 : vector<16xi32>
    %broadcast_in_dim3A_151 = arith.constant 0.000000e+00 : f32
    %broadcast_in_dim3A_152 = vector.broadcast %broadcast_in_dim3A_151 : f32 to vector<16xf32>
    %broadcast_in_dim3A_153 = arith.constant 0.000000e+00 : f32
    %broadcast_in_dim3A_154 = vector.broadcast %broadcast_in_dim3A_153 : f32 to vector<16xf32>
    %broadcast_in_dim3A_155 = arith.constant 0 : i32
    %broadcast_in_dim3A_156 = vector.broadcast %broadcast_in_dim3A_155 : i32 to vector<16xi32>
    %scan3A_157 = arith.constant 0 : i32
    %scan3A_158 = arith.constant 64 : i32
    %scan3A_159 = arith.addi %scan3A_157, %scan3A_158 : i32
    %scan3A_160 = arith.constant 8 : i32
    %scan3A_161:3 = scf.for %scan3A_176 = %scan3A_157 to %scan3A_159 step %scan3A_160 iter_args(%scan3A_177 = %broadcast_in_dim3A_152, %scan3A_178 = %broadcast_in_dim3A_154, %scan3A_179 = %broadcast_in_dim3A_156) -> (vector<16xf32>, vector<16xf32>, vector<16xi32>)  : i32 {
      %mul3A_180 = arith.constant 1 : i32
      %mul3A_181 = arith.muli %scan3A_176, %mul3A_180 : i32
      %add3A_182 = arith.constant 0 : i32
      %add3A_183 = arith.addi %add3A_182, %mul3A_181 : i32
      %gather3A = tpu.vector_load_idx %arg11[%add3A_150, %scan3A_179] : memref<80x64xi32, #tpu.memory_space<vmem>>[vector<16xi32>, vector<16xi32>], vector<16xi32>,
      %gather3A_184 = tpu.vector_load_idx %arg13[%add3A_150, %scan3A_179] : memref<80x64xi32, #tpu.memory_space<vmem>>[vector<16xi32>, vector<16xi32>], vector<16xi32>,
      %bitcast3A = vector.bitcast %gather3A : vector<16xi32> to vector<32xbf16>
      %bitcast3A_185 = vector.bitcast %gather3A_184 : vector<16xi32> to vector<32xbf16>
      %mul3A_186 = arith.mulf %bitcast3A, %bitcast3A_185 : vector<32xbf16>
      %unpack3A = tpu.unpack_subelements %mul3A_186, 0 {pack_format = #tpu.pack_format<interleaved>} : vector<32xbf16> -> vector<16xf32>
      %unpack3A_187 = tpu.unpack_subelements %mul3A_186, 1 {pack_format = #tpu.pack_format<interleaved>} : vector<32xbf16> -> vector<16xf32>
      %add3A_188 = arith.addf %scan3A_177, %unpack3A : vector<16xf32>
      %add3A_189 = arith.addf %scan3A_178, %unpack3A_187 : vector<16xf32>
      %add3A_190 = arith.constant 1 : i32
      %add3A_191 = vector.broadcast %add3A_190 : i32 to vector<16xi32>
      %add3A_192 = arith.addi %scan3A_179, %add3A_191 : vector<16xi32>
      %scan3A_193 = arith.constant 1 : i32
      %scan3A_194 = arith.addi %scan3A_176, %scan3A_193 : i32
      %mul3A_195 = arith.constant 1 : i32
      %mul3A_196 = arith.muli %scan3A_194, %mul3A_195 : i32
      %add3A_197 = arith.constant 0 : i32
      %add3A_198 = arith.addi %add3A_197, %mul3A_196 : i32
      %gather3A_199 = tpu.vector_load_idx %arg11[%add3A_150, %add3A_192] : memref<80x64xi32, #tpu.memory_space<vmem>>[vector<16xi32>, vector<16xi32>], vector<16xi32>,
      %gather3A_200 = tpu.vector_load_idx %arg13[%add3A_150, %add3A_192] : memref<80x64xi32, #tpu.memory_space<vmem>>[vector<16xi32>, vector<16xi32>], vector<16xi32>,
      %bitcast3A_201 = vector.bitcast %gather3A_199 : vector<16xi32> to vector<32xbf16>
      %bitcast3A_202 = vector.bitcast %gather3A_200 : vector<16xi32> to vector<32xbf16>
      %mul3A_203 = arith.mulf %bitcast3A_201, %bitcast3A_202 : vector<32xbf16>
      %unpack3A_204 = tpu.unpack_subelements %mul3A_203, 0 {pack_format = #tpu.pack_format<interleaved>} : vector<32xbf16> -> vector<16xf32>
      %unpack3A_205 = tpu.unpack_subelements %mul3A_203, 1 {pack_format = #tpu.pack_format<interleaved>} : vector<32xbf16> -> vector<16xf32>
      %add3A_206 = arith.addf %add3A_188, %unpack3A_204 : vector<16xf32>
      %add3A_207 = arith.addf %add3A_189, %unpack3A_205 : vector<16xf32>
      %add3A_208 = arith.constant 1 : i32
      %add3A_209 = vector.broadcast %add3A_208 : i32 to vector<16xi32>
      %add3A_210 = arith.addi %add3A_192, %add3A_209 : vector<16xi32>
      %scan3A_211 = arith.constant 2 : i32
      %scan3A_212 = arith.addi %scan3A_176, %scan3A_211 : i32
      %mul3A_213 = arith.constant 1 : i32
      %mul3A_214 = arith.muli %scan3A_212, %mul3A_213 : i32
      %add3A_215 = arith.constant 0 : i32
      %add3A_216 = arith.addi %add3A_215, %mul3A_214 : i32
      %gather3A_217 = tpu.vector_load_idx %arg11[%add3A_150, %add3A_210] : memref<80x64xi32, #tpu.memory_space<vmem>>[vector<16xi32>, vector<16xi32>], vector<16xi32>,
      %gather3A_218 = tpu.vector_load_idx %arg13[%add3A_150, %add3A_210] : memref<80x64xi32, #tpu.memory_space<vmem>>[vector<16xi32>, vector<16xi32>], vector<16xi32>,
      %bitcast3A_219 = vector.bitcast %gather3A_217 : vector<16xi32> to vector<32xbf16>
      %bitcast3A_220 = vector.bitcast %gather3A_218 : vector<16xi32> to vector<32xbf16>
      %mul3A_221 = arith.mulf %bitcast3A_219, %bitcast3A_220 : vector<32xbf16>
      %unpack3A_222 = tpu.unpack_subelements %mul3A_221, 0 {pack_format = #tpu.pack_format<interleaved>} : vector<32xbf16> -> vector<16xf32>
      %unpack3A_223 = tpu.unpack_subelements %mul3A_221, 1 {pack_format = #tpu.pack_format<interleaved>} : vector<32xbf16> -> vector<16xf32>
      %add3A_224 = arith.addf %add3A_206, %unpack3A_222 : vector<16xf32>
      %add3A_225 = arith.addf %add3A_207, %unpack3A_223 : vector<16xf32>
      %add3A_226 = arith.constant 1 : i32
      %add3A_227 = vector.broadcast %add3A_226 : i32 to vector<16xi32>
      %add3A_228 = arith.addi %add3A_210, %add3A_227 : vector<16xi32>
      %scan3A_229 = arith.constant 3 : i32
      %scan3A_230 = arith.addi %scan3A_176, %scan3A_229 : i32
      %mul3A_231 = arith.constant 1 : i32
      %mul3A_232 = arith.muli %scan3A_230, %mul3A_231 : i32
      %add3A_233 = arith.constant 0 : i32
      %add3A_234 = arith.addi %add3A_233, %mul3A_232 : i32
      %gather3A_235 = tpu.vector_load_idx %arg11[%add3A_150, %add3A_228] : memref<80x64xi32, #tpu.memory_space<vmem>>[vector<16xi32>, vector<16xi32>], vector<16xi32>,
      %gather3A_236 = tpu.vector_load_idx %arg13[%add3A_150, %add3A_228] : memref<80x64xi32, #tpu.memory_space<vmem>>[vector<16xi32>, vector<16xi32>], vector<16xi32>,
      %bitcast3A_237 = vector.bitcast %gather3A_235 : vector<16xi32> to vector<32xbf16>
      %bitcast3A_238 = vector.bitcast %gather3A_236 : vector<16xi32> to vector<32xbf16>
      %mul3A_239 = arith.mulf %bitcast3A_237, %bitcast3A_238 : vector<32xbf16>
      %unpack3A_240 = tpu.unpack_subelements %mul3A_239, 0 {pack_format = #tpu.pack_format<interleaved>} : vector<32xbf16> -> vector<16xf32>
      %unpack3A_241 = tpu.unpack_subelements %mul3A_239, 1 {pack_format = #tpu.pack_format<interleaved>} : vector<32xbf16> -> vector<16xf32>
      %add3A_242 = arith.addf %add3A_224, %unpack3A_240 : vector<16xf32>
      %add3A_243 = arith.addf %add3A_225, %unpack3A_241 : vector<16xf32>
      %add3A_244 = arith.constant 1 : i32
      %add3A_245 = vector.broadcast %add3A_244 : i32 to vector<16xi32>
      %add3A_246 = arith.addi %add3A_228, %add3A_245 : vector<16xi32>
      %scan3A_247 = arith.constant 4 : i32
      %scan3A_248 = arith.addi %scan3A_176, %scan3A_247 : i32
      %mul3A_249 = arith.constant 1 : i32
      %mul3A_250 = arith.muli %scan3A_248, %mul3A_249 : i32
      %add3A_251 = arith.constant 0 : i32
      %add3A_252 = arith.addi %add3A_251, %mul3A_250 : i32
      %gather3A_253 = tpu.vector_load_idx %arg11[%add3A_150, %add3A_246] : memref<80x64xi32, #tpu.memory_space<vmem>>[vector<16xi32>, vector<16xi32>], vector<16xi32>,
      %gather3A_254 = tpu.vector_load_idx %arg13[%add3A_150, %add3A_246] : memref<80x64xi32, #tpu.memory_space<vmem>>[vector<16xi32>, vector<16xi32>], vector<16xi32>,
      %bitcast3A_255 = vector.bitcast %gather3A_253 : vector<16xi32> to vector<32xbf16>
      %bitcast3A_256 = vector.bitcast %gather3A_254 : vector<16xi32> to vector<32xbf16>
      %mul3A_257 = arith.mulf %bitcast3A_255, %bitcast3A_256 : vector<32xbf16>
      %unpack3A_258 = tpu.unpack_subelements %mul3A_257, 0 {pack_format = #tpu.pack_format<interleaved>} : vector<32xbf16> -> vector<16xf32>
      %unpack3A_259 = tpu.unpack_subelements %mul3A_257, 1 {pack_format = #tpu.pack_format<interleaved>} : vector<32xbf16> -> vector<16xf32>
      %add3A_260 = arith.addf %add3A_242, %unpack3A_258 : vector<16xf32>
      %add3A_261 = arith.addf %add3A_243, %unpack3A_259 : vector<16xf32>
      %add3A_262 = arith.constant 1 : i32
      %add3A_263 = vector.broadcast %add3A_262 : i32 to vector<16xi32>
      %add3A_264 = arith.addi %add3A_246, %add3A_263 : vector<16xi32>
      %scan3A_265 = arith.constant 5 : i32
      %scan3A_266 = arith.addi %scan3A_176, %scan3A_265 : i32
      %mul3A_267 = arith.constant 1 : i32
      %mul3A_268 = arith.muli %scan3A_266, %mul3A_267 : i32
      %add3A_269 = arith.constant 0 : i32
      %add3A_270 = arith.addi %add3A_269, %mul3A_268 : i32
      %gather3A_271 = tpu.vector_load_idx %arg11[%add3A_150, %add3A_264] : memref<80x64xi32, #tpu.memory_space<vmem>>[vector<16xi32>, vector<16xi32>], vector<16xi32>,
      %gather3A_272 = tpu.vector_load_idx %arg13[%add3A_150, %add3A_264] : memref<80x64xi32, #tpu.memory_space<vmem>>[vector<16xi32>, vector<16xi32>], vector<16xi32>,
      %bitcast3A_273 = vector.bitcast %gather3A_271 : vector<16xi32> to vector<32xbf16>
      %bitcast3A_274 = vector.bitcast %gather3A_272 : vector<16xi32> to vector<32xbf16>
      %mul3A_275 = arith.mulf %bitcast3A_273, %bitcast3A_274 : vector<32xbf16>
      %unpack3A_276 = tpu.unpack_subelements %mul3A_275, 0 {pack_format = #tpu.pack_format<interleaved>} : vector<32xbf16> -> vector<16xf32>
      %unpack3A_277 = tpu.unpack_subelements %mul3A_275, 1 {pack_format = #tpu.pack_format<interleaved>} : vector<32xbf16> -> vector<16xf32>
      %add3A_278 = arith.addf %add3A_260, %unpack3A_276 : vector<16xf32>
      %add3A_279 = arith.addf %add3A_261, %unpack3A_277 : vector<16xf32>
      %add3A_280 = arith.constant 1 : i32
      %add3A_281 = vector.broadcast %add3A_280 : i32 to vector<16xi32>
      %add3A_282 = arith.addi %add3A_264, %add3A_281 : vector<16xi32>
      %scan3A_283 = arith.constant 6 : i32
      %scan3A_284 = arith.addi %scan3A_176, %scan3A_283 : i32
      %mul3A_285 = arith.constant 1 : i32
      %mul3A_286 = arith.muli %scan3A_284, %mul3A_285 : i32
      %add3A_287 = arith.constant 0 : i32
      %add3A_288 = arith.addi %add3A_287, %mul3A_286 : i32
      %gather3A_289 = tpu.vector_load_idx %arg11[%add3A_150, %add3A_282] : memref<80x64xi32, #tpu.memory_space<vmem>>[vector<16xi32>, vector<16xi32>], vector<16xi32>,
      %gather3A_290 = tpu.vector_load_idx %arg13[%add3A_150, %add3A_282] : memref<80x64xi32, #tpu.memory_space<vmem>>[vector<16xi32>, vector<16xi32>], vector<16xi32>,
      %bitcast3A_291 = vector.bitcast %gather3A_289 : vector<16xi32> to vector<32xbf16>
      %bitcast3A_292 = vector.bitcast %gather3A_290 : vector<16xi32> to vector<32xbf16>
      %mul3A_293 = arith.mulf %bitcast3A_291, %bitcast3A_292 : vector<32xbf16>
      %unpack3A_294 = tpu.unpack_subelements %mul3A_293, 0 {pack_format = #tpu.pack_format<interleaved>} : vector<32xbf16> -> vector<16xf32>
      %unpack3A_295 = tpu.unpack_subelements %mul3A_293, 1 {pack_format = #tpu.pack_format<interleaved>} : vector<32xbf16> -> vector<16xf32>
      %add3A_296 = arith.addf %add3A_278, %unpack3A_294 : vector<16xf32>
      %add3A_297 = arith.addf %add3A_279, %unpack3A_295 : vector<16xf32>
      %add3A_298 = arith.constant 1 : i32
      %add3A_299 = vector.broadcast %add3A_298 : i32 to vector<16xi32>
      %add3A_300 = arith.addi %add3A_282, %add3A_299 : vector<16xi32>
      %scan3A_301 = arith.constant 7 : i32
      %scan3A_302 = arith.addi %scan3A_176, %scan3A_301 : i32
      %mul3A_303 = arith.constant 1 : i32
      %mul3A_304 = arith.muli %scan3A_302, %mul3A_303 : i32
      %add3A_305 = arith.constant 0 : i32
      %add3A_306 = arith.addi %add3A_305, %mul3A_304 : i32
      %gather3A_307 = tpu.vector_load_idx %arg11[%add3A_150, %add3A_300] : memref<80x64xi32, #tpu.memory_space<vmem>>[vector<16xi32>, vector<16xi32>], vector<16xi32>,
      %gather3A_308 = tpu.vector_load_idx %arg13[%add3A_150, %add3A_300] : memref<80x64xi32, #tpu.memory_space<vmem>>[vector<16xi32>, vector<16xi32>], vector<16xi32>,
      %bitcast3A_309 = vector.bitcast %gather3A_307 : vector<16xi32> to vector<32xbf16>
      %bitcast3A_310 = vector.bitcast %gather3A_308 : vector<16xi32> to vector<32xbf16>
      %mul3A_311 = arith.mulf %bitcast3A_309, %bitcast3A_310 : vector<32xbf16>
      %unpack3A_312 = tpu.unpack_subelements %mul3A_311, 0 {pack_format = #tpu.pack_format<interleaved>} : vector<32xbf16> -> vector<16xf32>
      %unpack3A_313 = tpu.unpack_subelements %mul3A_311, 1 {pack_format = #tpu.pack_format<interleaved>} : vector<32xbf16> -> vector<16xf32>
      %add3A_314 = arith.addf %add3A_296, %unpack3A_312 : vector<16xf32>
      %add3A_315 = arith.addf %add3A_297, %unpack3A_313 : vector<16xf32>
      %add3A_316 = arith.constant 1 : i32
      %add3A_317 = vector.broadcast %add3A_316 : i32 to vector<16xi32>
      %add3A_318 = arith.addi %add3A_300, %add3A_317 : vector<16xi32>
      scf.yield %add3A_314, %add3A_315, %add3A_318 : vector<16xf32>, vector<16xf32>, vector<16xi32>
    }
    %scan3A_162 = arith.constant 64 : i32
    %add3A_163 = arith.addf %scan3A_161#0, %scan3A_161#1 : vector<16xf32>
    %neg3A_164 = arith.constant 0.000000e+00 : f32
    %neg3A_165 = vector.broadcast %neg3A_164 : f32 to vector<16xf32>
    %neg3A_166 = arith.subf %neg3A_165, %add3A_163 : vector<16xf32>
    %exp3A_167 = math.exp %neg3A_166 : vector<16xf32>
    %add3A_168 = arith.constant 1.000000e+00 : f32
    %add3A_169 = vector.broadcast %add3A_168 : f32 to vector<16xf32>
    %add3A_170 = arith.addf %add3A_169, %exp3A_167 : vector<16xf32>
    %div3A_171 = arith.constant 1.000000e+00 : f32
    %div3A_172 = vector.broadcast %div3A_171 : f32 to vector<16xf32>
    %div3A_173 = arith.divf %div3A_172, %add3A_170 : vector<16xf32>
    %swap3A_174 = arith.constant 9984 : index
    %swap3A_175 = tpu.vector_load %arg15[%swap3A_174] {strides = array<i32>} : memref<10000xf32, #tpu.memory_space<vmem>>, vector<16xf32>,
    tpu.vector_store %arg15[%swap3A_174], %div3A_173 {strides = array<i32>} : memref<10000xf32, #tpu.memory_space<vmem>>, vector<16xf32>,
    "tpu.region"() ({
      %run_scoped3A = tpu.sem_alloc : memref<!tpu.dma_semaphore, #tpu.memory_space<semaphore_mem>>
      %dma_start3A_176 = tpu.memref_slice %arg6[%mul3A_2] : memref<320000xf32, #tpu.memory_space<hbm>> -> memref<10000xf32, #tpu.memory_space<hbm>>
      %dma_start3A_177 = tpu.memref_slice %arg6[%mul3A_2] : memref<320000xf32, #tpu.memory_space<hbm>> -> memref<10000xf32, #tpu.memory_space<hbm>>
      tpu.enqueue_dma source(%arg15 : memref<10000xf32, #tpu.memory_space<vmem>>) target(%dma_start3A_177 : memref<10000xf32, #tpu.memory_space<hbm>>) target_semaphore(%run_scoped3A : memref<!tpu.dma_semaphore, #tpu.memory_space<semaphore_mem>>)
      %dma_wait3A_178 = tpu.memref_slice %arg6[%mul3A_2] : memref<320000xf32, #tpu.memory_space<hbm>> -> memref<10000xf32, #tpu.memory_space<hbm>>
      %dma_wait3A_179 = tpu.memref_slice %arg6[%mul3A_2] : memref<320000xf32, #tpu.memory_space<hbm>> -> memref<10000xf32, #tpu.memory_space<hbm>>
      tpu.wait_dma2 semaphore(%run_scoped3A : memref<!tpu.dma_semaphore, #tpu.memory_space<semaphore_mem>>) src(%arg15 : memref<10000xf32, #tpu.memory_space<vmem>>) dst(%dma_wait3A_179 : memref<10000xf32, #tpu.memory_space<hbm>>)
      tpu.yield
    }) : () -> ()
    return
  }
}

</mosaic_0001>

<sc_bundles>
// kernel: _edge_decoder.3.cloned.1.call-start
scs
__scs_entry_jumppad:
0x0: {  	(pc) =	sbr.rel $0x88, $3  }
0x1: {  	(tag) =	ssettag $0x0;
	lr =	simm.s32 $0x1  }
0x2: {  	[smem:$0x3F9D] =	sst lr;
	_ =	strace $0xD0000000  }
0x3: {  	_ = 	snop  }
0x4: {  	_ = 	snop  }
0x5: {  	_ = 	snop  }
0x6: {  	_ = 	snop  }
0x7: {  	_ = 	snop  }
__scs_overlays_trampoline_lowered:
0x8: {  	[smem:$0x3FAC] =	sst s0  }
0x9: {  	[smem:$0x3FAD] =	sst s1  }
0xa: {  	[smem:$0x3FAE] =	sst s2  }
0xb: {  	[smem:$0x3FAF] =	sst s3  }
0xc: {  	[smem:$0x3FB0] =	sst s4  }
0xd: {  	[smem:$0x3FB1] =	sst s5  }
0xe: {  	[smem:$0x3FB2] =	sst s6  }
0xf: {  	[smem:$0x3FB3] =	sst s7  }
0x10: {  	[smem:$0x3FB4] =	sst s8  }
0x11: {  	[smem:$0x3FB5] =	sst s9;
	s0 =	simm.s32 @!p0 $0x0  }
0x12: {  	s1 =	sld [smem:$0x3F9B];
	s0 =	simm.s32 @p0 $0x1  }
0x13: {  	[smem:$0x3FB6] =	sst s0;
	s0 =	simm.s32 @!p1 $0x0  }
0x14: {  	s2 =	sld [smem:$0x3F9A];
	s0 =	simm.s32 @p1 $0x1  }
0x15: {  	[smem:$0x3FB7] =	sst s0;
	s0 =	simm.s32 @!p2 $0x0  }
0x16: {  	s3 =	sld [smem:$0x3FDB];
	s0 =	simm.s32 @p2 $0x1  }
0x17: {  	s4 =	simm.s32 $0x1BF5;
	[smem:$0x3FB9] =	sst s0  }
0x18: {  	s0 =	sld [smem:$0x3F9C];
	_ =	swait.ge [sflag:s4], $0x0  }
0x19: {  	s7 =	sld [smem:$0x3F9D]  }
0x1a: {  	s8 =	sadd.s32 $0xFFFFE003, lr  }
0x1b: {  	s9 =	sadd.s32 $0xFFFFFEF7, lr;
	s5 =	simm.s32 $0xFFFFFFFF;
	p2 =	slt.u32 s8, $0xFFFFF086  }
0x1c: {  	p1 =	slt.u32 s9, $0xF7A;
	s5 =	simm.s32 @!p2 $0x0  }
0x1d: {  	s5 =	simm.s32 @p1 $0x1;
	p0 =	seq.s32 s7, s2  }
0x1e: {  	s7 =	smul.u32 @!p0 $0xF7A, s2;
	p2 =	seq.s32 @!p0 s5, $0x0  }
0x1f: {  	s9 =	smul.u32 $0xF7A, s1;
	s8 =	simm.s32 @!p0 $0x1BF5;
	p2 =	por !p2, p0  }
0x20: {  	[sflag:s8] =	ssyncset.s32 @!p0 $0xFFFFF086;
	s6 =	sadd.s32 @!p0 s3, s7;
	s7 =	simm.s32 @!p0 $0x108  }
0x21: {  	s3 =	sadd.s32 s3, s9;
	s6 =	sadd.s32 @!p0 $0x88, s6;
	s7 =	simm.s32 @p2 $0x1082  }
0x22: {  	[simem:s7], [sflag:s8] =	dma.local @!p0 [hbm:s6], $0xF7A  }
0x23: {  	s9 =	sor.u32 $0xD0000000, s2;
	s6 =	simm.s32 $0x108;
	_ =	swait.ge @!p0 [sflag:s8], $0x0  }
0x24: {  	s3 =	sadd.s32 $0x88, s3;
	s6 =	simm.s32 @!p1 $0x1082;
	[sflag:s4] =	ssyncset.s32 $0xFFFFF086  }
0x25: {  	[simem:s6], [sflag:s4] =	dma.local [hbm:s3], $0xF7A  }
0x26: {  	[smem:$0x3F9D] =	sst s1;
	(tag) =	ssettag s2;
	_ =	strace s9  }
0x27: {  	s1 =	sld [smem:$0x3FAD]  }
0x28: {  	s2 =	sld [smem:$0x3FAE]  }
0x29: {  	s4 =	sld [smem:$0x3FB0]  }
0x2a: {  	p0 =	seq.s32 s5, $0x0;
	s5 =	sld [smem:$0x3FB1]  }
0x2b: {  	s6 =	sld [smem:$0x3FB2]  }
0x2c: {  	s7 =	sld [smem:$0x3FB3]  }
0x2d: {  	s3 =	simm.s32 $0x108;
	s8 =	sld [smem:$0x3FB4]  }
0x2e: {  	s3 =	simm.s32 @!p0 $0x1082;
	s9 =	sld [smem:$0x3FB5]  }
0x2f: {  	lr =	sadd.s32 s0, s3;
	s0 =	sld [smem:$0x3FAC]  }
0x30: {  	s3 =	sld [smem:$0x3FAF]  }
0x31: {  	[smem:$0x3FB8] =	sst s10  }
0x32: {  	s10 =	sld [smem:$0x3FB6];
	_ =	sdelay $0x3  }
0x33: {  	p0 =	seq.s32 s10, $0x1;
	s10 =	sld [smem:$0x3FB8];
	_ =	sdelay $0x3  }
0x34: {  	[smem:$0x3FB8] =	sst s10  }
0x35: {  	s10 =	sld [smem:$0x3FB7];
	_ =	sdelay $0x3  }
0x36: {  	p1 =	seq.s32 s10, $0x1;
	s10 =	sld [smem:$0x3FB8];
	_ =	sdelay $0x3  }
0x37: {  	[smem:$0x3FB8] =	sst s10  }
0x38: {  	s10 =	sld [smem:$0x3FB9]  }
0x39: {  	_ = 	snop;
	(pc) =	sbr.ind lr, $3  }
0x3a: {  	_ = 	snop  }
0x3b: {  	_ = 	snop  }
0x3c: {  	p2 =	seq.s32 s10, $0x1;
	s10 =	sld [smem:$0x3FB8]  }
0x3d: {  	_ =	shalt  }
0x3e: {  	_ =	shalt  }
0x3f: {  	_ =	shalt  }
0x40: {  	_ =	shalt  }
0x41: {  	_ =	shalt  }
0x42: {  	_ =	shalt  }
0x43: {  	_ =	shalt  }
0x44: {  	_ =	shalt  }
0x45: {  	_ =	shalt  }
0x46: {  	_ =	shalt  }
0x47: {  	_ =	shalt  }
0x48: {  	_ =	shalt  }
0x49: {  	_ =	shalt  }
0x4a: {  	_ =	shalt  }
0x4b: {  	_ =	shalt  }
0x4c: {  	_ =	shalt  }
0x4d: {  	_ =	shalt  }
0x4e: {  	_ =	shalt  }
0x4f: {  	_ =	shalt  }
0x50: {  	_ =	shalt  }
0x51: {  	_ =	shalt  }
0x52: {  	_ =	shalt  }
0x53: {  	_ =	shalt  }
0x54: {  	_ =	shalt  }
0x55: {  	_ =	shalt  }
0x56: {  	_ =	shalt  }
0x57: {  	_ =	shalt  }
0x58: {  	_ =	shalt  }
0x59: {  	_ =	shalt  }
0x5a: {  	_ =	shalt  }
0x5b: {  	_ =	shalt  }
0x5c: {  	_ =	shalt  }
0x5d: {  	_ =	shalt  }
0x5e: {  	_ =	shalt  }
0x5f: {  	_ =	shalt  }
0x60: {  	_ =	shalt  }
0x61: {  	_ =	shalt  }
0x62: {  	_ =	shalt  }
0x63: {  	_ =	shalt  }
0x64: {  	_ =	shalt  }
0x65: {  	_ =	shalt  }
0x66: {  	_ =	shalt  }
0x67: {  	_ =	shalt  }
0x68: {  	_ =	shalt  }
0x69: {  	_ =	shalt  }
0x6a: {  	_ =	shalt  }
0x6b: {  	_ =	shalt  }
0x6c: {  	_ =	shalt  }
0x6d: {  	_ =	shalt  }
0x6e: {  	_ =	shalt  }
0x6f: {  	_ =	shalt  }
0x70: {  	_ =	shalt  }
0x71: {  	_ =	shalt  }
0x72: {  	_ =	shalt  }
0x73: {  	_ =	shalt  }
0x74: {  	_ =	shalt  }
0x75: {  	_ =	shalt  }
0x76: {  	_ =	shalt  }
0x77: {  	_ =	shalt  }
0x78: {  	_ =	shalt  }
0x79: {  	_ =	shalt  }
0x7a: {  	_ =	shalt  }
0x7b: {  	_ =	shalt  }
0x7c: {  	_ =	shalt  }
0x7d: {  	_ =	shalt  }
0x7e: {  	_ =	shalt  }
0x7f: {  	_ =	shalt  }
0x80: {  	_ =	shalt  }
0x81: {  	_ =	shalt  }
0x82: {  	_ =	shalt  }
0x83: {  	_ =	shalt  }
0x84: {  	_ =	shalt  }
0x85: {  	_ =	shalt  }
0x86: {  	_ =	shalt  }
0x87: {  	_ =	shalt  }
.Lfunc_end0:
.L_simem_size_0:
called_computation_lowered:
.L_overlay_start_0:
0x88: {  	s2 =	sld [smem:$0x3FD9]  }
0x89: {  	s3 =	sld [smem:$0x3FFE];
	_ =	sdelay $0x1  }
0x8a: {  	s1 =	srdreg.scid  }
0x8b: {  	s0 =	sand.u32 $0x1, s1  }
0x8c: {  	s17 =	sshll.u32 s0, $0xA;
	s2 =	sadd.s32 s3, s2  }
0x8d: {  	s2 =	sadd.s32 s2, s17  }
0x8e: {  	[smem:$0x3FC4] =	sst s2  }
0x8f: {  	_ = 	snop  }
0x90: {  	s2 =	sld [smem:$0x3FC7]  }
0x91: {  	s18 =	sld [smem:$0x3FC6]  }
0x92: {  	s4 =	sld [smem:$0x3FD0];
	(tm) =	ssettm $0x1  }
0x93: {  	s5 =	sld [smem:$0x3FFB];
	_ =	sdelay $0x3  }
0x94: {  	_ =	strace s5  }
0x95: {  	s5 =	sld [smem:$0x3FFC];
	_ =	sdelay $0x3  }
0x96: {  	_ =	strace s5  }
0x97: {  	s5 =	sld [smem:$0x3FFD];
	_ =	sdelay $0x3  }
0x98: {  	_ =	strace s5  }
0x99: {  	_ =	strace $0x8FFFFFFF  }
0x9a: {  	s19 =	sld [smem:$0x3FDB];
	_ =	sdelay $0x1  }
0x9b: {  	s6 =	simm.s32 $_scs_section_size  }
0x9c: {  	s7 =	simm.s32 $_size__tile_overlayer_lowered;
	s8 =	simm.s32 $_tile_overlayer_lowered  }
0x9d: {  	s22 =	simm.s32 $0x1BFF;
	s21 =	sshll.u32 s8, $0x1;
	s5 =	sadd.s32 s6, s19  }
0x9e: {  	s9 =	simm.s32 $0x0;
	s20 =	sshll.u32 s7, $0x1;
	s7 =	sadd.s32 s21, s5  }
0x9f: {  	[timem:s9], [sflag:s22] =	dma.local [hbm:s7], s20  }
0xa0: {  	_ =	swait.ge [sflag:s22], s20  }
0xa1: {  	s6 =	ssub.s32 $0x0, s20;
	[sflag:s22] =	ssyncset.done $0x0  }
0xa2: {  	[sflag:s22] =	ssyncadd.s32 s6;
	_ =	sdelay $0x1  }
0xa3: {  	s23 =	simm.s32 $0x1B8B  }
0xa4: {  	_ =	swait.ge [sflag:s23], $0x1  }
0xa5: {  	[sflag:s23] =	ssyncset.done $0x0  }
0xa6: {  	s25 =	simm.s32 $0x1B8E;
	s24 =	sld [smem:$0x3FFE];
	[sflag:s23] =	ssyncadd.s32 $0xFFFFFFFF  }
0xa7: {  	s26 =	simm.s32 $execute0_lowered;
	[smem:$0x3FD2] =	sst s25  }
0xa8: {  	s7 =	sshll.u32 s26, $0x1;
	_ =	strace $0x80000046;
	[dreg:$0x1] =	wrdreg $0xFFFFFFFF  }
0xa9: {  	s28 =	simm.s32 $_size_execute0_lowered;
	s5 =	sadd.s32 s5, s7;
	[dreg:$0x0] =	wrdreg $0x0  }
0xaa: {  	s7 =	sshll.u32 s28, $0x1;
	[dreg:$0x2] =	wrdreg s5  }
0xab: {  	[dreg:$0x3] =	wrdreg s7  }
0xac: {  	[dreg:$0x4] =	wrdreg $0xC0  }
0xad: {  	_ =	task [dreg:s9], $0x5FFFF  }
0xae: {  	[dreg:$0x1] =	wrdreg $0xFFFFFFFF  }
0xaf: {  	[dreg:$0x0] =	wrdreg $0x60  }
0xb0: {  	[dreg:$0x2] =	wrdreg s24  }
0xb1: {  	[dreg:$0x3] =	wrdreg s2  }
0xb2: {  	[dreg:$0x4] =	wrdreg s18  }
0xb3: {  	[dreg:$0x5] =	wrdreg s4  }
0xb4: {  	[dreg:$0x6] =	wrdreg $0x9  }
0xb5: {  	_ =	task.clear_ibuf [dreg:s9], $0x7FFFF;
	_ =	strace $0x90000046  }
0xb6: {  	s29 =	simm.s32 $0x9;
	_ =	strace $0x80000048  }
0xb7: {  	_ =	swait.ge [sflag:s29], $0x1  }
0xb8: {  	[sflag:s29] =	ssyncadd.s32 $0xFFFFFFFF  }
0xb9: {  	_ =	strace $0x90000048  }
0xba: {  	_ =	sfence  }
0xbb: {  	s30 =	sld [smem:$0x0];
	_ =	sdelay $0x2  }
0xbc: {  	s31 =	sshll.u32 s1, $0xD;
	s1 =	sshrl.u32 s1, $0x2  }
0xbd: {  	s3 =	sand.u32 $0x4000, s31;
	s1 =	sadd.s32 s1, s30  }
0xbe: {  	s0 =	sor.u32 s3, s0;
	s1 =	sshll.u32 s1, $0x11  }
0xbf: {  	s0 =	sor.u32 s1, s0  }
0xc0: {  	s0 =	sadd.s32 $0x8F2B, s0  }
0xc1: {  	[sflag:s0] =	ssyncadd.remote.s32 $0x1  }
0xc2: {  	_ =	sfence.sel $0xFFFF  }
0xc3: {  	[dreg:$0x0] =	wrdreg $0xFFFFFFFF;
	(pc) =	sbr.abs _section_cstart, $3  }
0xc4: {  	[dreg:$0x1] =	wrdreg $0xFFFFFFFF  }
0xc5: {  	_ =	task.clear_ibuf [dreg:s9], $0x2FFFF;
	_ =	strace $0x9FFFFFFF  }
0xc6: {  	(tm) =	ssettm $0x7FFFFFFF  }
0xc7: {  	_ =	shalt  }
tec
execute0_lowered:
.L_overlay_start_1:
0x0: {  	(tag) =	ssettag $0x1  }
0x1: {  	s2 =	rddreg [dreg:$0x0]  }
0x2: {  	s1 =	rddreg [dreg:$0x1]  }
0x3: {  	s3 =	rddreg [dreg:$0x2]  }
0x4: {  	s4 =	srdreg.scid;
	s0 =	stileid.u32  }
0x5: {  	s13 =	rddreg [dreg:$0x3];
	s15 =	simm.s32 $0xA0;
	s16 =	simm.s32 $0x3  }
0x6: {  	v0 =	vlaneseq.u32;
	s17 =	simm.s32 $0x50;
	s18 =	simm.s32 $0x140;
	s19 =	simm.s32 $0x2940  }
0x7: {  	s20 =	simm.s32 $0xF0;
	s21 =	simm.s32 $0x4;
	s22 =	simm.s32 $0x1540;
	v0 =	vmul.u32 $0x40, v0  }
0x8: {  	s23 =	simm.s32 $0x3D40;
	s24 =	simm.s32 $0x1;
	s25 =	simm.s32 $0x2  }
0x9: {  	s28 =	simm.s32 $0x5;
	s6 =	sand.u32 $0x1, s4;
	s5 =	sshll.u32 s0, $0x1;
	v1 =	vor.u32 $0x1, v0;
	v2 =	vor.u32 $0x2, v0  }
0xa: {  	s29 =	simm.s32 $0x0;
	s4 =	simm.s32 $0x0;
	s5 =	sor.u32 s6, s5;
	v3 =	vor.u32 $0x3, v0;
	v4 =	vor.u32 $0x4, v0;
	v5 =	vor.u32 $0x5, v0  }
0xb: {  	[smem:$0x7FF] =	sst s4;
	s7 =	ssub.s32 $0x2, s6;
	s12 =	smul.u32 $0x2710, s5;
	v6 =	vor.u32 $0x6, v0;
	v7 =	vor.u32 $0x7, v0;
	v8 =	vor.u32 $0x400, v0  }
0xc: {  	s6 =	sadd.s32 $0x14000, s2;
	_ =	strace $0x80000047;
	s31 =	sshrl.u32 s7, $0x1;
	v9 =	vor.u32 $0x401, v0;
	v10 =	vor.u32 $0x402, v0;
	v11 =	vor.u32 $0x403, v0  }
0xd: {  	s5 =	sadd.s32 $0x600, s2;
	v12 =	vor.u32 $0x404, v0;
	v13 =	vor.u32 $0x405, v0;
	v14 =	vor.u32 $0x406, v0;
	s2 =	ssub.s32 s7, s31;
	s14 =	sshrl.u32 s12, $0x3  }
0xe: {  	v15 =	vor.u32 $0x407, v0;
	v16 =	vor.u32 $0x800, v0;
	v17 =	vor.u32 $0x801, v0;
	s11 =	sadd.s32 $0xA0, s12;
	s12 =	sadd.s32 $0xF0, s12;
	s7 =	sadd.s32 s1, s14  }
0xf: {  	v18 =	vor.u32 $0x802, v0;
	v19 =	vor.u32 $0x803, v0;
	v20 =	vor.u32 $0x804, v0;
	s10 =	sadd.s32 $0xA, s14;
	s8 =	sadd.s32 s3, s14;
	s13 =	sadd.s32 s13, s14  }
0x10: {  	v21 =	vor.u32 $0x805, v0;
	v22 =	vor.u32 $0x806, v0;
	v23 =	vor.u32 $0x807, v0;
	s14 =	smax.u32 s2, $0x1;
	s9 =	sadd.s32 s1, s10;
	s10 =	sadd.s32 s3, s10  }
.LBB2_1:
0x11: {  	[tilespmem:s4], [sflag:$0x3] =	stream.linear.gather [hbm4b:s7+s4], $0x50, $0x38;
	[tilespmem:$0x7850] =	vst v63  }
0x12: {  	_ = 	snop  }
0x13: {  	[tilespmem:s15], [sflag:$0x3] =	stream.linear.gather [hbm4b:s8+s4], $0x50, $0x38;
	[tilespmem:$0x7850] =	vst v63  }
0x14: {  	_ =	swait.ge [sflag:s16], $0x50  }
0x15: {  	[sflag:s16] =	ssyncset.done $0x0  }
0x16: {  	[sflag:s16] =	ssyncadd.s32 $0xFFFFFFB0  }
0x17: {  	_ =	swait.ge [sflag:s16], $0x50  }
0x18: {  	[sflag:s16] =	ssyncset.done $0x0  }
0x19: {  	[sflag:s16] =	ssyncadd.s32 $0xFFFFFFB0  }
0x1a: {  	[tilespmem:s18], [sflag:$0x1] =	stream.indirect.gather [hbm4b:s5+s17], $0x40, s4, s17, $0xb8;
	[tilespmem:$0x7850] =	vst v63  }
0x1b: {  	_ = 	snop  }
0x1c: {  	[tilespmem:s19], [sflag:$0x1] =	stream.indirect.gather [hbm4b:s6+s17], $0x40, s15, s17, $0xb8;
	[tilespmem:$0x7850] =	vst v63  }
0x1d: {  	_ = 	snop  }
0x1e: {  	[tilespmem:s17], [sflag:$0x4] =	stream.linear.gather [hbm4b:s9+s4], $0x50, $0x38;
	[tilespmem:$0x7850] =	vst v63  }
0x1f: {  	s30 =	simm.s32 $0x0  }
0x20: {  	[tilespmem:s20], [sflag:$0x4] =	stream.linear.gather [hbm4b:s10+s4], $0x50, $0x38;
	[tilespmem:$0x7850] =	vst v63  }
.LBB2_2:
0x21: {  	_ =	swait.ge [sflag:s21], $0x50  }
0x22: {  	[sflag:s21] =	ssyncset.done $0x0  }
0x23: {  	[sflag:s21] =	ssyncadd.s32 $0xFFFFFFB0  }
0x24: {  	_ =	swait.ge [sflag:s21], $0x50  }
0x25: {  	[sflag:s21] =	ssyncset.done $0x0  }
0x26: {  	[sflag:s21] =	ssyncadd.s32 $0xFFFFFFB0  }
0x27: {  	[tilespmem:s22], [sflag:$0x2] =	stream.indirect.gather [hbm4b:s5+s17], $0x40, s17, s17, $0xb8;
	[tilespmem:$0x7850] =	vst v63  }
0x28: {  	_ = 	snop  }
0x29: {  	[tilespmem:s23], [sflag:$0x2] =	stream.indirect.gather [hbm4b:s6+s17], $0x40, s20, s17, $0xb8;
	[tilespmem:$0x7850] =	vst v63  }
0x2a: {  	_ =	swait.ge [sflag:s24], $0x1400  }
0x2b: {  	s31 =	smul.u32 $0xA0, s30;
	[sflag:s24] =	ssyncset.done $0x0  }
0x2c: {  	[sflag:s24] =	ssyncadd.s32 $0xFFFFEC00  }
0x2d: {  	v24 =	vimm.s32 $0x0;
	s2 =	sadd.s32 s31, s11;
	_ =	swait.ge [sflag:s24], $0x1400  }
0x2e: {  	v25 =	vadd.s32 v0, v24;
	s2 =	sshrl.u32 s2, $0x3;
	[sflag:s24] =	ssyncset.done $0x0  }
0x2f: {  	s0 =	sadd.s32 s1, s2;
	[sflag:s24] =	ssyncadd.s32 $0xFFFFEC00  }
0x30: {  	v26 =	vadd.s32 v1, v24;
	[tilespmem:s4], [sflag:$0x3] =	stream.linear.gather [hbm4b:s0+s4], $0x50, $0x38;
	[tilespmem:$0x7850] =	vst v63  }
0x31: {  	s26 =	sadd.s32 s3, s2  }
0x32: {  	v27 =	vadd.s32 v2, v24;
	[tilespmem:s15], [sflag:$0x3] =	stream.linear.gather [hbm4b:s26+s4], $0x50, $0x38;
	[tilespmem:$0x7850] =	vst v63  }
0x33: {  	v29 =	vld.idx.msk [tilespmem:v25+s18+$0x0], $0xffff  }
0x34: {  	v30 =	vadd.s32 v3, v24;
	v25 =	vld.idx.msk [tilespmem:v25+s19+$0x0], $0xffff  }
0x35: {  	v31 =	vld.idx.msk [tilespmem:v26+s18+$0x0], $0xffff  }
0x36: {  	v33 =	vadd.s32 v4, v24;
	v32 =	vld.idx.msk [tilespmem:v26+s19+$0x0], $0xffff  }
0x37: {  	v35 =	vld.idx.msk [tilespmem:v27+s18+$0x0], $0xffff  }
0x38: {  	v39 =	vadd.s32 v5, v24;
	v38 =	vld.idx.msk [tilespmem:v27+s19+$0x0], $0xffff  }
0x39: {  	v28 =	vld.idx.msk [tilespmem:v30+s18+$0x0], $0xffff  }
0x3a: {  	v30 =	vld.idx.msk [tilespmem:v30+s19+$0x0], $0xffff;
	v27 =	vmul.bf16 v25, v29;
	v29 =	vadd.s32 v6, v24  }
0x3b: {  	v34 =	vimm.f32 $0.0e+00;
	v26 =	vld.idx.msk [tilespmem:v33+s18+$0x0], $0xffff;
	v25 =	vadd.s32 v7, v24  }
0x3c: {  	v32 =	vmul.bf16 v32, v31;
	v31 =	vld.idx.msk [tilespmem:v33+s19+$0x0], $0xffff;
	v36 =	vunpack.i.u.bf16.f32 v27;
	v27 =	vunpack.i.l.bf16.f32 v27  }
0x3d: {  	v24 =	vadd.s32 $0x8, v24;
	v33 =	vadd.f32 v27, v34;
	v34 =	vadd.f32 v36, v34;
	v27 =	vld.idx.msk [tilespmem:v39+s18+$0x0], $0xffff  }
0x3e: {  	s2 =	simm.s32 $0x0;
	v35 =	vmul.bf16 v38, v35;
	v37 =	vunpack.i.l.bf16.f32 v32;
	v36 =	vunpack.i.u.bf16.f32 v32;
	v32 =	vld.idx.msk [tilespmem:v39+s19+$0x0], $0xffff  }
.LBB2_3:
0x3f: {  	v38 =	vadd.s32 v0, v24;
	v33 =	vadd.f32 v37, v33;
	v34 =	vadd.f32 v36, v34;
	v36 =	vld.idx.msk [tilespmem:v29+s18+$0x0], $0xffff  }
0x40: {  	s2 =	sadd.s32 $0x8, s2;
	v28 =	vmul.bf16 v30, v28;
	v37 =	vunpack.i.u.bf16.f32 v35;
	v35 =	vunpack.i.l.bf16.f32 v35;
	v29 =	vld.idx.msk [tilespmem:v29+s19+$0x0], $0xffff  }
0x41: {  	v30 =	vadd.s32 v1, v24;
	p0 =	slt.u32 s2, $0x38;
	v33 =	vadd.f32 v35, v33;
	v34 =	vadd.f32 v37, v34;
	v35 =	vld.idx.msk [tilespmem:v25+s18+$0x0], $0xffff  }
0x42: {  	v37 =	vunpack.i.u.bf16.f32 v28;
	v28 =	vunpack.i.l.bf16.f32 v28;
	v26 =	vmul.bf16 v31, v26;
	v25 =	vld.idx.msk [tilespmem:v25+s19+$0x0], $0xffff  }
0x43: {  	v31 =	vadd.s32 v2, v24;
	v28 =	vadd.f32 v28, v33;
	v33 =	vadd.f32 v37, v34  }
0x44: {  	v37 =	vunpack.i.u.bf16.f32 v26;
	v26 =	vunpack.i.l.bf16.f32 v26;
	v27 =	vmul.bf16 v32, v27;
	v34 =	vld.idx.msk [tilespmem:v38+s18+$0x0], $0xffff  }
0x45: {  	v32 =	vld.idx.msk [tilespmem:v38+s19+$0x0], $0xffff;
	v38 =	vadd.s32 v3, v24;
	v26 =	vadd.f32 v26, v28;
	v28 =	vadd.f32 v37, v33  }
0x46: {  	v37 =	vunpack.i.u.bf16.f32 v27;
	v27 =	vunpack.i.l.bf16.f32 v27;
	v29 =	vmul.bf16 v29, v36;
	v33 =	vld.idx.msk [tilespmem:v30+s18+$0x0], $0xffff  }
0x47: {  	v39 =	vadd.s32 v4, v24;
	v36 =	vld.idx.msk [tilespmem:v30+s19+$0x0], $0xffff;
	v26 =	vadd.f32 v27, v26;
	v27 =	vadd.f32 v37, v28  }
0x48: {  	v28 =	vunpack.i.u.bf16.f32 v29;
	v29 =	vunpack.i.l.bf16.f32 v29;
	v25 =	vmul.bf16 v25, v35;
	v40 =	vld.idx.msk [tilespmem:v31+s18+$0x0], $0xffff  }
0x49: {  	v41 =	vadd.s32 v5, v24;
	v35 =	vld.idx.msk [tilespmem:v31+s19+$0x0], $0xffff;
	v26 =	vadd.f32 v29, v26;
	v27 =	vadd.f32 v28, v27  }
0x4a: {  	v29 =	vadd.s32 v6, v24;
	v31 =	vunpack.i.u.bf16.f32 v25;
	v25 =	vunpack.i.l.bf16.f32 v25;
	v28 =	vld.idx.msk [tilespmem:v38+s18+$0x0], $0xffff  }
.Ltmp0:
0x4b: {  	v32 =	vmul.bf16 v32, v34;
	v30 =	vld.idx.msk [tilespmem:v38+s19+$0x0], $0xffff;
	v34 =	vadd.f32 v25, v26;
	v27 =	vadd.f32 v31, v27;
	(pc) =	sbr.rel @p0 .LBB2_3-.Ltmp0, $4  }
0x4c: {  	v25 =	vadd.s32 v7, v24;
	v26 =	vld.idx.msk [tilespmem:v39+s18+$0x0], $0xffff  }
0x4d: {  	v37 =	vunpack.i.u.bf16.f32 v32;
	v32 =	vunpack.i.l.bf16.f32 v32;
	v38 =	vmul.bf16 v36, v33;
	v31 =	vld.idx.msk [tilespmem:v39+s19+$0x0], $0xffff  }
0x4e: {  	v24 =	vadd.s32 $0x8, v24;
	v33 =	vadd.f32 v32, v34;
	v34 =	vadd.f32 v37, v27;
	v27 =	vld.idx.msk [tilespmem:v41+s18+$0x0], $0xffff  }
0x4f: {  	v36 =	vunpack.i.u.bf16.f32 v38;
	v37 =	vunpack.i.l.bf16.f32 v38;
	v35 =	vmul.bf16 v35, v40;
	v32 =	vld.idx.msk [tilespmem:v41+s19+$0x0], $0xffff  }
0x50: {  	_ =	sdelay $0x2  }
0x51: {  	v24 =	vadd.f32 v37, v33;
	v53 =	vadd.f32 v36, v34  }
0x52: {  	v54 =	vld.idx.msk [tilespmem:v29+s18+$0x0], $0xffff;
	v28 =	vmul.bf16 v30, v28;
	v55 =	vunpack.i.u.bf16.f32 v35;
	v56 =	vunpack.i.l.bf16.f32 v35  }
0x53: {  	v29 =	vld.idx.msk [tilespmem:v29+s19+$0x0], $0xffff;
	v24 =	vadd.f32 v56, v24;
	v30 =	vadd.f32 v55, v53  }
0x54: {  	v57 =	vld.idx.msk [tilespmem:v25+s18+$0x0], $0xffff;
	v58 =	vunpack.i.u.bf16.f32 v28;
	v28 =	vunpack.i.l.bf16.f32 v28;
	v26 =	vmul.bf16 v31, v26  }
0x55: {  	v25 =	vld.idx.msk [tilespmem:v25+s19+$0x0], $0xffff;
	v24 =	vadd.f32 v28, v24;
	v28 =	vadd.f32 v58, v30  }
0x56: {  	v30 =	vunpack.i.u.bf16.f32 v26;
	v26 =	vunpack.i.l.bf16.f32 v26;
	v27 =	vmul.bf16 v32, v27  }
0x57: {  	v24 =	vadd.f32 v26, v24;
	v26 =	vadd.f32 v30, v28  }
0x58: {  	v29 =	vmul.bf16 v29, v54;
	v28 =	vunpack.i.u.bf16.f32 v27;
	v27 =	vunpack.i.l.bf16.f32 v27  }
0x59: {  	v24 =	vadd.f32 v27, v24;
	v26 =	vadd.f32 v28, v26  }
0x5a: {  	v25 =	vmul.bf16 v25, v57;
	v27 =	vunpack.i.u.bf16.f32 v29;
	v28 =	vunpack.i.l.bf16.f32 v29  }
0x5b: {  	v24 =	vadd.f32 v28, v24;
	v26 =	vadd.f32 v27, v26  }
0x5c: {  	v27 =	vunpack.i.u.bf16.f32 v25;
	v25 =	vunpack.i.l.bf16.f32 v25  }
0x5d: {  	v24 =	vadd.f32 v25, v24;
	v25 =	vadd.f32 v27, v26;
	_ =	sdelay $0x1  }
0x5e: {  	v24 =	vadd.f32 v25, v24;
	_ =	sdelay $0x1  }
0x5f: {  	v24 =	vsub.f32 $0.0e+00, v24;
	_ =	sdelay $0x1  }
0x60: {  	v24 =	vmul.f32 $1.442695020e+00, v24;
	_ =	sdelay $0x1  }
0x61: {  	(erf) = vpow2.f32 v24;
	_ =	sdelay $0x8  }
0x62: {  	v24 =	vpop (erf)  }
0x63: {  	v24 =	vadd.f32 $1.000000000e+00, v24;
	_ =	sdelay $0x1  }
0x64: {  	(erf) = vrcp.f32 v24;
	_ =	sdelay $0x4  }
0x65: {  	v24 =	vimm.s32 $0x0  }
0x66: {  	v25 =	vadd.s32 v8, v24;
	_ =	sdelay $0x1  }
0x67: {  	v26 =	vadd.s32 v9, v24  }
0x68: {  	v27 =	vpop (erf)  }
0x69: {  	[tilespmem:s31+$0x5140] =	vst v27  }
0x6a: {  	v30 =	vadd.s32 v11, v24;
	v29 =	vld.idx.msk [tilespmem:v25+s18+$0x0], $0xffff  }
0x6b: {  	v27 =	vadd.s32 v10, v24;
	v25 =	vld.idx.msk [tilespmem:v25+s19+$0x0], $0xffff  }
0x6c: {  	v31 =	vld.idx.msk [tilespmem:v26+s18+$0x0], $0xffff  }
0x6d: {  	v59 =	vld.idx.msk [tilespmem:v26+s19+$0x0], $0xffff  }
0x6e: {  	v60 =	vadd.s32 v12, v24  }
0x6f: {  	v28 =	vld.idx.msk [tilespmem:v30+s18+$0x0], $0xffff  }
0x70: {  	v39 =	vadd.s32 v13, v24;
	v61 =	vld.idx.msk [tilespmem:v27+s18+$0x0], $0xffff  }
0x71: {  	v38 =	vld.idx.msk [tilespmem:v27+s19+$0x0], $0xffff  }
0x72: {  	v30 =	vld.idx.msk [tilespmem:v30+s19+$0x0], $0xffff;
	v27 =	vmul.bf16 v25, v29;
	v29 =	vadd.s32 v14, v24;
	v32 =	vmul.bf16 v59, v31  }
0x73: {  	v62 =	vimm.f32 $0.0e+00;
	v26 =	vld.idx.msk [tilespmem:v60+s18+$0x0], $0xffff;
	v25 =	vadd.s32 v15, v24  }
0x74: {  	v31 =	vld.idx.msk [tilespmem:v60+s19+$0x0], $0xffff;
	v63 =	vunpack.i.u.bf16.f32 v27;
	v27 =	vunpack.i.l.bf16.f32 v27;
	v36 =	vunpack.i.u.bf16.f32 v32  }
0x75: {  	v37 =	vunpack.i.l.bf16.f32 v32;
	v32 =	vld.idx.msk [tilespmem:v39+s19+$0x0], $0xffff;
	v33 =	vadd.f32 v27, v62;
	v34 =	vadd.f32 v63, v62  }
0x76: {  	s2 =	simm.s32 $0x0;
	v24 =	vadd.s32 $0x8, v24;
	v27 =	vld.idx.msk [tilespmem:v39+s18+$0x0], $0xffff;
	v35 =	vmul.bf16 v38, v61  }
.LBB2_5:
0x77: {  	v38 =	vadd.s32 v8, v24;
	v33 =	vadd.f32 v37, v33;
	v34 =	vadd.f32 v36, v34;
	v36 =	vld.idx.msk [tilespmem:v29+s18+$0x0], $0xffff  }
0x78: {  	s2 =	sadd.s32 $0x8, s2;
	v28 =	vmul.bf16 v30, v28;
	v37 =	vunpack.i.u.bf16.f32 v35;
	v35 =	vunpack.i.l.bf16.f32 v35;
	v29 =	vld.idx.msk [tilespmem:v29+s19+$0x0], $0xffff  }
0x79: {  	v30 =	vadd.s32 v9, v24;
	p0 =	slt.u32 s2, $0x38;
	v33 =	vadd.f32 v35, v33;
	v34 =	vadd.f32 v37, v34;
	v35 =	vld.idx.msk [tilespmem:v25+s18+$0x0], $0xffff  }
0x7a: {  	v37 =	vunpack.i.u.bf16.f32 v28;
	v28 =	vunpack.i.l.bf16.f32 v28;
	v26 =	vmul.bf16 v31, v26;
	v25 =	vld.idx.msk [tilespmem:v25+s19+$0x0], $0xffff  }
0x7b: {  	v31 =	vadd.s32 v10, v24;
	v28 =	vadd.f32 v28, v33;
	v33 =	vadd.f32 v37, v34  }
0x7c: {  	v37 =	vunpack.i.u.bf16.f32 v26;
	v26 =	vunpack.i.l.bf16.f32 v26;
	v27 =	vmul.bf16 v32, v27;
	v34 =	vld.idx.msk [tilespmem:v38+s18+$0x0], $0xffff  }
0x7d: {  	v32 =	vld.idx.msk [tilespmem:v38+s19+$0x0], $0xffff;
	v38 =	vadd.s32 v11, v24;
	v26 =	vadd.f32 v26, v28;
	v28 =	vadd.f32 v37, v33  }
0x7e: {  	v37 =	vunpack.i.u.bf16.f32 v27;
	v27 =	vunpack.i.l.bf16.f32 v27;
	v29 =	vmul.bf16 v29, v36;
	v33 =	vld.idx.msk [tilespmem:v30+s18+$0x0], $0xffff  }
0x7f: {  	v39 =	vadd.s32 v12, v24;
	v36 =	vld.idx.msk [tilespmem:v30+s19+$0x0], $0xffff;
	v26 =	vadd.f32 v27, v26;
	v27 =	vadd.f32 v37, v28  }
0x80: {  	v28 =	vunpack.i.u.bf16.f32 v29;
	v29 =	vunpack.i.l.bf16.f32 v29;
	v25 =	vmul.bf16 v25, v35;
	v40 =	vld.idx.msk [tilespmem:v31+s18+$0x0], $0xffff  }
0x81: {  	v41 =	vadd.s32 v13, v24;
	v35 =	vld.idx.msk [tilespmem:v31+s19+$0x0], $0xffff;
	v26 =	vadd.f32 v29, v26;
	v27 =	vadd.f32 v28, v27  }
0x82: {  	v29 =	vadd.s32 v14, v24;
	v31 =	vunpack.i.u.bf16.f32 v25;
	v25 =	vunpack.i.l.bf16.f32 v25;
	v28 =	vld.idx.msk [tilespmem:v38+s18+$0x0], $0xffff  }
.Ltmp1:
0x83: {  	v32 =	vmul.bf16 v32, v34;
	v30 =	vld.idx.msk [tilespmem:v38+s19+$0x0], $0xffff;
	v34 =	vadd.f32 v25, v26;
	v27 =	vadd.f32 v31, v27;
	(pc) =	sbr.rel @p0 .LBB2_5-.Ltmp1, $4  }
0x84: {  	v25 =	vadd.s32 v15, v24;
	v26 =	vld.idx.msk [tilespmem:v39+s18+$0x0], $0xffff  }
0x85: {  	v37 =	vunpack.i.u.bf16.f32 v32;
	v32 =	vunpack.i.l.bf16.f32 v32;
	v38 =	vmul.bf16 v36, v33;
	v31 =	vld.idx.msk [tilespmem:v39+s19+$0x0], $0xffff  }
0x86: {  	v24 =	vadd.s32 $0x8, v24;
	v33 =	vadd.f32 v32, v34;
	v34 =	vadd.f32 v37, v27;
	v27 =	vld.idx.msk [tilespmem:v41+s18+$0x0], $0xffff  }
0x87: {  	v36 =	vunpack.i.u.bf16.f32 v38;
	v37 =	vunpack.i.l.bf16.f32 v38;
	v35 =	vmul.bf16 v35, v40;
	v32 =	vld.idx.msk [tilespmem:v41+s19+$0x0], $0xffff  }
0x88: {  	_ =	sdelay $0x2  }
0x89: {  	v24 =	vadd.f32 v37, v33;
	v53 =	vadd.f32 v36, v34  }
0x8a: {  	v54 =	vld.idx.msk [tilespmem:v29+s18+$0x0], $0xffff;
	v28 =	vmul.bf16 v30, v28;
	v55 =	vunpack.i.u.bf16.f32 v35;
	v56 =	vunpack.i.l.bf16.f32 v35  }
0x8b: {  	v29 =	vld.idx.msk [tilespmem:v29+s19+$0x0], $0xffff;
	v24 =	vadd.f32 v56, v24;
	v30 =	vadd.f32 v55, v53  }
0x8c: {  	v57 =	vld.idx.msk [tilespmem:v25+s18+$0x0], $0xffff;
	v58 =	vunpack.i.u.bf16.f32 v28;
	v28 =	vunpack.i.l.bf16.f32 v28;
	v26 =	vmul.bf16 v31, v26  }
0x8d: {  	v25 =	vld.idx.msk [tilespmem:v25+s19+$0x0], $0xffff;
	v24 =	vadd.f32 v28, v24;
	v28 =	vadd.f32 v58, v30  }
0x8e: {  	v30 =	vunpack.i.u.bf16.f32 v26;
	v26 =	vunpack.i.l.bf16.f32 v26;
	v27 =	vmul.bf16 v32, v27  }
0x8f: {  	v24 =	vadd.f32 v26, v24;
	v26 =	vadd.f32 v30, v28  }
0x90: {  	v29 =	vmul.bf16 v29, v54;
	v28 =	vunpack.i.u.bf16.f32 v27;
	v27 =	vunpack.i.l.bf16.f32 v27  }
0x91: {  	v24 =	vadd.f32 v27, v24;
	v26 =	vadd.f32 v28, v26  }
0x92: {  	v25 =	vmul.bf16 v25, v57;
	v27 =	vunpack.i.u.bf16.f32 v29;
	v28 =	vunpack.i.l.bf16.f32 v29  }
0x93: {  	v24 =	vadd.f32 v28, v24;
	v26 =	vadd.f32 v27, v26  }
0x94: {  	v27 =	vunpack.i.u.bf16.f32 v25;
	v25 =	vunpack.i.l.bf16.f32 v25  }
0x95: {  	v24 =	vadd.f32 v25, v24;
	v25 =	vadd.f32 v27, v26;
	_ =	sdelay $0x1  }
0x96: {  	v24 =	vadd.f32 v25, v24;
	_ =	sdelay $0x1  }
0x97: {  	v24 =	vsub.f32 $0.0e+00, v24;
	_ =	sdelay $0x1  }
0x98: {  	v24 =	vmul.f32 $1.442695020e+00, v24;
	_ =	sdelay $0x1  }
0x99: {  	(erf) = vpow2.f32 v24;
	_ =	sdelay $0x8  }
0x9a: {  	v24 =	vpop (erf)  }
0x9b: {  	v24 =	vadd.f32 $1.000000000e+00, v24;
	_ =	sdelay $0x1  }
0x9c: {  	(erf) = vrcp.f32 v24;
	_ =	sdelay $0x4  }
0x9d: {  	v24 =	vimm.s32 $0x0  }
0x9e: {  	v25 =	vadd.s32 v16, v24;
	_ =	sdelay $0x1  }
0x9f: {  	v26 =	vadd.s32 v17, v24  }
0xa0: {  	v27 =	vpop (erf)  }
0xa1: {  	[tilespmem:s31+$0x5150] =	vst v27  }
0xa2: {  	v30 =	vadd.s32 v19, v24;
	v29 =	vld.idx.msk [tilespmem:v25+s18+$0x0], $0xffff  }
0xa3: {  	v27 =	vadd.s32 v18, v24;
	v25 =	vld.idx.msk [tilespmem:v25+s19+$0x0], $0xffff  }
0xa4: {  	v31 =	vld.idx.msk [tilespmem:v26+s18+$0x0], $0xffff  }
0xa5: {  	v59 =	vld.idx.msk [tilespmem:v26+s19+$0x0], $0xffff  }
0xa6: {  	v60 =	vadd.s32 v20, v24  }
0xa7: {  	v28 =	vld.idx.msk [tilespmem:v30+s18+$0x0], $0xffff  }
0xa8: {  	v39 =	vadd.s32 v21, v24;
	v61 =	vld.idx.msk [tilespmem:v27+s18+$0x0], $0xffff  }
0xa9: {  	v38 =	vld.idx.msk [tilespmem:v27+s19+$0x0], $0xffff  }
0xaa: {  	v30 =	vld.idx.msk [tilespmem:v30+s19+$0x0], $0xffff;
	v27 =	vmul.bf16 v25, v29;
	v29 =	vadd.s32 v22, v24;
	v32 =	vmul.bf16 v59, v31  }
0xab: {  	v62 =	vimm.f32 $0.0e+00;
	v26 =	vld.idx.msk [tilespmem:v60+s18+$0x0], $0xffff;
	v25 =	vadd.s32 v23, v24  }
0xac: {  	v31 =	vld.idx.msk [tilespmem:v60+s19+$0x0], $0xffff;
	v63 =	vunpack.i.u.bf16.f32 v27;
	v27 =	vunpack.i.l.bf16.f32 v27;
	v36 =	vunpack.i.u.bf16.f32 v32  }
0xad: {  	v37 =	vunpack.i.l.bf16.f32 v32;
	v32 =	vld.idx.msk [tilespmem:v39+s19+$0x0], $0xffff;
	v33 =	vadd.f32 v27, v62;
	v34 =	vadd.f32 v63, v62  }
0xae: {  	s2 =	simm.s32 $0x0;
	v24 =	vadd.s32 $0x8, v24;
	v27 =	vld.idx.msk [tilespmem:v39+s18+$0x0], $0xffff;
	v35 =	vmul.bf16 v38, v61  }
.LBB2_7:
0xaf: {  	v38 =	vadd.s32 v16, v24;
	v33 =	vadd.f32 v37, v33;
	v34 =	vadd.f32 v36, v34;
	v36 =	vld.idx.msk [tilespmem:v29+s18+$0x0], $0xffff  }
0xb0: {  	s2 =	sadd.s32 $0x8, s2;
	v28 =	vmul.bf16 v30, v28;
	v37 =	vunpack.i.u.bf16.f32 v35;
	v35 =	vunpack.i.l.bf16.f32 v35;
	v29 =	vld.idx.msk [tilespmem:v29+s19+$0x0], $0xffff  }
0xb1: {  	v30 =	vadd.s32 v17, v24;
	p0 =	slt.u32 s2, $0x38;
	v33 =	vadd.f32 v35, v33;
	v34 =	vadd.f32 v37, v34;
	v35 =	vld.idx.msk [tilespmem:v25+s18+$0x0], $0xffff  }
0xb2: {  	v37 =	vunpack.i.u.bf16.f32 v28;
	v28 =	vunpack.i.l.bf16.f32 v28;
	v26 =	vmul.bf16 v31, v26;
	v25 =	vld.idx.msk [tilespmem:v25+s19+$0x0], $0xffff  }
0xb3: {  	v31 =	vadd.s32 v18, v24;
	v28 =	vadd.f32 v28, v33;
	v33 =	vadd.f32 v37, v34  }
0xb4: {  	v37 =	vunpack.i.u.bf16.f32 v26;
	v26 =	vunpack.i.l.bf16.f32 v26;
	v27 =	vmul.bf16 v32, v27;
	v34 =	vld.idx.msk [tilespmem:v38+s18+$0x0], $0xffff  }
0xb5: {  	v32 =	vld.idx.msk [tilespmem:v38+s19+$0x0], $0xffff;
	v38 =	vadd.s32 v19, v24;
	v26 =	vadd.f32 v26, v28;
	v28 =	vadd.f32 v37, v33  }
0xb6: {  	v37 =	vunpack.i.u.bf16.f32 v27;
	v27 =	vunpack.i.l.bf16.f32 v27;
	v29 =	vmul.bf16 v29, v36;
	v33 =	vld.idx.msk [tilespmem:v30+s18+$0x0], $0xffff  }
0xb7: {  	v39 =	vadd.s32 v20, v24;
	v36 =	vld.idx.msk [tilespmem:v30+s19+$0x0], $0xffff;
	v26 =	vadd.f32 v27, v26;
	v27 =	vadd.f32 v37, v28  }
0xb8: {  	v28 =	vunpack.i.u.bf16.f32 v29;
	v29 =	vunpack.i.l.bf16.f32 v29;
	v25 =	vmul.bf16 v25, v35;
	v40 =	vld.idx.msk [tilespmem:v31+s18+$0x0], $0xffff  }
0xb9: {  	v41 =	vadd.s32 v21, v24;
	v35 =	vld.idx.msk [tilespmem:v31+s19+$0x0], $0xffff;
	v26 =	vadd.f32 v29, v26;
	v27 =	vadd.f32 v28, v27  }
0xba: {  	v29 =	vadd.s32 v22, v24;
	v31 =	vunpack.i.u.bf16.f32 v25;
	v25 =	vunpack.i.l.bf16.f32 v25;
	v28 =	vld.idx.msk [tilespmem:v38+s18+$0x0], $0xffff  }
.Ltmp2:
0xbb: {  	v32 =	vmul.bf16 v32, v34;
	v30 =	vld.idx.msk [tilespmem:v38+s19+$0x0], $0xffff;
	v34 =	vadd.f32 v25, v26;
	v27 =	vadd.f32 v31, v27;
	(pc) =	sbr.rel @p0 .LBB2_7-.Ltmp2, $4  }
0xbc: {  	v25 =	vadd.s32 v23, v24;
	v26 =	vld.idx.msk [tilespmem:v39+s18+$0x0], $0xffff  }
0xbd: {  	v37 =	vunpack.i.u.bf16.f32 v32;
	v32 =	vunpack.i.l.bf16.f32 v32;
	v38 =	vmul.bf16 v36, v33;
	v31 =	vld.idx.msk [tilespmem:v39+s19+$0x0], $0xffff  }
0xbe: {  	v24 =	vadd.s32 $0x8, v24;
	v33 =	vadd.f32 v32, v34;
	v34 =	vadd.f32 v37, v27;
	v27 =	vld.idx.msk [tilespmem:v41+s18+$0x0], $0xffff  }
0xbf: {  	v36 =	vunpack.i.u.bf16.f32 v38;
	v37 =	vunpack.i.l.bf16.f32 v38;
	v35 =	vmul.bf16 v35, v40;
	v32 =	vld.idx.msk [tilespmem:v41+s19+$0x0], $0xffff  }
0xc0: {  	_ =	sdelay $0x2  }
0xc1: {  	v24 =	vadd.f32 v37, v33;
	v57 =	vadd.f32 v36, v34  }
0xc2: {  	v58 =	vld.idx.msk [tilespmem:v29+s18+$0x0], $0xffff;
	v28 =	vmul.bf16 v30, v28;
	v59 =	vunpack.i.u.bf16.f32 v35;
	v60 =	vunpack.i.l.bf16.f32 v35  }
0xc3: {  	v29 =	vld.idx.msk [tilespmem:v29+s19+$0x0], $0xffff;
	v24 =	vadd.f32 v60, v24;
	v30 =	vadd.f32 v59, v57  }
0xc4: {  	v61 =	vld.idx.msk [tilespmem:v25+s18+$0x0], $0xffff;
	v62 =	vunpack.i.u.bf16.f32 v28;
	v28 =	vunpack.i.l.bf16.f32 v28;
	v26 =	vmul.bf16 v31, v26  }
0xc5: {  	v25 =	vld.idx.msk [tilespmem:v25+s19+$0x0], $0xffff;
	v24 =	vadd.f32 v28, v24;
	v28 =	vadd.f32 v62, v30  }
0xc6: {  	v30 =	vunpack.i.u.bf16.f32 v26;
	v26 =	vunpack.i.l.bf16.f32 v26;
	v27 =	vmul.bf16 v32, v27  }
0xc7: {  	v24 =	vadd.f32 v26, v24;
	v26 =	vadd.f32 v30, v28  }
0xc8: {  	v29 =	vmul.bf16 v29, v58;
	v28 =	vunpack.i.u.bf16.f32 v27;
	v27 =	vunpack.i.l.bf16.f32 v27  }
0xc9: {  	v24 =	vadd.f32 v27, v24;
	v26 =	vadd.f32 v28, v26  }
0xca: {  	v25 =	vmul.bf16 v25, v61;
	v27 =	vunpack.i.u.bf16.f32 v29;
	v28 =	vunpack.i.l.bf16.f32 v29  }
0xcb: {  	v24 =	vadd.f32 v28, v24;
	v26 =	vadd.f32 v27, v26  }
0xcc: {  	v27 =	vunpack.i.u.bf16.f32 v25;
	v25 =	vunpack.i.l.bf16.f32 v25  }
0xcd: {  	v24 =	vadd.f32 v25, v24;
	v25 =	vadd.f32 v27, v26;
	_ =	sdelay $0x1  }
0xce: {  	v24 =	vadd.f32 v25, v24;
	_ =	sdelay $0x1  }
0xcf: {  	v24 =	vsub.f32 $0.0e+00, v24;
	_ =	sdelay $0x1  }
0xd0: {  	v24 =	vmul.f32 $1.442695020e+00, v24;
	_ =	sdelay $0x1  }
0xd1: {  	(erf) = vpow2.f32 v24;
	_ =	sdelay $0x8  }
0xd2: {  	v24 =	vpop (erf)  }
0xd3: {  	v24 =	vadd.f32 $1.000000000e+00, v24;
	_ =	sdelay $0x1  }
0xd4: {  	(erf) = vrcp.f32 v24;
	_ =	sdelay $0x4  }
0xd5: {  	v28 =	vimm.s32 $0x0;
	v24 =	vor.u32 $0xC00, v0  }
0xd6: {  	v29 =	vadd.s32 v24, v28  }
0xd7: {  	v25 =	vor.u32 $0xC01, v0  }
0xd8: {  	v30 =	vadd.s32 v25, v28  }
0xd9: {  	v27 =	vpop (erf)  }
0xda: {  	v26 =	vor.u32 $0xC02, v0;
	[tilespmem:s31+$0x5160] =	vst v27  }
0xdb: {  	v63 =	vadd.s32 v26, v28;
	v37 =	vld.idx.msk [tilespmem:v29+s18+$0x0], $0xffff  }
0xdc: {  	v27 =	vor.u32 $0xC03, v0;
	v41 =	vld.idx.msk [tilespmem:v29+s19+$0x0], $0xffff  }
0xdd: {  	v42 =	vadd.s32 v27, v28;
	v36 =	vld.idx.msk [tilespmem:v30+s18+$0x0], $0xffff  }
0xde: {  	v40 =	vld.idx.msk [tilespmem:v30+s19+$0x0], $0xffff;
	v30 =	vor.u32 $0xC04, v0  }
0xdf: {  	v43 =	vadd.s32 v30, v28  }
0xe0: {  	v31 =	vor.u32 $0xC05, v0;
	v32 =	vld.idx.msk [tilespmem:v63+s18+$0x0], $0xffff  }
0xe1: {  	v44 =	vimm.f32 $0.0e+00;
	v34 =	vor.u32 $0xC06, v0;
	v38 =	vadd.s32 v31, v28;
	v39 =	vld.idx.msk [tilespmem:v63+s19+$0x0], $0xffff  }
0xe2: {  	s2 =	simm.s32 $0x0;
	v45 =	vimm.f32 $0.0e+00;
	v35 =	vor.u32 $0xC07, v0;
	v29 =	vadd.s32 $0x8, v28;
	v33 =	vld.idx.msk [tilespmem:v42+s18+$0x0], $0xffff  }
.LBB2_9:
0xe3: {  	v37 =	vmul.bf16 v41, v37;
	v41 =	vld.idx.msk [tilespmem:v42+s19+$0x0], $0xffff;
	v42 =	vadd.s32 v34, v28  }
0xe4: {  	v47 =	vadd.s32 v35, v28;
	v28 =	vmov v29;
	v46 =	vld.idx.msk [tilespmem:v43+s18+$0x0], $0xffff  }
0xe5: {  	v36 =	vmul.bf16 v40, v36;
	v48 =	vunpack.i.u.bf16.f32 v37;
	v37 =	vunpack.i.l.bf16.f32 v37;
	v40 =	vld.idx.msk [tilespmem:v43+s19+$0x0], $0xffff  }
0xe6: {  	v37 =	vadd.f32 v37, v44;
	v43 =	vadd.f32 v48, v45;
	v44 =	vld.idx.msk [tilespmem:v38+s18+$0x0], $0xffff  }
0xe7: {  	v45 =	vunpack.i.u.bf16.f32 v36;
	v36 =	vunpack.i.l.bf16.f32 v36;
	v32 =	vmul.bf16 v39, v32;
	v38 =	vld.idx.msk [tilespmem:v38+s19+$0x0], $0xffff  }
0xe8: {  	v36 =	vadd.f32 v36, v37;
	v37 =	vadd.f32 v45, v43;
	v39 =	vld.idx.msk [tilespmem:v42+s18+$0x0], $0xffff  }
0xe9: {  	v43 =	vunpack.i.u.bf16.f32 v32;
	v32 =	vunpack.i.l.bf16.f32 v32;
	v33 =	vmul.bf16 v41, v33;
	v41 =	vld.idx.msk [tilespmem:v42+s19+$0x0], $0xffff  }
0xea: {  	s2 =	sadd.s32 $0x8, s2;
	v42 =	vadd.s32 v24, v29;
	v32 =	vadd.f32 v32, v36;
	v36 =	vadd.f32 v43, v37;
	v43 =	vld.idx.msk [tilespmem:v47+s18+$0x0], $0xffff  }
0xeb: {  	p0 =	slt.u32 s2, $0x38;
	v37 =	vunpack.i.u.bf16.f32 v33;
	v33 =	vunpack.i.l.bf16.f32 v33;
	v40 =	vmul.bf16 v40, v46;
	v45 =	vld.idx.msk [tilespmem:v47+s19+$0x0], $0xffff  }
0xec: {  	v46 =	vadd.s32 v25, v29;
	v32 =	vadd.f32 v33, v32;
	v33 =	vadd.f32 v37, v36  }
0xed: {  	v36 =	vunpack.i.u.bf16.f32 v40;
	v37 =	vunpack.i.l.bf16.f32 v40;
	v38 =	vmul.bf16 v38, v44  }
0xee: {  	v44 =	vadd.s32 v26, v29;
	v32 =	vadd.f32 v37, v32;
	v33 =	vadd.f32 v36, v33  }
0xef: {  	v36 =	vunpack.i.u.bf16.f32 v38;
	v38 =	vunpack.i.l.bf16.f32 v38;
	v39 =	vmul.bf16 v41, v39;
	v37 =	vld.idx.msk [tilespmem:v42+s18+$0x0], $0xffff  }
0xf0: {  	v41 =	vld.idx.msk [tilespmem:v42+s19+$0x0], $0xffff;
	v42 =	vadd.s32 v27, v29;
	v32 =	vadd.f32 v38, v32;
	v33 =	vadd.f32 v36, v33  }
.Ltmp3:
0xf1: {  	v38 =	vunpack.i.u.bf16.f32 v39;
	v39 =	vunpack.i.l.bf16.f32 v39;
	v45 =	vmul.bf16 v45, v43;
	v36 =	vld.idx.msk [tilespmem:v46+s18+$0x0], $0xffff;
	(pc) =	sbr.rel @p0 .LBB2_9-.Ltmp3, $4  }
0xf2: {  	v43 =	vadd.s32 v30, v29;
	v40 =	vld.idx.msk [tilespmem:v46+s19+$0x0], $0xffff;
	v46 =	vadd.f32 v39, v32;
	v33 =	vadd.f32 v38, v33  }
0xf3: {  	v47 =	vunpack.i.u.bf16.f32 v45;
	v45 =	vunpack.i.l.bf16.f32 v45;
	v32 =	vld.idx.msk [tilespmem:v44+s18+$0x0], $0xffff  }
0xf4: {  	v38 =	vadd.s32 v31, v29;
	v39 =	vld.idx.msk [tilespmem:v44+s19+$0x0], $0xffff;
	v44 =	vadd.f32 v45, v46;
	v45 =	vadd.f32 v47, v33  }
0xf5: {  	v29 =	vadd.s32 $0x8, v29;
	v33 =	vld.idx.msk [tilespmem:v42+s18+$0x0], $0xffff  }
0xf6: {  	_ =	sdelay $0x2  }
0xf7: {  	v29 =	vmul.bf16 v41, v37  }
0xf8: {  	v57 =	vld.idx.msk [tilespmem:v42+s19+$0x0], $0xffff;
	v58 =	vadd.s32 v34, v28  }
0xf9: {  	v59 =	vld.idx.msk [tilespmem:v43+s18+$0x0], $0xffff;
	v36 =	vmul.bf16 v40, v36;
	v46 =	vunpack.i.u.bf16.f32 v29;
	v29 =	vunpack.i.l.bf16.f32 v29  }
0xfa: {  	v28 =	vadd.s32 v35, v28;
	v60 =	vld.idx.msk [tilespmem:v43+s19+$0x0], $0xffff;
	v29 =	vadd.f32 v29, v44;
	v61 =	vadd.f32 v46, v45  }
0xfb: {  	v62 =	vld.idx.msk [tilespmem:v38+s18+$0x0], $0xffff;
	v63 =	vunpack.i.u.bf16.f32 v36;
	v36 =	vunpack.i.l.bf16.f32 v36;
	v32 =	vmul.bf16 v39, v32  }
0xfc: {  	v48 =	vld.idx.msk [tilespmem:v38+s19+$0x0], $0xffff;
	v29 =	vadd.f32 v36, v29;
	v49 =	vadd.f32 v63, v61  }
0xfd: {  	v50 =	vld.idx.msk [tilespmem:v58+s18+$0x0], $0xffff;
	v51 =	vunpack.i.u.bf16.f32 v32;
	v32 =	vunpack.i.l.bf16.f32 v32;
	v33 =	vmul.bf16 v57, v33  }
0xfe: {  	v52 =	vld.idx.msk [tilespmem:v58+s19+$0x0], $0xffff;
	v29 =	vadd.f32 v32, v29;
	v53 =	vadd.f32 v51, v49  }
0xff: {  	v54 =	vld.idx.msk [tilespmem:v28+s18+$0x0], $0xffff;
	v40 =	vmul.bf16 v60, v59;
	v55 =	vunpack.i.u.bf16.f32 v33;
	v33 =	vunpack.i.l.bf16.f32 v33  }
0x100: {  	v28 =	vld.idx.msk [tilespmem:v28+s19+$0x0], $0xffff;
	v29 =	vadd.f32 v33, v29;
	v32 =	vadd.f32 v55, v53  }
0x101: {  	v38 =	vmul.bf16 v48, v62;
	v56 =	vunpack.i.u.bf16.f32 v40;
	v40 =	vunpack.i.l.bf16.f32 v40  }
0x102: {  	v29 =	vadd.f32 v40, v29;
	v32 =	vadd.f32 v56, v32  }
0x103: {  	v57 =	vunpack.i.u.bf16.f32 v38;
	v38 =	vunpack.i.l.bf16.f32 v38;
	v37 =	vmul.bf16 v52, v50  }
0x104: {  	v29 =	vadd.f32 v38, v29;
	v32 =	vadd.f32 v57, v32  }
0x105: {  	v28 =	vmul.bf16 v28, v54;
	v58 =	vunpack.i.u.bf16.f32 v37;
	v37 =	vunpack.i.l.bf16.f32 v37  }
0x106: {  	v29 =	vadd.f32 v37, v29;
	v32 =	vadd.f32 v58, v32  }
0x107: {  	v59 =	vunpack.i.u.bf16.f32 v28;
	v28 =	vunpack.i.l.bf16.f32 v28  }
0x108: {  	v28 =	vadd.f32 v28, v29;
	v29 =	vadd.f32 v59, v32;
	_ =	sdelay $0x1  }
0x109: {  	v28 =	vadd.f32 v29, v28;
	_ =	sdelay $0x1  }
0x10a: {  	v28 =	vsub.f32 $0.0e+00, v28;
	_ =	sdelay $0x1  }
0x10b: {  	v28 =	vmul.f32 $1.442695020e+00, v28;
	_ =	sdelay $0x1  }
0x10c: {  	(erf) = vpow2.f32 v28;
	_ =	sdelay $0x8  }
0x10d: {  	v28 =	vpop (erf)  }
0x10e: {  	v28 =	vadd.f32 $1.000000000e+00, v28;
	_ =	sdelay $0x1  }
0x10f: {  	(erf) = vrcp.f32 v28;
	_ =	sdelay $0x4  }
0x110: {  	v40 =	vimm.s32 $0x0;
	v28 =	vor.u32 $0x1000, v0  }
0x111: {  	v60 =	vadd.s32 v28, v40  }
0x112: {  	v29 =	vor.u32 $0x1001, v0  }
0x113: {  	v61 =	vadd.s32 v29, v40  }
0x114: {  	v32 =	vor.u32 $0x1002, v0;
	v62 =	vpop (erf)  }
0x115: {  	v63 =	vadd.s32 v32, v40;
	[tilespmem:s31+$0x5170] =	vst v62  }
0x116: {  	v33 =	vor.u32 $0x1003, v0;
	v45 =	vld.idx.msk [tilespmem:v60+s18+$0x0], $0xffff  }
0x117: {  	v50 =	vadd.s32 v33, v40;
	v49 =	vld.idx.msk [tilespmem:v60+s19+$0x0], $0xffff  }
0x118: {  	v36 =	vor.u32 $0x1004, v0;
	v44 =	vld.idx.msk [tilespmem:v61+s18+$0x0], $0xffff  }
0x119: {  	v51 =	vadd.s32 v36, v40;
	v48 =	vld.idx.msk [tilespmem:v61+s19+$0x0], $0xffff  }
0x11a: {  	v37 =	vor.u32 $0x1005, v0;
	v42 =	vld.idx.msk [tilespmem:v63+s18+$0x0], $0xffff  }
0x11b: {  	v39 =	vor.u32 $0x1007, v0;
	v53 =	vimm.f32 $0.0e+00;
	v46 =	vadd.s32 v37, v40;
	v47 =	vld.idx.msk [tilespmem:v63+s19+$0x0], $0xffff  }
0x11c: {  	s2 =	simm.s32 $0x0;
	v52 =	vimm.f32 $0.0e+00;
	v41 =	vadd.s32 $0x8, v40;
	v38 =	vor.u32 $0x1006, v0;
	v43 =	vld.idx.msk [tilespmem:v50+s18+$0x0], $0xffff  }
.LBB2_11:
0x11d: {  	v45 =	vmul.bf16 v49, v45;
	v49 =	vld.idx.msk [tilespmem:v50+s19+$0x0], $0xffff;
	v50 =	vadd.s32 v38, v40  }
0x11e: {  	v55 =	vadd.s32 v39, v40;
	v40 =	vmov v41;
	v54 =	vld.idx.msk [tilespmem:v51+s18+$0x0], $0xffff  }
0x11f: {  	v44 =	vmul.bf16 v48, v44;
	v56 =	vunpack.i.u.bf16.f32 v45;
	v45 =	vunpack.i.l.bf16.f32 v45;
	v48 =	vld.idx.msk [tilespmem:v51+s19+$0x0], $0xffff  }
0x120: {  	v45 =	vadd.f32 v45, v52;
	v51 =	vadd.f32 v56, v53;
	v52 =	vld.idx.msk [tilespmem:v46+s18+$0x0], $0xffff  }
0x121: {  	v53 =	vunpack.i.u.bf16.f32 v44;
	v44 =	vunpack.i.l.bf16.f32 v44;
	v42 =	vmul.bf16 v47, v42;
	v46 =	vld.idx.msk [tilespmem:v46+s19+$0x0], $0xffff  }
0x122: {  	v44 =	vadd.f32 v44, v45;
	v45 =	vadd.f32 v53, v51;
	v47 =	vld.idx.msk [tilespmem:v50+s18+$0x0], $0xffff  }
0x123: {  	v51 =	vunpack.i.u.bf16.f32 v42;
	v42 =	vunpack.i.l.bf16.f32 v42;
	v43 =	vmul.bf16 v49, v43;
	v49 =	vld.idx.msk [tilespmem:v50+s19+$0x0], $0xffff  }
0x124: {  	s2 =	sadd.s32 $0x8, s2;
	v50 =	vadd.s32 v28, v41;
	v42 =	vadd.f32 v42, v44;
	v44 =	vadd.f32 v51, v45;
	v51 =	vld.idx.msk [tilespmem:v55+s18+$0x0], $0xffff  }
0x125: {  	p0 =	slt.u32 s2, $0x38;
	v45 =	vunpack.i.u.bf16.f32 v43;
	v43 =	vunpack.i.l.bf16.f32 v43;
	v48 =	vmul.bf16 v48, v54;
	v53 =	vld.idx.msk [tilespmem:v55+s19+$0x0], $0xffff  }
0x126: {  	v54 =	vadd.s32 v29, v41;
	v42 =	vadd.f32 v43, v42;
	v43 =	vadd.f32 v45, v44  }
0x127: {  	v44 =	vunpack.i.u.bf16.f32 v48;
	v45 =	vunpack.i.l.bf16.f32 v48;
	v46 =	vmul.bf16 v46, v52  }
0x128: {  	v52 =	vadd.s32 v32, v41;
	v42 =	vadd.f32 v45, v42;
	v43 =	vadd.f32 v44, v43  }
0x129: {  	v44 =	vunpack.i.u.bf16.f32 v46;
	v46 =	vunpack.i.l.bf16.f32 v46;
	v47 =	vmul.bf16 v49, v47;
	v45 =	vld.idx.msk [tilespmem:v50+s18+$0x0], $0xffff  }
0x12a: {  	v49 =	vld.idx.msk [tilespmem:v50+s19+$0x0], $0xffff;
	v50 =	vadd.s32 v33, v41;
	v42 =	vadd.f32 v46, v42;
	v43 =	vadd.f32 v44, v43  }
.Ltmp4:
0x12b: {  	v46 =	vunpack.i.u.bf16.f32 v47;
	v47 =	vunpack.i.l.bf16.f32 v47;
	v53 =	vmul.bf16 v53, v51;
	v44 =	vld.idx.msk [tilespmem:v54+s18+$0x0], $0xffff;
	(pc) =	sbr.rel @p0 .LBB2_11-.Ltmp4, $4  }
0x12c: {  	v51 =	vadd.s32 v36, v41;
	v48 =	vld.idx.msk [tilespmem:v54+s19+$0x0], $0xffff;
	v54 =	vadd.f32 v47, v42;
	v43 =	vadd.f32 v46, v43  }
0x12d: {  	v55 =	vunpack.i.u.bf16.f32 v53;
	v53 =	vunpack.i.l.bf16.f32 v53;
	v42 =	vld.idx.msk [tilespmem:v52+s18+$0x0], $0xffff  }
0x12e: {  	v46 =	vadd.s32 v37, v41;
	v47 =	vld.idx.msk [tilespmem:v52+s19+$0x0], $0xffff;
	v52 =	vadd.f32 v53, v54;
	v53 =	vadd.f32 v55, v43  }
0x12f: {  	v41 =	vadd.s32 $0x8, v41;
	v43 =	vld.idx.msk [tilespmem:v50+s18+$0x0], $0xffff  }
0x130: {  	_ =	sdelay $0x2  }
0x131: {  	v41 =	vmul.bf16 v49, v45  }
0x132: {  	v61 =	vld.idx.msk [tilespmem:v50+s19+$0x0], $0xffff;
	v62 =	vadd.s32 v38, v40  }
0x133: {  	v50 =	vld.idx.msk [tilespmem:v51+s18+$0x0], $0xffff;
	v44 =	vmul.bf16 v48, v44;
	v54 =	vunpack.i.u.bf16.f32 v41;
	v41 =	vunpack.i.l.bf16.f32 v41  }
0x134: {  	v40 =	vadd.s32 v39, v40;
	v48 =	vld.idx.msk [tilespmem:v51+s19+$0x0], $0xffff;
	v41 =	vadd.f32 v41, v52;
	v63 =	vadd.f32 v54, v53  }
0x135: {  	v57 =	vld.idx.msk [tilespmem:v46+s19+$0x0], $0xffff;
	v56 =	vunpack.i.u.bf16.f32 v44;
	v44 =	vunpack.i.l.bf16.f32 v44;
	v42 =	vmul.bf16 v47, v42  }
0x136: {  	v52 =	vld.idx.msk [tilespmem:v46+s18+$0x0], $0xffff;
	v41 =	vadd.f32 v44, v41;
	v58 =	vadd.f32 v56, v63  }
0x137: {  	v59 =	vld.idx.msk [tilespmem:v62+s18+$0x0], $0xffff;
	v60 =	vunpack.i.u.bf16.f32 v42;
	v42 =	vunpack.i.l.bf16.f32 v42;
	v43 =	vmul.bf16 v61, v43  }
0x138: {  	v61 =	vld.idx.msk [tilespmem:v62+s19+$0x0], $0xffff;
	v41 =	vadd.f32 v42, v41;
	v62 =	vadd.f32 v60, v58  }
0x139: {  	v63 =	vld.idx.msk [tilespmem:v40+s18+$0x0], $0xffff;
	v48 =	vmul.bf16 v48, v50;
	v53 =	vunpack.i.u.bf16.f32 v43;
	v43 =	vunpack.i.l.bf16.f32 v43  }
0x13a: {  	v40 =	vld.idx.msk [tilespmem:v40+s19+$0x0], $0xffff;
	v41 =	vadd.f32 v43, v41;
	v42 =	vadd.f32 v53, v62  }
0x13b: {  	v54 =	vunpack.i.u.bf16.f32 v48;
	v48 =	vunpack.i.l.bf16.f32 v48;
	v46 =	vmul.bf16 v57, v52  }
0x13c: {  	v41 =	vadd.f32 v48, v41;
	v42 =	vadd.f32 v54, v42  }
0x13d: {  	v55 =	vunpack.i.u.bf16.f32 v46;
	v46 =	vunpack.i.l.bf16.f32 v46;
	v45 =	vmul.bf16 v61, v59  }
0x13e: {  	v41 =	vadd.f32 v46, v41;
	v42 =	vadd.f32 v55, v42  }
0x13f: {  	v40 =	vmul.bf16 v40, v63;
	v56 =	vunpack.i.u.bf16.f32 v45;
	v45 =	vunpack.i.l.bf16.f32 v45  }
0x140: {  	v41 =	vadd.f32 v45, v41;
	v42 =	vadd.f32 v56, v42  }
0x141: {  	v57 =	vunpack.i.u.bf16.f32 v40;
	v40 =	vunpack.i.l.bf16.f32 v40  }
0x142: {  	v40 =	vadd.f32 v40, v41;
	v58 =	vadd.f32 v57, v42;
	_ =	sdelay $0x1  }
0x143: {  	v40 =	vadd.f32 v58, v40;
	_ =	sdelay $0x1  }
0x144: {  	v40 =	vsub.f32 $0.0e+00, v40;
	_ =	sdelay $0x1  }
0x145: {  	v40 =	vmul.f32 $1.442695020e+00, v40;
	_ =	sdelay $0x1  }
0x146: {  	(erf) = vpow2.f32 v40;
	_ =	sdelay $0x8  }
0x147: {  	v40 =	vpop (erf)  }
0x148: {  	v40 =	vadd.f32 $1.000000000e+00, v40;
	_ =	sdelay $0x1  }
0x149: {  	(erf) = vrcp.f32 v40;
	_ =	sdelay $0x8  }
0x14a: {  	v40 =	vpop (erf)  }
0x14b: {  	[tilespmem:s31+$0x5180] =	vst v40  }
0x14c: {  	_ =	swait.ge [sflag:s16], $0x50  }
0x14d: {  	[sflag:s16] =	ssyncset.done $0x0  }
0x14e: {  	[sflag:s16] =	ssyncadd.s32 $0xFFFFFFB0  }
0x14f: {  	_ =	swait.ge [sflag:s16], $0x50  }
0x150: {  	[sflag:s16] =	ssyncset.done $0x0  }
0x151: {  	[sflag:s16] =	ssyncadd.s32 $0xFFFFFFB0  }
0x152: {  	[tilespmem:s18], [sflag:$0x1] =	stream.indirect.gather [hbm4b:s5+s17], $0x40, s4, s17, $0xb8;
	[tilespmem:$0x7850] =	vst v63  }
0x153: {  	_ = 	snop  }
0x154: {  	[tilespmem:s19], [sflag:$0x1] =	stream.indirect.gather [hbm4b:s6+s17], $0x40, s15, s17, $0xb8;
	[tilespmem:$0x7850] =	vst v63  }
0x155: {  	_ =	swait.ge [sflag:s25], $0x1400  }
0x156: {  	[sflag:s25] =	ssyncset.done $0x0  }
0x157: {  	p0 =	seq.s32 s30, $0x3D;
	[sflag:s25] =	ssyncadd.s32 $0xFFFFEC00  }
0x158: {  	s0 =	sadd.s32 @!p0 s31, s12;
	v40 =	vimm.s32 $0x0;
	_ =	swait.ge [sflag:s25], $0x1400  }
0x159: {  	s26 =	simm.s32 @!p0 $0x50;
	s0 =	sshrl.u32 @!p0 s0, $0x3;
	v59 =	vadd.s32 v0, v40;
	[sflag:s25] =	ssyncset.done $0x0  }
0x15a: {  	s2 =	sadd.s32 @!p0 s1, s0;
	s31 =	simm.s32 @!p0 $0x0;
	[sflag:s25] =	ssyncadd.s32 $0xFFFFEC00  }
0x15b: {  	v60 =	vadd.s32 v1, v40;
	[tilespmem:s26], [sflag:$0x4] =	stream.linear.gather @!p0 [hbm4b:s2+s31], $0x50, $0x38;
	[tilespmem:$0x7850] =	vst v63  }
0x15c: {  	s0 =	sadd.s32 @!p0 s3, s0;
	s2 =	simm.s32 @!p0 $0xF0  }
0x15d: {  	[tilespmem:s2], [sflag:$0x4] =	stream.linear.gather @!p0 [hbm4b:s0+s31], $0x50, $0x38;
	[tilespmem:$0x7850] =	vst v63  }
0x15e: {  	v61 =	vadd.s32 v2, v40;
	v62 =	vld.idx.msk [tilespmem:v59+s22+$0x0], $0xffff  }
0x15f: {  	v41 =	vld.idx.msk [tilespmem:v59+s23+$0x0], $0xffff  }
0x160: {  	v63 =	vadd.s32 v3, v40;
	v47 =	vld.idx.msk [tilespmem:v60+s22+$0x0], $0xffff  }
0x161: {  	v57 =	vld.idx.msk [tilespmem:v60+s23+$0x0], $0xffff  }
0x162: {  	v58 =	vadd.s32 v4, v40  }
0x163: {  	v59 =	vld.idx.msk [tilespmem:v61+s22+$0x0], $0xffff  }
0x164: {  	v55 =	vadd.s32 v5, v40;
	v60 =	vld.idx.msk [tilespmem:v61+s23+$0x0], $0xffff  }
0x165: {  	v44 =	vld.idx.msk [tilespmem:v63+s22+$0x0], $0xffff  }
0x166: {  	v45 =	vadd.s32 v6, v40;
	v46 =	vld.idx.msk [tilespmem:v63+s23+$0x0], $0xffff;
	v61 =	vmul.bf16 v41, v62;
	v48 =	vmul.bf16 v57, v47  }
0x167: {  	v42 =	vld.idx.msk [tilespmem:v58+s22+$0x0], $0xffff;
	v62 =	vimm.f32 $0.0e+00;
	v41 =	vadd.s32 v7, v40  }
0x168: {  	v47 =	vld.idx.msk [tilespmem:v58+s23+$0x0], $0xffff;
	v63 =	vunpack.i.u.bf16.f32 v61;
	v43 =	vunpack.i.l.bf16.f32 v61;
	v52 =	vunpack.i.u.bf16.f32 v48  }
0x169: {  	v53 =	vunpack.i.l.bf16.f32 v48;
	v48 =	vld.idx.msk [tilespmem:v55+s23+$0x0], $0xffff;
	v49 =	vadd.f32 v43, v62;
	v50 =	vadd.f32 v63, v62  }
0x16a: {  	s2 =	simm.s32 $0x0;
	v40 =	vadd.s32 $0x8, v40;
	v51 =	vmul.bf16 v60, v59;
	v43 =	vld.idx.msk [tilespmem:v55+s22+$0x0], $0xffff  }
.LBB2_13:
0x16b: {  	v54 =	vadd.s32 v0, v40;
	v49 =	vadd.f32 v53, v49;
	v50 =	vadd.f32 v52, v50;
	v52 =	vld.idx.msk [tilespmem:v45+s22+$0x0], $0xffff  }
0x16c: {  	s2 =	sadd.s32 $0x8, s2;
	v44 =	vmul.bf16 v46, v44;
	v53 =	vunpack.i.u.bf16.f32 v51;
	v51 =	vunpack.i.l.bf16.f32 v51;
	v45 =	vld.idx.msk [tilespmem:v45+s23+$0x0], $0xffff  }
0x16d: {  	v46 =	vadd.s32 v1, v40;
	p0 =	slt.u32 s2, $0x38;
	v49 =	vadd.f32 v51, v49;
	v50 =	vadd.f32 v53, v50;
	v51 =	vld.idx.msk [tilespmem:v41+s22+$0x0], $0xffff  }
0x16e: {  	v53 =	vunpack.i.u.bf16.f32 v44;
	v44 =	vunpack.i.l.bf16.f32 v44;
	v42 =	vmul.bf16 v47, v42;
	v41 =	vld.idx.msk [tilespmem:v41+s23+$0x0], $0xffff  }
0x16f: {  	v47 =	vadd.s32 v2, v40;
	v44 =	vadd.f32 v44, v49;
	v49 =	vadd.f32 v53, v50  }
0x170: {  	v53 =	vunpack.i.u.bf16.f32 v42;
	v42 =	vunpack.i.l.bf16.f32 v42;
	v43 =	vmul.bf16 v48, v43;
	v50 =	vld.idx.msk [tilespmem:v54+s22+$0x0], $0xffff  }
0x171: {  	v48 =	vld.idx.msk [tilespmem:v54+s23+$0x0], $0xffff;
	v54 =	vadd.s32 v3, v40;
	v42 =	vadd.f32 v42, v44;
	v44 =	vadd.f32 v53, v49  }
0x172: {  	v53 =	vunpack.i.u.bf16.f32 v43;
	v43 =	vunpack.i.l.bf16.f32 v43;
	v45 =	vmul.bf16 v45, v52;
	v49 =	vld.idx.msk [tilespmem:v46+s22+$0x0], $0xffff  }
0x173: {  	v55 =	vadd.s32 v4, v40;
	v52 =	vld.idx.msk [tilespmem:v46+s23+$0x0], $0xffff;
	v42 =	vadd.f32 v43, v42;
	v43 =	vadd.f32 v53, v44  }
0x174: {  	v44 =	vunpack.i.u.bf16.f32 v45;
	v45 =	vunpack.i.l.bf16.f32 v45;
	v41 =	vmul.bf16 v41, v51;
	v56 =	vld.idx.msk [tilespmem:v47+s22+$0x0], $0xffff  }
0x175: {  	v57 =	vadd.s32 v5, v40;
	v51 =	vld.idx.msk [tilespmem:v47+s23+$0x0], $0xffff;
	v42 =	vadd.f32 v45, v42;
	v43 =	vadd.f32 v44, v43  }
0x176: {  	v45 =	vadd.s32 v6, v40;
	v47 =	vunpack.i.u.bf16.f32 v41;
	v41 =	vunpack.i.l.bf16.f32 v41;
	v44 =	vld.idx.msk [tilespmem:v54+s22+$0x0], $0xffff  }
.Ltmp5:
0x177: {  	v48 =	vmul.bf16 v48, v50;
	v46 =	vld.idx.msk [tilespmem:v54+s23+$0x0], $0xffff;
	v50 =	vadd.f32 v41, v42;
	v43 =	vadd.f32 v47, v43;
	(pc) =	sbr.rel @p0 .LBB2_13-.Ltmp5, $4  }
0x178: {  	v41 =	vadd.s32 v7, v40;
	v42 =	vld.idx.msk [tilespmem:v55+s22+$0x0], $0xffff  }
0x179: {  	v53 =	vunpack.i.u.bf16.f32 v48;
	v48 =	vunpack.i.l.bf16.f32 v48;
	v54 =	vmul.bf16 v52, v49;
	v47 =	vld.idx.msk [tilespmem:v55+s23+$0x0], $0xffff  }
0x17a: {  	v40 =	vadd.s32 $0x8, v40;
	v49 =	vadd.f32 v48, v50;
	v50 =	vadd.f32 v53, v43;
	v43 =	vld.idx.msk [tilespmem:v57+s22+$0x0], $0xffff  }
0x17b: {  	v52 =	vunpack.i.u.bf16.f32 v54;
	v53 =	vunpack.i.l.bf16.f32 v54;
	v51 =	vmul.bf16 v51, v56;
	v48 =	vld.idx.msk [tilespmem:v57+s23+$0x0], $0xffff  }
0x17c: {  	_ =	sdelay $0x2  }
0x17d: {  	v40 =	vadd.f32 v53, v49;
	v63 =	vadd.f32 v52, v50  }
0x17e: {  	v50 =	vld.idx.msk [tilespmem:v45+s22+$0x0], $0xffff;
	v44 =	vmul.bf16 v46, v44;
	v56 =	vunpack.i.u.bf16.f32 v51;
	v57 =	vunpack.i.l.bf16.f32 v51  }
0x17f: {  	v58 =	vld.idx.msk [tilespmem:v45+s23+$0x0], $0xffff;
	v40 =	vadd.f32 v57, v40;
	v59 =	vadd.f32 v56, v63  }
0x180: {  	v60 =	vld.idx.msk [tilespmem:v41+s22+$0x0], $0xffff;
	v61 =	vunpack.i.u.bf16.f32 v44;
	v44 =	vunpack.i.l.bf16.f32 v44;
	v42 =	vmul.bf16 v47, v42  }
0x181: {  	v62 =	vld.idx.msk [tilespmem:v41+s23+$0x0], $0xffff;
	v40 =	vadd.f32 v44, v40;
	v63 =	vadd.f32 v61, v59  }
0x182: {  	v51 =	vunpack.i.u.bf16.f32 v42;
	v42 =	vunpack.i.l.bf16.f32 v42;
	v43 =	vmul.bf16 v48, v43  }
0x183: {  	v40 =	vadd.f32 v42, v40;
	v52 =	vadd.f32 v51, v63  }
0x184: {  	v45 =	vmul.bf16 v58, v50;
	v53 =	vunpack.i.u.bf16.f32 v43;
	v43 =	vunpack.i.l.bf16.f32 v43  }
0x185: {  	v40 =	vadd.f32 v43, v40;
	v42 =	vadd.f32 v53, v52  }
0x186: {  	v41 =	vmul.bf16 v62, v60;
	v54 =	vunpack.i.u.bf16.f32 v45;
	v55 =	vunpack.i.l.bf16.f32 v45  }
0x187: {  	v40 =	vadd.f32 v55, v40;
	v42 =	vadd.f32 v54, v42  }
0x188: {  	v56 =	vunpack.i.u.bf16.f32 v41;
	v41 =	vunpack.i.l.bf16.f32 v41  }
0x189: {  	v40 =	vadd.f32 v41, v40;
	v57 =	vadd.f32 v56, v42;
	_ =	sdelay $0x1  }
0x18a: {  	v40 =	vadd.f32 v57, v40;
	_ =	sdelay $0x1  }
0x18b: {  	v40 =	vsub.f32 $0.0e+00, v40;
	_ =	sdelay $0x1  }
0x18c: {  	v40 =	vmul.f32 $1.442695020e+00, v40;
	_ =	sdelay $0x1  }
0x18d: {  	(erf) = vpow2.f32 v40;
	_ =	sdelay $0x8  }
0x18e: {  	v40 =	vpop (erf)  }
0x18f: {  	v40 =	vadd.f32 $1.000000000e+00, v40;
	_ =	sdelay $0x1  }
0x190: {  	(erf) = vrcp.f32 v40;
	_ =	sdelay $0x4  }
0x191: {  	v40 =	vimm.s32 $0x0  }
0x192: {  	v58 =	vadd.s32 v8, v40  }
0x193: {  	s0 =	smul.u32 $0x280, s30  }
0x194: {  	v59 =	vadd.s32 v9, v40  }
0x195: {  	s31 =	sshra.s32 s0, $0x2;
	v60 =	vpop (erf)  }
0x196: {  	[tilespmem:s31+$0x5190] =	vst v60  }
0x197: {  	v61 =	vadd.s32 v10, v40;
	v62 =	vld.idx.msk [tilespmem:v58+s22+$0x0], $0xffff  }
0x198: {  	v41 =	vld.idx.msk [tilespmem:v58+s23+$0x0], $0xffff  }
0x199: {  	v63 =	vadd.s32 v11, v40;
	v57 =	vld.idx.msk [tilespmem:v59+s22+$0x0], $0xffff  }
0x19a: {  	v58 =	vld.idx.msk [tilespmem:v59+s23+$0x0], $0xffff  }
0x19b: {  	v59 =	vadd.s32 v12, v40  }
0x19c: {  	v60 =	vld.idx.msk [tilespmem:v61+s22+$0x0], $0xffff  }
0x19d: {  	v55 =	vadd.s32 v13, v40;
	v54 =	vld.idx.msk [tilespmem:v61+s23+$0x0], $0xffff  }
0x19e: {  	v44 =	vld.idx.msk [tilespmem:v63+s22+$0x0], $0xffff  }
0x19f: {  	v45 =	vadd.s32 v14, v40;
	v46 =	vld.idx.msk [tilespmem:v63+s23+$0x0], $0xffff;
	v61 =	vmul.bf16 v41, v62;
	v48 =	vmul.bf16 v58, v57  }
0x1a0: {  	v62 =	vimm.f32 $0.0e+00;
	v42 =	vld.idx.msk [tilespmem:v59+s22+$0x0], $0xffff;
	v41 =	vadd.s32 v15, v40  }
0x1a1: {  	v47 =	vld.idx.msk [tilespmem:v59+s23+$0x0], $0xffff;
	v63 =	vunpack.i.u.bf16.f32 v61;
	v43 =	vunpack.i.l.bf16.f32 v61;
	v52 =	vunpack.i.u.bf16.f32 v48  }
0x1a2: {  	v53 =	vunpack.i.l.bf16.f32 v48;
	v48 =	vld.idx.msk [tilespmem:v55+s23+$0x0], $0xffff;
	v49 =	vadd.f32 v43, v62;
	v50 =	vadd.f32 v63, v62  }
0x1a3: {  	s2 =	simm.s32 $0x0;
	v40 =	vadd.s32 $0x8, v40;
	v51 =	vmul.bf16 v54, v60;
	v43 =	vld.idx.msk [tilespmem:v55+s22+$0x0], $0xffff  }
.LBB2_15:
0x1a4: {  	v54 =	vadd.s32 v8, v40;
	v49 =	vadd.f32 v53, v49;
	v50 =	vadd.f32 v52, v50;
	v52 =	vld.idx.msk [tilespmem:v45+s22+$0x0], $0xffff  }
0x1a5: {  	s2 =	sadd.s32 $0x8, s2;
	v44 =	vmul.bf16 v46, v44;
	v53 =	vunpack.i.u.bf16.f32 v51;
	v51 =	vunpack.i.l.bf16.f32 v51;
	v45 =	vld.idx.msk [tilespmem:v45+s23+$0x0], $0xffff  }
0x1a6: {  	v46 =	vadd.s32 v9, v40;
	p0 =	slt.u32 s2, $0x38;
	v49 =	vadd.f32 v51, v49;
	v50 =	vadd.f32 v53, v50;
	v51 =	vld.idx.msk [tilespmem:v41+s22+$0x0], $0xffff  }
0x1a7: {  	v53 =	vunpack.i.u.bf16.f32 v44;
	v44 =	vunpack.i.l.bf16.f32 v44;
	v42 =	vmul.bf16 v47, v42;
	v41 =	vld.idx.msk [tilespmem:v41+s23+$0x0], $0xffff  }
0x1a8: {  	v47 =	vadd.s32 v10, v40;
	v44 =	vadd.f32 v44, v49;
	v49 =	vadd.f32 v53, v50  }
0x1a9: {  	v53 =	vunpack.i.u.bf16.f32 v42;
	v42 =	vunpack.i.l.bf16.f32 v42;
	v43 =	vmul.bf16 v48, v43;
	v50 =	vld.idx.msk [tilespmem:v54+s22+$0x0], $0xffff  }
0x1aa: {  	v48 =	vld.idx.msk [tilespmem:v54+s23+$0x0], $0xffff;
	v54 =	vadd.s32 v11, v40;
	v42 =	vadd.f32 v42, v44;
	v44 =	vadd.f32 v53, v49  }
0x1ab: {  	v53 =	vunpack.i.u.bf16.f32 v43;
	v43 =	vunpack.i.l.bf16.f32 v43;
	v45 =	vmul.bf16 v45, v52;
	v49 =	vld.idx.msk [tilespmem:v46+s22+$0x0], $0xffff  }
0x1ac: {  	v55 =	vadd.s32 v12, v40;
	v52 =	vld.idx.msk [tilespmem:v46+s23+$0x0], $0xffff;
	v42 =	vadd.f32 v43, v42;
	v43 =	vadd.f32 v53, v44  }
0x1ad: {  	v44 =	vunpack.i.u.bf16.f32 v45;
	v45 =	vunpack.i.l.bf16.f32 v45;
	v41 =	vmul.bf16 v41, v51;
	v56 =	vld.idx.msk [tilespmem:v47+s22+$0x0], $0xffff  }
0x1ae: {  	v57 =	vadd.s32 v13, v40;
	v51 =	vld.idx.msk [tilespmem:v47+s23+$0x0], $0xffff;
	v42 =	vadd.f32 v45, v42;
	v43 =	vadd.f32 v44, v43  }
0x1af: {  	v45 =	vadd.s32 v14, v40;
	v47 =	vunpack.i.u.bf16.f32 v41;
	v41 =	vunpack.i.l.bf16.f32 v41;
	v44 =	vld.idx.msk [tilespmem:v54+s22+$0x0], $0xffff  }
.Ltmp6:
0x1b0: {  	v48 =	vmul.bf16 v48, v50;
	v46 =	vld.idx.msk [tilespmem:v54+s23+$0x0], $0xffff;
	v50 =	vadd.f32 v41, v42;
	v43 =	vadd.f32 v47, v43;
	(pc) =	sbr.rel @p0 .LBB2_15-.Ltmp6, $4  }
0x1b1: {  	v41 =	vadd.s32 v15, v40;
	v42 =	vld.idx.msk [tilespmem:v55+s22+$0x0], $0xffff  }
0x1b2: {  	v53 =	vunpack.i.u.bf16.f32 v48;
	v48 =	vunpack.i.l.bf16.f32 v48;
	v54 =	vmul.bf16 v52, v49;
	v47 =	vld.idx.msk [tilespmem:v55+s23+$0x0], $0xffff  }
0x1b3: {  	v40 =	vadd.s32 $0x8, v40;
	v49 =	vadd.f32 v48, v50;
	v50 =	vadd.f32 v53, v43;
	v43 =	vld.idx.msk [tilespmem:v57+s22+$0x0], $0xffff  }
0x1b4: {  	v52 =	vunpack.i.u.bf16.f32 v54;
	v53 =	vunpack.i.l.bf16.f32 v54;
	v51 =	vmul.bf16 v51, v56;
	v48 =	vld.idx.msk [tilespmem:v57+s23+$0x0], $0xffff  }
0x1b5: {  	_ =	sdelay $0x2  }
0x1b6: {  	v40 =	vadd.f32 v53, v49;
	v63 =	vadd.f32 v52, v50  }
0x1b7: {  	v50 =	vld.idx.msk [tilespmem:v45+s22+$0x0], $0xffff;
	v44 =	vmul.bf16 v46, v44;
	v56 =	vunpack.i.u.bf16.f32 v51;
	v57 =	vunpack.i.l.bf16.f32 v51  }
0x1b8: {  	v58 =	vld.idx.msk [tilespmem:v45+s23+$0x0], $0xffff;
	v40 =	vadd.f32 v57, v40;
	v59 =	vadd.f32 v56, v63  }
0x1b9: {  	v60 =	vld.idx.msk [tilespmem:v41+s22+$0x0], $0xffff;
	v61 =	vunpack.i.u.bf16.f32 v44;
	v44 =	vunpack.i.l.bf16.f32 v44;
	v42 =	vmul.bf16 v47, v42  }
0x1ba: {  	v62 =	vld.idx.msk [tilespmem:v41+s23+$0x0], $0xffff;
	v40 =	vadd.f32 v44, v40;
	v63 =	vadd.f32 v61, v59  }
0x1bb: {  	v51 =	vunpack.i.u.bf16.f32 v42;
	v42 =	vunpack.i.l.bf16.f32 v42;
	v43 =	vmul.bf16 v48, v43  }
0x1bc: {  	v40 =	vadd.f32 v42, v40;
	v52 =	vadd.f32 v51, v63  }
0x1bd: {  	v45 =	vmul.bf16 v58, v50;
	v53 =	vunpack.i.u.bf16.f32 v43;
	v43 =	vunpack.i.l.bf16.f32 v43  }
0x1be: {  	v40 =	vadd.f32 v43, v40;
	v42 =	vadd.f32 v53, v52  }
0x1bf: {  	v41 =	vmul.bf16 v62, v60;
	v54 =	vunpack.i.u.bf16.f32 v45;
	v55 =	vunpack.i.l.bf16.f32 v45  }
0x1c0: {  	v40 =	vadd.f32 v55, v40;
	v42 =	vadd.f32 v54, v42  }
0x1c1: {  	v56 =	vunpack.i.u.bf16.f32 v41;
	v41 =	vunpack.i.l.bf16.f32 v41  }
0x1c2: {  	v40 =	vadd.f32 v41, v40;
	v57 =	vadd.f32 v56, v42;
	_ =	sdelay $0x1  }
0x1c3: {  	v40 =	vadd.f32 v57, v40;
	_ =	sdelay $0x1  }
0x1c4: {  	v40 =	vsub.f32 $0.0e+00, v40;
	_ =	sdelay $0x1  }
0x1c5: {  	v40 =	vmul.f32 $1.442695020e+00, v40;
	_ =	sdelay $0x1  }
0x1c6: {  	(erf) = vpow2.f32 v40;
	_ =	sdelay $0x8  }
0x1c7: {  	v40 =	vpop (erf)  }
0x1c8: {  	v40 =	vadd.f32 $1.000000000e+00, v40;
	_ =	sdelay $0x1  }
0x1c9: {  	(erf) = vrcp.f32 v40;
	_ =	sdelay $0x4  }
0x1ca: {  	v40 =	vimm.s32 $0x0  }
0x1cb: {  	v58 =	vadd.s32 v16, v40;
	_ =	sdelay $0x1  }
0x1cc: {  	v59 =	vadd.s32 v17, v40  }
0x1cd: {  	v60 =	vpop (erf)  }
0x1ce: {  	[tilespmem:s31+$0x51A0] =	vst v60  }
0x1cf: {  	v61 =	vadd.s32 v18, v40;
	v62 =	vld.idx.msk [tilespmem:v58+s22+$0x0], $0xffff  }
0x1d0: {  	v41 =	vld.idx.msk [tilespmem:v58+s23+$0x0], $0xffff  }
0x1d1: {  	v63 =	vadd.s32 v19, v40;
	v57 =	vld.idx.msk [tilespmem:v59+s22+$0x0], $0xffff  }
0x1d2: {  	v58 =	vld.idx.msk [tilespmem:v59+s23+$0x0], $0xffff  }
0x1d3: {  	v59 =	vadd.s32 v20, v40  }
0x1d4: {  	v60 =	vld.idx.msk [tilespmem:v61+s22+$0x0], $0xffff  }
0x1d5: {  	v55 =	vadd.s32 v21, v40;
	v54 =	vld.idx.msk [tilespmem:v61+s23+$0x0], $0xffff  }
0x1d6: {  	v44 =	vld.idx.msk [tilespmem:v63+s22+$0x0], $0xffff  }
0x1d7: {  	v45 =	vadd.s32 v22, v40;
	v46 =	vld.idx.msk [tilespmem:v63+s23+$0x0], $0xffff;
	v61 =	vmul.bf16 v41, v62;
	v48 =	vmul.bf16 v58, v57  }
0x1d8: {  	v62 =	vimm.f32 $0.0e+00;
	v42 =	vld.idx.msk [tilespmem:v59+s22+$0x0], $0xffff;
	v41 =	vadd.s32 v23, v40  }
0x1d9: {  	v47 =	vld.idx.msk [tilespmem:v59+s23+$0x0], $0xffff;
	v63 =	vunpack.i.u.bf16.f32 v61;
	v43 =	vunpack.i.l.bf16.f32 v61;
	v52 =	vunpack.i.u.bf16.f32 v48  }
0x1da: {  	v53 =	vunpack.i.l.bf16.f32 v48;
	v48 =	vld.idx.msk [tilespmem:v55+s23+$0x0], $0xffff;
	v49 =	vadd.f32 v43, v62;
	v50 =	vadd.f32 v63, v62  }
0x1db: {  	s2 =	simm.s32 $0x0;
	v40 =	vadd.s32 $0x8, v40;
	v51 =	vmul.bf16 v54, v60;
	v43 =	vld.idx.msk [tilespmem:v55+s22+$0x0], $0xffff  }
.LBB2_17:
0x1dc: {  	v54 =	vadd.s32 v16, v40;
	v49 =	vadd.f32 v53, v49;
	v50 =	vadd.f32 v52, v50;
	v52 =	vld.idx.msk [tilespmem:v45+s22+$0x0], $0xffff  }
0x1dd: {  	s2 =	sadd.s32 $0x8, s2;
	v44 =	vmul.bf16 v46, v44;
	v53 =	vunpack.i.u.bf16.f32 v51;
	v51 =	vunpack.i.l.bf16.f32 v51;
	v45 =	vld.idx.msk [tilespmem:v45+s23+$0x0], $0xffff  }
0x1de: {  	v46 =	vadd.s32 v17, v40;
	p0 =	slt.u32 s2, $0x38;
	v49 =	vadd.f32 v51, v49;
	v50 =	vadd.f32 v53, v50;
	v51 =	vld.idx.msk [tilespmem:v41+s22+$0x0], $0xffff  }
0x1df: {  	v53 =	vunpack.i.u.bf16.f32 v44;
	v44 =	vunpack.i.l.bf16.f32 v44;
	v42 =	vmul.bf16 v47, v42;
	v41 =	vld.idx.msk [tilespmem:v41+s23+$0x0], $0xffff  }
0x1e0: {  	v47 =	vadd.s32 v18, v40;
	v44 =	vadd.f32 v44, v49;
	v49 =	vadd.f32 v53, v50  }
0x1e1: {  	v53 =	vunpack.i.u.bf16.f32 v42;
	v42 =	vunpack.i.l.bf16.f32 v42;
	v43 =	vmul.bf16 v48, v43;
	v50 =	vld.idx.msk [tilespmem:v54+s22+$0x0], $0xffff  }
0x1e2: {  	v48 =	vld.idx.msk [tilespmem:v54+s23+$0x0], $0xffff;
	v54 =	vadd.s32 v19, v40;
	v42 =	vadd.f32 v42, v44;
	v44 =	vadd.f32 v53, v49  }
0x1e3: {  	v53 =	vunpack.i.u.bf16.f32 v43;
	v43 =	vunpack.i.l.bf16.f32 v43;
	v45 =	vmul.bf16 v45, v52;
	v49 =	vld.idx.msk [tilespmem:v46+s22+$0x0], $0xffff  }
0x1e4: {  	v55 =	vadd.s32 v20, v40;
	v52 =	vld.idx.msk [tilespmem:v46+s23+$0x0], $0xffff;
	v42 =	vadd.f32 v43, v42;
	v43 =	vadd.f32 v53, v44  }
0x1e5: {  	v44 =	vunpack.i.u.bf16.f32 v45;
	v45 =	vunpack.i.l.bf16.f32 v45;
	v41 =	vmul.bf16 v41, v51;
	v56 =	vld.idx.msk [tilespmem:v47+s22+$0x0], $0xffff  }
0x1e6: {  	v57 =	vadd.s32 v21, v40;
	v51 =	vld.idx.msk [tilespmem:v47+s23+$0x0], $0xffff;
	v42 =	vadd.f32 v45, v42;
	v43 =	vadd.f32 v44, v43  }
0x1e7: {  	v45 =	vadd.s32 v22, v40;
	v47 =	vunpack.i.u.bf16.f32 v41;
	v41 =	vunpack.i.l.bf16.f32 v41;
	v44 =	vld.idx.msk [tilespmem:v54+s22+$0x0], $0xffff  }
.Ltmp7:
0x1e8: {  	v48 =	vmul.bf16 v48, v50;
	v46 =	vld.idx.msk [tilespmem:v54+s23+$0x0], $0xffff;
	v50 =	vadd.f32 v41, v42;
	v43 =	vadd.f32 v47, v43;
	(pc) =	sbr.rel @p0 .LBB2_17-.Ltmp7, $4  }
0x1e9: {  	v41 =	vadd.s32 v23, v40;
	v42 =	vld.idx.msk [tilespmem:v55+s22+$0x0], $0xffff  }
0x1ea: {  	v53 =	vunpack.i.u.bf16.f32 v48;
	v48 =	vunpack.i.l.bf16.f32 v48;
	v54 =	vmul.bf16 v52, v49;
	v47 =	vld.idx.msk [tilespmem:v55+s23+$0x0], $0xffff  }
0x1eb: {  	v40 =	vadd.s32 $0x8, v40;
	v49 =	vadd.f32 v48, v50;
	v50 =	vadd.f32 v53, v43;
	v43 =	vld.idx.msk [tilespmem:v57+s22+$0x0], $0xffff  }
0x1ec: {  	v52 =	vunpack.i.u.bf16.f32 v54;
	v53 =	vunpack.i.l.bf16.f32 v54;
	v51 =	vmul.bf16 v51, v56;
	v48 =	vld.idx.msk [tilespmem:v57+s23+$0x0], $0xffff  }
0x1ed: {  	_ =	sdelay $0x2  }
0x1ee: {  	v40 =	vadd.f32 v53, v49;
	v63 =	vadd.f32 v52, v50  }
0x1ef: {  	v50 =	vld.idx.msk [tilespmem:v45+s22+$0x0], $0xffff;
	v44 =	vmul.bf16 v46, v44;
	v56 =	vunpack.i.u.bf16.f32 v51;
	v57 =	vunpack.i.l.bf16.f32 v51  }
0x1f0: {  	v58 =	vld.idx.msk [tilespmem:v45+s23+$0x0], $0xffff;
	v40 =	vadd.f32 v57, v40;
	v59 =	vadd.f32 v56, v63  }
0x1f1: {  	v60 =	vld.idx.msk [tilespmem:v41+s22+$0x0], $0xffff;
	v61 =	vunpack.i.u.bf16.f32 v44;
	v44 =	vunpack.i.l.bf16.f32 v44;
	v42 =	vmul.bf16 v47, v42  }
0x1f2: {  	v62 =	vld.idx.msk [tilespmem:v41+s23+$0x0], $0xffff;
	v40 =	vadd.f32 v44, v40;
	v63 =	vadd.f32 v61, v59  }
0x1f3: {  	v51 =	vunpack.i.u.bf16.f32 v42;
	v42 =	vunpack.i.l.bf16.f32 v42;
	v43 =	vmul.bf16 v48, v43  }
0x1f4: {  	v40 =	vadd.f32 v42, v40;
	v52 =	vadd.f32 v51, v63  }
0x1f5: {  	v45 =	vmul.bf16 v58, v50;
	v53 =	vunpack.i.u.bf16.f32 v43;
	v43 =	vunpack.i.l.bf16.f32 v43  }
0x1f6: {  	v40 =	vadd.f32 v43, v40;
	v42 =	vadd.f32 v53, v52  }
0x1f7: {  	v41 =	vmul.bf16 v62, v60;
	v54 =	vunpack.i.u.bf16.f32 v45;
	v55 =	vunpack.i.l.bf16.f32 v45  }
0x1f8: {  	v40 =	vadd.f32 v55, v40;
	v42 =	vadd.f32 v54, v42  }
0x1f9: {  	v56 =	vunpack.i.u.bf16.f32 v41;
	v41 =	vunpack.i.l.bf16.f32 v41  }
0x1fa: {  	v40 =	vadd.f32 v41, v40;
	v57 =	vadd.f32 v56, v42;
	_ =	sdelay $0x1  }
0x1fb: {  	v40 =	vadd.f32 v57, v40;
	_ =	sdelay $0x1  }
0x1fc: {  	v40 =	vsub.f32 $0.0e+00, v40;
	_ =	sdelay $0x1  }
0x1fd: {  	v40 =	vmul.f32 $1.442695020e+00, v40;
	_ =	sdelay $0x1  }
0x1fe: {  	(erf) = vpow2.f32 v40;
	_ =	sdelay $0x8  }
0x1ff: {  	v40 =	vpop (erf)  }
0x200: {  	v40 =	vadd.f32 $1.000000000e+00, v40;
	_ =	sdelay $0x1  }
0x201: {  	(erf) = vrcp.f32 v40;
	_ =	sdelay $0x4  }
0x202: {  	v40 =	vimm.s32 $0x0  }
0x203: {  	v58 =	vadd.s32 v24, v40;
	_ =	sdelay $0x1  }
0x204: {  	v59 =	vadd.s32 v25, v40  }
0x205: {  	v60 =	vpop (erf)  }
0x206: {  	[tilespmem:s31+$0x51B0] =	vst v60  }
0x207: {  	v61 =	vadd.s32 v26, v40;
	v62 =	vld.idx.msk [tilespmem:v58+s22+$0x0], $0xffff  }
0x208: {  	v41 =	vld.idx.msk [tilespmem:v58+s23+$0x0], $0xffff  }
0x209: {  	v63 =	vadd.s32 v27, v40;
	v57 =	vld.idx.msk [tilespmem:v59+s22+$0x0], $0xffff  }
0x20a: {  	v58 =	vld.idx.msk [tilespmem:v59+s23+$0x0], $0xffff  }
0x20b: {  	v59 =	vadd.s32 v30, v40  }
0x20c: {  	v60 =	vld.idx.msk [tilespmem:v61+s22+$0x0], $0xffff  }
0x20d: {  	v55 =	vadd.s32 v31, v40;
	v54 =	vld.idx.msk [tilespmem:v61+s23+$0x0], $0xffff  }
0x20e: {  	v44 =	vld.idx.msk [tilespmem:v63+s22+$0x0], $0xffff  }
0x20f: {  	v45 =	vadd.s32 v34, v40;
	v46 =	vld.idx.msk [tilespmem:v63+s23+$0x0], $0xffff;
	v61 =	vmul.bf16 v41, v62;
	v48 =	vmul.bf16 v58, v57  }
0x210: {  	v62 =	vimm.f32 $0.0e+00;
	v42 =	vld.idx.msk [tilespmem:v59+s22+$0x0], $0xffff;
	v41 =	vadd.s32 v35, v40  }
0x211: {  	v47 =	vld.idx.msk [tilespmem:v59+s23+$0x0], $0xffff;
	v63 =	vunpack.i.u.bf16.f32 v61;
	v43 =	vunpack.i.l.bf16.f32 v61;
	v52 =	vunpack.i.u.bf16.f32 v48  }
0x212: {  	v53 =	vunpack.i.l.bf16.f32 v48;
	v48 =	vld.idx.msk [tilespmem:v55+s23+$0x0], $0xffff;
	v49 =	vadd.f32 v43, v62;
	v50 =	vadd.f32 v63, v62  }
0x213: {  	s2 =	simm.s32 $0x0;
	v40 =	vadd.s32 $0x8, v40;
	v51 =	vmul.bf16 v54, v60;
	v43 =	vld.idx.msk [tilespmem:v55+s22+$0x0], $0xffff  }
.LBB2_19:
0x214: {  	v54 =	vadd.s32 v24, v40;
	v49 =	vadd.f32 v53, v49;
	v50 =	vadd.f32 v52, v50;
	v52 =	vld.idx.msk [tilespmem:v45+s22+$0x0], $0xffff  }
0x215: {  	s2 =	sadd.s32 $0x8, s2;
	v44 =	vmul.bf16 v46, v44;
	v53 =	vunpack.i.u.bf16.f32 v51;
	v51 =	vunpack.i.l.bf16.f32 v51;
	v45 =	vld.idx.msk [tilespmem:v45+s23+$0x0], $0xffff  }
0x216: {  	v46 =	vadd.s32 v25, v40;
	p0 =	slt.u32 s2, $0x38;
	v49 =	vadd.f32 v51, v49;
	v50 =	vadd.f32 v53, v50;
	v51 =	vld.idx.msk [tilespmem:v41+s22+$0x0], $0xffff  }
0x217: {  	v53 =	vunpack.i.u.bf16.f32 v44;
	v44 =	vunpack.i.l.bf16.f32 v44;
	v42 =	vmul.bf16 v47, v42;
	v41 =	vld.idx.msk [tilespmem:v41+s23+$0x0], $0xffff  }
0x218: {  	v47 =	vadd.s32 v26, v40;
	v44 =	vadd.f32 v44, v49;
	v49 =	vadd.f32 v53, v50  }
0x219: {  	v53 =	vunpack.i.u.bf16.f32 v42;
	v42 =	vunpack.i.l.bf16.f32 v42;
	v43 =	vmul.bf16 v48, v43;
	v50 =	vld.idx.msk [tilespmem:v54+s22+$0x0], $0xffff  }
0x21a: {  	v48 =	vld.idx.msk [tilespmem:v54+s23+$0x0], $0xffff;
	v54 =	vadd.s32 v27, v40;
	v42 =	vadd.f32 v42, v44;
	v44 =	vadd.f32 v53, v49  }
0x21b: {  	v53 =	vunpack.i.u.bf16.f32 v43;
	v43 =	vunpack.i.l.bf16.f32 v43;
	v45 =	vmul.bf16 v45, v52;
	v49 =	vld.idx.msk [tilespmem:v46+s22+$0x0], $0xffff  }
0x21c: {  	v55 =	vadd.s32 v30, v40;
	v52 =	vld.idx.msk [tilespmem:v46+s23+$0x0], $0xffff;
	v42 =	vadd.f32 v43, v42;
	v43 =	vadd.f32 v53, v44  }
0x21d: {  	v44 =	vunpack.i.u.bf16.f32 v45;
	v45 =	vunpack.i.l.bf16.f32 v45;
	v41 =	vmul.bf16 v41, v51;
	v56 =	vld.idx.msk [tilespmem:v47+s22+$0x0], $0xffff  }
0x21e: {  	v57 =	vadd.s32 v31, v40;
	v51 =	vld.idx.msk [tilespmem:v47+s23+$0x0], $0xffff;
	v42 =	vadd.f32 v45, v42;
	v43 =	vadd.f32 v44, v43  }
0x21f: {  	v45 =	vadd.s32 v34, v40;
	v47 =	vunpack.i.u.bf16.f32 v41;
	v41 =	vunpack.i.l.bf16.f32 v41;
	v44 =	vld.idx.msk [tilespmem:v54+s22+$0x0], $0xffff  }
.Ltmp8:
0x220: {  	v48 =	vmul.bf16 v48, v50;
	v46 =	vld.idx.msk [tilespmem:v54+s23+$0x0], $0xffff;
	v50 =	vadd.f32 v41, v42;
	v43 =	vadd.f32 v47, v43;
	(pc) =	sbr.rel @p0 .LBB2_19-.Ltmp8, $4  }
0x221: {  	v41 =	vadd.s32 v35, v40;
	v42 =	vld.idx.msk [tilespmem:v55+s22+$0x0], $0xffff  }
0x222: {  	v53 =	vunpack.i.u.bf16.f32 v48;
	v48 =	vunpack.i.l.bf16.f32 v48;
	v54 =	vmul.bf16 v52, v49;
	v47 =	vld.idx.msk [tilespmem:v55+s23+$0x0], $0xffff  }
0x223: {  	v40 =	vadd.s32 $0x8, v40;
	v49 =	vadd.f32 v48, v50;
	v50 =	vadd.f32 v53, v43;
	v43 =	vld.idx.msk [tilespmem:v57+s22+$0x0], $0xffff  }
0x224: {  	v52 =	vunpack.i.u.bf16.f32 v54;
	v53 =	vunpack.i.l.bf16.f32 v54;
	v51 =	vmul.bf16 v51, v56;
	v48 =	vld.idx.msk [tilespmem:v57+s23+$0x0], $0xffff  }
0x225: {  	_ =	sdelay $0x2  }
0x226: {  	v40 =	vadd.f32 v53, v49;
	v63 =	vadd.f32 v52, v50  }
0x227: {  	v50 =	vld.idx.msk [tilespmem:v45+s22+$0x0], $0xffff;
	v44 =	vmul.bf16 v46, v44;
	v56 =	vunpack.i.u.bf16.f32 v51;
	v57 =	vunpack.i.l.bf16.f32 v51  }
0x228: {  	v58 =	vld.idx.msk [tilespmem:v45+s23+$0x0], $0xffff;
	v40 =	vadd.f32 v57, v40;
	v59 =	vadd.f32 v56, v63  }
0x229: {  	v60 =	vld.idx.msk [tilespmem:v41+s22+$0x0], $0xffff;
	v61 =	vunpack.i.u.bf16.f32 v44;
	v44 =	vunpack.i.l.bf16.f32 v44;
	v42 =	vmul.bf16 v47, v42  }
0x22a: {  	v62 =	vld.idx.msk [tilespmem:v41+s23+$0x0], $0xffff;
	v40 =	vadd.f32 v44, v40;
	v63 =	vadd.f32 v61, v59  }
0x22b: {  	v51 =	vunpack.i.u.bf16.f32 v42;
	v42 =	vunpack.i.l.bf16.f32 v42;
	v43 =	vmul.bf16 v48, v43  }
0x22c: {  	v40 =	vadd.f32 v42, v40;
	v52 =	vadd.f32 v51, v63  }
0x22d: {  	v45 =	vmul.bf16 v58, v50;
	v53 =	vunpack.i.u.bf16.f32 v43;
	v43 =	vunpack.i.l.bf16.f32 v43  }
0x22e: {  	v40 =	vadd.f32 v43, v40;
	v42 =	vadd.f32 v53, v52  }
0x22f: {  	v41 =	vmul.bf16 v62, v60;
	v54 =	vunpack.i.u.bf16.f32 v45;
	v55 =	vunpack.i.l.bf16.f32 v45  }
0x230: {  	v40 =	vadd.f32 v55, v40;
	v42 =	vadd.f32 v54, v42  }
0x231: {  	v56 =	vunpack.i.u.bf16.f32 v41;
	v41 =	vunpack.i.l.bf16.f32 v41  }
0x232: {  	v40 =	vadd.f32 v41, v40;
	v57 =	vadd.f32 v56, v42;
	_ =	sdelay $0x1  }
0x233: {  	v40 =	vadd.f32 v57, v40;
	_ =	sdelay $0x1  }
0x234: {  	v40 =	vsub.f32 $0.0e+00, v40;
	_ =	sdelay $0x1  }
0x235: {  	v40 =	vmul.f32 $1.442695020e+00, v40;
	_ =	sdelay $0x1  }
0x236: {  	(erf) = vpow2.f32 v40;
	_ =	sdelay $0x8  }
0x237: {  	v40 =	vpop (erf)  }
0x238: {  	v40 =	vadd.f32 $1.000000000e+00, v40;
	_ =	sdelay $0x1  }
0x239: {  	(erf) = vrcp.f32 v40;
	_ =	sdelay $0x4  }
0x23a: {  	v40 =	vimm.s32 $0x0  }
0x23b: {  	v58 =	vadd.s32 v28, v40;
	_ =	sdelay $0x1  }
0x23c: {  	v59 =	vadd.s32 v29, v40  }
0x23d: {  	v60 =	vpop (erf)  }
0x23e: {  	[tilespmem:s31+$0x51C0] =	vst v60  }
0x23f: {  	v61 =	vadd.s32 v32, v40;
	v62 =	vld.idx.msk [tilespmem:v58+s22+$0x0], $0xffff  }
0x240: {  	v41 =	vld.idx.msk [tilespmem:v58+s23+$0x0], $0xffff  }
0x241: {  	v63 =	vadd.s32 v33, v40;
	v57 =	vld.idx.msk [tilespmem:v59+s22+$0x0], $0xffff  }
0x242: {  	v58 =	vld.idx.msk [tilespmem:v59+s23+$0x0], $0xffff  }
0x243: {  	v59 =	vadd.s32 v36, v40  }
0x244: {  	v60 =	vld.idx.msk [tilespmem:v61+s22+$0x0], $0xffff  }
0x245: {  	v55 =	vadd.s32 v37, v40;
	v54 =	vld.idx.msk [tilespmem:v61+s23+$0x0], $0xffff  }
0x246: {  	v44 =	vld.idx.msk [tilespmem:v63+s22+$0x0], $0xffff  }
0x247: {  	v45 =	vadd.s32 v38, v40;
	v46 =	vld.idx.msk [tilespmem:v63+s23+$0x0], $0xffff;
	v61 =	vmul.bf16 v41, v62;
	v48 =	vmul.bf16 v58, v57  }
0x248: {  	v62 =	vimm.f32 $0.0e+00;
	v42 =	vld.idx.msk [tilespmem:v59+s22+$0x0], $0xffff;
	v41 =	vadd.s32 v39, v40  }
0x249: {  	v47 =	vld.idx.msk [tilespmem:v59+s23+$0x0], $0xffff;
	v63 =	vunpack.i.u.bf16.f32 v61;
	v43 =	vunpack.i.l.bf16.f32 v61;
	v52 =	vunpack.i.u.bf16.f32 v48  }
0x24a: {  	v53 =	vunpack.i.l.bf16.f32 v48;
	v48 =	vld.idx.msk [tilespmem:v55+s23+$0x0], $0xffff;
	v49 =	vadd.f32 v43, v62;
	v50 =	vadd.f32 v63, v62  }
0x24b: {  	s2 =	simm.s32 $0x0;
	v40 =	vadd.s32 $0x8, v40;
	v51 =	vmul.bf16 v54, v60;
	v43 =	vld.idx.msk [tilespmem:v55+s22+$0x0], $0xffff  }
.LBB2_21:
0x24c: {  	v54 =	vadd.s32 v28, v40;
	v49 =	vadd.f32 v53, v49;
	v50 =	vadd.f32 v52, v50;
	v52 =	vld.idx.msk [tilespmem:v45+s22+$0x0], $0xffff  }
0x24d: {  	s2 =	sadd.s32 $0x8, s2;
	v44 =	vmul.bf16 v46, v44;
	v53 =	vunpack.i.u.bf16.f32 v51;
	v51 =	vunpack.i.l.bf16.f32 v51;
	v45 =	vld.idx.msk [tilespmem:v45+s23+$0x0], $0xffff  }
0x24e: {  	v46 =	vadd.s32 v29, v40;
	p0 =	slt.u32 s2, $0x38;
	v49 =	vadd.f32 v51, v49;
	v50 =	vadd.f32 v53, v50;
	v51 =	vld.idx.msk [tilespmem:v41+s22+$0x0], $0xffff  }
0x24f: {  	v53 =	vunpack.i.u.bf16.f32 v44;
	v44 =	vunpack.i.l.bf16.f32 v44;
	v42 =	vmul.bf16 v47, v42;
	v41 =	vld.idx.msk [tilespmem:v41+s23+$0x0], $0xffff  }
0x250: {  	v47 =	vadd.s32 v32, v40;
	v44 =	vadd.f32 v44, v49;
	v49 =	vadd.f32 v53, v50  }
0x251: {  	v53 =	vunpack.i.u.bf16.f32 v42;
	v42 =	vunpack.i.l.bf16.f32 v42;
	v43 =	vmul.bf16 v48, v43;
	v50 =	vld.idx.msk [tilespmem:v54+s22+$0x0], $0xffff  }
0x252: {  	v48 =	vld.idx.msk [tilespmem:v54+s23+$0x0], $0xffff;
	v54 =	vadd.s32 v33, v40;
	v42 =	vadd.f32 v42, v44;
	v44 =	vadd.f32 v53, v49  }
0x253: {  	v53 =	vunpack.i.u.bf16.f32 v43;
	v43 =	vunpack.i.l.bf16.f32 v43;
	v45 =	vmul.bf16 v45, v52;
	v49 =	vld.idx.msk [tilespmem:v46+s22+$0x0], $0xffff  }
0x254: {  	v55 =	vadd.s32 v36, v40;
	v52 =	vld.idx.msk [tilespmem:v46+s23+$0x0], $0xffff;
	v42 =	vadd.f32 v43, v42;
	v43 =	vadd.f32 v53, v44  }
0x255: {  	v44 =	vunpack.i.u.bf16.f32 v45;
	v45 =	vunpack.i.l.bf16.f32 v45;
	v41 =	vmul.bf16 v41, v51;
	v56 =	vld.idx.msk [tilespmem:v47+s22+$0x0], $0xffff  }
0x256: {  	v57 =	vadd.s32 v37, v40;
	v51 =	vld.idx.msk [tilespmem:v47+s23+$0x0], $0xffff;
	v42 =	vadd.f32 v45, v42;
	v43 =	vadd.f32 v44, v43  }
0x257: {  	v45 =	vadd.s32 v38, v40;
	v47 =	vunpack.i.u.bf16.f32 v41;
	v41 =	vunpack.i.l.bf16.f32 v41;
	v44 =	vld.idx.msk [tilespmem:v54+s22+$0x0], $0xffff  }
.Ltmp9:
0x258: {  	v48 =	vmul.bf16 v48, v50;
	v46 =	vld.idx.msk [tilespmem:v54+s23+$0x0], $0xffff;
	v50 =	vadd.f32 v41, v42;
	v43 =	vadd.f32 v47, v43;
	(pc) =	sbr.rel @p0 .LBB2_21-.Ltmp9, $4  }
0x259: {  	v41 =	vadd.s32 v39, v40;
	v42 =	vld.idx.msk [tilespmem:v55+s22+$0x0], $0xffff  }
0x25a: {  	v53 =	vunpack.i.u.bf16.f32 v48;
	v48 =	vunpack.i.l.bf16.f32 v48;
	v54 =	vmul.bf16 v52, v49;
	v47 =	vld.idx.msk [tilespmem:v55+s23+$0x0], $0xffff  }
0x25b: {  	v40 =	vadd.s32 $0x8, v40;
	v49 =	vadd.f32 v48, v50;
	v50 =	vadd.f32 v53, v43;
	v43 =	vld.idx.msk [tilespmem:v57+s22+$0x0], $0xffff  }
0x25c: {  	v52 =	vunpack.i.u.bf16.f32 v54;
	v53 =	vunpack.i.l.bf16.f32 v54;
	v51 =	vmul.bf16 v51, v56;
	v48 =	vld.idx.msk [tilespmem:v57+s23+$0x0], $0xffff  }
0x25d: {  	_ =	sdelay $0x2  }
0x25e: {  	v40 =	vadd.f32 v53, v49;
	v58 =	vadd.f32 v52, v50  }
0x25f: {  	v50 =	vld.idx.msk [tilespmem:v45+s22+$0x0], $0xffff;
	v44 =	vmul.bf16 v46, v44;
	v59 =	vunpack.i.u.bf16.f32 v51;
	v60 =	vunpack.i.l.bf16.f32 v51  }
0x260: {  	v61 =	vld.idx.msk [tilespmem:v45+s23+$0x0], $0xffff;
	v40 =	vadd.f32 v60, v40;
	v62 =	vadd.f32 v59, v58  }
0x261: {  	v63 =	vld.idx.msk [tilespmem:v41+s22+$0x0], $0xffff;
	v54 =	vunpack.i.u.bf16.f32 v44;
	v44 =	vunpack.i.l.bf16.f32 v44;
	v42 =	vmul.bf16 v47, v42  }
0x262: {  	v55 =	vld.idx.msk [tilespmem:v41+s23+$0x0], $0xffff;
	v40 =	vadd.f32 v44, v40;
	v56 =	vadd.f32 v54, v62  }
0x263: {  	v57 =	vunpack.i.u.bf16.f32 v42;
	v42 =	vunpack.i.l.bf16.f32 v42;
	v43 =	vmul.bf16 v48, v43  }
0x264: {  	v40 =	vadd.f32 v42, v40;
	v58 =	vadd.f32 v57, v56  }
0x265: {  	v45 =	vmul.bf16 v61, v50;
	v59 =	vunpack.i.u.bf16.f32 v43;
	v43 =	vunpack.i.l.bf16.f32 v43  }
0x266: {  	v40 =	vadd.f32 v43, v40;
	v42 =	vadd.f32 v59, v58  }
0x267: {  	v41 =	vmul.bf16 v55, v63;
	v60 =	vunpack.i.u.bf16.f32 v45;
	v61 =	vunpack.i.l.bf16.f32 v45  }
0x268: {  	v40 =	vadd.f32 v61, v40;
	v42 =	vadd.f32 v60, v42  }
0x269: {  	v62 =	vunpack.i.u.bf16.f32 v41;
	v41 =	vunpack.i.l.bf16.f32 v41  }
0x26a: {  	v40 =	vadd.f32 v41, v40;
	v63 =	vadd.f32 v62, v42;
	_ =	sdelay $0x1  }
0x26b: {  	v40 =	vadd.f32 v63, v40;
	_ =	sdelay $0x1  }
0x26c: {  	v40 =	vsub.f32 $0.0e+00, v40;
	_ =	sdelay $0x1  }
0x26d: {  	v40 =	vmul.f32 $1.442695020e+00, v40;
	_ =	sdelay $0x1  }
0x26e: {  	(erf) = vpow2.f32 v40;
	_ =	sdelay $0x8  }
0x26f: {  	v40 =	vpop (erf)  }
0x270: {  	v40 =	vadd.f32 $1.000000000e+00, v40;
	_ =	sdelay $0x1  }
0x271: {  	(erf) = vrcp.f32 v40;
	_ =	sdelay $0x3  }
0x272: {  	s30 =	sadd.s32 $0x1, s30  }
0x273: {  	p0 =	sne.s32 s30, $0x3E  }
.Ltmp10:
0x274: {  	_ = 	snop;
	(pc) =	sbr.rel @p0 .LBB2_2-.Ltmp10, $3  }
0x275: {  	_ =	sdelay $0x1  }
0x276: {  	v40 =	vpop (erf)  }
0x277: {  	[tilespmem:s31+$0x51D0] =	vst v40  }
0x278: {  	_ =	swait.ge [sflag:s24], $0x1400;
	v40 =	vimm.s32 $0x0  }
0x279: {  	[sflag:s24] =	ssyncset.done $0x0;
	v41 =	vadd.s32 v0, v40  }
0x27a: {  	[sflag:s24] =	ssyncadd.s32 $0xFFFFEC00  }
0x27b: {  	v42 =	vadd.s32 v1, v40;
	_ =	swait.ge [sflag:s24], $0x1400  }
0x27c: {  	[sflag:s24] =	ssyncset.done $0x0  }
0x27d: {  	v43 =	vadd.s32 v2, v40;
	[sflag:s24] =	ssyncadd.s32 $0xFFFFEC00  }
0x27e: {  	v45 =	vld.idx.msk [tilespmem:v41+s18+$0x0], $0xffff  }
0x27f: {  	v46 =	vadd.s32 v3, v40;
	v41 =	vld.idx.msk [tilespmem:v41+s19+$0x0], $0xffff  }
0x280: {  	v47 =	vld.idx.msk [tilespmem:v42+s18+$0x0], $0xffff  }
0x281: {  	v49 =	vadd.s32 v4, v40;
	v48 =	vld.idx.msk [tilespmem:v42+s19+$0x0], $0xffff  }
0x282: {  	v51 =	vld.idx.msk [tilespmem:v43+s18+$0x0], $0xffff  }
0x283: {  	v55 =	vadd.s32 v5, v40;
	v54 =	vld.idx.msk [tilespmem:v43+s19+$0x0], $0xffff  }
0x284: {  	v44 =	vld.idx.msk [tilespmem:v46+s18+$0x0], $0xffff  }
0x285: {  	v46 =	vld.idx.msk [tilespmem:v46+s19+$0x0], $0xffff;
	v63 =	vmul.bf16 v41, v45;
	v45 =	vadd.s32 v6, v40  }
0x286: {  	v50 =	vimm.f32 $0.0e+00;
	v42 =	vld.idx.msk [tilespmem:v49+s18+$0x0], $0xffff;
	v41 =	vadd.s32 v7, v40  }
0x287: {  	v48 =	vmul.bf16 v48, v47;
	v47 =	vld.idx.msk [tilespmem:v49+s19+$0x0], $0xffff;
	v52 =	vunpack.i.u.bf16.f32 v63;
	v43 =	vunpack.i.l.bf16.f32 v63  }
0x288: {  	v40 =	vadd.s32 $0x8, v40;
	v49 =	vadd.f32 v43, v50;
	v50 =	vadd.f32 v52, v50;
	v43 =	vld.idx.msk [tilespmem:v55+s18+$0x0], $0xffff  }
0x289: {  	s2 =	simm.s32 $0x0;
	v51 =	vmul.bf16 v54, v51;
	v53 =	vunpack.i.l.bf16.f32 v48;
	v52 =	vunpack.i.u.bf16.f32 v48;
	v48 =	vld.idx.msk [tilespmem:v55+s19+$0x0], $0xffff  }
.LBB2_24:
0x28a: {  	v54 =	vadd.s32 v0, v40;
	v49 =	vadd.f32 v53, v49;
	v50 =	vadd.f32 v52, v50;
	v52 =	vld.idx.msk [tilespmem:v45+s18+$0x0], $0xffff  }
0x28b: {  	s2 =	sadd.s32 $0x8, s2;
	v44 =	vmul.bf16 v46, v44;
	v53 =	vunpack.i.u.bf16.f32 v51;
	v51 =	vunpack.i.l.bf16.f32 v51;
	v45 =	vld.idx.msk [tilespmem:v45+s19+$0x0], $0xffff  }
0x28c: {  	v46 =	vadd.s32 v1, v40;
	p0 =	slt.u32 s2, $0x38;
	v49 =	vadd.f32 v51, v49;
	v50 =	vadd.f32 v53, v50;
	v51 =	vld.idx.msk [tilespmem:v41+s18+$0x0], $0xffff  }
0x28d: {  	v53 =	vunpack.i.u.bf16.f32 v44;
	v44 =	vunpack.i.l.bf16.f32 v44;
	v42 =	vmul.bf16 v47, v42;
	v41 =	vld.idx.msk [tilespmem:v41+s19+$0x0], $0xffff  }
0x28e: {  	v47 =	vadd.s32 v2, v40;
	v44 =	vadd.f32 v44, v49;
	v49 =	vadd.f32 v53, v50  }
0x28f: {  	v53 =	vunpack.i.u.bf16.f32 v42;
	v42 =	vunpack.i.l.bf16.f32 v42;
	v43 =	vmul.bf16 v48, v43;
	v50 =	vld.idx.msk [tilespmem:v54+s18+$0x0], $0xffff  }
0x290: {  	v48 =	vld.idx.msk [tilespmem:v54+s19+$0x0], $0xffff;
	v54 =	vadd.s32 v3, v40;
	v42 =	vadd.f32 v42, v44;
	v44 =	vadd.f32 v53, v49  }
0x291: {  	v53 =	vunpack.i.u.bf16.f32 v43;
	v43 =	vunpack.i.l.bf16.f32 v43;
	v45 =	vmul.bf16 v45, v52;
	v49 =	vld.idx.msk [tilespmem:v46+s18+$0x0], $0xffff  }
0x292: {  	v55 =	vadd.s32 v4, v40;
	v52 =	vld.idx.msk [tilespmem:v46+s19+$0x0], $0xffff;
	v42 =	vadd.f32 v43, v42;
	v43 =	vadd.f32 v53, v44  }
0x293: {  	v44 =	vunpack.i.u.bf16.f32 v45;
	v45 =	vunpack.i.l.bf16.f32 v45;
	v41 =	vmul.bf16 v41, v51;
	v56 =	vld.idx.msk [tilespmem:v47+s18+$0x0], $0xffff  }
0x294: {  	v57 =	vadd.s32 v5, v40;
	v51 =	vld.idx.msk [tilespmem:v47+s19+$0x0], $0xffff;
	v42 =	vadd.f32 v45, v42;
	v43 =	vadd.f32 v44, v43  }
0x295: {  	v45 =	vadd.s32 v6, v40;
	v47 =	vunpack.i.u.bf16.f32 v41;
	v41 =	vunpack.i.l.bf16.f32 v41;
	v44 =	vld.idx.msk [tilespmem:v54+s18+$0x0], $0xffff  }
.Ltmp11:
0x296: {  	v48 =	vmul.bf16 v48, v50;
	v46 =	vld.idx.msk [tilespmem:v54+s19+$0x0], $0xffff;
	v50 =	vadd.f32 v41, v42;
	v43 =	vadd.f32 v47, v43;
	(pc) =	sbr.rel @p0 .LBB2_24-.Ltmp11, $4  }
0x297: {  	v41 =	vadd.s32 v7, v40;
	v42 =	vld.idx.msk [tilespmem:v55+s18+$0x0], $0xffff  }
0x298: {  	v53 =	vunpack.i.u.bf16.f32 v48;
	v48 =	vunpack.i.l.bf16.f32 v48;
	v54 =	vmul.bf16 v52, v49;
	v47 =	vld.idx.msk [tilespmem:v55+s19+$0x0], $0xffff  }
0x299: {  	v40 =	vadd.s32 $0x8, v40;
	v49 =	vadd.f32 v48, v50;
	v50 =	vadd.f32 v53, v43;
	v43 =	vld.idx.msk [tilespmem:v57+s18+$0x0], $0xffff  }
0x29a: {  	v52 =	vunpack.i.u.bf16.f32 v54;
	v53 =	vunpack.i.l.bf16.f32 v54;
	v51 =	vmul.bf16 v51, v56;
	v48 =	vld.idx.msk [tilespmem:v57+s19+$0x0], $0xffff  }
0x29b: {  	_ =	sdelay $0x2  }
0x29c: {  	v40 =	vadd.f32 v53, v49;
	v63 =	vadd.f32 v52, v50  }
0x29d: {  	v50 =	vld.idx.msk [tilespmem:v45+s18+$0x0], $0xffff;
	v44 =	vmul.bf16 v46, v44;
	v56 =	vunpack.i.u.bf16.f32 v51;
	v57 =	vunpack.i.l.bf16.f32 v51  }
0x29e: {  	v58 =	vld.idx.msk [tilespmem:v45+s19+$0x0], $0xffff;
	v40 =	vadd.f32 v57, v40;
	v59 =	vadd.f32 v56, v63  }
0x29f: {  	v60 =	vld.idx.msk [tilespmem:v41+s18+$0x0], $0xffff;
	v61 =	vunpack.i.u.bf16.f32 v44;
	v44 =	vunpack.i.l.bf16.f32 v44;
	v42 =	vmul.bf16 v47, v42  }
0x2a0: {  	v62 =	vld.idx.msk [tilespmem:v41+s19+$0x0], $0xffff;
	v40 =	vadd.f32 v44, v40;
	v63 =	vadd.f32 v61, v59  }
0x2a1: {  	v51 =	vunpack.i.u.bf16.f32 v42;
	v42 =	vunpack.i.l.bf16.f32 v42;
	v43 =	vmul.bf16 v48, v43  }
0x2a2: {  	v40 =	vadd.f32 v42, v40;
	v52 =	vadd.f32 v51, v63  }
0x2a3: {  	v45 =	vmul.bf16 v58, v50;
	v53 =	vunpack.i.u.bf16.f32 v43;
	v43 =	vunpack.i.l.bf16.f32 v43  }
0x2a4: {  	v40 =	vadd.f32 v43, v40;
	v42 =	vadd.f32 v53, v52  }
0x2a5: {  	v41 =	vmul.bf16 v62, v60;
	v54 =	vunpack.i.u.bf16.f32 v45;
	v55 =	vunpack.i.l.bf16.f32 v45  }
0x2a6: {  	v40 =	vadd.f32 v55, v40;
	v42 =	vadd.f32 v54, v42  }
0x2a7: {  	v56 =	vunpack.i.u.bf16.f32 v41;
	v41 =	vunpack.i.l.bf16.f32 v41  }
0x2a8: {  	v40 =	vadd.f32 v41, v40;
	v57 =	vadd.f32 v56, v42;
	_ =	sdelay $0x1  }
0x2a9: {  	v40 =	vadd.f32 v57, v40;
	_ =	sdelay $0x1  }
0x2aa: {  	v40 =	vsub.f32 $0.0e+00, v40;
	_ =	sdelay $0x1  }
0x2ab: {  	v40 =	vmul.f32 $1.442695020e+00, v40;
	_ =	sdelay $0x1  }
0x2ac: {  	(erf) = vpow2.f32 v40;
	_ =	sdelay $0x8  }
0x2ad: {  	v40 =	vpop (erf)  }
0x2ae: {  	v40 =	vadd.f32 $1.000000000e+00, v40;
	_ =	sdelay $0x1  }
0x2af: {  	(erf) = vrcp.f32 v40;
	_ =	sdelay $0x4  }
0x2b0: {  	v40 =	vimm.s32 $0x0  }
0x2b1: {  	v58 =	vadd.s32 v8, v40;
	_ =	sdelay $0x1  }
0x2b2: {  	v59 =	vadd.s32 v9, v40  }
0x2b3: {  	v60 =	vpop (erf)  }
0x2b4: {  	[tilespmem:$0x7800] =	vst v60  }
0x2b5: {  	v61 =	vadd.s32 v10, v40;
	v62 =	vld.idx.msk [tilespmem:v58+s18+$0x0], $0xffff  }
0x2b6: {  	v41 =	vld.idx.msk [tilespmem:v58+s19+$0x0], $0xffff  }
0x2b7: {  	v63 =	vadd.s32 v11, v40;
	v57 =	vld.idx.msk [tilespmem:v59+s18+$0x0], $0xffff  }
0x2b8: {  	v58 =	vld.idx.msk [tilespmem:v59+s19+$0x0], $0xffff  }
0x2b9: {  	v59 =	vadd.s32 v12, v40  }
0x2ba: {  	v60 =	vld.idx.msk [tilespmem:v61+s18+$0x0], $0xffff  }
0x2bb: {  	v55 =	vadd.s32 v13, v40;
	v54 =	vld.idx.msk [tilespmem:v61+s19+$0x0], $0xffff  }
0x2bc: {  	v44 =	vld.idx.msk [tilespmem:v63+s18+$0x0], $0xffff  }
0x2bd: {  	v45 =	vadd.s32 v14, v40;
	v46 =	vld.idx.msk [tilespmem:v63+s19+$0x0], $0xffff;
	v61 =	vmul.bf16 v41, v62;
	v48 =	vmul.bf16 v58, v57  }
0x2be: {  	v62 =	vimm.f32 $0.0e+00;
	v42 =	vld.idx.msk [tilespmem:v59+s18+$0x0], $0xffff;
	v41 =	vadd.s32 v15, v40  }
0x2bf: {  	v47 =	vld.idx.msk [tilespmem:v59+s19+$0x0], $0xffff;
	v63 =	vunpack.i.u.bf16.f32 v61;
	v43 =	vunpack.i.l.bf16.f32 v61;
	v52 =	vunpack.i.u.bf16.f32 v48  }
0x2c0: {  	v53 =	vunpack.i.l.bf16.f32 v48;
	v48 =	vld.idx.msk [tilespmem:v55+s19+$0x0], $0xffff;
	v49 =	vadd.f32 v43, v62;
	v50 =	vadd.f32 v63, v62  }
0x2c1: {  	s2 =	simm.s32 $0x0;
	v40 =	vadd.s32 $0x8, v40;
	v51 =	vmul.bf16 v54, v60;
	v43 =	vld.idx.msk [tilespmem:v55+s18+$0x0], $0xffff  }
.LBB2_26:
0x2c2: {  	v54 =	vadd.s32 v8, v40;
	v49 =	vadd.f32 v53, v49;
	v50 =	vadd.f32 v52, v50;
	v52 =	vld.idx.msk [tilespmem:v45+s18+$0x0], $0xffff  }
0x2c3: {  	s2 =	sadd.s32 $0x8, s2;
	v44 =	vmul.bf16 v46, v44;
	v53 =	vunpack.i.u.bf16.f32 v51;
	v51 =	vunpack.i.l.bf16.f32 v51;
	v45 =	vld.idx.msk [tilespmem:v45+s19+$0x0], $0xffff  }
0x2c4: {  	v46 =	vadd.s32 v9, v40;
	p0 =	slt.u32 s2, $0x38;
	v49 =	vadd.f32 v51, v49;
	v50 =	vadd.f32 v53, v50;
	v51 =	vld.idx.msk [tilespmem:v41+s18+$0x0], $0xffff  }
0x2c5: {  	v53 =	vunpack.i.u.bf16.f32 v44;
	v44 =	vunpack.i.l.bf16.f32 v44;
	v42 =	vmul.bf16 v47, v42;
	v41 =	vld.idx.msk [tilespmem:v41+s19+$0x0], $0xffff  }
0x2c6: {  	v47 =	vadd.s32 v10, v40;
	v44 =	vadd.f32 v44, v49;
	v49 =	vadd.f32 v53, v50  }
0x2c7: {  	v53 =	vunpack.i.u.bf16.f32 v42;
	v42 =	vunpack.i.l.bf16.f32 v42;
	v43 =	vmul.bf16 v48, v43;
	v50 =	vld.idx.msk [tilespmem:v54+s18+$0x0], $0xffff  }
0x2c8: {  	v48 =	vld.idx.msk [tilespmem:v54+s19+$0x0], $0xffff;
	v54 =	vadd.s32 v11, v40;
	v42 =	vadd.f32 v42, v44;
	v44 =	vadd.f32 v53, v49  }
0x2c9: {  	v53 =	vunpack.i.u.bf16.f32 v43;
	v43 =	vunpack.i.l.bf16.f32 v43;
	v45 =	vmul.bf16 v45, v52;
	v49 =	vld.idx.msk [tilespmem:v46+s18+$0x0], $0xffff  }
0x2ca: {  	v55 =	vadd.s32 v12, v40;
	v52 =	vld.idx.msk [tilespmem:v46+s19+$0x0], $0xffff;
	v42 =	vadd.f32 v43, v42;
	v43 =	vadd.f32 v53, v44  }
0x2cb: {  	v44 =	vunpack.i.u.bf16.f32 v45;
	v45 =	vunpack.i.l.bf16.f32 v45;
	v41 =	vmul.bf16 v41, v51;
	v56 =	vld.idx.msk [tilespmem:v47+s18+$0x0], $0xffff  }
0x2cc: {  	v57 =	vadd.s32 v13, v40;
	v51 =	vld.idx.msk [tilespmem:v47+s19+$0x0], $0xffff;
	v42 =	vadd.f32 v45, v42;
	v43 =	vadd.f32 v44, v43  }
0x2cd: {  	v45 =	vadd.s32 v14, v40;
	v47 =	vunpack.i.u.bf16.f32 v41;
	v41 =	vunpack.i.l.bf16.f32 v41;
	v44 =	vld.idx.msk [tilespmem:v54+s18+$0x0], $0xffff  }
.Ltmp12:
0x2ce: {  	v48 =	vmul.bf16 v48, v50;
	v46 =	vld.idx.msk [tilespmem:v54+s19+$0x0], $0xffff;
	v50 =	vadd.f32 v41, v42;
	v43 =	vadd.f32 v47, v43;
	(pc) =	sbr.rel @p0 .LBB2_26-.Ltmp12, $4  }
0x2cf: {  	v41 =	vadd.s32 v15, v40;
	v42 =	vld.idx.msk [tilespmem:v55+s18+$0x0], $0xffff  }
0x2d0: {  	v53 =	vunpack.i.u.bf16.f32 v48;
	v48 =	vunpack.i.l.bf16.f32 v48;
	v54 =	vmul.bf16 v52, v49;
	v47 =	vld.idx.msk [tilespmem:v55+s19+$0x0], $0xffff  }
0x2d1: {  	v40 =	vadd.s32 $0x8, v40;
	v49 =	vadd.f32 v48, v50;
	v50 =	vadd.f32 v53, v43;
	v43 =	vld.idx.msk [tilespmem:v57+s18+$0x0], $0xffff  }
0x2d2: {  	v52 =	vunpack.i.u.bf16.f32 v54;
	v53 =	vunpack.i.l.bf16.f32 v54;
	v51 =	vmul.bf16 v51, v56;
	v48 =	vld.idx.msk [tilespmem:v57+s19+$0x0], $0xffff  }
0x2d3: {  	_ =	sdelay $0x2  }
0x2d4: {  	v40 =	vadd.f32 v53, v49;
	v63 =	vadd.f32 v52, v50  }
0x2d5: {  	v50 =	vld.idx.msk [tilespmem:v45+s18+$0x0], $0xffff;
	v44 =	vmul.bf16 v46, v44;
	v56 =	vunpack.i.u.bf16.f32 v51;
	v57 =	vunpack.i.l.bf16.f32 v51  }
0x2d6: {  	v58 =	vld.idx.msk [tilespmem:v45+s19+$0x0], $0xffff;
	v40 =	vadd.f32 v57, v40;
	v59 =	vadd.f32 v56, v63  }
0x2d7: {  	v60 =	vld.idx.msk [tilespmem:v41+s18+$0x0], $0xffff;
	v61 =	vunpack.i.u.bf16.f32 v44;
	v44 =	vunpack.i.l.bf16.f32 v44;
	v42 =	vmul.bf16 v47, v42  }
0x2d8: {  	v62 =	vld.idx.msk [tilespmem:v41+s19+$0x0], $0xffff;
	v40 =	vadd.f32 v44, v40;
	v63 =	vadd.f32 v61, v59  }
0x2d9: {  	v51 =	vunpack.i.u.bf16.f32 v42;
	v42 =	vunpack.i.l.bf16.f32 v42;
	v43 =	vmul.bf16 v48, v43  }
0x2da: {  	v40 =	vadd.f32 v42, v40;
	v52 =	vadd.f32 v51, v63  }
0x2db: {  	v45 =	vmul.bf16 v58, v50;
	v53 =	vunpack.i.u.bf16.f32 v43;
	v43 =	vunpack.i.l.bf16.f32 v43  }
0x2dc: {  	v40 =	vadd.f32 v43, v40;
	v42 =	vadd.f32 v53, v52  }
0x2dd: {  	v41 =	vmul.bf16 v62, v60;
	v54 =	vunpack.i.u.bf16.f32 v45;
	v55 =	vunpack.i.l.bf16.f32 v45  }
0x2de: {  	v40 =	vadd.f32 v55, v40;
	v42 =	vadd.f32 v54, v42  }
0x2df: {  	v56 =	vunpack.i.u.bf16.f32 v41;
	v41 =	vunpack.i.l.bf16.f32 v41  }
0x2e0: {  	v40 =	vadd.f32 v41, v40;
	v57 =	vadd.f32 v56, v42;
	_ =	sdelay $0x1  }
0x2e1: {  	v40 =	vadd.f32 v57, v40;
	_ =	sdelay $0x1  }
0x2e2: {  	v40 =	vsub.f32 $0.0e+00, v40;
	_ =	sdelay $0x1  }
0x2e3: {  	v40 =	vmul.f32 $1.442695020e+00, v40;
	_ =	sdelay $0x1  }
0x2e4: {  	(erf) = vpow2.f32 v40;
	_ =	sdelay $0x8  }
0x2e5: {  	v40 =	vpop (erf)  }
0x2e6: {  	v40 =	vadd.f32 $1.000000000e+00, v40;
	_ =	sdelay $0x1  }
0x2e7: {  	(erf) = vrcp.f32 v40;
	_ =	sdelay $0x4  }
0x2e8: {  	v40 =	vimm.s32 $0x0  }
0x2e9: {  	v58 =	vadd.s32 v16, v40;
	_ =	sdelay $0x1  }
0x2ea: {  	v59 =	vadd.s32 v17, v40  }
0x2eb: {  	v60 =	vpop (erf)  }
0x2ec: {  	[tilespmem:$0x7810] =	vst v60  }
0x2ed: {  	v61 =	vadd.s32 v18, v40;
	v62 =	vld.idx.msk [tilespmem:v58+s18+$0x0], $0xffff  }
0x2ee: {  	v41 =	vld.idx.msk [tilespmem:v58+s19+$0x0], $0xffff  }
0x2ef: {  	v63 =	vadd.s32 v19, v40;
	v57 =	vld.idx.msk [tilespmem:v59+s18+$0x0], $0xffff  }
0x2f0: {  	v58 =	vld.idx.msk [tilespmem:v59+s19+$0x0], $0xffff  }
0x2f1: {  	v59 =	vadd.s32 v20, v40  }
0x2f2: {  	v60 =	vld.idx.msk [tilespmem:v61+s18+$0x0], $0xffff  }
0x2f3: {  	v55 =	vadd.s32 v21, v40;
	v54 =	vld.idx.msk [tilespmem:v61+s19+$0x0], $0xffff  }
0x2f4: {  	v44 =	vld.idx.msk [tilespmem:v63+s18+$0x0], $0xffff  }
0x2f5: {  	v45 =	vadd.s32 v22, v40;
	v46 =	vld.idx.msk [tilespmem:v63+s19+$0x0], $0xffff;
	v61 =	vmul.bf16 v41, v62;
	v48 =	vmul.bf16 v58, v57  }
0x2f6: {  	v62 =	vimm.f32 $0.0e+00;
	v42 =	vld.idx.msk [tilespmem:v59+s18+$0x0], $0xffff;
	v41 =	vadd.s32 v23, v40  }
0x2f7: {  	v47 =	vld.idx.msk [tilespmem:v59+s19+$0x0], $0xffff;
	v63 =	vunpack.i.u.bf16.f32 v61;
	v43 =	vunpack.i.l.bf16.f32 v61;
	v52 =	vunpack.i.u.bf16.f32 v48  }
0x2f8: {  	v53 =	vunpack.i.l.bf16.f32 v48;
	v48 =	vld.idx.msk [tilespmem:v55+s19+$0x0], $0xffff;
	v49 =	vadd.f32 v43, v62;
	v50 =	vadd.f32 v63, v62  }
0x2f9: {  	s2 =	simm.s32 $0x0;
	v40 =	vadd.s32 $0x8, v40;
	v51 =	vmul.bf16 v54, v60;
	v43 =	vld.idx.msk [tilespmem:v55+s18+$0x0], $0xffff  }
.LBB2_28:
0x2fa: {  	v54 =	vadd.s32 v16, v40;
	v49 =	vadd.f32 v53, v49;
	v50 =	vadd.f32 v52, v50;
	v52 =	vld.idx.msk [tilespmem:v45+s18+$0x0], $0xffff  }
0x2fb: {  	s2 =	sadd.s32 $0x8, s2;
	v44 =	vmul.bf16 v46, v44;
	v53 =	vunpack.i.u.bf16.f32 v51;
	v51 =	vunpack.i.l.bf16.f32 v51;
	v45 =	vld.idx.msk [tilespmem:v45+s19+$0x0], $0xffff  }
0x2fc: {  	v46 =	vadd.s32 v17, v40;
	p0 =	slt.u32 s2, $0x38;
	v49 =	vadd.f32 v51, v49;
	v50 =	vadd.f32 v53, v50;
	v51 =	vld.idx.msk [tilespmem:v41+s18+$0x0], $0xffff  }
0x2fd: {  	v53 =	vunpack.i.u.bf16.f32 v44;
	v44 =	vunpack.i.l.bf16.f32 v44;
	v42 =	vmul.bf16 v47, v42;
	v41 =	vld.idx.msk [tilespmem:v41+s19+$0x0], $0xffff  }
0x2fe: {  	v47 =	vadd.s32 v18, v40;
	v44 =	vadd.f32 v44, v49;
	v49 =	vadd.f32 v53, v50  }
0x2ff: {  	v53 =	vunpack.i.u.bf16.f32 v42;
	v42 =	vunpack.i.l.bf16.f32 v42;
	v43 =	vmul.bf16 v48, v43;
	v50 =	vld.idx.msk [tilespmem:v54+s18+$0x0], $0xffff  }
0x300: {  	v48 =	vld.idx.msk [tilespmem:v54+s19+$0x0], $0xffff;
	v54 =	vadd.s32 v19, v40;
	v42 =	vadd.f32 v42, v44;
	v44 =	vadd.f32 v53, v49  }
0x301: {  	v53 =	vunpack.i.u.bf16.f32 v43;
	v43 =	vunpack.i.l.bf16.f32 v43;
	v45 =	vmul.bf16 v45, v52;
	v49 =	vld.idx.msk [tilespmem:v46+s18+$0x0], $0xffff  }
0x302: {  	v55 =	vadd.s32 v20, v40;
	v52 =	vld.idx.msk [tilespmem:v46+s19+$0x0], $0xffff;
	v42 =	vadd.f32 v43, v42;
	v43 =	vadd.f32 v53, v44  }
0x303: {  	v44 =	vunpack.i.u.bf16.f32 v45;
	v45 =	vunpack.i.l.bf16.f32 v45;
	v41 =	vmul.bf16 v41, v51;
	v56 =	vld.idx.msk [tilespmem:v47+s18+$0x0], $0xffff  }
0x304: {  	v57 =	vadd.s32 v21, v40;
	v51 =	vld.idx.msk [tilespmem:v47+s19+$0x0], $0xffff;
	v42 =	vadd.f32 v45, v42;
	v43 =	vadd.f32 v44, v43  }
0x305: {  	v45 =	vadd.s32 v22, v40;
	v47 =	vunpack.i.u.bf16.f32 v41;
	v41 =	vunpack.i.l.bf16.f32 v41;
	v44 =	vld.idx.msk [tilespmem:v54+s18+$0x0], $0xffff  }
.Ltmp13:
0x306: {  	v48 =	vmul.bf16 v48, v50;
	v46 =	vld.idx.msk [tilespmem:v54+s19+$0x0], $0xffff;
	v50 =	vadd.f32 v41, v42;
	v43 =	vadd.f32 v47, v43;
	(pc) =	sbr.rel @p0 .LBB2_28-.Ltmp13, $4  }
0x307: {  	v41 =	vadd.s32 v23, v40;
	v42 =	vld.idx.msk [tilespmem:v55+s18+$0x0], $0xffff  }
0x308: {  	v53 =	vunpack.i.u.bf16.f32 v48;
	v48 =	vunpack.i.l.bf16.f32 v48;
	v54 =	vmul.bf16 v52, v49;
	v47 =	vld.idx.msk [tilespmem:v55+s19+$0x0], $0xffff  }
0x309: {  	v40 =	vadd.s32 $0x8, v40;
	v49 =	vadd.f32 v48, v50;
	v50 =	vadd.f32 v53, v43;
	v43 =	vld.idx.msk [tilespmem:v57+s18+$0x0], $0xffff  }
0x30a: {  	v52 =	vunpack.i.u.bf16.f32 v54;
	v53 =	vunpack.i.l.bf16.f32 v54;
	v51 =	vmul.bf16 v51, v56;
	v48 =	vld.idx.msk [tilespmem:v57+s19+$0x0], $0xffff  }
0x30b: {  	_ =	sdelay $0x2  }
0x30c: {  	v40 =	vadd.f32 v53, v49;
	v63 =	vadd.f32 v52, v50  }
0x30d: {  	v50 =	vld.idx.msk [tilespmem:v45+s18+$0x0], $0xffff;
	v44 =	vmul.bf16 v46, v44;
	v56 =	vunpack.i.u.bf16.f32 v51;
	v57 =	vunpack.i.l.bf16.f32 v51  }
0x30e: {  	v58 =	vld.idx.msk [tilespmem:v45+s19+$0x0], $0xffff;
	v40 =	vadd.f32 v57, v40;
	v59 =	vadd.f32 v56, v63  }
0x30f: {  	v60 =	vld.idx.msk [tilespmem:v41+s18+$0x0], $0xffff;
	v61 =	vunpack.i.u.bf16.f32 v44;
	v44 =	vunpack.i.l.bf16.f32 v44;
	v42 =	vmul.bf16 v47, v42  }
0x310: {  	v62 =	vld.idx.msk [tilespmem:v41+s19+$0x0], $0xffff;
	v40 =	vadd.f32 v44, v40;
	v63 =	vadd.f32 v61, v59  }
0x311: {  	v51 =	vunpack.i.u.bf16.f32 v42;
	v42 =	vunpack.i.l.bf16.f32 v42;
	v43 =	vmul.bf16 v48, v43  }
0x312: {  	v40 =	vadd.f32 v42, v40;
	v52 =	vadd.f32 v51, v63  }
0x313: {  	v45 =	vmul.bf16 v58, v50;
	v53 =	vunpack.i.u.bf16.f32 v43;
	v43 =	vunpack.i.l.bf16.f32 v43  }
0x314: {  	v40 =	vadd.f32 v43, v40;
	v42 =	vadd.f32 v53, v52  }
0x315: {  	v41 =	vmul.bf16 v62, v60;
	v54 =	vunpack.i.u.bf16.f32 v45;
	v55 =	vunpack.i.l.bf16.f32 v45  }
0x316: {  	v40 =	vadd.f32 v55, v40;
	v42 =	vadd.f32 v54, v42  }
0x317: {  	v56 =	vunpack.i.u.bf16.f32 v41;
	v41 =	vunpack.i.l.bf16.f32 v41  }
0x318: {  	v40 =	vadd.f32 v41, v40;
	v57 =	vadd.f32 v56, v42;
	_ =	sdelay $0x1  }
0x319: {  	v40 =	vadd.f32 v57, v40;
	_ =	sdelay $0x1  }
0x31a: {  	v40 =	vsub.f32 $0.0e+00, v40;
	_ =	sdelay $0x1  }
0x31b: {  	v40 =	vmul.f32 $1.442695020e+00, v40;
	_ =	sdelay $0x1  }
0x31c: {  	(erf) = vpow2.f32 v40;
	_ =	sdelay $0x8  }
0x31d: {  	v40 =	vpop (erf)  }
0x31e: {  	v40 =	vadd.f32 $1.000000000e+00, v40;
	_ =	sdelay $0x1  }
0x31f: {  	(erf) = vrcp.f32 v40;
	_ =	sdelay $0x4  }
0x320: {  	v40 =	vimm.s32 $0x0  }
0x321: {  	v58 =	vadd.s32 v24, v40;
	_ =	sdelay $0x1  }
0x322: {  	v59 =	vadd.s32 v25, v40  }
0x323: {  	v60 =	vpop (erf)  }
0x324: {  	[tilespmem:$0x7820] =	vst v60  }
0x325: {  	v61 =	vadd.s32 v26, v40;
	v62 =	vld.idx.msk [tilespmem:v58+s18+$0x0], $0xffff  }
0x326: {  	v41 =	vld.idx.msk [tilespmem:v58+s19+$0x0], $0xffff  }
0x327: {  	v63 =	vadd.s32 v27, v40;
	v57 =	vld.idx.msk [tilespmem:v59+s18+$0x0], $0xffff  }
0x328: {  	v58 =	vld.idx.msk [tilespmem:v59+s19+$0x0], $0xffff  }
0x329: {  	v59 =	vadd.s32 v30, v40  }
0x32a: {  	v60 =	vld.idx.msk [tilespmem:v61+s18+$0x0], $0xffff  }
0x32b: {  	v55 =	vadd.s32 v31, v40;
	v54 =	vld.idx.msk [tilespmem:v61+s19+$0x0], $0xffff  }
0x32c: {  	v44 =	vld.idx.msk [tilespmem:v63+s18+$0x0], $0xffff  }
0x32d: {  	v45 =	vadd.s32 v34, v40;
	v46 =	vld.idx.msk [tilespmem:v63+s19+$0x0], $0xffff;
	v61 =	vmul.bf16 v41, v62;
	v48 =	vmul.bf16 v58, v57  }
0x32e: {  	v62 =	vimm.f32 $0.0e+00;
	v42 =	vld.idx.msk [tilespmem:v59+s18+$0x0], $0xffff;
	v41 =	vadd.s32 v35, v40  }
0x32f: {  	v47 =	vld.idx.msk [tilespmem:v59+s19+$0x0], $0xffff;
	v63 =	vunpack.i.u.bf16.f32 v61;
	v43 =	vunpack.i.l.bf16.f32 v61;
	v52 =	vunpack.i.u.bf16.f32 v48  }
0x330: {  	v53 =	vunpack.i.l.bf16.f32 v48;
	v48 =	vld.idx.msk [tilespmem:v55+s19+$0x0], $0xffff;
	v49 =	vadd.f32 v43, v62;
	v50 =	vadd.f32 v63, v62  }
0x331: {  	s2 =	simm.s32 $0x0;
	v40 =	vadd.s32 $0x8, v40;
	v51 =	vmul.bf16 v54, v60;
	v43 =	vld.idx.msk [tilespmem:v55+s18+$0x0], $0xffff  }
.LBB2_30:
0x332: {  	v54 =	vadd.s32 v24, v40;
	v49 =	vadd.f32 v53, v49;
	v50 =	vadd.f32 v52, v50;
	v52 =	vld.idx.msk [tilespmem:v45+s18+$0x0], $0xffff  }
0x333: {  	s2 =	sadd.s32 $0x8, s2;
	v44 =	vmul.bf16 v46, v44;
	v53 =	vunpack.i.u.bf16.f32 v51;
	v51 =	vunpack.i.l.bf16.f32 v51;
	v45 =	vld.idx.msk [tilespmem:v45+s19+$0x0], $0xffff  }
0x334: {  	v46 =	vadd.s32 v25, v40;
	p0 =	slt.u32 s2, $0x38;
	v49 =	vadd.f32 v51, v49;
	v50 =	vadd.f32 v53, v50;
	v51 =	vld.idx.msk [tilespmem:v41+s18+$0x0], $0xffff  }
0x335: {  	v53 =	vunpack.i.u.bf16.f32 v44;
	v44 =	vunpack.i.l.bf16.f32 v44;
	v42 =	vmul.bf16 v47, v42;
	v41 =	vld.idx.msk [tilespmem:v41+s19+$0x0], $0xffff  }
0x336: {  	v47 =	vadd.s32 v26, v40;
	v44 =	vadd.f32 v44, v49;
	v49 =	vadd.f32 v53, v50  }
0x337: {  	v53 =	vunpack.i.u.bf16.f32 v42;
	v42 =	vunpack.i.l.bf16.f32 v42;
	v43 =	vmul.bf16 v48, v43;
	v50 =	vld.idx.msk [tilespmem:v54+s18+$0x0], $0xffff  }
0x338: {  	v48 =	vld.idx.msk [tilespmem:v54+s19+$0x0], $0xffff;
	v54 =	vadd.s32 v27, v40;
	v42 =	vadd.f32 v42, v44;
	v44 =	vadd.f32 v53, v49  }
0x339: {  	v53 =	vunpack.i.u.bf16.f32 v43;
	v43 =	vunpack.i.l.bf16.f32 v43;
	v45 =	vmul.bf16 v45, v52;
	v49 =	vld.idx.msk [tilespmem:v46+s18+$0x0], $0xffff  }
0x33a: {  	v55 =	vadd.s32 v30, v40;
	v52 =	vld.idx.msk [tilespmem:v46+s19+$0x0], $0xffff;
	v42 =	vadd.f32 v43, v42;
	v43 =	vadd.f32 v53, v44  }
0x33b: {  	v44 =	vunpack.i.u.bf16.f32 v45;
	v45 =	vunpack.i.l.bf16.f32 v45;
	v41 =	vmul.bf16 v41, v51;
	v56 =	vld.idx.msk [tilespmem:v47+s18+$0x0], $0xffff  }
0x33c: {  	v57 =	vadd.s32 v31, v40;
	v51 =	vld.idx.msk [tilespmem:v47+s19+$0x0], $0xffff;
	v42 =	vadd.f32 v45, v42;
	v43 =	vadd.f32 v44, v43  }
0x33d: {  	v45 =	vadd.s32 v34, v40;
	v47 =	vunpack.i.u.bf16.f32 v41;
	v41 =	vunpack.i.l.bf16.f32 v41;
	v44 =	vld.idx.msk [tilespmem:v54+s18+$0x0], $0xffff  }
.Ltmp14:
0x33e: {  	v48 =	vmul.bf16 v48, v50;
	v46 =	vld.idx.msk [tilespmem:v54+s19+$0x0], $0xffff;
	v50 =	vadd.f32 v41, v42;
	v43 =	vadd.f32 v47, v43;
	(pc) =	sbr.rel @p0 .LBB2_30-.Ltmp14, $4  }
0x33f: {  	v41 =	vadd.s32 v35, v40;
	v42 =	vld.idx.msk [tilespmem:v55+s18+$0x0], $0xffff  }
0x340: {  	v53 =	vunpack.i.u.bf16.f32 v48;
	v48 =	vunpack.i.l.bf16.f32 v48;
	v54 =	vmul.bf16 v52, v49;
	v47 =	vld.idx.msk [tilespmem:v55+s19+$0x0], $0xffff  }
0x341: {  	v40 =	vadd.s32 $0x8, v40;
	v49 =	vadd.f32 v48, v50;
	v50 =	vadd.f32 v53, v43;
	v43 =	vld.idx.msk [tilespmem:v57+s18+$0x0], $0xffff  }
0x342: {  	v52 =	vunpack.i.u.bf16.f32 v54;
	v53 =	vunpack.i.l.bf16.f32 v54;
	v51 =	vmul.bf16 v51, v56;
	v48 =	vld.idx.msk [tilespmem:v57+s19+$0x0], $0xffff  }
0x343: {  	_ =	sdelay $0x2  }
0x344: {  	v24 =	vadd.f32 v53, v49;
	v25 =	vadd.f32 v52, v50  }
0x345: {  	v26 =	vld.idx.msk [tilespmem:v45+s18+$0x0], $0xffff;
	v31 =	vmul.bf16 v46, v44;
	v27 =	vunpack.i.u.bf16.f32 v51;
	v30 =	vunpack.i.l.bf16.f32 v51  }
0x346: {  	v34 =	vld.idx.msk [tilespmem:v45+s19+$0x0], $0xffff;
	v24 =	vadd.f32 v30, v24;
	v25 =	vadd.f32 v27, v25  }
0x347: {  	v40 =	vld.idx.msk [tilespmem:v41+s19+$0x0], $0xffff;
	v30 =	vunpack.i.u.bf16.f32 v31;
	v31 =	vunpack.i.l.bf16.f32 v31;
	v35 =	vmul.bf16 v47, v42  }
0x348: {  	v27 =	vld.idx.msk [tilespmem:v41+s18+$0x0], $0xffff;
	v24 =	vadd.f32 v31, v24;
	v25 =	vadd.f32 v30, v25  }
0x349: {  	v30 =	vunpack.i.u.bf16.f32 v35;
	v31 =	vunpack.i.l.bf16.f32 v35;
	v54 =	vmul.bf16 v48, v43  }
0x34a: {  	v24 =	vadd.f32 v31, v24;
	v25 =	vadd.f32 v30, v25  }
0x34b: {  	v26 =	vmul.bf16 v34, v26;
	v30 =	vunpack.i.u.bf16.f32 v54;
	v31 =	vunpack.i.l.bf16.f32 v54  }
0x34c: {  	v24 =	vadd.f32 v31, v24;
	v25 =	vadd.f32 v30, v25  }
0x34d: {  	v27 =	vmul.bf16 v40, v27;
	v30 =	vunpack.i.u.bf16.f32 v26;
	v26 =	vunpack.i.l.bf16.f32 v26  }
0x34e: {  	v24 =	vadd.f32 v26, v24;
	v25 =	vadd.f32 v30, v25  }
0x34f: {  	v26 =	vunpack.i.u.bf16.f32 v27;
	v27 =	vunpack.i.l.bf16.f32 v27  }
0x350: {  	v24 =	vadd.f32 v27, v24;
	v25 =	vadd.f32 v26, v25;
	_ =	sdelay $0x1  }
0x351: {  	v24 =	vadd.f32 v25, v24;
	_ =	sdelay $0x1  }
0x352: {  	v24 =	vsub.f32 $0.0e+00, v24;
	_ =	sdelay $0x1  }
0x353: {  	v24 =	vmul.f32 $1.442695020e+00, v24;
	_ =	sdelay $0x1  }
0x354: {  	(erf) = vpow2.f32 v24;
	_ =	sdelay $0x8  }
0x355: {  	v24 =	vpop (erf)  }
0x356: {  	v24 =	vadd.f32 $1.000000000e+00, v24;
	_ =	sdelay $0x1  }
0x357: {  	(erf) = vrcp.f32 v24;
	_ =	sdelay $0x4  }
0x358: {  	v24 =	vimm.s32 $0x0  }
0x359: {  	v25 =	vadd.s32 v28, v24;
	_ =	sdelay $0x1  }
0x35a: {  	v26 =	vadd.s32 v29, v24  }
0x35b: {  	v27 =	vpop (erf)  }
0x35c: {  	[tilespmem:$0x7830] =	vst v27  }
0x35d: {  	v55 =	vadd.s32 v33, v24;
	v31 =	vld.idx.msk [tilespmem:v25+s18+$0x0], $0xffff  }
0x35e: {  	v27 =	vadd.s32 v32, v24;
	v25 =	vld.idx.msk [tilespmem:v25+s19+$0x0], $0xffff  }
0x35f: {  	v56 =	vld.idx.msk [tilespmem:v26+s18+$0x0], $0xffff  }
0x360: {  	v57 =	vld.idx.msk [tilespmem:v26+s19+$0x0], $0xffff  }
0x361: {  	v58 =	vadd.s32 v36, v24  }
0x362: {  	v30 =	vld.idx.msk [tilespmem:v55+s18+$0x0], $0xffff  }
0x363: {  	v61 =	vadd.s32 v37, v24;
	v59 =	vld.idx.msk [tilespmem:v27+s18+$0x0], $0xffff  }
0x364: {  	v60 =	vld.idx.msk [tilespmem:v27+s19+$0x0], $0xffff  }
0x365: {  	v34 =	vld.idx.msk [tilespmem:v55+s19+$0x0], $0xffff;
	v27 =	vmul.bf16 v25, v31;
	v31 =	vadd.s32 v38, v24;
	v40 =	vmul.bf16 v57, v56  }
0x366: {  	v62 =	vimm.f32 $0.0e+00;
	v26 =	vld.idx.msk [tilespmem:v58+s18+$0x0], $0xffff;
	v25 =	vadd.s32 v39, v24  }
0x367: {  	v35 =	vld.idx.msk [tilespmem:v58+s19+$0x0], $0xffff;
	v63 =	vunpack.i.u.bf16.f32 v27;
	v27 =	vunpack.i.l.bf16.f32 v27;
	v44 =	vunpack.i.u.bf16.f32 v40  }
0x368: {  	v45 =	vunpack.i.l.bf16.f32 v40;
	v40 =	vld.idx.msk [tilespmem:v61+s19+$0x0], $0xffff;
	v41 =	vadd.f32 v27, v62;
	v42 =	vadd.f32 v63, v62  }
0x369: {  	s2 =	simm.s32 $0x0;
	v24 =	vadd.s32 $0x8, v24;
	v27 =	vld.idx.msk [tilespmem:v61+s18+$0x0], $0xffff;
	v43 =	vmul.bf16 v60, v59  }
.LBB2_32:
0x36a: {  	v46 =	vadd.s32 v28, v24;
	v41 =	vadd.f32 v45, v41;
	v42 =	vadd.f32 v44, v42;
	v44 =	vld.idx.msk [tilespmem:v31+s18+$0x0], $0xffff  }
0x36b: {  	s2 =	sadd.s32 $0x8, s2;
	v30 =	vmul.bf16 v34, v30;
	v45 =	vunpack.i.u.bf16.f32 v43;
	v43 =	vunpack.i.l.bf16.f32 v43;
	v31 =	vld.idx.msk [tilespmem:v31+s19+$0x0], $0xffff  }
0x36c: {  	v34 =	vadd.s32 v29, v24;
	p0 =	slt.u32 s2, $0x38;
	v41 =	vadd.f32 v43, v41;
	v42 =	vadd.f32 v45, v42;
	v43 =	vld.idx.msk [tilespmem:v25+s18+$0x0], $0xffff  }
0x36d: {  	v45 =	vunpack.i.u.bf16.f32 v30;
	v30 =	vunpack.i.l.bf16.f32 v30;
	v26 =	vmul.bf16 v35, v26;
	v25 =	vld.idx.msk [tilespmem:v25+s19+$0x0], $0xffff  }
0x36e: {  	v35 =	vadd.s32 v32, v24;
	v30 =	vadd.f32 v30, v41;
	v41 =	vadd.f32 v45, v42  }
0x36f: {  	v45 =	vunpack.i.u.bf16.f32 v26;
	v26 =	vunpack.i.l.bf16.f32 v26;
	v27 =	vmul.bf16 v40, v27;
	v42 =	vld.idx.msk [tilespmem:v46+s18+$0x0], $0xffff  }
0x370: {  	v40 =	vld.idx.msk [tilespmem:v46+s19+$0x0], $0xffff;
	v46 =	vadd.s32 v33, v24;
	v26 =	vadd.f32 v26, v30;
	v30 =	vadd.f32 v45, v41  }
0x371: {  	v45 =	vunpack.i.u.bf16.f32 v27;
	v27 =	vunpack.i.l.bf16.f32 v27;
	v31 =	vmul.bf16 v31, v44;
	v41 =	vld.idx.msk [tilespmem:v34+s18+$0x0], $0xffff  }
0x372: {  	v47 =	vadd.s32 v36, v24;
	v44 =	vld.idx.msk [tilespmem:v34+s19+$0x0], $0xffff;
	v26 =	vadd.f32 v27, v26;
	v27 =	vadd.f32 v45, v30  }
0x373: {  	v30 =	vunpack.i.u.bf16.f32 v31;
	v31 =	vunpack.i.l.bf16.f32 v31;
	v25 =	vmul.bf16 v25, v43;
	v48 =	vld.idx.msk [tilespmem:v35+s18+$0x0], $0xffff  }
0x374: {  	v49 =	vadd.s32 v37, v24;
	v43 =	vld.idx.msk [tilespmem:v35+s19+$0x0], $0xffff;
	v26 =	vadd.f32 v31, v26;
	v27 =	vadd.f32 v30, v27  }
0x375: {  	v31 =	vadd.s32 v38, v24;
	v35 =	vunpack.i.u.bf16.f32 v25;
	v25 =	vunpack.i.l.bf16.f32 v25;
	v30 =	vld.idx.msk [tilespmem:v46+s18+$0x0], $0xffff  }
.Ltmp15:
0x376: {  	v40 =	vmul.bf16 v40, v42;
	v34 =	vld.idx.msk [tilespmem:v46+s19+$0x0], $0xffff;
	v42 =	vadd.f32 v25, v26;
	v27 =	vadd.f32 v35, v27;
	(pc) =	sbr.rel @p0 .LBB2_32-.Ltmp15, $4  }
0x377: {  	v25 =	vadd.s32 v39, v24;
	v26 =	vld.idx.msk [tilespmem:v47+s18+$0x0], $0xffff  }
0x378: {  	v45 =	vunpack.i.u.bf16.f32 v40;
	v40 =	vunpack.i.l.bf16.f32 v40;
	v46 =	vmul.bf16 v44, v41;
	v35 =	vld.idx.msk [tilespmem:v47+s19+$0x0], $0xffff  }
0x379: {  	v24 =	vadd.s32 $0x8, v24;
	v41 =	vadd.f32 v40, v42;
	v42 =	vadd.f32 v45, v27;
	v27 =	vld.idx.msk [tilespmem:v49+s18+$0x0], $0xffff  }
0x37a: {  	v44 =	vunpack.i.u.bf16.f32 v46;
	v45 =	vunpack.i.l.bf16.f32 v46;
	v43 =	vmul.bf16 v43, v48;
	v40 =	vld.idx.msk [tilespmem:v49+s19+$0x0], $0xffff  }
0x37b: {  	_ =	sdelay $0x2  }
0x37c: {  	v24 =	vadd.f32 v45, v41;
	v28 =	vadd.f32 v44, v42  }
0x37d: {  	v29 =	vld.idx.msk [tilespmem:v31+s18+$0x0], $0xffff;
	v30 =	vmul.bf16 v34, v30;
	v32 =	vunpack.i.u.bf16.f32 v43;
	v33 =	vunpack.i.l.bf16.f32 v43  }
0x37e: {  	v53 =	vld.idx.msk [tilespmem:v31+s19+$0x0], $0xffff;
	v24 =	vadd.f32 v33, v24;
	v28 =	vadd.f32 v32, v28  }
0x37f: {  	v54 =	vld.idx.msk [tilespmem:v25+s18+$0x0], $0xffff;
	v55 =	vunpack.i.u.bf16.f32 v30;
	v30 =	vunpack.i.l.bf16.f32 v30;
	v26 =	vmul.bf16 v35, v26  }
0x380: {  	v56 =	vld.idx.msk [tilespmem:v25+s19+$0x0], $0xffff;
	v24 =	vadd.f32 v30, v24;
	v28 =	vadd.f32 v55, v28  }
0x381: {  	v57 =	vunpack.i.u.bf16.f32 v26;
	v26 =	vunpack.i.l.bf16.f32 v26;
	v27 =	vmul.bf16 v40, v27  }
0x382: {  	v24 =	vadd.f32 v26, v24;
	v58 =	vadd.f32 v57, v28  }
0x383: {  	v29 =	vmul.bf16 v53, v29;
	v59 =	vunpack.i.u.bf16.f32 v27;
	v27 =	vunpack.i.l.bf16.f32 v27  }
0x384: {  	v24 =	vadd.f32 v27, v24;
	v26 =	vadd.f32 v59, v58  }
0x385: {  	v25 =	vmul.bf16 v56, v54;
	v60 =	vunpack.i.u.bf16.f32 v29;
	v61 =	vunpack.i.l.bf16.f32 v29  }
0x386: {  	v24 =	vadd.f32 v61, v24;
	v26 =	vadd.f32 v60, v26  }
0x387: {  	v62 =	vunpack.i.u.bf16.f32 v25;
	v25 =	vunpack.i.l.bf16.f32 v25  }
0x388: {  	v24 =	vadd.f32 v25, v24;
	v63 =	vadd.f32 v62, v26;
	_ =	sdelay $0x1  }
0x389: {  	v24 =	vadd.f32 v63, v24;
	_ =	sdelay $0x1  }
0x38a: {  	v24 =	vsub.f32 $0.0e+00, v24;
	_ =	sdelay $0x1  }
0x38b: {  	v24 =	vmul.f32 $1.442695020e+00, v24;
	_ =	sdelay $0x1  }
0x38c: {  	(erf) = vpow2.f32 v24;
	_ =	sdelay $0x8  }
0x38d: {  	v24 =	vpop (erf)  }
0x38e: {  	v24 =	vadd.f32 $1.000000000e+00, v24;
	_ =	sdelay $0x1  }
0x38f: {  	(erf) = vrcp.f32 v24;
	_ =	sdelay $0x7  }
0x390: {  	s29 =	sadd.s32 $0x1, s29  }
0x391: {  	p0 =	sne.s32 s29, s14;
	v24 =	vpop (erf)  }
.Ltmp16:
0x392: {  	s0 =	simm.s32 $0x5140;
	[tilespmem:$0x7840] =	vst v24;
	(pc) =	sbr.rel @p0 .LBB2_1-.Ltmp16, $4  }
0x393: {  	[hbm4b:s13+s4] =	stream.linear.scatter [tilespmem:s0], [sflag:$0x5], $0x2710, $0x38;
	[tilespmem:$0x7850] =	vst v63  }
0x394: {  	_ =	swait.ge [sflag:s28], $0x2710  }
0x395: {  	[sflag:s28] =	ssyncset.done $0x0  }
0x396: {  	[sflag:s28] =	ssyncadd.s32 $0xFFFFD8F0  }
0x397: {  	_ =	sfence.sel $0x180000  }
0x398: {  	[bflag:$0x0] =	sbarrier.arrive $0xFFFF  }
0x399: {  	_ =	strace $0x90000047  }
0x39a: {  	s0 =	stileid.u32;
	[bflag:$0x2] =	sbarrier.arrive $0xFFFF  }
0x39b: {  	p0 =	sne.s32 s0, $0x0;
	s0 =	rddreg [dreg:$0x4]  }
0x39c: {  	s0 =	sadd.s32 @!p0 $0x100000, s0  }
0x39d: {  	[sflag:s0] =	ssyncadd.tile.s32 @!p0 $0x1;
	_ =	shalt  }
.Lfunc_end2:
_tile_overlayer_lowered:
.L_overlay_start_2:
0x39e: {  	(tag) =	ssettag $0x2  }
0x39f: {  	s0 =	rddreg [dreg:$0x0];
	s2 =	stileid.u32  }
0x3a0: {  	s1 =	rddreg [dreg:$0x1];
	p0 =	sne.s32 s2, $0x0  }
0x3a1: {  	s3 =	rddreg [dreg:$0x2];
	[bflag:$0x3] =	sbarrier.arrive $0xFFFF;
	s2 =	simm.s32 @!p0 $0x1C05  }
0x3a2: {  	[timem:s3], [sflag:s2] =	dma.local @!p0 [hbm:s0], s1  }
0x3a3: {  	s0 =	simm.s32 @!p0 $0x5  }
0x3a4: {  	_ =	swait.ge @!p0 [sflag:s0], s1  }
0x3a5: {  	s1 =	ssub.s32 @!p0 $0x0, s1;
	[sflag:s0] =	ssyncset.done @!p0 $0x0  }
0x3a6: {  	[sflag:s0] =	ssyncadd.s32 @!p0 s1  }
0x3a7: {  	[bflag:$0x3] =	sbarrier.arrive $0xFFFF  }
0x3a8: {  	_ =	shalt  }

</sc_bundles>
